<compile_context>
chip_gen: v7x
topology: tpu7x:2x2x1
jax: 0.10.2.dev20260603
libtpu: 0.0.44.dev20260713+nightly
codegen_flags: <defaults>
</compile_context>

<pallas_src>
import functools

import jax
import jax.numpy as jnp
from jax import lax
from jax.experimental import pallas as pl
from jax.experimental.pallas import tpu as pltpu
from jax.experimental.pallas import tpu_sc as plsc

_BATCH = 4096
_N_DENSE = 13
_N_SPARSE = 26
_VOCAB = 100000
_EMBED = 32

_NC = 2
_NS = 16
_NW = _NC * _NS
_BPW = _BATCH // _NW
_PACK = 128 // _EMBED
_ROWS128 = _N_SPARSE * _VOCAB // _PACK
_NSLOT = 6


def _sc_gather(table128, idx3):
    mesh = plsc.VectorSubcoreMesh(core_axis_name="c", subcore_axis_name="s")

    @functools.partial(
        pl.kernel,
        mesh=mesh,
        out_type=jax.ShapeDtypeStruct((_N_SPARSE, _BATCH, 128), jnp.float32),
        scratch_types=[
            pltpu.VMEM((_N_SPARSE, _BPW), jnp.int32),
            pltpu.VMEM((_NSLOT, _BPW, 128), jnp.float32),
            pltpu.SemaphoreType.DMA,
            pltpu.SemaphoreType.DMA,
        ],
    )
    def k(table_hbm, idx_hbm, out_hbm, idx_v, buf_v, gsem, osem):
        wid = lax.axis_index("s") * _NC + lax.axis_index("c")
        row0 = wid * _BPW
        pltpu.sync_copy(idx_hbm.at[wid], idx_v)
        gathers = [None] * _N_SPARSE
        for f in range(_NSLOT):
            gathers[f] = pltpu.async_copy(
                table_hbm.at[idx_v.at[f]], buf_v.at[f], gsem)
        for f in range(_NSLOT, _N_SPARSE):
            j = f - _NSLOT
            gathers[j].wait()
            oc = pltpu.async_copy(
                buf_v.at[j % _NSLOT],
                out_hbm.at[j].at[pl.ds(row0, _BPW)], osem)
            oc.wait()
            gathers[f] = pltpu.async_copy(
                table_hbm.at[idx_v.at[f]], buf_v.at[f % _NSLOT], gsem)
        tail = []
        for j in range(_N_SPARSE - _NSLOT, _N_SPARSE):
            gathers[j].wait()
            tail.append(pltpu.async_copy(
                buf_v.at[j % _NSLOT],
                out_hbm.at[j].at[pl.ds(row0, _BPW)], osem))
        for oc in tail:
            oc.wait()

    return k(table128, idx3)


_VQ = _VOCAB // _PACK


def _mlp_body(x_ref, inp_ref, w1_ref, b1_ref, w2_ref, b2_ref,
              w3_ref, b3_ref, w4_ref, wfull_ref, c0_ref, out_ref):
    f32 = jnp.float32
    h = jnp.zeros((x_ref.shape[1], 256), f32)
    for f in range(_N_SPARSE):
        h = h + lax.dot_general(x_ref[f], w1_ref[f], (((1,), (0,)), ((), ())),
                                preferred_element_type=f32)
    h = jnp.maximum(h + b1_ref[...], 0.0)
    h = lax.dot_general(h, w2_ref[...], (((1,), (0,)), ((), ())),
                        preferred_element_type=f32)
    h = jnp.maximum(h + b2_ref[...], 0.0)
    h = lax.dot_general(h, w3_ref[...], (((1,), (0,)), ((), ())),
                        preferred_element_type=f32)
    h = jnp.maximum(h + b3_ref[...], 0.0)
    deep = lax.dot_general(h, w4_ref[...], (((1,), (0,)), ((), ())),
                           preferred_element_type=f32)
    wide = lax.dot_general(inp_ref[...], wfull_ref[...], (((1,), (0,)), ((), ())),
                           preferred_element_type=f32)
    z = 0.5 * (deep + wide + c0_ref[0, 0])
    out_ref[...] = 1.0 / (1.0 + jnp.exp(-z))


def _tc_mlp(x3, inputs, w1cat, b1, w2, b2, w3, b3, w4, wfull, c0):
    bb = 512
    nb = _BATCH // bb
    d_in = inputs.shape[1]
    return pl.pallas_call(
        _mlp_body,
        grid=(nb,),
        in_specs=[
            pl.BlockSpec((_N_SPARSE, bb, 128), lambda i: (0, i, 0)),
            pl.BlockSpec((bb, d_in), lambda i: (i, 0)),
            pl.BlockSpec((_N_SPARSE, 128, 256), lambda i: (0, 0, 0)),
            pl.BlockSpec((1, 256), lambda i: (0, 0)),
            pl.BlockSpec((256, 128), lambda i: (0, 0)),
            pl.BlockSpec((1, 128), lambda i: (0, 0)),
            pl.BlockSpec((128, 64), lambda i: (0, 0)),
            pl.BlockSpec((1, 64), lambda i: (0, 0)),
            pl.BlockSpec((64, 1), lambda i: (0, 0)),
            pl.BlockSpec((d_in, 1), lambda i: (0, 0)),
            pl.BlockSpec((1, 1), lambda i: (0, 0)),
        ],
        out_specs=pl.BlockSpec((bb, 1), lambda i: (i, 0)),
        out_shape=jax.ShapeDtypeStruct((_BATCH, 1), jnp.float32),
    )(x3, inputs, w1cat, b1, w2, b2, w3, b3, w4, wfull, c0)


def kernel(inputs, tables, w_wide, b_wide, deep_Ws, deep_Bs):
    sparse_idx = inputs[:, _N_DENSE:_N_DENSE + _N_SPARSE].astype(jnp.int32)
    g2 = sparse_idx + (
        jnp.arange(_N_SPARSE, dtype=jnp.int32) * _VOCAB)[None, :]
    idx3 = g2.T.reshape(_N_SPARSE, _NW, _BPW).transpose(1, 0, 2)
    table128 = jnp.pad(tables.reshape(_N_SPARSE * _VOCAB, _EMBED),
                       ((0, 0), (0, 128 - _EMBED)))

    w1r = deep_Ws[0].reshape(_N_SPARSE, _EMBED, 256)
    w1cat = jnp.pad(w1r, ((0, 0), (0, 128 - _EMBED), (0, 0)))

    wfull = jnp.concatenate(
        [w_wide[:_N_DENSE],
         jnp.zeros((_N_SPARSE, 1), jnp.float32),
         w_wide[_N_DENSE:]], axis=0)
    w4 = deep_Ws[3]
    c0 = (b_wide[0] + deep_Bs[3][0]).reshape(1, 1)
    b1 = deep_Bs[0].reshape(1, -1)
    b2 = deep_Bs[1].reshape(1, -1)
    b3 = deep_Bs[2].reshape(1, -1)

    x3 = _sc_gather(table128, idx3)

    return _tc_mlp(x3, inputs, w1cat, b1, deep_Ws[1], b2,
                   deep_Ws[2], b3, w4, wfull, c0)

# --- scband reference (transcript-rebuilt; emitter-appended) ---
"""Pipeline reference for scband-wide-deep-429496729972 (READ-ONLY COPY).

The authoritative reference and input builder live on the scoring server;
editing this copy changes nothing except your own understanding.
"""

import jax, jax.numpy as jnp
import numpy as np

BATCH = 4096
N_DENSE = 13
N_SPARSE = 26
N_ONEHOT = 100
VOCAB = 100000
EMBED = 32
HIDDEN = [256, 128, 64]
OUT_DIM = 1


def setup_inputs(seed: int = 0) -> dict:
    key = jax.random.key(seed)
    ks = jax.random.split(key, 8)
    dense = jax.random.normal(ks[0], (BATCH, N_DENSE), dtype=jnp.float32)
    sparse = jax.random.randint(ks[1], (BATCH, N_SPARSE), 0, VOCAB).astype(jnp.float32)
    onehot = (jax.random.uniform(ks[2], (BATCH, N_ONEHOT)) < 0.1).astype(jnp.float32)
    inputs = jnp.concatenate([dense, sparse, onehot], axis=-1)
    # embedding tables: [N_SPARSE, VOCAB, EMBED]
    tables = jax.random.normal(ks[3], (N_SPARSE, VOCAB, EMBED), dtype=jnp.float32) * 0.05
    # wide layer: linear over [dense ; onehot] -> 1
    w_wide = jax.random.normal(ks[4], (N_DENSE + N_ONEHOT, 1), dtype=jnp.float32) * 0.05
    b_wide = jnp.zeros((1,), dtype=jnp.float32)
    # deep MLP: (26*32) -> 256 -> 128 -> 64 -> 1
    dims = [N_SPARSE * EMBED] + HIDDEN + [OUT_DIM]
    deep_Ws = []
    deep_Bs = []
    for i in range(len(dims) - 1):
        k = jax.random.fold_in(key, 100 + i)
        deep_Ws.append(jax.random.normal(k, (dims[i], dims[i + 1]), dtype=jnp.float32) * (1.0 / np.sqrt(dims[i])))
        deep_Bs.append(jnp.zeros((dims[i + 1],), dtype=jnp.float32))
    return {
        "inputs": inputs,
        "tables": tables,
        "w_wide": w_wide,
        "b_wide": b_wide,
        "deep_Ws": tuple(deep_Ws),
        "deep_Bs": tuple(deep_Bs),
    }


def reference(inputs, tables, w_wide, b_wide, deep_Ws, deep_Bs):
    dense_inputs = inputs[:, :N_DENSE]
    sparse_inputs = inputs[:, N_DENSE:N_DENSE + N_SPARSE].astype(jnp.int32)
    onehot_inputs = inputs[:, N_DENSE + N_SPARSE:]
    # wide path
    wide_input = jnp.concatenate([dense_inputs, onehot_inputs], axis=-1)
    wide_output = wide_input @ w_wide + b_wide
    # deep path: per-field embedding lookup then concat
    embeds = [jnp.take(tables[i], sparse_inputs[:, i], axis=0) for i in range(N_SPARSE)]
    x = jnp.concatenate(embeds, axis=-1)
    for W, B in zip(deep_Ws[:-1], deep_Bs[:-1]):
        x = jax.nn.relu(x @ W + B)
    deep_output = x @ deep_Ws[-1] + deep_Bs[-1]
    return jax.nn.sigmoid(0.5 * (wide_output + deep_output))

if __name__ == "__main__":
    import jax
    _d = setup_inputs()
    print(jax.jit(kernel)(*tuple(_d.values())))

</pallas_src>

<mosaic_0001>
#map = affine_map<(d0, d1) -> (0, 0)>
#map1 = affine_map<(d0, d1) -> (0, 0, 0)>
module attributes {stable_mosaic.version = 14 : i64} {
  func.func @k(%arg0: i32, %arg1: i32, %arg2: memref<2600000x128xf32, #tpu.memory_space<hbm>>, %arg3: memref<32x26x128xi32, #tpu.memory_space<hbm>>, %arg4: memref<26x4096x128xf32, #tpu.memory_space<hbm>>, %arg5: memref<26x128xi32, #tpu.memory_space<vmem>>, %arg6: memref<6x128x128xf32, #tpu.memory_space<vmem>>, %arg7: memref<!tpu.dma_semaphore, #tpu.memory_space<semaphore_mem>>, %arg8: memref<!tpu.dma_semaphore, #tpu.memory_space<semaphore_mem>>) attributes {dimension_semantics = [#tpu.dimension_semantics<core_parallel>, #tpu.dimension_semantics<subcore_parallel>], iteration_bounds = array<i64: 2, 16>, scalar_prefetch = 0 : i64, scratch_operands = 4 : i64, tpu.core_type = #tpu.core_type<sc_vector_subcore>, window_params = [{transform_indices = #map}, {transform_indices = #map1}, {transform_indices = #map1}]} {
    %mul3A = arith.constant 2 : i32
    %mul3A_0 = arith.muli %arg1, %mul3A : i32
    %add3A = arith.addi %mul3A_0, %arg0 : i32
    %mul3A_1 = arith.constant 128 : i32
    %mul3A_2 = arith.muli %add3A, %mul3A_1 : i32
    "tpu.region"() ({
      %run_scoped3A = tpu.sem_alloc : memref<!tpu.dma_semaphore, #tpu.memory_space<semaphore_mem>>
      %dma_start3A_1769 = arith.constant 0 : i32
      %dma_start3A_1770 = arith.constant 0 : i32
      %dma_start3A_1771 = tpu.memref_slice %arg3[%add3A, %dma_start3A_1769, %dma_start3A_1770] : memref<32x26x128xi32, #tpu.memory_space<hbm>> -> memref<1x26x128xi32, #tpu.memory_space<hbm>>
      %dma_start3A_1772 = tpu.memref_squeeze %dma_start3A_1771 : memref<1x26x128xi32, #tpu.memory_space<hbm>> -> memref<26x128xi32, #tpu.memory_space<hbm>>
      %dma_start3A_1773 = arith.constant 0 : i32
      %dma_start3A_1774 = arith.constant 0 : i32
      %dma_start3A_1775 = tpu.memref_slice %arg3[%add3A, %dma_start3A_1773, %dma_start3A_1774] : memref<32x26x128xi32, #tpu.memory_space<hbm>> -> memref<1x26x128xi32, #tpu.memory_space<hbm>>
      %dma_start3A_1776 = tpu.memref_squeeze %dma_start3A_1775 : memref<1x26x128xi32, #tpu.memory_space<hbm>> -> memref<26x128xi32, #tpu.memory_space<hbm>>
      tpu.enqueue_dma source(%dma_start3A_1776 : memref<26x128xi32, #tpu.memory_space<hbm>>) target(%arg5 : memref<26x128xi32, #tpu.memory_space<vmem>>) target_semaphore(%run_scoped3A : memref<!tpu.dma_semaphore, #tpu.memory_space<semaphore_mem>>)
      %dma_wait3A_1777 = arith.constant 0 : i32
      %dma_wait3A_1778 = arith.constant 0 : i32
      %dma_wait3A_1779 = tpu.memref_slice %arg3[%add3A, %dma_wait3A_1777, %dma_wait3A_1778] : memref<32x26x128xi32, #tpu.memory_space<hbm>> -> memref<1x26x128xi32, #tpu.memory_space<hbm>>
      %dma_wait3A_1780 = tpu.memref_squeeze %dma_wait3A_1779 : memref<1x26x128xi32, #tpu.memory_space<hbm>> -> memref<26x128xi32, #tpu.memory_space<hbm>>
      %dma_wait3A_1781 = arith.constant 0 : i32
      %dma_wait3A_1782 = arith.constant 0 : i32
      %dma_wait3A_1783 = tpu.memref_slice %arg3[%add3A, %dma_wait3A_1781, %dma_wait3A_1782] : memref<32x26x128xi32, #tpu.memory_space<hbm>> -> memref<1x26x128xi32, #tpu.memory_space<hbm>>
      %dma_wait3A_1784 = tpu.memref_squeeze %dma_wait3A_1783 : memref<1x26x128xi32, #tpu.memory_space<hbm>> -> memref<26x128xi32, #tpu.memory_space<hbm>>
      tpu.wait_dma2 semaphore(%run_scoped3A : memref<!tpu.dma_semaphore, #tpu.memory_space<semaphore_mem>>) src(%dma_wait3A_1784 : memref<26x128xi32, #tpu.memory_space<hbm>>) dst(%arg5 : memref<26x128xi32, #tpu.memory_space<vmem>>)
      tpu.yield
    }) : () -> ()
    %dma_start3A = arith.constant 0 : i32
    %dma_start3A_3 = arith.constant 0 : i32
    %dma_start3A_4 = arith.constant 0 : i32
    %dma_start3A_5 = arith.constant 0 : i32
    %dma_start3A_6 = tpu.memref_slice %arg6[%dma_start3A_3, %dma_start3A_4, %dma_start3A_5] : memref<6x128x128xf32, #tpu.memory_space<vmem>> -> memref<1x128x128xf32, #tpu.memory_space<vmem>>
    %dma_start3A_7 = tpu.memref_squeeze %dma_start3A_6 : memref<1x128x128xf32, #tpu.memory_space<vmem>> -> memref<128x128xf32, #tpu.memory_space<vmem>>
    %dma_start3A_8 = arith.constant 0 : i32
    %dma_start3A_9 = tpu.memref_slice %arg5[%dma_start3A, %dma_start3A_8] : memref<26x128xi32, #tpu.memory_space<vmem>> -> memref<1x128xi32, #tpu.memory_space<vmem>>
    %dma_start3A_10 = tpu.memref_squeeze %dma_start3A_9 : memref<1x128xi32, #tpu.memory_space<vmem>> -> memref<128xi32, #tpu.memory_space<vmem>>
    %dma_start3A_11 = arith.constant 0 : i32
    %dma_start3A_12 = arith.constant 0 : i32
    %dma_start3A_13 = tpu.memref_slice %arg2[%dma_start3A_11, %dma_start3A_12] : memref<2600000x128xf32, #tpu.memory_space<hbm>> -> memref<2600000x128xf32, #tpu.memory_space<hbm>>
    tpu.enqueue_indirect_dma source(%dma_start3A_13 : memref<2600000x128xf32, #tpu.memory_space<hbm>>) target(%dma_start3A_7 : memref<128x128xf32, #tpu.memory_space<vmem>>) offsets(%dma_start3A_10 : memref<128xi32, #tpu.memory_space<vmem>>) semaphore(%arg7 : memref<!tpu.dma_semaphore, #tpu.memory_space<semaphore_mem>>)
    %dma_start3A_14 = arith.constant 1 : i32
    %dma_start3A_15 = arith.constant 1 : i32
    %dma_start3A_16 = arith.constant 0 : i32
    %dma_start3A_17 = arith.constant 0 : i32
    %dma_start3A_18 = tpu.memref_slice %arg6[%dma_start3A_15, %dma_start3A_16, %dma_start3A_17] : memref<6x128x128xf32, #tpu.memory_space<vmem>> -> memref<1x128x128xf32, #tpu.memory_space<vmem>>
    %dma_start3A_19 = tpu.memref_squeeze %dma_start3A_18 : memref<1x128x128xf32, #tpu.memory_space<vmem>> -> memref<128x128xf32, #tpu.memory_space<vmem>>
    %dma_start3A_20 = arith.constant 0 : i32
    %dma_start3A_21 = tpu.memref_slice %arg5[%dma_start3A_14, %dma_start3A_20] : memref<26x128xi32, #tpu.memory_space<vmem>> -> memref<1x128xi32, #tpu.memory_space<vmem>>
    %dma_start3A_22 = tpu.memref_squeeze %dma_start3A_21 : memref<1x128xi32, #tpu.memory_space<vmem>> -> memref<128xi32, #tpu.memory_space<vmem>>
    %dma_start3A_23 = arith.constant 0 : i32
    %dma_start3A_24 = arith.constant 0 : i32
    %dma_start3A_25 = tpu.memref_slice %arg2[%dma_start3A_23, %dma_start3A_24] : memref<2600000x128xf32, #tpu.memory_space<hbm>> -> memref<2600000x128xf32, #tpu.memory_space<hbm>>
    tpu.enqueue_indirect_dma source(%dma_start3A_25 : memref<2600000x128xf32, #tpu.memory_space<hbm>>) target(%dma_start3A_19 : memref<128x128xf32, #tpu.memory_space<vmem>>) offsets(%dma_start3A_22 : memref<128xi32, #tpu.memory_space<vmem>>) semaphore(%arg7 : memref<!tpu.dma_semaphore, #tpu.memory_space<semaphore_mem>>)
    %dma_start3A_26 = arith.constant 2 : i32
    %dma_start3A_27 = arith.constant 2 : i32
    %dma_start3A_28 = arith.constant 0 : i32
    %dma_start3A_29 = arith.constant 0 : i32
    %dma_start3A_30 = tpu.memref_slice %arg6[%dma_start3A_27, %dma_start3A_28, %dma_start3A_29] : memref<6x128x128xf32, #tpu.memory_space<vmem>> -> memref<1x128x128xf32, #tpu.memory_space<vmem>>
    %dma_start3A_31 = tpu.memref_squeeze %dma_start3A_30 : memref<1x128x128xf32, #tpu.memory_space<vmem>> -> memref<128x128xf32, #tpu.memory_space<vmem>>
    %dma_start3A_32 = arith.constant 0 : i32
    %dma_start3A_33 = tpu.memref_slice %arg5[%dma_start3A_26, %dma_start3A_32] : memref<26x128xi32, #tpu.memory_space<vmem>> -> memref<1x128xi32, #tpu.memory_space<vmem>>
    %dma_start3A_34 = tpu.memref_squeeze %dma_start3A_33 : memref<1x128xi32, #tpu.memory_space<vmem>> -> memref<128xi32, #tpu.memory_space<vmem>>
    %dma_start3A_35 = arith.constant 0 : i32
    %dma_start3A_36 = arith.constant 0 : i32
    %dma_start3A_37 = tpu.memref_slice %arg2[%dma_start3A_35, %dma_start3A_36] : memref<2600000x128xf32, #tpu.memory_space<hbm>> -> memref<2600000x128xf32, #tpu.memory_space<hbm>>
    tpu.enqueue_indirect_dma source(%dma_start3A_37 : memref<2600000x128xf32, #tpu.memory_space<hbm>>) target(%dma_start3A_31 : memref<128x128xf32, #tpu.memory_space<vmem>>) offsets(%dma_start3A_34 : memref<128xi32, #tpu.memory_space<vmem>>) semaphore(%arg7 : memref<!tpu.dma_semaphore, #tpu.memory_space<semaphore_mem>>)
    %dma_start3A_38 = arith.constant 3 : i32
    %dma_start3A_39 = arith.constant 3 : i32
    %dma_start3A_40 = arith.constant 0 : i32
    %dma_start3A_41 = arith.constant 0 : i32
    %dma_start3A_42 = tpu.memref_slice %arg6[%dma_start3A_39, %dma_start3A_40, %dma_start3A_41] : memref<6x128x128xf32, #tpu.memory_space<vmem>> -> memref<1x128x128xf32, #tpu.memory_space<vmem>>
    %dma_start3A_43 = tpu.memref_squeeze %dma_start3A_42 : memref<1x128x128xf32, #tpu.memory_space<vmem>> -> memref<128x128xf32, #tpu.memory_space<vmem>>
    %dma_start3A_44 = arith.constant 0 : i32
    %dma_start3A_45 = tpu.memref_slice %arg5[%dma_start3A_38, %dma_start3A_44] : memref<26x128xi32, #tpu.memory_space<vmem>> -> memref<1x128xi32, #tpu.memory_space<vmem>>
    %dma_start3A_46 = tpu.memref_squeeze %dma_start3A_45 : memref<1x128xi32, #tpu.memory_space<vmem>> -> memref<128xi32, #tpu.memory_space<vmem>>
    %dma_start3A_47 = arith.constant 0 : i32
    %dma_start3A_48 = arith.constant 0 : i32
    %dma_start3A_49 = tpu.memref_slice %arg2[%dma_start3A_47, %dma_start3A_48] : memref<2600000x128xf32, #tpu.memory_space<hbm>> -> memref<2600000x128xf32, #tpu.memory_space<hbm>>
    tpu.enqueue_indirect_dma source(%dma_start3A_49 : memref<2600000x128xf32, #tpu.memory_space<hbm>>) target(%dma_start3A_43 : memref<128x128xf32, #tpu.memory_space<vmem>>) offsets(%dma_start3A_46 : memref<128xi32, #tpu.memory_space<vmem>>) semaphore(%arg7 : memref<!tpu.dma_semaphore, #tpu.memory_space<semaphore_mem>>)
    %dma_start3A_50 = arith.constant 4 : i32
    %dma_start3A_51 = arith.constant 4 : i32
    %dma_start3A_52 = arith.constant 0 : i32
    %dma_start3A_53 = arith.constant 0 : i32
    %dma_start3A_54 = tpu.memref_slice %arg6[%dma_start3A_51, %dma_start3A_52, %dma_start3A_53] : memref<6x128x128xf32, #tpu.memory_space<vmem>> -> memref<1x128x128xf32, #tpu.memory_space<vmem>>
    %dma_start3A_55 = tpu.memref_squeeze %dma_start3A_54 : memref<1x128x128xf32, #tpu.memory_space<vmem>> -> memref<128x128xf32, #tpu.memory_space<vmem>>
    %dma_start3A_56 = arith.constant 0 : i32
    %dma_start3A_57 = tpu.memref_slice %arg5[%dma_start3A_50, %dma_start3A_56] : memref<26x128xi32, #tpu.memory_space<vmem>> -> memref<1x128xi32, #tpu.memory_space<vmem>>
    %dma_start3A_58 = tpu.memref_squeeze %dma_start3A_57 : memref<1x128xi32, #tpu.memory_space<vmem>> -> memref<128xi32, #tpu.memory_space<vmem>>
    %dma_start3A_59 = arith.constant 0 : i32
    %dma_start3A_60 = arith.constant 0 : i32
    %dma_start3A_61 = tpu.memref_slice %arg2[%dma_start3A_59, %dma_start3A_60] : memref<2600000x128xf32, #tpu.memory_space<hbm>> -> memref<2600000x128xf32, #tpu.memory_space<hbm>>
    tpu.enqueue_indirect_dma source(%dma_start3A_61 : memref<2600000x128xf32, #tpu.memory_space<hbm>>) target(%dma_start3A_55 : memref<128x128xf32, #tpu.memory_space<vmem>>) offsets(%dma_start3A_58 : memref<128xi32, #tpu.memory_space<vmem>>) semaphore(%arg7 : memref<!tpu.dma_semaphore, #tpu.memory_space<semaphore_mem>>)
    %dma_start3A_62 = arith.constant 5 : i32
    %dma_start3A_63 = arith.constant 5 : i32
    %dma_start3A_64 = arith.constant 0 : i32
    %dma_start3A_65 = arith.constant 0 : i32
    %dma_start3A_66 = tpu.memref_slice %arg6[%dma_start3A_63, %dma_start3A_64, %dma_start3A_65] : memref<6x128x128xf32, #tpu.memory_space<vmem>> -> memref<1x128x128xf32, #tpu.memory_space<vmem>>
    %dma_start3A_67 = tpu.memref_squeeze %dma_start3A_66 : memref<1x128x128xf32, #tpu.memory_space<vmem>> -> memref<128x128xf32, #tpu.memory_space<vmem>>
    %dma_start3A_68 = arith.constant 0 : i32
    %dma_start3A_69 = tpu.memref_slice %arg5[%dma_start3A_62, %dma_start3A_68] : memref<26x128xi32, #tpu.memory_space<vmem>> -> memref<1x128xi32, #tpu.memory_space<vmem>>
    %dma_start3A_70 = tpu.memref_squeeze %dma_start3A_69 : memref<1x128xi32, #tpu.memory_space<vmem>> -> memref<128xi32, #tpu.memory_space<vmem>>
    %dma_start3A_71 = arith.constant 0 : i32
    %dma_start3A_72 = arith.constant 0 : i32
    %dma_start3A_73 = tpu.memref_slice %arg2[%dma_start3A_71, %dma_start3A_72] : memref<2600000x128xf32, #tpu.memory_space<hbm>> -> memref<2600000x128xf32, #tpu.memory_space<hbm>>
    tpu.enqueue_indirect_dma source(%dma_start3A_73 : memref<2600000x128xf32, #tpu.memory_space<hbm>>) target(%dma_start3A_67 : memref<128x128xf32, #tpu.memory_space<vmem>>) offsets(%dma_start3A_70 : memref<128xi32, #tpu.memory_space<vmem>>) semaphore(%arg7 : memref<!tpu.dma_semaphore, #tpu.memory_space<semaphore_mem>>)
    %dma_wait3A = arith.constant 0 : i32
    %dma_wait3A_74 = arith.constant 0 : i32
    %dma_wait3A_75 = arith.constant 0 : i32
    %dma_wait3A_76 = arith.constant 0 : i32
    %dma_wait3A_77 = tpu.memref_slice %arg6[%dma_wait3A_74, %dma_wait3A_75, %dma_wait3A_76] : memref<6x128x128xf32, #tpu.memory_space<vmem>> -> memref<1x128x128xf32, #tpu.memory_space<vmem>>
    %dma_wait3A_78 = tpu.memref_squeeze %dma_wait3A_77 : memref<1x128x128xf32, #tpu.memory_space<vmem>> -> memref<128x128xf32, #tpu.memory_space<vmem>>
    %dma_wait3A_79 = arith.constant 0 : i32
    %dma_wait3A_80 = tpu.memref_slice %arg5[%dma_wait3A, %dma_wait3A_79] : memref<26x128xi32, #tpu.memory_space<vmem>> -> memref<1x128xi32, #tpu.memory_space<vmem>>
    %dma_wait3A_81 = tpu.memref_squeeze %dma_wait3A_80 : memref<1x128xi32, #tpu.memory_space<vmem>> -> memref<128xi32, #tpu.memory_space<vmem>>
    %dma_wait3A_82 = arith.constant 0 : i32
    %dma_wait3A_83 = arith.constant 0 : i32
    %dma_wait3A_84 = tpu.memref_slice %arg2[%dma_wait3A_82, %dma_wait3A_83] : memref<2600000x128xf32, #tpu.memory_space<hbm>> -> memref<2600000x128xf32, #tpu.memory_space<hbm>>
    tpu.wait_indirect_dma semaphore(%arg7 : memref<!tpu.dma_semaphore, #tpu.memory_space<semaphore_mem>>) src(%dma_wait3A_84 : memref<2600000x128xf32, #tpu.memory_space<hbm>>) dst(%dma_wait3A_78 : memref<128x128xf32, #tpu.memory_space<vmem>>)
    %dma_start3A_85 = arith.constant 0 : i32
    %dma_start3A_86 = arith.constant 0 : i32
    %dma_start3A_87 = arith.constant 0 : i32
    %dma_start3A_88 = arith.constant 0 : i32
    %dma_start3A_89 = tpu.memref_slice %arg6[%dma_start3A_85, %dma_start3A_87, %dma_start3A_88] : memref<6x128x128xf32, #tpu.memory_space<vmem>> -> memref<1x128x128xf32, #tpu.memory_space<vmem>>
    %dma_start3A_90 = tpu.memref_squeeze %dma_start3A_89 : memref<1x128x128xf32, #tpu.memory_space<vmem>> -> memref<128x128xf32, #tpu.memory_space<vmem>>
    %dma_start3A_91 = arith.constant 0 : i32
    %dma_start3A_92 = arith.constant 0 : i32
    %dma_start3A_93 = tpu.memref_slice %arg4[%dma_start3A_86, %dma_start3A_91, %dma_start3A_92] : memref<26x4096x128xf32, #tpu.memory_space<hbm>> -> memref<1x4096x128xf32, #tpu.memory_space<hbm>>
    %dma_start3A_94 = tpu.memref_squeeze %dma_start3A_93 : memref<1x4096x128xf32, #tpu.memory_space<hbm>> -> memref<4096x128xf32, #tpu.memory_space<hbm>>
    %dma_start3A_95 = arith.constant 0 : i32
    %dma_start3A_96 = tpu.memref_slice %dma_start3A_94[%mul3A_2, %dma_start3A_95] : memref<4096x128xf32, #tpu.memory_space<hbm>> -> memref<128x128xf32, #tpu.memory_space<hbm>>
    %dma_start3A_97 = arith.constant 0 : i32
    %dma_start3A_98 = arith.constant 0 : i32
    %dma_start3A_99 = tpu.memref_slice %arg4[%dma_start3A_86, %dma_start3A_97, %dma_start3A_98] : memref<26x4096x128xf32, #tpu.memory_space<hbm>> -> memref<1x4096x128xf32, #tpu.memory_space<hbm>>
    %dma_start3A_100 = tpu.memref_squeeze %dma_start3A_99 : memref<1x4096x128xf32, #tpu.memory_space<hbm>> -> memref<4096x128xf32, #tpu.memory_space<hbm>>
    %dma_start3A_101 = arith.constant 0 : i32
    %dma_start3A_102 = tpu.memref_slice %dma_start3A_100[%mul3A_2, %dma_start3A_101] : memref<4096x128xf32, #tpu.memory_space<hbm>> -> memref<128x128xf32, #tpu.memory_space<hbm>>
    %dma_start3A_103 = arith.constant 0 : i32
    %dma_start3A_104 = arith.constant 0 : i32
    %dma_start3A_105 = tpu.memref_slice %arg6[%dma_start3A_85, %dma_start3A_103, %dma_start3A_104] : memref<6x128x128xf32, #tpu.memory_space<vmem>> -> memref<1x128x128xf32, #tpu.memory_space<vmem>>
    %dma_start3A_106 = tpu.memref_squeeze %dma_start3A_105 : memref<1x128x128xf32, #tpu.memory_space<vmem>> -> memref<128x128xf32, #tpu.memory_space<vmem>>
    tpu.enqueue_dma source(%dma_start3A_106 : memref<128x128xf32, #tpu.memory_space<vmem>>) target(%dma_start3A_102 : memref<128x128xf32, #tpu.memory_space<hbm>>) target_semaphore(%arg8 : memref<!tpu.dma_semaphore, #tpu.memory_space<semaphore_mem>>)
    %dma_wait3A_107 = arith.constant 0 : i32
    %dma_wait3A_108 = arith.constant 0 : i32
    %dma_wait3A_109 = arith.constant 0 : i32
    %dma_wait3A_110 = arith.constant 0 : i32
    %dma_wait3A_111 = tpu.memref_slice %arg6[%dma_wait3A_107, %dma_wait3A_109, %dma_wait3A_110] : memref<6x128x128xf32, #tpu.memory_space<vmem>> -> memref<1x128x128xf32, #tpu.memory_space<vmem>>
    %dma_wait3A_112 = tpu.memref_squeeze %dma_wait3A_111 : memref<1x128x128xf32, #tpu.memory_space<vmem>> -> memref<128x128xf32, #tpu.memory_space<vmem>>
    %dma_wait3A_113 = arith.constant 0 : i32
    %dma_wait3A_114 = arith.constant 0 : i32
    %dma_wait3A_115 = tpu.memref_slice %arg4[%dma_wait3A_108, %dma_wait3A_113, %dma_wait3A_114] : memref<26x4096x128xf32, #tpu.memory_space<hbm>> -> memref<1x4096x128xf32, #tpu.memory_space<hbm>>
    %dma_wait3A_116 = tpu.memref_squeeze %dma_wait3A_115 : memref<1x4096x128xf32, #tpu.memory_space<hbm>> -> memref<4096x128xf32, #tpu.memory_space<hbm>>
    %dma_wait3A_117 = arith.constant 0 : i32
    %dma_wait3A_118 = tpu.memref_slice %dma_wait3A_116[%mul3A_2, %dma_wait3A_117] : memref<4096x128xf32, #tpu.memory_space<hbm>> -> memref<128x128xf32, #tpu.memory_space<hbm>>
    %dma_wait3A_119 = arith.constant 0 : i32
    %dma_wait3A_120 = arith.constant 0 : i32
    %dma_wait3A_121 = tpu.memref_slice %arg4[%dma_wait3A_108, %dma_wait3A_119, %dma_wait3A_120] : memref<26x4096x128xf32, #tpu.memory_space<hbm>> -> memref<1x4096x128xf32, #tpu.memory_space<hbm>>
    %dma_wait3A_122 = tpu.memref_squeeze %dma_wait3A_121 : memref<1x4096x128xf32, #tpu.memory_space<hbm>> -> memref<4096x128xf32, #tpu.memory_space<hbm>>
    %dma_wait3A_123 = arith.constant 0 : i32
    %dma_wait3A_124 = tpu.memref_slice %dma_wait3A_122[%mul3A_2, %dma_wait3A_123] : memref<4096x128xf32, #tpu.memory_space<hbm>> -> memref<128x128xf32, #tpu.memory_space<hbm>>
    %dma_wait3A_125 = arith.constant 0 : i32
    %dma_wait3A_126 = arith.constant 0 : i32
    %dma_wait3A_127 = tpu.memref_slice %arg6[%dma_wait3A_107, %dma_wait3A_125, %dma_wait3A_126] : memref<6x128x128xf32, #tpu.memory_space<vmem>> -> memref<1x128x128xf32, #tpu.memory_space<vmem>>
    %dma_wait3A_128 = tpu.memref_squeeze %dma_wait3A_127 : memref<1x128x128xf32, #tpu.memory_space<vmem>> -> memref<128x128xf32, #tpu.memory_space<vmem>>
    tpu.wait_dma2 semaphore(%arg8 : memref<!tpu.dma_semaphore, #tpu.memory_space<semaphore_mem>>) src(%dma_wait3A_128 : memref<128x128xf32, #tpu.memory_space<vmem>>) dst(%dma_wait3A_124 : memref<128x128xf32, #tpu.memory_space<hbm>>)
    %dma_start3A_129 = arith.constant 6 : i32
    %dma_start3A_130 = arith.constant 0 : i32
    %dma_start3A_131 = arith.constant 0 : i32
    %dma_start3A_132 = arith.constant 0 : i32
    %dma_start3A_133 = tpu.memref_slice %arg6[%dma_start3A_130, %dma_start3A_131, %dma_start3A_132] : memref<6x128x128xf32, #tpu.memory_space<vmem>> -> memref<1x128x128xf32, #tpu.memory_space<vmem>>
    %dma_start3A_134 = tpu.memref_squeeze %dma_start3A_133 : memref<1x128x128xf32, #tpu.memory_space<vmem>> -> memref<128x128xf32, #tpu.memory_space<vmem>>
    %dma_start3A_135 = arith.constant 0 : i32
    %dma_start3A_136 = tpu.memref_slice %arg5[%dma_start3A_129, %dma_start3A_135] : memref<26x128xi32, #tpu.memory_space<vmem>> -> memref<1x128xi32, #tpu.memory_space<vmem>>
    %dma_start3A_137 = tpu.memref_squeeze %dma_start3A_136 : memref<1x128xi32, #tpu.memory_space<vmem>> -> memref<128xi32, #tpu.memory_space<vmem>>
    %dma_start3A_138 = arith.constant 0 : i32
    %dma_start3A_139 = arith.constant 0 : i32
    %dma_start3A_140 = tpu.memref_slice %arg2[%dma_start3A_138, %dma_start3A_139] : memref<2600000x128xf32, #tpu.memory_space<hbm>> -> memref<2600000x128xf32, #tpu.memory_space<hbm>>
    tpu.enqueue_indirect_dma source(%dma_start3A_140 : memref<2600000x128xf32, #tpu.memory_space<hbm>>) target(%dma_start3A_134 : memref<128x128xf32, #tpu.memory_space<vmem>>) offsets(%dma_start3A_137 : memref<128xi32, #tpu.memory_space<vmem>>) semaphore(%arg7 : memref<!tpu.dma_semaphore, #tpu.memory_space<semaphore_mem>>)
    %dma_wait3A_141 = arith.constant 1 : i32
    %dma_wait3A_142 = arith.constant 1 : i32
    %dma_wait3A_143 = arith.constant 0 : i32
    %dma_wait3A_144 = arith.constant 0 : i32
    %dma_wait3A_145 = tpu.memref_slice %arg6[%dma_wait3A_142, %dma_wait3A_143, %dma_wait3A_144] : memref<6x128x128xf32, #tpu.memory_space<vmem>> -> memref<1x128x128xf32, #tpu.memory_space<vmem>>
    %dma_wait3A_146 = tpu.memref_squeeze %dma_wait3A_145 : memref<1x128x128xf32, #tpu.memory_space<vmem>> -> memref<128x128xf32, #tpu.memory_space<vmem>>
    %dma_wait3A_147 = arith.constant 0 : i32
    %dma_wait3A_148 = tpu.memref_slice %arg5[%dma_wait3A_141, %dma_wait3A_147] : memref<26x128xi32, #tpu.memory_space<vmem>> -> memref<1x128xi32, #tpu.memory_space<vmem>>
    %dma_wait3A_149 = tpu.memref_squeeze %dma_wait3A_148 : memref<1x128xi32, #tpu.memory_space<vmem>> -> memref<128xi32, #tpu.memory_space<vmem>>
    %dma_wait3A_150 = arith.constant 0 : i32
    %dma_wait3A_151 = arith.constant 0 : i32
    %dma_wait3A_152 = tpu.memref_slice %arg2[%dma_wait3A_150, %dma_wait3A_151] : memref<2600000x128xf32, #tpu.memory_space<hbm>> -> memref<2600000x128xf32, #tpu.memory_space<hbm>>
    tpu.wait_indirect_dma semaphore(%arg7 : memref<!tpu.dma_semaphore, #tpu.memory_space<semaphore_mem>>) src(%dma_wait3A_152 : memref<2600000x128xf32, #tpu.memory_space<hbm>>) dst(%dma_wait3A_146 : memref<128x128xf32, #tpu.memory_space<vmem>>)
    %dma_start3A_153 = arith.constant 1 : i32
    %dma_start3A_154 = arith.constant 1 : i32
    %dma_start3A_155 = arith.constant 0 : i32
    %dma_start3A_156 = arith.constant 0 : i32
    %dma_start3A_157 = tpu.memref_slice %arg6[%dma_start3A_153, %dma_start3A_155, %dma_start3A_156] : memref<6x128x128xf32, #tpu.memory_space<vmem>> -> memref<1x128x128xf32, #tpu.memory_space<vmem>>
    %dma_start3A_158 = tpu.memref_squeeze %dma_start3A_157 : memref<1x128x128xf32, #tpu.memory_space<vmem>> -> memref<128x128xf32, #tpu.memory_space<vmem>>
    %dma_start3A_159 = arith.constant 0 : i32
    %dma_start3A_160 = arith.constant 0 : i32
    %dma_start3A_161 = tpu.memref_slice %arg4[%dma_start3A_154, %dma_start3A_159, %dma_start3A_160] : memref<26x4096x128xf32, #tpu.memory_space<hbm>> -> memref<1x4096x128xf32, #tpu.memory_space<hbm>>
    %dma_start3A_162 = tpu.memref_squeeze %dma_start3A_161 : memref<1x4096x128xf32, #tpu.memory_space<hbm>> -> memref<4096x128xf32, #tpu.memory_space<hbm>>
    %dma_start3A_163 = arith.constant 0 : i32
    %dma_start3A_164 = tpu.memref_slice %dma_start3A_162[%mul3A_2, %dma_start3A_163] : memref<4096x128xf32, #tpu.memory_space<hbm>> -> memref<128x128xf32, #tpu.memory_space<hbm>>
    %dma_start3A_165 = arith.constant 0 : i32
    %dma_start3A_166 = arith.constant 0 : i32
    %dma_start3A_167 = tpu.memref_slice %arg4[%dma_start3A_154, %dma_start3A_165, %dma_start3A_166] : memref<26x4096x128xf32, #tpu.memory_space<hbm>> -> memref<1x4096x128xf32, #tpu.memory_space<hbm>>
    %dma_start3A_168 = tpu.memref_squeeze %dma_start3A_167 : memref<1x4096x128xf32, #tpu.memory_space<hbm>> -> memref<4096x128xf32, #tpu.memory_space<hbm>>
    %dma_start3A_169 = arith.constant 0 : i32
    %dma_start3A_170 = tpu.memref_slice %dma_start3A_168[%mul3A_2, %dma_start3A_169] : memref<4096x128xf32, #tpu.memory_space<hbm>> -> memref<128x128xf32, #tpu.memory_space<hbm>>
    %dma_start3A_171 = arith.constant 0 : i32
    %dma_start3A_172 = arith.constant 0 : i32
    %dma_start3A_173 = tpu.memref_slice %arg6[%dma_start3A_153, %dma_start3A_171, %dma_start3A_172] : memref<6x128x128xf32, #tpu.memory_space<vmem>> -> memref<1x128x128xf32, #tpu.memory_space<vmem>>
    %dma_start3A_174 = tpu.memref_squeeze %dma_start3A_173 : memref<1x128x128xf32, #tpu.memory_space<vmem>> -> memref<128x128xf32, #tpu.memory_space<vmem>>
    tpu.enqueue_dma source(%dma_start3A_174 : memref<128x128xf32, #tpu.memory_space<vmem>>) target(%dma_start3A_170 : memref<128x128xf32, #tpu.memory_space<hbm>>) target_semaphore(%arg8 : memref<!tpu.dma_semaphore, #tpu.memory_space<semaphore_mem>>)
    %dma_wait3A_175 = arith.constant 1 : i32
    %dma_wait3A_176 = arith.constant 1 : i32
    %dma_wait3A_177 = arith.constant 0 : i32
    %dma_wait3A_178 = arith.constant 0 : i32
    %dma_wait3A_179 = tpu.memref_slice %arg6[%dma_wait3A_175, %dma_wait3A_177, %dma_wait3A_178] : memref<6x128x128xf32, #tpu.memory_space<vmem>> -> memref<1x128x128xf32, #tpu.memory_space<vmem>>
    %dma_wait3A_180 = tpu.memref_squeeze %dma_wait3A_179 : memref<1x128x128xf32, #tpu.memory_space<vmem>> -> memref<128x128xf32, #tpu.memory_space<vmem>>
    %dma_wait3A_181 = arith.constant 0 : i32
    %dma_wait3A_182 = arith.constant 0 : i32
    %dma_wait3A_183 = tpu.memref_slice %arg4[%dma_wait3A_176, %dma_wait3A_181, %dma_wait3A_182] : memref<26x4096x128xf32, #tpu.memory_space<hbm>> -> memref<1x4096x128xf32, #tpu.memory_space<hbm>>
    %dma_wait3A_184 = tpu.memref_squeeze %dma_wait3A_183 : memref<1x4096x128xf32, #tpu.memory_space<hbm>> -> memref<4096x128xf32, #tpu.memory_space<hbm>>
    %dma_wait3A_185 = arith.constant 0 : i32
    %dma_wait3A_186 = tpu.memref_slice %dma_wait3A_184[%mul3A_2, %dma_wait3A_185] : memref<4096x128xf32, #tpu.memory_space<hbm>> -> memref<128x128xf32, #tpu.memory_space<hbm>>
    %dma_wait3A_187 = arith.constant 0 : i32
    %dma_wait3A_188 = arith.constant 0 : i32
    %dma_wait3A_189 = tpu.memref_slice %arg4[%dma_wait3A_176, %dma_wait3A_187, %dma_wait3A_188] : memref<26x4096x128xf32, #tpu.memory_space<hbm>> -> memref<1x4096x128xf32, #tpu.memory_space<hbm>>
    %dma_wait3A_190 = tpu.memref_squeeze %dma_wait3A_189 : memref<1x4096x128xf32, #tpu.memory_space<hbm>> -> memref<4096x128xf32, #tpu.memory_space<hbm>>
    %dma_wait3A_191 = arith.constant 0 : i32
    %dma_wait3A_192 = tpu.memref_slice %dma_wait3A_190[%mul3A_2, %dma_wait3A_191] : memref<4096x128xf32, #tpu.memory_space<hbm>> -> memref<128x128xf32, #tpu.memory_space<hbm>>
    %dma_wait3A_193 = arith.constant 0 : i32
    %dma_wait3A_194 = arith.constant 0 : i32
    %dma_wait3A_195 = tpu.memref_slice %arg6[%dma_wait3A_175, %dma_wait3A_193, %dma_wait3A_194] : memref<6x128x128xf32, #tpu.memory_space<vmem>> -> memref<1x128x128xf32, #tpu.memory_space<vmem>>
    %dma_wait3A_196 = tpu.memref_squeeze %dma_wait3A_195 : memref<1x128x128xf32, #tpu.memory_space<vmem>> -> memref<128x128xf32, #tpu.memory_space<vmem>>
    tpu.wait_dma2 semaphore(%arg8 : memref<!tpu.dma_semaphore, #tpu.memory_space<semaphore_mem>>) src(%dma_wait3A_196 : memref<128x128xf32, #tpu.memory_space<vmem>>) dst(%dma_wait3A_192 : memref<128x128xf32, #tpu.memory_space<hbm>>)
    %dma_start3A_197 = arith.constant 7 : i32
    %dma_start3A_198 = arith.constant 1 : i32
    %dma_start3A_199 = arith.constant 0 : i32
    %dma_start3A_200 = arith.constant 0 : i32
    %dma_start3A_201 = tpu.memref_slice %arg6[%dma_start3A_198, %dma_start3A_199, %dma_start3A_200] : memref<6x128x128xf32, #tpu.memory_space<vmem>> -> memref<1x128x128xf32, #tpu.memory_space<vmem>>
    %dma_start3A_202 = tpu.memref_squeeze %dma_start3A_201 : memref<1x128x128xf32, #tpu.memory_space<vmem>> -> memref<128x128xf32, #tpu.memory_space<vmem>>
    %dma_start3A_203 = arith.constant 0 : i32
    %dma_start3A_204 = tpu.memref_slice %arg5[%dma_start3A_197, %dma_start3A_203] : memref<26x128xi32, #tpu.memory_space<vmem>> -> memref<1x128xi32, #tpu.memory_space<vmem>>
    %dma_start3A_205 = tpu.memref_squeeze %dma_start3A_204 : memref<1x128xi32, #tpu.memory_space<vmem>> -> memref<128xi32, #tpu.memory_space<vmem>>
    %dma_start3A_206 = arith.constant 0 : i32
    %dma_start3A_207 = arith.constant 0 : i32
    %dma_start3A_208 = tpu.memref_slice %arg2[%dma_start3A_206, %dma_start3A_207] : memref<2600000x128xf32, #tpu.memory_space<hbm>> -> memref<2600000x128xf32, #tpu.memory_space<hbm>>
    tpu.enqueue_indirect_dma source(%dma_start3A_208 : memref<2600000x128xf32, #tpu.memory_space<hbm>>) target(%dma_start3A_202 : memref<128x128xf32, #tpu.memory_space<vmem>>) offsets(%dma_start3A_205 : memref<128xi32, #tpu.memory_space<vmem>>) semaphore(%arg7 : memref<!tpu.dma_semaphore, #tpu.memory_space<semaphore_mem>>)
    %dma_wait3A_209 = arith.constant 2 : i32
    %dma_wait3A_210 = arith.constant 2 : i32
    %dma_wait3A_211 = arith.constant 0 : i32
    %dma_wait3A_212 = arith.constant 0 : i32
    %dma_wait3A_213 = tpu.memref_slice %arg6[%dma_wait3A_210, %dma_wait3A_211, %dma_wait3A_212] : memref<6x128x128xf32, #tpu.memory_space<vmem>> -> memref<1x128x128xf32, #tpu.memory_space<vmem>>
    %dma_wait3A_214 = tpu.memref_squeeze %dma_wait3A_213 : memref<1x128x128xf32, #tpu.memory_space<vmem>> -> memref<128x128xf32, #tpu.memory_space<vmem>>
    %dma_wait3A_215 = arith.constant 0 : i32
    %dma_wait3A_216 = tpu.memref_slice %arg5[%dma_wait3A_209, %dma_wait3A_215] : memref<26x128xi32, #tpu.memory_space<vmem>> -> memref<1x128xi32, #tpu.memory_space<vmem>>
    %dma_wait3A_217 = tpu.memref_squeeze %dma_wait3A_216 : memref<1x128xi32, #tpu.memory_space<vmem>> -> memref<128xi32, #tpu.memory_space<vmem>>
    %dma_wait3A_218 = arith.constant 0 : i32
    %dma_wait3A_219 = arith.constant 0 : i32
    %dma_wait3A_220 = tpu.memref_slice %arg2[%dma_wait3A_218, %dma_wait3A_219] : memref<2600000x128xf32, #tpu.memory_space<hbm>> -> memref<2600000x128xf32, #tpu.memory_space<hbm>>
    tpu.wait_indirect_dma semaphore(%arg7 : memref<!tpu.dma_semaphore, #tpu.memory_space<semaphore_mem>>) src(%dma_wait3A_220 : memref<2600000x128xf32, #tpu.memory_space<hbm>>) dst(%dma_wait3A_214 : memref<128x128xf32, #tpu.memory_space<vmem>>)
    %dma_start3A_221 = arith.constant 2 : i32
    %dma_start3A_222 = arith.constant 2 : i32
    %dma_start3A_223 = arith.constant 0 : i32
    %dma_start3A_224 = arith.constant 0 : i32
    %dma_start3A_225 = tpu.memref_slice %arg6[%dma_start3A_221, %dma_start3A_223, %dma_start3A_224] : memref<6x128x128xf32, #tpu.memory_space<vmem>> -> memref<1x128x128xf32, #tpu.memory_space<vmem>>
    %dma_start3A_226 = tpu.memref_squeeze %dma_start3A_225 : memref<1x128x128xf32, #tpu.memory_space<vmem>> -> memref<128x128xf32, #tpu.memory_space<vmem>>
    %dma_start3A_227 = arith.constant 0 : i32
    %dma_start3A_228 = arith.constant 0 : i32
    %dma_start3A_229 = tpu.memref_slice %arg4[%dma_start3A_222, %dma_start3A_227, %dma_start3A_228] : memref<26x4096x128xf32, #tpu.memory_space<hbm>> -> memref<1x4096x128xf32, #tpu.memory_space<hbm>>
    %dma_start3A_230 = tpu.memref_squeeze %dma_start3A_229 : memref<1x4096x128xf32, #tpu.memory_space<hbm>> -> memref<4096x128xf32, #tpu.memory_space<hbm>>
    %dma_start3A_231 = arith.constant 0 : i32
    %dma_start3A_232 = tpu.memref_slice %dma_start3A_230[%mul3A_2, %dma_start3A_231] : memref<4096x128xf32, #tpu.memory_space<hbm>> -> memref<128x128xf32, #tpu.memory_space<hbm>>
    %dma_start3A_233 = arith.constant 0 : i32
    %dma_start3A_234 = arith.constant 0 : i32
    %dma_start3A_235 = tpu.memref_slice %arg4[%dma_start3A_222, %dma_start3A_233, %dma_start3A_234] : memref<26x4096x128xf32, #tpu.memory_space<hbm>> -> memref<1x4096x128xf32, #tpu.memory_space<hbm>>
    %dma_start3A_236 = tpu.memref_squeeze %dma_start3A_235 : memref<1x4096x128xf32, #tpu.memory_space<hbm>> -> memref<4096x128xf32, #tpu.memory_space<hbm>>
    %dma_start3A_237 = arith.constant 0 : i32
    %dma_start3A_238 = tpu.memref_slice %dma_start3A_236[%mul3A_2, %dma_start3A_237] : memref<4096x128xf32, #tpu.memory_space<hbm>> -> memref<128x128xf32, #tpu.memory_space<hbm>>
    %dma_start3A_239 = arith.constant 0 : i32
    %dma_start3A_240 = arith.constant 0 : i32
    %dma_start3A_241 = tpu.memref_slice %arg6[%dma_start3A_221, %dma_start3A_239, %dma_start3A_240] : memref<6x128x128xf32, #tpu.memory_space<vmem>> -> memref<1x128x128xf32, #tpu.memory_space<vmem>>
    %dma_start3A_242 = tpu.memref_squeeze %dma_start3A_241 : memref<1x128x128xf32, #tpu.memory_space<vmem>> -> memref<128x128xf32, #tpu.memory_space<vmem>>
    tpu.enqueue_dma source(%dma_start3A_242 : memref<128x128xf32, #tpu.memory_space<vmem>>) target(%dma_start3A_238 : memref<128x128xf32, #tpu.memory_space<hbm>>) target_semaphore(%arg8 : memref<!tpu.dma_semaphore, #tpu.memory_space<semaphore_mem>>)
    %dma_wait3A_243 = arith.constant 2 : i32
    %dma_wait3A_244 = arith.constant 2 : i32
    %dma_wait3A_245 = arith.constant 0 : i32
    %dma_wait3A_246 = arith.constant 0 : i32
    %dma_wait3A_247 = tpu.memref_slice %arg6[%dma_wait3A_243, %dma_wait3A_245, %dma_wait3A_246] : memref<6x128x128xf32, #tpu.memory_space<vmem>> -> memref<1x128x128xf32, #tpu.memory_space<vmem>>
    %dma_wait3A_248 = tpu.memref_squeeze %dma_wait3A_247 : memref<1x128x128xf32, #tpu.memory_space<vmem>> -> memref<128x128xf32, #tpu.memory_space<vmem>>
    %dma_wait3A_249 = arith.constant 0 : i32
    %dma_wait3A_250 = arith.constant 0 : i32
    %dma_wait3A_251 = tpu.memref_slice %arg4[%dma_wait3A_244, %dma_wait3A_249, %dma_wait3A_250] : memref<26x4096x128xf32, #tpu.memory_space<hbm>> -> memref<1x4096x128xf32, #tpu.memory_space<hbm>>
    %dma_wait3A_252 = tpu.memref_squeeze %dma_wait3A_251 : memref<1x4096x128xf32, #tpu.memory_space<hbm>> -> memref<4096x128xf32, #tpu.memory_space<hbm>>
    %dma_wait3A_253 = arith.constant 0 : i32
    %dma_wait3A_254 = tpu.memref_slice %dma_wait3A_252[%mul3A_2, %dma_wait3A_253] : memref<4096x128xf32, #tpu.memory_space<hbm>> -> memref<128x128xf32, #tpu.memory_space<hbm>>
    %dma_wait3A_255 = arith.constant 0 : i32
    %dma_wait3A_256 = arith.constant 0 : i32
    %dma_wait3A_257 = tpu.memref_slice %arg4[%dma_wait3A_244, %dma_wait3A_255, %dma_wait3A_256] : memref<26x4096x128xf32, #tpu.memory_space<hbm>> -> memref<1x4096x128xf32, #tpu.memory_space<hbm>>
    %dma_wait3A_258 = tpu.memref_squeeze %dma_wait3A_257 : memref<1x4096x128xf32, #tpu.memory_space<hbm>> -> memref<4096x128xf32, #tpu.memory_space<hbm>>
    %dma_wait3A_259 = arith.constant 0 : i32
    %dma_wait3A_260 = tpu.memref_slice %dma_wait3A_258[%mul3A_2, %dma_wait3A_259] : memref<4096x128xf32, #tpu.memory_space<hbm>> -> memref<128x128xf32, #tpu.memory_space<hbm>>
    %dma_wait3A_261 = arith.constant 0 : i32
    %dma_wait3A_262 = arith.constant 0 : i32
    %dma_wait3A_263 = tpu.memref_slice %arg6[%dma_wait3A_243, %dma_wait3A_261, %dma_wait3A_262] : memref<6x128x128xf32, #tpu.memory_space<vmem>> -> memref<1x128x128xf32, #tpu.memory_space<vmem>>
    %dma_wait3A_264 = tpu.memref_squeeze %dma_wait3A_263 : memref<1x128x128xf32, #tpu.memory_space<vmem>> -> memref<128x128xf32, #tpu.memory_space<vmem>>
    tpu.wait_dma2 semaphore(%arg8 : memref<!tpu.dma_semaphore, #tpu.memory_space<semaphore_mem>>) src(%dma_wait3A_264 : memref<128x128xf32, #tpu.memory_space<vmem>>) dst(%dma_wait3A_260 : memref<128x128xf32, #tpu.memory_space<hbm>>)
    %dma_start3A_265 = arith.constant 8 : i32
    %dma_start3A_266 = arith.constant 2 : i32
    %dma_start3A_267 = arith.constant 0 : i32
    %dma_start3A_268 = arith.constant 0 : i32
    %dma_start3A_269 = tpu.memref_slice %arg6[%dma_start3A_266, %dma_start3A_267, %dma_start3A_268] : memref<6x128x128xf32, #tpu.memory_space<vmem>> -> memref<1x128x128xf32, #tpu.memory_space<vmem>>
    %dma_start3A_270 = tpu.memref_squeeze %dma_start3A_269 : memref<1x128x128xf32, #tpu.memory_space<vmem>> -> memref<128x128xf32, #tpu.memory_space<vmem>>
    %dma_start3A_271 = arith.constant 0 : i32
    %dma_start3A_272 = tpu.memref_slice %arg5[%dma_start3A_265, %dma_start3A_271] : memref<26x128xi32, #tpu.memory_space<vmem>> -> memref<1x128xi32, #tpu.memory_space<vmem>>
    %dma_start3A_273 = tpu.memref_squeeze %dma_start3A_272 : memref<1x128xi32, #tpu.memory_space<vmem>> -> memref<128xi32, #tpu.memory_space<vmem>>
    %dma_start3A_274 = arith.constant 0 : i32
    %dma_start3A_275 = arith.constant 0 : i32
    %dma_start3A_276 = tpu.memref_slice %arg2[%dma_start3A_274, %dma_start3A_275] : memref<2600000x128xf32, #tpu.memory_space<hbm>> -> memref<2600000x128xf32, #tpu.memory_space<hbm>>
    tpu.enqueue_indirect_dma source(%dma_start3A_276 : memref<2600000x128xf32, #tpu.memory_space<hbm>>) target(%dma_start3A_270 : memref<128x128xf32, #tpu.memory_space<vmem>>) offsets(%dma_start3A_273 : memref<128xi32, #tpu.memory_space<vmem>>) semaphore(%arg7 : memref<!tpu.dma_semaphore, #tpu.memory_space<semaphore_mem>>)
    %dma_wait3A_277 = arith.constant 3 : i32
    %dma_wait3A_278 = arith.constant 3 : i32
    %dma_wait3A_279 = arith.constant 0 : i32
    %dma_wait3A_280 = arith.constant 0 : i32
    %dma_wait3A_281 = tpu.memref_slice %arg6[%dma_wait3A_278, %dma_wait3A_279, %dma_wait3A_280] : memref<6x128x128xf32, #tpu.memory_space<vmem>> -> memref<1x128x128xf32, #tpu.memory_space<vmem>>
    %dma_wait3A_282 = tpu.memref_squeeze %dma_wait3A_281 : memref<1x128x128xf32, #tpu.memory_space<vmem>> -> memref<128x128xf32, #tpu.memory_space<vmem>>
    %dma_wait3A_283 = arith.constant 0 : i32
    %dma_wait3A_284 = tpu.memref_slice %arg5[%dma_wait3A_277, %dma_wait3A_283] : memref<26x128xi32, #tpu.memory_space<vmem>> -> memref<1x128xi32, #tpu.memory_space<vmem>>
    %dma_wait3A_285 = tpu.memref_squeeze %dma_wait3A_284 : memref<1x128xi32, #tpu.memory_space<vmem>> -> memref<128xi32, #tpu.memory_space<vmem>>
    %dma_wait3A_286 = arith.constant 0 : i32
    %dma_wait3A_287 = arith.constant 0 : i32
    %dma_wait3A_288 = tpu.memref_slice %arg2[%dma_wait3A_286, %dma_wait3A_287] : memref<2600000x128xf32, #tpu.memory_space<hbm>> -> memref<2600000x128xf32, #tpu.memory_space<hbm>>
    tpu.wait_indirect_dma semaphore(%arg7 : memref<!tpu.dma_semaphore, #tpu.memory_space<semaphore_mem>>) src(%dma_wait3A_288 : memref<2600000x128xf32, #tpu.memory_space<hbm>>) dst(%dma_wait3A_282 : memref<128x128xf32, #tpu.memory_space<vmem>>)
    %dma_start3A_289 = arith.constant 3 : i32
    %dma_start3A_290 = arith.constant 3 : i32
    %dma_start3A_291 = arith.constant 0 : i32
    %dma_start3A_292 = arith.constant 0 : i32
    %dma_start3A_293 = tpu.memref_slice %arg6[%dma_start3A_289, %dma_start3A_291, %dma_start3A_292] : memref<6x128x128xf32, #tpu.memory_space<vmem>> -> memref<1x128x128xf32, #tpu.memory_space<vmem>>
    %dma_start3A_294 = tpu.memref_squeeze %dma_start3A_293 : memref<1x128x128xf32, #tpu.memory_space<vmem>> -> memref<128x128xf32, #tpu.memory_space<vmem>>
    %dma_start3A_295 = arith.constant 0 : i32
    %dma_start3A_296 = arith.constant 0 : i32
    %dma_start3A_297 = tpu.memref_slice %arg4[%dma_start3A_290, %dma_start3A_295, %dma_start3A_296] : memref<26x4096x128xf32, #tpu.memory_space<hbm>> -> memref<1x4096x128xf32, #tpu.memory_space<hbm>>
    %dma_start3A_298 = tpu.memref_squeeze %dma_start3A_297 : memref<1x4096x128xf32, #tpu.memory_space<hbm>> -> memref<4096x128xf32, #tpu.memory_space<hbm>>
    %dma_start3A_299 = arith.constant 0 : i32
    %dma_start3A_300 = tpu.memref_slice %dma_start3A_298[%mul3A_2, %dma_start3A_299] : memref<4096x128xf32, #tpu.memory_space<hbm>> -> memref<128x128xf32, #tpu.memory_space<hbm>>
    %dma_start3A_301 = arith.constant 0 : i32
    %dma_start3A_302 = arith.constant 0 : i32
    %dma_start3A_303 = tpu.memref_slice %arg4[%dma_start3A_290, %dma_start3A_301, %dma_start3A_302] : memref<26x4096x128xf32, #tpu.memory_space<hbm>> -> memref<1x4096x128xf32, #tpu.memory_space<hbm>>
    %dma_start3A_304 = tpu.memref_squeeze %dma_start3A_303 : memref<1x4096x128xf32, #tpu.memory_space<hbm>> -> memref<4096x128xf32, #tpu.memory_space<hbm>>
    %dma_start3A_305 = arith.constant 0 : i32
    %dma_start3A_306 = tpu.memref_slice %dma_start3A_304[%mul3A_2, %dma_start3A_305] : memref<4096x128xf32, #tpu.memory_space<hbm>> -> memref<128x128xf32, #tpu.memory_space<hbm>>
    %dma_start3A_307 = arith.constant 0 : i32
    %dma_start3A_308 = arith.constant 0 : i32
    %dma_start3A_309 = tpu.memref_slice %arg6[%dma_start3A_289, %dma_start3A_307, %dma_start3A_308] : memref<6x128x128xf32, #tpu.memory_space<vmem>> -> memref<1x128x128xf32, #tpu.memory_space<vmem>>
    %dma_start3A_310 = tpu.memref_squeeze %dma_start3A_309 : memref<1x128x128xf32, #tpu.memory_space<vmem>> -> memref<128x128xf32, #tpu.memory_space<vmem>>
    tpu.enqueue_dma source(%dma_start3A_310 : memref<128x128xf32, #tpu.memory_space<vmem>>) target(%dma_start3A_306 : memref<128x128xf32, #tpu.memory_space<hbm>>) target_semaphore(%arg8 : memref<!tpu.dma_semaphore, #tpu.memory_space<semaphore_mem>>)
    %dma_wait3A_311 = arith.constant 3 : i32
    %dma_wait3A_312 = arith.constant 3 : i32
    %dma_wait3A_313 = arith.constant 0 : i32
    %dma_wait3A_314 = arith.constant 0 : i32
    %dma_wait3A_315 = tpu.memref_slice %arg6[%dma_wait3A_311, %dma_wait3A_313, %dma_wait3A_314] : memref<6x128x128xf32, #tpu.memory_space<vmem>> -> memref<1x128x128xf32, #tpu.memory_space<vmem>>
    %dma_wait3A_316 = tpu.memref_squeeze %dma_wait3A_315 : memref<1x128x128xf32, #tpu.memory_space<vmem>> -> memref<128x128xf32, #tpu.memory_space<vmem>>
    %dma_wait3A_317 = arith.constant 0 : i32
    %dma_wait3A_318 = arith.constant 0 : i32
    %dma_wait3A_319 = tpu.memref_slice %arg4[%dma_wait3A_312, %dma_wait3A_317, %dma_wait3A_318] : memref<26x4096x128xf32, #tpu.memory_space<hbm>> -> memref<1x4096x128xf32, #tpu.memory_space<hbm>>
    %dma_wait3A_320 = tpu.memref_squeeze %dma_wait3A_319 : memref<1x4096x128xf32, #tpu.memory_space<hbm>> -> memref<4096x128xf32, #tpu.memory_space<hbm>>
    %dma_wait3A_321 = arith.constant 0 : i32
    %dma_wait3A_322 = tpu.memref_slice %dma_wait3A_320[%mul3A_2, %dma_wait3A_321] : memref<4096x128xf32, #tpu.memory_space<hbm>> -> memref<128x128xf32, #tpu.memory_space<hbm>>
    %dma_wait3A_323 = arith.constant 0 : i32
    %dma_wait3A_324 = arith.constant 0 : i32
    %dma_wait3A_325 = tpu.memref_slice %arg4[%dma_wait3A_312, %dma_wait3A_323, %dma_wait3A_324] : memref<26x4096x128xf32, #tpu.memory_space<hbm>> -> memref<1x4096x128xf32, #tpu.memory_space<hbm>>
    %dma_wait3A_326 = tpu.memref_squeeze %dma_wait3A_325 : memref<1x4096x128xf32, #tpu.memory_space<hbm>> -> memref<4096x128xf32, #tpu.memory_space<hbm>>
    %dma_wait3A_327 = arith.constant 0 : i32
    %dma_wait3A_328 = tpu.memref_slice %dma_wait3A_326[%mul3A_2, %dma_wait3A_327] : memref<4096x128xf32, #tpu.memory_space<hbm>> -> memref<128x128xf32, #tpu.memory_space<hbm>>
    %dma_wait3A_329 = arith.constant 0 : i32
    %dma_wait3A_330 = arith.constant 0 : i32
    %dma_wait3A_331 = tpu.memref_slice %arg6[%dma_wait3A_311, %dma_wait3A_329, %dma_wait3A_330] : memref<6x128x128xf32, #tpu.memory_space<vmem>> -> memref<1x128x128xf32, #tpu.memory_space<vmem>>
    %dma_wait3A_332 = tpu.memref_squeeze %dma_wait3A_331 : memref<1x128x128xf32, #tpu.memory_space<vmem>> -> memref<128x128xf32, #tpu.memory_space<vmem>>
    tpu.wait_dma2 semaphore(%arg8 : memref<!tpu.dma_semaphore, #tpu.memory_space<semaphore_mem>>) src(%dma_wait3A_332 : memref<128x128xf32, #tpu.memory_space<vmem>>) dst(%dma_wait3A_328 : memref<128x128xf32, #tpu.memory_space<hbm>>)
    %dma_start3A_333 = arith.constant 9 : i32
    %dma_start3A_334 = arith.constant 3 : i32
    %dma_start3A_335 = arith.constant 0 : i32
    %dma_start3A_336 = arith.constant 0 : i32
    %dma_start3A_337 = tpu.memref_slice %arg6[%dma_start3A_334, %dma_start3A_335, %dma_start3A_336] : memref<6x128x128xf32, #tpu.memory_space<vmem>> -> memref<1x128x128xf32, #tpu.memory_space<vmem>>
    %dma_start3A_338 = tpu.memref_squeeze %dma_start3A_337 : memref<1x128x128xf32, #tpu.memory_space<vmem>> -> memref<128x128xf32, #tpu.memory_space<vmem>>
    %dma_start3A_339 = arith.constant 0 : i32
    %dma_start3A_340 = tpu.memref_slice %arg5[%dma_start3A_333, %dma_start3A_339] : memref<26x128xi32, #tpu.memory_space<vmem>> -> memref<1x128xi32, #tpu.memory_space<vmem>>
    %dma_start3A_341 = tpu.memref_squeeze %dma_start3A_340 : memref<1x128xi32, #tpu.memory_space<vmem>> -> memref<128xi32, #tpu.memory_space<vmem>>
    %dma_start3A_342 = arith.constant 0 : i32
    %dma_start3A_343 = arith.constant 0 : i32
    %dma_start3A_344 = tpu.memref_slice %arg2[%dma_start3A_342, %dma_start3A_343] : memref<2600000x128xf32, #tpu.memory_space<hbm>> -> memref<2600000x128xf32, #tpu.memory_space<hbm>>
    tpu.enqueue_indirect_dma source(%dma_start3A_344 : memref<2600000x128xf32, #tpu.memory_space<hbm>>) target(%dma_start3A_338 : memref<128x128xf32, #tpu.memory_space<vmem>>) offsets(%dma_start3A_341 : memref<128xi32, #tpu.memory_space<vmem>>) semaphore(%arg7 : memref<!tpu.dma_semaphore, #tpu.memory_space<semaphore_mem>>)
    %dma_wait3A_345 = arith.constant 4 : i32
    %dma_wait3A_346 = arith.constant 4 : i32
    %dma_wait3A_347 = arith.constant 0 : i32
    %dma_wait3A_348 = arith.constant 0 : i32
    %dma_wait3A_349 = tpu.memref_slice %arg6[%dma_wait3A_346, %dma_wait3A_347, %dma_wait3A_348] : memref<6x128x128xf32, #tpu.memory_space<vmem>> -> memref<1x128x128xf32, #tpu.memory_space<vmem>>
    %dma_wait3A_350 = tpu.memref_squeeze %dma_wait3A_349 : memref<1x128x128xf32, #tpu.memory_space<vmem>> -> memref<128x128xf32, #tpu.memory_space<vmem>>
    %dma_wait3A_351 = arith.constant 0 : i32
    %dma_wait3A_352 = tpu.memref_slice %arg5[%dma_wait3A_345, %dma_wait3A_351] : memref<26x128xi32, #tpu.memory_space<vmem>> -> memref<1x128xi32, #tpu.memory_space<vmem>>
    %dma_wait3A_353 = tpu.memref_squeeze %dma_wait3A_352 : memref<1x128xi32, #tpu.memory_space<vmem>> -> memref<128xi32, #tpu.memory_space<vmem>>
    %dma_wait3A_354 = arith.constant 0 : i32
    %dma_wait3A_355 = arith.constant 0 : i32
    %dma_wait3A_356 = tpu.memref_slice %arg2[%dma_wait3A_354, %dma_wait3A_355] : memref<2600000x128xf32, #tpu.memory_space<hbm>> -> memref<2600000x128xf32, #tpu.memory_space<hbm>>
    tpu.wait_indirect_dma semaphore(%arg7 : memref<!tpu.dma_semaphore, #tpu.memory_space<semaphore_mem>>) src(%dma_wait3A_356 : memref<2600000x128xf32, #tpu.memory_space<hbm>>) dst(%dma_wait3A_350 : memref<128x128xf32, #tpu.memory_space<vmem>>)
    %dma_start3A_357 = arith.constant 4 : i32
    %dma_start3A_358 = arith.constant 4 : i32
    %dma_start3A_359 = arith.constant 0 : i32
    %dma_start3A_360 = arith.constant 0 : i32
    %dma_start3A_361 = tpu.memref_slice %arg6[%dma_start3A_357, %dma_start3A_359, %dma_start3A_360] : memref<6x128x128xf32, #tpu.memory_space<vmem>> -> memref<1x128x128xf32, #tpu.memory_space<vmem>>
    %dma_start3A_362 = tpu.memref_squeeze %dma_start3A_361 : memref<1x128x128xf32, #tpu.memory_space<vmem>> -> memref<128x128xf32, #tpu.memory_space<vmem>>
    %dma_start3A_363 = arith.constant 0 : i32
    %dma_start3A_364 = arith.constant 0 : i32
    %dma_start3A_365 = tpu.memref_slice %arg4[%dma_start3A_358, %dma_start3A_363, %dma_start3A_364] : memref<26x4096x128xf32, #tpu.memory_space<hbm>> -> memref<1x4096x128xf32, #tpu.memory_space<hbm>>
    %dma_start3A_366 = tpu.memref_squeeze %dma_start3A_365 : memref<1x4096x128xf32, #tpu.memory_space<hbm>> -> memref<4096x128xf32, #tpu.memory_space<hbm>>
    %dma_start3A_367 = arith.constant 0 : i32
    %dma_start3A_368 = tpu.memref_slice %dma_start3A_366[%mul3A_2, %dma_start3A_367] : memref<4096x128xf32, #tpu.memory_space<hbm>> -> memref<128x128xf32, #tpu.memory_space<hbm>>
    %dma_start3A_369 = arith.constant 0 : i32
    %dma_start3A_370 = arith.constant 0 : i32
    %dma_start3A_371 = tpu.memref_slice %arg4[%dma_start3A_358, %dma_start3A_369, %dma_start3A_370] : memref<26x4096x128xf32, #tpu.memory_space<hbm>> -> memref<1x4096x128xf32, #tpu.memory_space<hbm>>
    %dma_start3A_372 = tpu.memref_squeeze %dma_start3A_371 : memref<1x4096x128xf32, #tpu.memory_space<hbm>> -> memref<4096x128xf32, #tpu.memory_space<hbm>>
    %dma_start3A_373 = arith.constant 0 : i32
    %dma_start3A_374 = tpu.memref_slice %dma_start3A_372[%mul3A_2, %dma_start3A_373] : memref<4096x128xf32, #tpu.memory_space<hbm>> -> memref<128x128xf32, #tpu.memory_space<hbm>>
    %dma_start3A_375 = arith.constant 0 : i32
    %dma_start3A_376 = arith.constant 0 : i32
    %dma_start3A_377 = tpu.memref_slice %arg6[%dma_start3A_357, %dma_start3A_375, %dma_start3A_376] : memref<6x128x128xf32, #tpu.memory_space<vmem>> -> memref<1x128x128xf32, #tpu.memory_space<vmem>>
    %dma_start3A_378 = tpu.memref_squeeze %dma_start3A_377 : memref<1x128x128xf32, #tpu.memory_space<vmem>> -> memref<128x128xf32, #tpu.memory_space<vmem>>
    tpu.enqueue_dma source(%dma_start3A_378 : memref<128x128xf32, #tpu.memory_space<vmem>>) target(%dma_start3A_374 : memref<128x128xf32, #tpu.memory_space<hbm>>) target_semaphore(%arg8 : memref<!tpu.dma_semaphore, #tpu.memory_space<semaphore_mem>>)
    %dma_wait3A_379 = arith.constant 4 : i32
    %dma_wait3A_380 = arith.constant 4 : i32
    %dma_wait3A_381 = arith.constant 0 : i32
    %dma_wait3A_382 = arith.constant 0 : i32
    %dma_wait3A_383 = tpu.memref_slice %arg6[%dma_wait3A_379, %dma_wait3A_381, %dma_wait3A_382] : memref<6x128x128xf32, #tpu.memory_space<vmem>> -> memref<1x128x128xf32, #tpu.memory_space<vmem>>
    %dma_wait3A_384 = tpu.memref_squeeze %dma_wait3A_383 : memref<1x128x128xf32, #tpu.memory_space<vmem>> -> memref<128x128xf32, #tpu.memory_space<vmem>>
    %dma_wait3A_385 = arith.constant 0 : i32
    %dma_wait3A_386 = arith.constant 0 : i32
    %dma_wait3A_387 = tpu.memref_slice %arg4[%dma_wait3A_380, %dma_wait3A_385, %dma_wait3A_386] : memref<26x4096x128xf32, #tpu.memory_space<hbm>> -> memref<1x4096x128xf32, #tpu.memory_space<hbm>>
    %dma_wait3A_388 = tpu.memref_squeeze %dma_wait3A_387 : memref<1x4096x128xf32, #tpu.memory_space<hbm>> -> memref<4096x128xf32, #tpu.memory_space<hbm>>
    %dma_wait3A_389 = arith.constant 0 : i32
    %dma_wait3A_390 = tpu.memref_slice %dma_wait3A_388[%mul3A_2, %dma_wait3A_389] : memref<4096x128xf32, #tpu.memory_space<hbm>> -> memref<128x128xf32, #tpu.memory_space<hbm>>
    %dma_wait3A_391 = arith.constant 0 : i32
    %dma_wait3A_392 = arith.constant 0 : i32
    %dma_wait3A_393 = tpu.memref_slice %arg4[%dma_wait3A_380, %dma_wait3A_391, %dma_wait3A_392] : memref<26x4096x128xf32, #tpu.memory_space<hbm>> -> memref<1x4096x128xf32, #tpu.memory_space<hbm>>
    %dma_wait3A_394 = tpu.memref_squeeze %dma_wait3A_393 : memref<1x4096x128xf32, #tpu.memory_space<hbm>> -> memref<4096x128xf32, #tpu.memory_space<hbm>>
    %dma_wait3A_395 = arith.constant 0 : i32
    %dma_wait3A_396 = tpu.memref_slice %dma_wait3A_394[%mul3A_2, %dma_wait3A_395] : memref<4096x128xf32, #tpu.memory_space<hbm>> -> memref<128x128xf32, #tpu.memory_space<hbm>>
    %dma_wait3A_397 = arith.constant 0 : i32
    %dma_wait3A_398 = arith.constant 0 : i32
    %dma_wait3A_399 = tpu.memref_slice %arg6[%dma_wait3A_379, %dma_wait3A_397, %dma_wait3A_398] : memref<6x128x128xf32, #tpu.memory_space<vmem>> -> memref<1x128x128xf32, #tpu.memory_space<vmem>>
    %dma_wait3A_400 = tpu.memref_squeeze %dma_wait3A_399 : memref<1x128x128xf32, #tpu.memory_space<vmem>> -> memref<128x128xf32, #tpu.memory_space<vmem>>
    tpu.wait_dma2 semaphore(%arg8 : memref<!tpu.dma_semaphore, #tpu.memory_space<semaphore_mem>>) src(%dma_wait3A_400 : memref<128x128xf32, #tpu.memory_space<vmem>>) dst(%dma_wait3A_396 : memref<128x128xf32, #tpu.memory_space<hbm>>)
    %dma_start3A_401 = arith.constant 10 : i32
    %dma_start3A_402 = arith.constant 4 : i32
    %dma_start3A_403 = arith.constant 0 : i32
    %dma_start3A_404 = arith.constant 0 : i32
    %dma_start3A_405 = tpu.memref_slice %arg6[%dma_start3A_402, %dma_start3A_403, %dma_start3A_404] : memref<6x128x128xf32, #tpu.memory_space<vmem>> -> memref<1x128x128xf32, #tpu.memory_space<vmem>>
    %dma_start3A_406 = tpu.memref_squeeze %dma_start3A_405 : memref<1x128x128xf32, #tpu.memory_space<vmem>> -> memref<128x128xf32, #tpu.memory_space<vmem>>
    %dma_start3A_407 = arith.constant 0 : i32
    %dma_start3A_408 = tpu.memref_slice %arg5[%dma_start3A_401, %dma_start3A_407] : memref<26x128xi32, #tpu.memory_space<vmem>> -> memref<1x128xi32, #tpu.memory_space<vmem>>
    %dma_start3A_409 = tpu.memref_squeeze %dma_start3A_408 : memref<1x128xi32, #tpu.memory_space<vmem>> -> memref<128xi32, #tpu.memory_space<vmem>>
    %dma_start3A_410 = arith.constant 0 : i32
    %dma_start3A_411 = arith.constant 0 : i32
    %dma_start3A_412 = tpu.memref_slice %arg2[%dma_start3A_410, %dma_start3A_411] : memref<2600000x128xf32, #tpu.memory_space<hbm>> -> memref<2600000x128xf32, #tpu.memory_space<hbm>>
    tpu.enqueue_indirect_dma source(%dma_start3A_412 : memref<2600000x128xf32, #tpu.memory_space<hbm>>) target(%dma_start3A_406 : memref<128x128xf32, #tpu.memory_space<vmem>>) offsets(%dma_start3A_409 : memref<128xi32, #tpu.memory_space<vmem>>) semaphore(%arg7 : memref<!tpu.dma_semaphore, #tpu.memory_space<semaphore_mem>>)
    %dma_wait3A_413 = arith.constant 5 : i32
    %dma_wait3A_414 = arith.constant 5 : i32
    %dma_wait3A_415 = arith.constant 0 : i32
    %dma_wait3A_416 = arith.constant 0 : i32
    %dma_wait3A_417 = tpu.memref_slice %arg6[%dma_wait3A_414, %dma_wait3A_415, %dma_wait3A_416] : memref<6x128x128xf32, #tpu.memory_space<vmem>> -> memref<1x128x128xf32, #tpu.memory_space<vmem>>
    %dma_wait3A_418 = tpu.memref_squeeze %dma_wait3A_417 : memref<1x128x128xf32, #tpu.memory_space<vmem>> -> memref<128x128xf32, #tpu.memory_space<vmem>>
    %dma_wait3A_419 = arith.constant 0 : i32
    %dma_wait3A_420 = tpu.memref_slice %arg5[%dma_wait3A_413, %dma_wait3A_419] : memref<26x128xi32, #tpu.memory_space<vmem>> -> memref<1x128xi32, #tpu.memory_space<vmem>>
    %dma_wait3A_421 = tpu.memref_squeeze %dma_wait3A_420 : memref<1x128xi32, #tpu.memory_space<vmem>> -> memref<128xi32, #tpu.memory_space<vmem>>
    %dma_wait3A_422 = arith.constant 0 : i32
    %dma_wait3A_423 = arith.constant 0 : i32
    %dma_wait3A_424 = tpu.memref_slice %arg2[%dma_wait3A_422, %dma_wait3A_423] : memref<2600000x128xf32, #tpu.memory_space<hbm>> -> memref<2600000x128xf32, #tpu.memory_space<hbm>>
    tpu.wait_indirect_dma semaphore(%arg7 : memref<!tpu.dma_semaphore, #tpu.memory_space<semaphore_mem>>) src(%dma_wait3A_424 : memref<2600000x128xf32, #tpu.memory_space<hbm>>) dst(%dma_wait3A_418 : memref<128x128xf32, #tpu.memory_space<vmem>>)
    %dma_start3A_425 = arith.constant 5 : i32
    %dma_start3A_426 = arith.constant 5 : i32
    %dma_start3A_427 = arith.constant 0 : i32
    %dma_start3A_428 = arith.constant 0 : i32
    %dma_start3A_429 = tpu.memref_slice %arg6[%dma_start3A_425, %dma_start3A_427, %dma_start3A_428] : memref<6x128x128xf32, #tpu.memory_space<vmem>> -> memref<1x128x128xf32, #tpu.memory_space<vmem>>
    %dma_start3A_430 = tpu.memref_squeeze %dma_start3A_429 : memref<1x128x128xf32, #tpu.memory_space<vmem>> -> memref<128x128xf32, #tpu.memory_space<vmem>>
    %dma_start3A_431 = arith.constant 0 : i32
    %dma_start3A_432 = arith.constant 0 : i32
    %dma_start3A_433 = tpu.memref_slice %arg4[%dma_start3A_426, %dma_start3A_431, %dma_start3A_432] : memref<26x4096x128xf32, #tpu.memory_space<hbm>> -> memref<1x4096x128xf32, #tpu.memory_space<hbm>>
    %dma_start3A_434 = tpu.memref_squeeze %dma_start3A_433 : memref<1x4096x128xf32, #tpu.memory_space<hbm>> -> memref<4096x128xf32, #tpu.memory_space<hbm>>
    %dma_start3A_435 = arith.constant 0 : i32
    %dma_start3A_436 = tpu.memref_slice %dma_start3A_434[%mul3A_2, %dma_start3A_435] : memref<4096x128xf32, #tpu.memory_space<hbm>> -> memref<128x128xf32, #tpu.memory_space<hbm>>
    %dma_start3A_437 = arith.constant 0 : i32
    %dma_start3A_438 = arith.constant 0 : i32
    %dma_start3A_439 = tpu.memref_slice %arg4[%dma_start3A_426, %dma_start3A_437, %dma_start3A_438] : memref<26x4096x128xf32, #tpu.memory_space<hbm>> -> memref<1x4096x128xf32, #tpu.memory_space<hbm>>
    %dma_start3A_440 = tpu.memref_squeeze %dma_start3A_439 : memref<1x4096x128xf32, #tpu.memory_space<hbm>> -> memref<4096x128xf32, #tpu.memory_space<hbm>>
    %dma_start3A_441 = arith.constant 0 : i32
    %dma_start3A_442 = tpu.memref_slice %dma_start3A_440[%mul3A_2, %dma_start3A_441] : memref<4096x128xf32, #tpu.memory_space<hbm>> -> memref<128x128xf32, #tpu.memory_space<hbm>>
    %dma_start3A_443 = arith.constant 0 : i32
    %dma_start3A_444 = arith.constant 0 : i32
    %dma_start3A_445 = tpu.memref_slice %arg6[%dma_start3A_425, %dma_start3A_443, %dma_start3A_444] : memref<6x128x128xf32, #tpu.memory_space<vmem>> -> memref<1x128x128xf32, #tpu.memory_space<vmem>>
    %dma_start3A_446 = tpu.memref_squeeze %dma_start3A_445 : memref<1x128x128xf32, #tpu.memory_space<vmem>> -> memref<128x128xf32, #tpu.memory_space<vmem>>
    tpu.enqueue_dma source(%dma_start3A_446 : memref<128x128xf32, #tpu.memory_space<vmem>>) target(%dma_start3A_442 : memref<128x128xf32, #tpu.memory_space<hbm>>) target_semaphore(%arg8 : memref<!tpu.dma_semaphore, #tpu.memory_space<semaphore_mem>>)
    %dma_wait3A_447 = arith.constant 5 : i32
    %dma_wait3A_448 = arith.constant 5 : i32
    %dma_wait3A_449 = arith.constant 0 : i32
    %dma_wait3A_450 = arith.constant 0 : i32
    %dma_wait3A_451 = tpu.memref_slice %arg6[%dma_wait3A_447, %dma_wait3A_449, %dma_wait3A_450] : memref<6x128x128xf32, #tpu.memory_space<vmem>> -> memref<1x128x128xf32, #tpu.memory_space<vmem>>
    %dma_wait3A_452 = tpu.memref_squeeze %dma_wait3A_451 : memref<1x128x128xf32, #tpu.memory_space<vmem>> -> memref<128x128xf32, #tpu.memory_space<vmem>>
    %dma_wait3A_453 = arith.constant 0 : i32
    %dma_wait3A_454 = arith.constant 0 : i32
    %dma_wait3A_455 = tpu.memref_slice %arg4[%dma_wait3A_448, %dma_wait3A_453, %dma_wait3A_454] : memref<26x4096x128xf32, #tpu.memory_space<hbm>> -> memref<1x4096x128xf32, #tpu.memory_space<hbm>>
    %dma_wait3A_456 = tpu.memref_squeeze %dma_wait3A_455 : memref<1x4096x128xf32, #tpu.memory_space<hbm>> -> memref<4096x128xf32, #tpu.memory_space<hbm>>
    %dma_wait3A_457 = arith.constant 0 : i32
    %dma_wait3A_458 = tpu.memref_slice %dma_wait3A_456[%mul3A_2, %dma_wait3A_457] : memref<4096x128xf32, #tpu.memory_space<hbm>> -> memref<128x128xf32, #tpu.memory_space<hbm>>
    %dma_wait3A_459 = arith.constant 0 : i32
    %dma_wait3A_460 = arith.constant 0 : i32
    %dma_wait3A_461 = tpu.memref_slice %arg4[%dma_wait3A_448, %dma_wait3A_459, %dma_wait3A_460] : memref<26x4096x128xf32, #tpu.memory_space<hbm>> -> memref<1x4096x128xf32, #tpu.memory_space<hbm>>
    %dma_wait3A_462 = tpu.memref_squeeze %dma_wait3A_461 : memref<1x4096x128xf32, #tpu.memory_space<hbm>> -> memref<4096x128xf32, #tpu.memory_space<hbm>>
    %dma_wait3A_463 = arith.constant 0 : i32
    %dma_wait3A_464 = tpu.memref_slice %dma_wait3A_462[%mul3A_2, %dma_wait3A_463] : memref<4096x128xf32, #tpu.memory_space<hbm>> -> memref<128x128xf32, #tpu.memory_space<hbm>>
    %dma_wait3A_465 = arith.constant 0 : i32
    %dma_wait3A_466 = arith.constant 0 : i32
    %dma_wait3A_467 = tpu.memref_slice %arg6[%dma_wait3A_447, %dma_wait3A_465, %dma_wait3A_466] : memref<6x128x128xf32, #tpu.memory_space<vmem>> -> memref<1x128x128xf32, #tpu.memory_space<vmem>>
    %dma_wait3A_468 = tpu.memref_squeeze %dma_wait3A_467 : memref<1x128x128xf32, #tpu.memory_space<vmem>> -> memref<128x128xf32, #tpu.memory_space<vmem>>
    tpu.wait_dma2 semaphore(%arg8 : memref<!tpu.dma_semaphore, #tpu.memory_space<semaphore_mem>>) src(%dma_wait3A_468 : memref<128x128xf32, #tpu.memory_space<vmem>>) dst(%dma_wait3A_464 : memref<128x128xf32, #tpu.memory_space<hbm>>)
    %dma_start3A_469 = arith.constant 11 : i32
    %dma_start3A_470 = arith.constant 5 : i32
    %dma_start3A_471 = arith.constant 0 : i32
    %dma_start3A_472 = arith.constant 0 : i32
    %dma_start3A_473 = tpu.memref_slice %arg6[%dma_start3A_470, %dma_start3A_471, %dma_start3A_472] : memref<6x128x128xf32, #tpu.memory_space<vmem>> -> memref<1x128x128xf32, #tpu.memory_space<vmem>>
    %dma_start3A_474 = tpu.memref_squeeze %dma_start3A_473 : memref<1x128x128xf32, #tpu.memory_space<vmem>> -> memref<128x128xf32, #tpu.memory_space<vmem>>
    %dma_start3A_475 = arith.constant 0 : i32
    %dma_start3A_476 = tpu.memref_slice %arg5[%dma_start3A_469, %dma_start3A_475] : memref<26x128xi32, #tpu.memory_space<vmem>> -> memref<1x128xi32, #tpu.memory_space<vmem>>
    %dma_start3A_477 = tpu.memref_squeeze %dma_start3A_476 : memref<1x128xi32, #tpu.memory_space<vmem>> -> memref<128xi32, #tpu.memory_space<vmem>>
    %dma_start3A_478 = arith.constant 0 : i32
    %dma_start3A_479 = arith.constant 0 : i32
    %dma_start3A_480 = tpu.memref_slice %arg2[%dma_start3A_478, %dma_start3A_479] : memref<2600000x128xf32, #tpu.memory_space<hbm>> -> memref<2600000x128xf32, #tpu.memory_space<hbm>>
    tpu.enqueue_indirect_dma source(%dma_start3A_480 : memref<2600000x128xf32, #tpu.memory_space<hbm>>) target(%dma_start3A_474 : memref<128x128xf32, #tpu.memory_space<vmem>>) offsets(%dma_start3A_477 : memref<128xi32, #tpu.memory_space<vmem>>) semaphore(%arg7 : memref<!tpu.dma_semaphore, #tpu.memory_space<semaphore_mem>>)
    %dma_wait3A_481 = arith.constant 6 : i32
    %dma_wait3A_482 = arith.constant 0 : i32
    %dma_wait3A_483 = arith.constant 0 : i32
    %dma_wait3A_484 = arith.constant 0 : i32
    %dma_wait3A_485 = tpu.memref_slice %arg6[%dma_wait3A_482, %dma_wait3A_483, %dma_wait3A_484] : memref<6x128x128xf32, #tpu.memory_space<vmem>> -> memref<1x128x128xf32, #tpu.memory_space<vmem>>
    %dma_wait3A_486 = tpu.memref_squeeze %dma_wait3A_485 : memref<1x128x128xf32, #tpu.memory_space<vmem>> -> memref<128x128xf32, #tpu.memory_space<vmem>>
    %dma_wait3A_487 = arith.constant 0 : i32
    %dma_wait3A_488 = tpu.memref_slice %arg5[%dma_wait3A_481, %dma_wait3A_487] : memref<26x128xi32, #tpu.memory_space<vmem>> -> memref<1x128xi32, #tpu.memory_space<vmem>>
    %dma_wait3A_489 = tpu.memref_squeeze %dma_wait3A_488 : memref<1x128xi32, #tpu.memory_space<vmem>> -> memref<128xi32, #tpu.memory_space<vmem>>
    %dma_wait3A_490 = arith.constant 0 : i32
    %dma_wait3A_491 = arith.constant 0 : i32
    %dma_wait3A_492 = tpu.memref_slice %arg2[%dma_wait3A_490, %dma_wait3A_491] : memref<2600000x128xf32, #tpu.memory_space<hbm>> -> memref<2600000x128xf32, #tpu.memory_space<hbm>>
    tpu.wait_indirect_dma semaphore(%arg7 : memref<!tpu.dma_semaphore, #tpu.memory_space<semaphore_mem>>) src(%dma_wait3A_492 : memref<2600000x128xf32, #tpu.memory_space<hbm>>) dst(%dma_wait3A_486 : memref<128x128xf32, #tpu.memory_space<vmem>>)
    %dma_start3A_493 = arith.constant 0 : i32
    %dma_start3A_494 = arith.constant 6 : i32
    %dma_start3A_495 = arith.constant 0 : i32
    %dma_start3A_496 = arith.constant 0 : i32
    %dma_start3A_497 = tpu.memref_slice %arg6[%dma_start3A_493, %dma_start3A_495, %dma_start3A_496] : memref<6x128x128xf32, #tpu.memory_space<vmem>> -> memref<1x128x128xf32, #tpu.memory_space<vmem>>
    %dma_start3A_498 = tpu.memref_squeeze %dma_start3A_497 : memref<1x128x128xf32, #tpu.memory_space<vmem>> -> memref<128x128xf32, #tpu.memory_space<vmem>>
    %dma_start3A_499 = arith.constant 0 : i32
    %dma_start3A_500 = arith.constant 0 : i32
    %dma_start3A_501 = tpu.memref_slice %arg4[%dma_start3A_494, %dma_start3A_499, %dma_start3A_500] : memref<26x4096x128xf32, #tpu.memory_space<hbm>> -> memref<1x4096x128xf32, #tpu.memory_space<hbm>>
    %dma_start3A_502 = tpu.memref_squeeze %dma_start3A_501 : memref<1x4096x128xf32, #tpu.memory_space<hbm>> -> memref<4096x128xf32, #tpu.memory_space<hbm>>
    %dma_start3A_503 = arith.constant 0 : i32
    %dma_start3A_504 = tpu.memref_slice %dma_start3A_502[%mul3A_2, %dma_start3A_503] : memref<4096x128xf32, #tpu.memory_space<hbm>> -> memref<128x128xf32, #tpu.memory_space<hbm>>
    %dma_start3A_505 = arith.constant 0 : i32
    %dma_start3A_506 = arith.constant 0 : i32
    %dma_start3A_507 = tpu.memref_slice %arg4[%dma_start3A_494, %dma_start3A_505, %dma_start3A_506] : memref<26x4096x128xf32, #tpu.memory_space<hbm>> -> memref<1x4096x128xf32, #tpu.memory_space<hbm>>
    %dma_start3A_508 = tpu.memref_squeeze %dma_start3A_507 : memref<1x4096x128xf32, #tpu.memory_space<hbm>> -> memref<4096x128xf32, #tpu.memory_space<hbm>>
    %dma_start3A_509 = arith.constant 0 : i32
    %dma_start3A_510 = tpu.memref_slice %dma_start3A_508[%mul3A_2, %dma_start3A_509] : memref<4096x128xf32, #tpu.memory_space<hbm>> -> memref<128x128xf32, #tpu.memory_space<hbm>>
    %dma_start3A_511 = arith.constant 0 : i32
    %dma_start3A_512 = arith.constant 0 : i32
    %dma_start3A_513 = tpu.memref_slice %arg6[%dma_start3A_493, %dma_start3A_511, %dma_start3A_512] : memref<6x128x128xf32, #tpu.memory_space<vmem>> -> memref<1x128x128xf32, #tpu.memory_space<vmem>>
    %dma_start3A_514 = tpu.memref_squeeze %dma_start3A_513 : memref<1x128x128xf32, #tpu.memory_space<vmem>> -> memref<128x128xf32, #tpu.memory_space<vmem>>
    tpu.enqueue_dma source(%dma_start3A_514 : memref<128x128xf32, #tpu.memory_space<vmem>>) target(%dma_start3A_510 : memref<128x128xf32, #tpu.memory_space<hbm>>) target_semaphore(%arg8 : memref<!tpu.dma_semaphore, #tpu.memory_space<semaphore_mem>>)
    %dma_wait3A_515 = arith.constant 0 : i32
    %dma_wait3A_516 = arith.constant 6 : i32
    %dma_wait3A_517 = arith.constant 0 : i32
    %dma_wait3A_518 = arith.constant 0 : i32
    %dma_wait3A_519 = tpu.memref_slice %arg6[%dma_wait3A_515, %dma_wait3A_517, %dma_wait3A_518] : memref<6x128x128xf32, #tpu.memory_space<vmem>> -> memref<1x128x128xf32, #tpu.memory_space<vmem>>
    %dma_wait3A_520 = tpu.memref_squeeze %dma_wait3A_519 : memref<1x128x128xf32, #tpu.memory_space<vmem>> -> memref<128x128xf32, #tpu.memory_space<vmem>>
    %dma_wait3A_521 = arith.constant 0 : i32
    %dma_wait3A_522 = arith.constant 0 : i32
    %dma_wait3A_523 = tpu.memref_slice %arg4[%dma_wait3A_516, %dma_wait3A_521, %dma_wait3A_522] : memref<26x4096x128xf32, #tpu.memory_space<hbm>> -> memref<1x4096x128xf32, #tpu.memory_space<hbm>>
    %dma_wait3A_524 = tpu.memref_squeeze %dma_wait3A_523 : memref<1x4096x128xf32, #tpu.memory_space<hbm>> -> memref<4096x128xf32, #tpu.memory_space<hbm>>
    %dma_wait3A_525 = arith.constant 0 : i32
    %dma_wait3A_526 = tpu.memref_slice %dma_wait3A_524[%mul3A_2, %dma_wait3A_525] : memref<4096x128xf32, #tpu.memory_space<hbm>> -> memref<128x128xf32, #tpu.memory_space<hbm>>
    %dma_wait3A_527 = arith.constant 0 : i32
    %dma_wait3A_528 = arith.constant 0 : i32
    %dma_wait3A_529 = tpu.memref_slice %arg4[%dma_wait3A_516, %dma_wait3A_527, %dma_wait3A_528] : memref<26x4096x128xf32, #tpu.memory_space<hbm>> -> memref<1x4096x128xf32, #tpu.memory_space<hbm>>
    %dma_wait3A_530 = tpu.memref_squeeze %dma_wait3A_529 : memref<1x4096x128xf32, #tpu.memory_space<hbm>> -> memref<4096x128xf32, #tpu.memory_space<hbm>>
    %dma_wait3A_531 = arith.constant 0 : i32
    %dma_wait3A_532 = tpu.memref_slice %dma_wait3A_530[%mul3A_2, %dma_wait3A_531] : memref<4096x128xf32, #tpu.memory_space<hbm>> -> memref<128x128xf32, #tpu.memory_space<hbm>>
    %dma_wait3A_533 = arith.constant 0 : i32
    %dma_wait3A_534 = arith.constant 0 : i32
    %dma_wait3A_535 = tpu.memref_slice %arg6[%dma_wait3A_515, %dma_wait3A_533, %dma_wait3A_534] : memref<6x128x128xf32, #tpu.memory_space<vmem>> -> memref<1x128x128xf32, #tpu.memory_space<vmem>>
    %dma_wait3A_536 = tpu.memref_squeeze %dma_wait3A_535 : memref<1x128x128xf32, #tpu.memory_space<vmem>> -> memref<128x128xf32, #tpu.memory_space<vmem>>
    tpu.wait_dma2 semaphore(%arg8 : memref<!tpu.dma_semaphore, #tpu.memory_space<semaphore_mem>>) src(%dma_wait3A_536 : memref<128x128xf32, #tpu.memory_space<vmem>>) dst(%dma_wait3A_532 : memref<128x128xf32, #tpu.memory_space<hbm>>)
    %dma_start3A_537 = arith.constant 12 : i32
    %dma_start3A_538 = arith.constant 0 : i32
    %dma_start3A_539 = arith.constant 0 : i32
    %dma_start3A_540 = arith.constant 0 : i32
    %dma_start3A_541 = tpu.memref_slice %arg6[%dma_start3A_538, %dma_start3A_539, %dma_start3A_540] : memref<6x128x128xf32, #tpu.memory_space<vmem>> -> memref<1x128x128xf32, #tpu.memory_space<vmem>>
    %dma_start3A_542 = tpu.memref_squeeze %dma_start3A_541 : memref<1x128x128xf32, #tpu.memory_space<vmem>> -> memref<128x128xf32, #tpu.memory_space<vmem>>
    %dma_start3A_543 = arith.constant 0 : i32
    %dma_start3A_544 = tpu.memref_slice %arg5[%dma_start3A_537, %dma_start3A_543] : memref<26x128xi32, #tpu.memory_space<vmem>> -> memref<1x128xi32, #tpu.memory_space<vmem>>
    %dma_start3A_545 = tpu.memref_squeeze %dma_start3A_544 : memref<1x128xi32, #tpu.memory_space<vmem>> -> memref<128xi32, #tpu.memory_space<vmem>>
    %dma_start3A_546 = arith.constant 0 : i32
    %dma_start3A_547 = arith.constant 0 : i32
    %dma_start3A_548 = tpu.memref_slice %arg2[%dma_start3A_546, %dma_start3A_547] : memref<2600000x128xf32, #tpu.memory_space<hbm>> -> memref<2600000x128xf32, #tpu.memory_space<hbm>>
    tpu.enqueue_indirect_dma source(%dma_start3A_548 : memref<2600000x128xf32, #tpu.memory_space<hbm>>) target(%dma_start3A_542 : memref<128x128xf32, #tpu.memory_space<vmem>>) offsets(%dma_start3A_545 : memref<128xi32, #tpu.memory_space<vmem>>) semaphore(%arg7 : memref<!tpu.dma_semaphore, #tpu.memory_space<semaphore_mem>>)
    %dma_wait3A_549 = arith.constant 7 : i32
    %dma_wait3A_550 = arith.constant 1 : i32
    %dma_wait3A_551 = arith.constant 0 : i32
    %dma_wait3A_552 = arith.constant 0 : i32
    %dma_wait3A_553 = tpu.memref_slice %arg6[%dma_wait3A_550, %dma_wait3A_551, %dma_wait3A_552] : memref<6x128x128xf32, #tpu.memory_space<vmem>> -> memref<1x128x128xf32, #tpu.memory_space<vmem>>
    %dma_wait3A_554 = tpu.memref_squeeze %dma_wait3A_553 : memref<1x128x128xf32, #tpu.memory_space<vmem>> -> memref<128x128xf32, #tpu.memory_space<vmem>>
    %dma_wait3A_555 = arith.constant 0 : i32
    %dma_wait3A_556 = tpu.memref_slice %arg5[%dma_wait3A_549, %dma_wait3A_555] : memref<26x128xi32, #tpu.memory_space<vmem>> -> memref<1x128xi32, #tpu.memory_space<vmem>>
    %dma_wait3A_557 = tpu.memref_squeeze %dma_wait3A_556 : memref<1x128xi32, #tpu.memory_space<vmem>> -> memref<128xi32, #tpu.memory_space<vmem>>
    %dma_wait3A_558 = arith.constant 0 : i32
    %dma_wait3A_559 = arith.constant 0 : i32
    %dma_wait3A_560 = tpu.memref_slice %arg2[%dma_wait3A_558, %dma_wait3A_559] : memref<2600000x128xf32, #tpu.memory_space<hbm>> -> memref<2600000x128xf32, #tpu.memory_space<hbm>>
    tpu.wait_indirect_dma semaphore(%arg7 : memref<!tpu.dma_semaphore, #tpu.memory_space<semaphore_mem>>) src(%dma_wait3A_560 : memref<2600000x128xf32, #tpu.memory_space<hbm>>) dst(%dma_wait3A_554 : memref<128x128xf32, #tpu.memory_space<vmem>>)
    %dma_start3A_561 = arith.constant 1 : i32
    %dma_start3A_562 = arith.constant 7 : i32
    %dma_start3A_563 = arith.constant 0 : i32
    %dma_start3A_564 = arith.constant 0 : i32
    %dma_start3A_565 = tpu.memref_slice %arg6[%dma_start3A_561, %dma_start3A_563, %dma_start3A_564] : memref<6x128x128xf32, #tpu.memory_space<vmem>> -> memref<1x128x128xf32, #tpu.memory_space<vmem>>
    %dma_start3A_566 = tpu.memref_squeeze %dma_start3A_565 : memref<1x128x128xf32, #tpu.memory_space<vmem>> -> memref<128x128xf32, #tpu.memory_space<vmem>>
    %dma_start3A_567 = arith.constant 0 : i32
    %dma_start3A_568 = arith.constant 0 : i32
    %dma_start3A_569 = tpu.memref_slice %arg4[%dma_start3A_562, %dma_start3A_567, %dma_start3A_568] : memref<26x4096x128xf32, #tpu.memory_space<hbm>> -> memref<1x4096x128xf32, #tpu.memory_space<hbm>>
    %dma_start3A_570 = tpu.memref_squeeze %dma_start3A_569 : memref<1x4096x128xf32, #tpu.memory_space<hbm>> -> memref<4096x128xf32, #tpu.memory_space<hbm>>
    %dma_start3A_571 = arith.constant 0 : i32
    %dma_start3A_572 = tpu.memref_slice %dma_start3A_570[%mul3A_2, %dma_start3A_571] : memref<4096x128xf32, #tpu.memory_space<hbm>> -> memref<128x128xf32, #tpu.memory_space<hbm>>
    %dma_start3A_573 = arith.constant 0 : i32
    %dma_start3A_574 = arith.constant 0 : i32
    %dma_start3A_575 = tpu.memref_slice %arg4[%dma_start3A_562, %dma_start3A_573, %dma_start3A_574] : memref<26x4096x128xf32, #tpu.memory_space<hbm>> -> memref<1x4096x128xf32, #tpu.memory_space<hbm>>
    %dma_start3A_576 = tpu.memref_squeeze %dma_start3A_575 : memref<1x4096x128xf32, #tpu.memory_space<hbm>> -> memref<4096x128xf32, #tpu.memory_space<hbm>>
    %dma_start3A_577 = arith.constant 0 : i32
    %dma_start3A_578 = tpu.memref_slice %dma_start3A_576[%mul3A_2, %dma_start3A_577] : memref<4096x128xf32, #tpu.memory_space<hbm>> -> memref<128x128xf32, #tpu.memory_space<hbm>>
    %dma_start3A_579 = arith.constant 0 : i32
    %dma_start3A_580 = arith.constant 0 : i32
    %dma_start3A_581 = tpu.memref_slice %arg6[%dma_start3A_561, %dma_start3A_579, %dma_start3A_580] : memref<6x128x128xf32, #tpu.memory_space<vmem>> -> memref<1x128x128xf32, #tpu.memory_space<vmem>>
    %dma_start3A_582 = tpu.memref_squeeze %dma_start3A_581 : memref<1x128x128xf32, #tpu.memory_space<vmem>> -> memref<128x128xf32, #tpu.memory_space<vmem>>
    tpu.enqueue_dma source(%dma_start3A_582 : memref<128x128xf32, #tpu.memory_space<vmem>>) target(%dma_start3A_578 : memref<128x128xf32, #tpu.memory_space<hbm>>) target_semaphore(%arg8 : memref<!tpu.dma_semaphore, #tpu.memory_space<semaphore_mem>>)
    %dma_wait3A_583 = arith.constant 1 : i32
    %dma_wait3A_584 = arith.constant 7 : i32
    %dma_wait3A_585 = arith.constant 0 : i32
    %dma_wait3A_586 = arith.constant 0 : i32
    %dma_wait3A_587 = tpu.memref_slice %arg6[%dma_wait3A_583, %dma_wait3A_585, %dma_wait3A_586] : memref<6x128x128xf32, #tpu.memory_space<vmem>> -> memref<1x128x128xf32, #tpu.memory_space<vmem>>
    %dma_wait3A_588 = tpu.memref_squeeze %dma_wait3A_587 : memref<1x128x128xf32, #tpu.memory_space<vmem>> -> memref<128x128xf32, #tpu.memory_space<vmem>>
    %dma_wait3A_589 = arith.constant 0 : i32
    %dma_wait3A_590 = arith.constant 0 : i32
    %dma_wait3A_591 = tpu.memref_slice %arg4[%dma_wait3A_584, %dma_wait3A_589, %dma_wait3A_590] : memref<26x4096x128xf32, #tpu.memory_space<hbm>> -> memref<1x4096x128xf32, #tpu.memory_space<hbm>>
    %dma_wait3A_592 = tpu.memref_squeeze %dma_wait3A_591 : memref<1x4096x128xf32, #tpu.memory_space<hbm>> -> memref<4096x128xf32, #tpu.memory_space<hbm>>
    %dma_wait3A_593 = arith.constant 0 : i32
    %dma_wait3A_594 = tpu.memref_slice %dma_wait3A_592[%mul3A_2, %dma_wait3A_593] : memref<4096x128xf32, #tpu.memory_space<hbm>> -> memref<128x128xf32, #tpu.memory_space<hbm>>
    %dma_wait3A_595 = arith.constant 0 : i32
    %dma_wait3A_596 = arith.constant 0 : i32
    %dma_wait3A_597 = tpu.memref_slice %arg4[%dma_wait3A_584, %dma_wait3A_595, %dma_wait3A_596] : memref<26x4096x128xf32, #tpu.memory_space<hbm>> -> memref<1x4096x128xf32, #tpu.memory_space<hbm>>
    %dma_wait3A_598 = tpu.memref_squeeze %dma_wait3A_597 : memref<1x4096x128xf32, #tpu.memory_space<hbm>> -> memref<4096x128xf32, #tpu.memory_space<hbm>>
    %dma_wait3A_599 = arith.constant 0 : i32
    %dma_wait3A_600 = tpu.memref_slice %dma_wait3A_598[%mul3A_2, %dma_wait3A_599] : memref<4096x128xf32, #tpu.memory_space<hbm>> -> memref<128x128xf32, #tpu.memory_space<hbm>>
    %dma_wait3A_601 = arith.constant 0 : i32
    %dma_wait3A_602 = arith.constant 0 : i32
    %dma_wait3A_603 = tpu.memref_slice %arg6[%dma_wait3A_583, %dma_wait3A_601, %dma_wait3A_602] : memref<6x128x128xf32, #tpu.memory_space<vmem>> -> memref<1x128x128xf32, #tpu.memory_space<vmem>>
    %dma_wait3A_604 = tpu.memref_squeeze %dma_wait3A_603 : memref<1x128x128xf32, #tpu.memory_space<vmem>> -> memref<128x128xf32, #tpu.memory_space<vmem>>
    tpu.wait_dma2 semaphore(%arg8 : memref<!tpu.dma_semaphore, #tpu.memory_space<semaphore_mem>>) src(%dma_wait3A_604 : memref<128x128xf32, #tpu.memory_space<vmem>>) dst(%dma_wait3A_600 : memref<128x128xf32, #tpu.memory_space<hbm>>)
    %dma_start3A_605 = arith.constant 13 : i32
    %dma_start3A_606 = arith.constant 1 : i32
    %dma_start3A_607 = arith.constant 0 : i32
    %dma_start3A_608 = arith.constant 0 : i32
    %dma_start3A_609 = tpu.memref_slice %arg6[%dma_start3A_606, %dma_start3A_607, %dma_start3A_608] : memref<6x128x128xf32, #tpu.memory_space<vmem>> -> memref<1x128x128xf32, #tpu.memory_space<vmem>>
    %dma_start3A_610 = tpu.memref_squeeze %dma_start3A_609 : memref<1x128x128xf32, #tpu.memory_space<vmem>> -> memref<128x128xf32, #tpu.memory_space<vmem>>
    %dma_start3A_611 = arith.constant 0 : i32
    %dma_start3A_612 = tpu.memref_slice %arg5[%dma_start3A_605, %dma_start3A_611] : memref<26x128xi32, #tpu.memory_space<vmem>> -> memref<1x128xi32, #tpu.memory_space<vmem>>
    %dma_start3A_613 = tpu.memref_squeeze %dma_start3A_612 : memref<1x128xi32, #tpu.memory_space<vmem>> -> memref<128xi32, #tpu.memory_space<vmem>>
    %dma_start3A_614 = arith.constant 0 : i32
    %dma_start3A_615 = arith.constant 0 : i32
    %dma_start3A_616 = tpu.memref_slice %arg2[%dma_start3A_614, %dma_start3A_615] : memref<2600000x128xf32, #tpu.memory_space<hbm>> -> memref<2600000x128xf32, #tpu.memory_space<hbm>>
    tpu.enqueue_indirect_dma source(%dma_start3A_616 : memref<2600000x128xf32, #tpu.memory_space<hbm>>) target(%dma_start3A_610 : memref<128x128xf32, #tpu.memory_space<vmem>>) offsets(%dma_start3A_613 : memref<128xi32, #tpu.memory_space<vmem>>) semaphore(%arg7 : memref<!tpu.dma_semaphore, #tpu.memory_space<semaphore_mem>>)
    %dma_wait3A_617 = arith.constant 8 : i32
    %dma_wait3A_618 = arith.constant 2 : i32
    %dma_wait3A_619 = arith.constant 0 : i32
    %dma_wait3A_620 = arith.constant 0 : i32
    %dma_wait3A_621 = tpu.memref_slice %arg6[%dma_wait3A_618, %dma_wait3A_619, %dma_wait3A_620] : memref<6x128x128xf32, #tpu.memory_space<vmem>> -> memref<1x128x128xf32, #tpu.memory_space<vmem>>
    %dma_wait3A_622 = tpu.memref_squeeze %dma_wait3A_621 : memref<1x128x128xf32, #tpu.memory_space<vmem>> -> memref<128x128xf32, #tpu.memory_space<vmem>>
    %dma_wait3A_623 = arith.constant 0 : i32
    %dma_wait3A_624 = tpu.memref_slice %arg5[%dma_wait3A_617, %dma_wait3A_623] : memref<26x128xi32, #tpu.memory_space<vmem>> -> memref<1x128xi32, #tpu.memory_space<vmem>>
    %dma_wait3A_625 = tpu.memref_squeeze %dma_wait3A_624 : memref<1x128xi32, #tpu.memory_space<vmem>> -> memref<128xi32, #tpu.memory_space<vmem>>
    %dma_wait3A_626 = arith.constant 0 : i32
    %dma_wait3A_627 = arith.constant 0 : i32
    %dma_wait3A_628 = tpu.memref_slice %arg2[%dma_wait3A_626, %dma_wait3A_627] : memref<2600000x128xf32, #tpu.memory_space<hbm>> -> memref<2600000x128xf32, #tpu.memory_space<hbm>>
    tpu.wait_indirect_dma semaphore(%arg7 : memref<!tpu.dma_semaphore, #tpu.memory_space<semaphore_mem>>) src(%dma_wait3A_628 : memref<2600000x128xf32, #tpu.memory_space<hbm>>) dst(%dma_wait3A_622 : memref<128x128xf32, #tpu.memory_space<vmem>>)
    %dma_start3A_629 = arith.constant 2 : i32
    %dma_start3A_630 = arith.constant 8 : i32
    %dma_start3A_631 = arith.constant 0 : i32
    %dma_start3A_632 = arith.constant 0 : i32
    %dma_start3A_633 = tpu.memref_slice %arg6[%dma_start3A_629, %dma_start3A_631, %dma_start3A_632] : memref<6x128x128xf32, #tpu.memory_space<vmem>> -> memref<1x128x128xf32, #tpu.memory_space<vmem>>
    %dma_start3A_634 = tpu.memref_squeeze %dma_start3A_633 : memref<1x128x128xf32, #tpu.memory_space<vmem>> -> memref<128x128xf32, #tpu.memory_space<vmem>>
    %dma_start3A_635 = arith.constant 0 : i32
    %dma_start3A_636 = arith.constant 0 : i32
    %dma_start3A_637 = tpu.memref_slice %arg4[%dma_start3A_630, %dma_start3A_635, %dma_start3A_636] : memref<26x4096x128xf32, #tpu.memory_space<hbm>> -> memref<1x4096x128xf32, #tpu.memory_space<hbm>>
    %dma_start3A_638 = tpu.memref_squeeze %dma_start3A_637 : memref<1x4096x128xf32, #tpu.memory_space<hbm>> -> memref<4096x128xf32, #tpu.memory_space<hbm>>
    %dma_start3A_639 = arith.constant 0 : i32
    %dma_start3A_640 = tpu.memref_slice %dma_start3A_638[%mul3A_2, %dma_start3A_639] : memref<4096x128xf32, #tpu.memory_space<hbm>> -> memref<128x128xf32, #tpu.memory_space<hbm>>
    %dma_start3A_641 = arith.constant 0 : i32
    %dma_start3A_642 = arith.constant 0 : i32
    %dma_start3A_643 = tpu.memref_slice %arg4[%dma_start3A_630, %dma_start3A_641, %dma_start3A_642] : memref<26x4096x128xf32, #tpu.memory_space<hbm>> -> memref<1x4096x128xf32, #tpu.memory_space<hbm>>
    %dma_start3A_644 = tpu.memref_squeeze %dma_start3A_643 : memref<1x4096x128xf32, #tpu.memory_space<hbm>> -> memref<4096x128xf32, #tpu.memory_space<hbm>>
    %dma_start3A_645 = arith.constant 0 : i32
    %dma_start3A_646 = tpu.memref_slice %dma_start3A_644[%mul3A_2, %dma_start3A_645] : memref<4096x128xf32, #tpu.memory_space<hbm>> -> memref<128x128xf32, #tpu.memory_space<hbm>>
    %dma_start3A_647 = arith.constant 0 : i32
    %dma_start3A_648 = arith.constant 0 : i32
    %dma_start3A_649 = tpu.memref_slice %arg6[%dma_start3A_629, %dma_start3A_647, %dma_start3A_648] : memref<6x128x128xf32, #tpu.memory_space<vmem>> -> memref<1x128x128xf32, #tpu.memory_space<vmem>>
    %dma_start3A_650 = tpu.memref_squeeze %dma_start3A_649 : memref<1x128x128xf32, #tpu.memory_space<vmem>> -> memref<128x128xf32, #tpu.memory_space<vmem>>
    tpu.enqueue_dma source(%dma_start3A_650 : memref<128x128xf32, #tpu.memory_space<vmem>>) target(%dma_start3A_646 : memref<128x128xf32, #tpu.memory_space<hbm>>) target_semaphore(%arg8 : memref<!tpu.dma_semaphore, #tpu.memory_space<semaphore_mem>>)
    %dma_wait3A_651 = arith.constant 2 : i32
    %dma_wait3A_652 = arith.constant 8 : i32
    %dma_wait3A_653 = arith.constant 0 : i32
    %dma_wait3A_654 = arith.constant 0 : i32
    %dma_wait3A_655 = tpu.memref_slice %arg6[%dma_wait3A_651, %dma_wait3A_653, %dma_wait3A_654] : memref<6x128x128xf32, #tpu.memory_space<vmem>> -> memref<1x128x128xf32, #tpu.memory_space<vmem>>
    %dma_wait3A_656 = tpu.memref_squeeze %dma_wait3A_655 : memref<1x128x128xf32, #tpu.memory_space<vmem>> -> memref<128x128xf32, #tpu.memory_space<vmem>>
    %dma_wait3A_657 = arith.constant 0 : i32
    %dma_wait3A_658 = arith.constant 0 : i32
    %dma_wait3A_659 = tpu.memref_slice %arg4[%dma_wait3A_652, %dma_wait3A_657, %dma_wait3A_658] : memref<26x4096x128xf32, #tpu.memory_space<hbm>> -> memref<1x4096x128xf32, #tpu.memory_space<hbm>>
    %dma_wait3A_660 = tpu.memref_squeeze %dma_wait3A_659 : memref<1x4096x128xf32, #tpu.memory_space<hbm>> -> memref<4096x128xf32, #tpu.memory_space<hbm>>
    %dma_wait3A_661 = arith.constant 0 : i32
    %dma_wait3A_662 = tpu.memref_slice %dma_wait3A_660[%mul3A_2, %dma_wait3A_661] : memref<4096x128xf32, #tpu.memory_space<hbm>> -> memref<128x128xf32, #tpu.memory_space<hbm>>
    %dma_wait3A_663 = arith.constant 0 : i32
    %dma_wait3A_664 = arith.constant 0 : i32
    %dma_wait3A_665 = tpu.memref_slice %arg4[%dma_wait3A_652, %dma_wait3A_663, %dma_wait3A_664] : memref<26x4096x128xf32, #tpu.memory_space<hbm>> -> memref<1x4096x128xf32, #tpu.memory_space<hbm>>
    %dma_wait3A_666 = tpu.memref_squeeze %dma_wait3A_665 : memref<1x4096x128xf32, #tpu.memory_space<hbm>> -> memref<4096x128xf32, #tpu.memory_space<hbm>>
    %dma_wait3A_667 = arith.constant 0 : i32
    %dma_wait3A_668 = tpu.memref_slice %dma_wait3A_666[%mul3A_2, %dma_wait3A_667] : memref<4096x128xf32, #tpu.memory_space<hbm>> -> memref<128x128xf32, #tpu.memory_space<hbm>>
    %dma_wait3A_669 = arith.constant 0 : i32
    %dma_wait3A_670 = arith.constant 0 : i32
    %dma_wait3A_671 = tpu.memref_slice %arg6[%dma_wait3A_651, %dma_wait3A_669, %dma_wait3A_670] : memref<6x128x128xf32, #tpu.memory_space<vmem>> -> memref<1x128x128xf32, #tpu.memory_space<vmem>>
    %dma_wait3A_672 = tpu.memref_squeeze %dma_wait3A_671 : memref<1x128x128xf32, #tpu.memory_space<vmem>> -> memref<128x128xf32, #tpu.memory_space<vmem>>
    tpu.wait_dma2 semaphore(%arg8 : memref<!tpu.dma_semaphore, #tpu.memory_space<semaphore_mem>>) src(%dma_wait3A_672 : memref<128x128xf32, #tpu.memory_space<vmem>>) dst(%dma_wait3A_668 : memref<128x128xf32, #tpu.memory_space<hbm>>)
    %dma_start3A_673 = arith.constant 14 : i32
    %dma_start3A_674 = arith.constant 2 : i32
    %dma_start3A_675 = arith.constant 0 : i32
    %dma_start3A_676 = arith.constant 0 : i32
    %dma_start3A_677 = tpu.memref_slice %arg6[%dma_start3A_674, %dma_start3A_675, %dma_start3A_676] : memref<6x128x128xf32, #tpu.memory_space<vmem>> -> memref<1x128x128xf32, #tpu.memory_space<vmem>>
    %dma_start3A_678 = tpu.memref_squeeze %dma_start3A_677 : memref<1x128x128xf32, #tpu.memory_space<vmem>> -> memref<128x128xf32, #tpu.memory_space<vmem>>
    %dma_start3A_679 = arith.constant 0 : i32
    %dma_start3A_680 = tpu.memref_slice %arg5[%dma_start3A_673, %dma_start3A_679] : memref<26x128xi32, #tpu.memory_space<vmem>> -> memref<1x128xi32, #tpu.memory_space<vmem>>
    %dma_start3A_681 = tpu.memref_squeeze %dma_start3A_680 : memref<1x128xi32, #tpu.memory_space<vmem>> -> memref<128xi32, #tpu.memory_space<vmem>>
    %dma_start3A_682 = arith.constant 0 : i32
    %dma_start3A_683 = arith.constant 0 : i32
    %dma_start3A_684 = tpu.memref_slice %arg2[%dma_start3A_682, %dma_start3A_683] : memref<2600000x128xf32, #tpu.memory_space<hbm>> -> memref<2600000x128xf32, #tpu.memory_space<hbm>>
    tpu.enqueue_indirect_dma source(%dma_start3A_684 : memref<2600000x128xf32, #tpu.memory_space<hbm>>) target(%dma_start3A_678 : memref<128x128xf32, #tpu.memory_space<vmem>>) offsets(%dma_start3A_681 : memref<128xi32, #tpu.memory_space<vmem>>) semaphore(%arg7 : memref<!tpu.dma_semaphore, #tpu.memory_space<semaphore_mem>>)
    %dma_wait3A_685 = arith.constant 9 : i32
    %dma_wait3A_686 = arith.constant 3 : i32
    %dma_wait3A_687 = arith.constant 0 : i32
    %dma_wait3A_688 = arith.constant 0 : i32
    %dma_wait3A_689 = tpu.memref_slice %arg6[%dma_wait3A_686, %dma_wait3A_687, %dma_wait3A_688] : memref<6x128x128xf32, #tpu.memory_space<vmem>> -> memref<1x128x128xf32, #tpu.memory_space<vmem>>
    %dma_wait3A_690 = tpu.memref_squeeze %dma_wait3A_689 : memref<1x128x128xf32, #tpu.memory_space<vmem>> -> memref<128x128xf32, #tpu.memory_space<vmem>>
    %dma_wait3A_691 = arith.constant 0 : i32
    %dma_wait3A_692 = tpu.memref_slice %arg5[%dma_wait3A_685, %dma_wait3A_691] : memref<26x128xi32, #tpu.memory_space<vmem>> -> memref<1x128xi32, #tpu.memory_space<vmem>>
    %dma_wait3A_693 = tpu.memref_squeeze %dma_wait3A_692 : memref<1x128xi32, #tpu.memory_space<vmem>> -> memref<128xi32, #tpu.memory_space<vmem>>
    %dma_wait3A_694 = arith.constant 0 : i32
    %dma_wait3A_695 = arith.constant 0 : i32
    %dma_wait3A_696 = tpu.memref_slice %arg2[%dma_wait3A_694, %dma_wait3A_695] : memref<2600000x128xf32, #tpu.memory_space<hbm>> -> memref<2600000x128xf32, #tpu.memory_space<hbm>>
    tpu.wait_indirect_dma semaphore(%arg7 : memref<!tpu.dma_semaphore, #tpu.memory_space<semaphore_mem>>) src(%dma_wait3A_696 : memref<2600000x128xf32, #tpu.memory_space<hbm>>) dst(%dma_wait3A_690 : memref<128x128xf32, #tpu.memory_space<vmem>>)
    %dma_start3A_697 = arith.constant 3 : i32
    %dma_start3A_698 = arith.constant 9 : i32
    %dma_start3A_699 = arith.constant 0 : i32
    %dma_start3A_700 = arith.constant 0 : i32
    %dma_start3A_701 = tpu.memref_slice %arg6[%dma_start3A_697, %dma_start3A_699, %dma_start3A_700] : memref<6x128x128xf32, #tpu.memory_space<vmem>> -> memref<1x128x128xf32, #tpu.memory_space<vmem>>
    %dma_start3A_702 = tpu.memref_squeeze %dma_start3A_701 : memref<1x128x128xf32, #tpu.memory_space<vmem>> -> memref<128x128xf32, #tpu.memory_space<vmem>>
    %dma_start3A_703 = arith.constant 0 : i32
    %dma_start3A_704 = arith.constant 0 : i32
    %dma_start3A_705 = tpu.memref_slice %arg4[%dma_start3A_698, %dma_start3A_703, %dma_start3A_704] : memref<26x4096x128xf32, #tpu.memory_space<hbm>> -> memref<1x4096x128xf32, #tpu.memory_space<hbm>>
    %dma_start3A_706 = tpu.memref_squeeze %dma_start3A_705 : memref<1x4096x128xf32, #tpu.memory_space<hbm>> -> memref<4096x128xf32, #tpu.memory_space<hbm>>
    %dma_start3A_707 = arith.constant 0 : i32
    %dma_start3A_708 = tpu.memref_slice %dma_start3A_706[%mul3A_2, %dma_start3A_707] : memref<4096x128xf32, #tpu.memory_space<hbm>> -> memref<128x128xf32, #tpu.memory_space<hbm>>
    %dma_start3A_709 = arith.constant 0 : i32
    %dma_start3A_710 = arith.constant 0 : i32
    %dma_start3A_711 = tpu.memref_slice %arg4[%dma_start3A_698, %dma_start3A_709, %dma_start3A_710] : memref<26x4096x128xf32, #tpu.memory_space<hbm>> -> memref<1x4096x128xf32, #tpu.memory_space<hbm>>
    %dma_start3A_712 = tpu.memref_squeeze %dma_start3A_711 : memref<1x4096x128xf32, #tpu.memory_space<hbm>> -> memref<4096x128xf32, #tpu.memory_space<hbm>>
    %dma_start3A_713 = arith.constant 0 : i32
    %dma_start3A_714 = tpu.memref_slice %dma_start3A_712[%mul3A_2, %dma_start3A_713] : memref<4096x128xf32, #tpu.memory_space<hbm>> -> memref<128x128xf32, #tpu.memory_space<hbm>>
    %dma_start3A_715 = arith.constant 0 : i32
    %dma_start3A_716 = arith.constant 0 : i32
    %dma_start3A_717 = tpu.memref_slice %arg6[%dma_start3A_697, %dma_start3A_715, %dma_start3A_716] : memref<6x128x128xf32, #tpu.memory_space<vmem>> -> memref<1x128x128xf32, #tpu.memory_space<vmem>>
    %dma_start3A_718 = tpu.memref_squeeze %dma_start3A_717 : memref<1x128x128xf32, #tpu.memory_space<vmem>> -> memref<128x128xf32, #tpu.memory_space<vmem>>
    tpu.enqueue_dma source(%dma_start3A_718 : memref<128x128xf32, #tpu.memory_space<vmem>>) target(%dma_start3A_714 : memref<128x128xf32, #tpu.memory_space<hbm>>) target_semaphore(%arg8 : memref<!tpu.dma_semaphore, #tpu.memory_space<semaphore_mem>>)
    %dma_wait3A_719 = arith.constant 3 : i32
    %dma_wait3A_720 = arith.constant 9 : i32
    %dma_wait3A_721 = arith.constant 0 : i32
    %dma_wait3A_722 = arith.constant 0 : i32
    %dma_wait3A_723 = tpu.memref_slice %arg6[%dma_wait3A_719, %dma_wait3A_721, %dma_wait3A_722] : memref<6x128x128xf32, #tpu.memory_space<vmem>> -> memref<1x128x128xf32, #tpu.memory_space<vmem>>
    %dma_wait3A_724 = tpu.memref_squeeze %dma_wait3A_723 : memref<1x128x128xf32, #tpu.memory_space<vmem>> -> memref<128x128xf32, #tpu.memory_space<vmem>>
    %dma_wait3A_725 = arith.constant 0 : i32
    %dma_wait3A_726 = arith.constant 0 : i32
    %dma_wait3A_727 = tpu.memref_slice %arg4[%dma_wait3A_720, %dma_wait3A_725, %dma_wait3A_726] : memref<26x4096x128xf32, #tpu.memory_space<hbm>> -> memref<1x4096x128xf32, #tpu.memory_space<hbm>>
    %dma_wait3A_728 = tpu.memref_squeeze %dma_wait3A_727 : memref<1x4096x128xf32, #tpu.memory_space<hbm>> -> memref<4096x128xf32, #tpu.memory_space<hbm>>
    %dma_wait3A_729 = arith.constant 0 : i32
    %dma_wait3A_730 = tpu.memref_slice %dma_wait3A_728[%mul3A_2, %dma_wait3A_729] : memref<4096x128xf32, #tpu.memory_space<hbm>> -> memref<128x128xf32, #tpu.memory_space<hbm>>
    %dma_wait3A_731 = arith.constant 0 : i32
    %dma_wait3A_732 = arith.constant 0 : i32
    %dma_wait3A_733 = tpu.memref_slice %arg4[%dma_wait3A_720, %dma_wait3A_731, %dma_wait3A_732] : memref<26x4096x128xf32, #tpu.memory_space<hbm>> -> memref<1x4096x128xf32, #tpu.memory_space<hbm>>
    %dma_wait3A_734 = tpu.memref_squeeze %dma_wait3A_733 : memref<1x4096x128xf32, #tpu.memory_space<hbm>> -> memref<4096x128xf32, #tpu.memory_space<hbm>>
    %dma_wait3A_735 = arith.constant 0 : i32
    %dma_wait3A_736 = tpu.memref_slice %dma_wait3A_734[%mul3A_2, %dma_wait3A_735] : memref<4096x128xf32, #tpu.memory_space<hbm>> -> memref<128x128xf32, #tpu.memory_space<hbm>>
    %dma_wait3A_737 = arith.constant 0 : i32
    %dma_wait3A_738 = arith.constant 0 : i32
    %dma_wait3A_739 = tpu.memref_slice %arg6[%dma_wait3A_719, %dma_wait3A_737, %dma_wait3A_738] : memref<6x128x128xf32, #tpu.memory_space<vmem>> -> memref<1x128x128xf32, #tpu.memory_space<vmem>>
    %dma_wait3A_740 = tpu.memref_squeeze %dma_wait3A_739 : memref<1x128x128xf32, #tpu.memory_space<vmem>> -> memref<128x128xf32, #tpu.memory_space<vmem>>
    tpu.wait_dma2 semaphore(%arg8 : memref<!tpu.dma_semaphore, #tpu.memory_space<semaphore_mem>>) src(%dma_wait3A_740 : memref<128x128xf32, #tpu.memory_space<vmem>>) dst(%dma_wait3A_736 : memref<128x128xf32, #tpu.memory_space<hbm>>)
    %dma_start3A_741 = arith.constant 15 : i32
    %dma_start3A_742 = arith.constant 3 : i32
    %dma_start3A_743 = arith.constant 0 : i32
    %dma_start3A_744 = arith.constant 0 : i32
    %dma_start3A_745 = tpu.memref_slice %arg6[%dma_start3A_742, %dma_start3A_743, %dma_start3A_744] : memref<6x128x128xf32, #tpu.memory_space<vmem>> -> memref<1x128x128xf32, #tpu.memory_space<vmem>>
    %dma_start3A_746 = tpu.memref_squeeze %dma_start3A_745 : memref<1x128x128xf32, #tpu.memory_space<vmem>> -> memref<128x128xf32, #tpu.memory_space<vmem>>
    %dma_start3A_747 = arith.constant 0 : i32
    %dma_start3A_748 = tpu.memref_slice %arg5[%dma_start3A_741, %dma_start3A_747] : memref<26x128xi32, #tpu.memory_space<vmem>> -> memref<1x128xi32, #tpu.memory_space<vmem>>
    %dma_start3A_749 = tpu.memref_squeeze %dma_start3A_748 : memref<1x128xi32, #tpu.memory_space<vmem>> -> memref<128xi32, #tpu.memory_space<vmem>>
    %dma_start3A_750 = arith.constant 0 : i32
    %dma_start3A_751 = arith.constant 0 : i32
    %dma_start3A_752 = tpu.memref_slice %arg2[%dma_start3A_750, %dma_start3A_751] : memref<2600000x128xf32, #tpu.memory_space<hbm>> -> memref<2600000x128xf32, #tpu.memory_space<hbm>>
    tpu.enqueue_indirect_dma source(%dma_start3A_752 : memref<2600000x128xf32, #tpu.memory_space<hbm>>) target(%dma_start3A_746 : memref<128x128xf32, #tpu.memory_space<vmem>>) offsets(%dma_start3A_749 : memref<128xi32, #tpu.memory_space<vmem>>) semaphore(%arg7 : memref<!tpu.dma_semaphore, #tpu.memory_space<semaphore_mem>>)
    %dma_wait3A_753 = arith.constant 10 : i32
    %dma_wait3A_754 = arith.constant 4 : i32
    %dma_wait3A_755 = arith.constant 0 : i32
    %dma_wait3A_756 = arith.constant 0 : i32
    %dma_wait3A_757 = tpu.memref_slice %arg6[%dma_wait3A_754, %dma_wait3A_755, %dma_wait3A_756] : memref<6x128x128xf32, #tpu.memory_space<vmem>> -> memref<1x128x128xf32, #tpu.memory_space<vmem>>
    %dma_wait3A_758 = tpu.memref_squeeze %dma_wait3A_757 : memref<1x128x128xf32, #tpu.memory_space<vmem>> -> memref<128x128xf32, #tpu.memory_space<vmem>>
    %dma_wait3A_759 = arith.constant 0 : i32
    %dma_wait3A_760 = tpu.memref_slice %arg5[%dma_wait3A_753, %dma_wait3A_759] : memref<26x128xi32, #tpu.memory_space<vmem>> -> memref<1x128xi32, #tpu.memory_space<vmem>>
    %dma_wait3A_761 = tpu.memref_squeeze %dma_wait3A_760 : memref<1x128xi32, #tpu.memory_space<vmem>> -> memref<128xi32, #tpu.memory_space<vmem>>
    %dma_wait3A_762 = arith.constant 0 : i32
    %dma_wait3A_763 = arith.constant 0 : i32
    %dma_wait3A_764 = tpu.memref_slice %arg2[%dma_wait3A_762, %dma_wait3A_763] : memref<2600000x128xf32, #tpu.memory_space<hbm>> -> memref<2600000x128xf32, #tpu.memory_space<hbm>>
    tpu.wait_indirect_dma semaphore(%arg7 : memref<!tpu.dma_semaphore, #tpu.memory_space<semaphore_mem>>) src(%dma_wait3A_764 : memref<2600000x128xf32, #tpu.memory_space<hbm>>) dst(%dma_wait3A_758 : memref<128x128xf32, #tpu.memory_space<vmem>>)
    %dma_start3A_765 = arith.constant 4 : i32
    %dma_start3A_766 = arith.constant 10 : i32
    %dma_start3A_767 = arith.constant 0 : i32
    %dma_start3A_768 = arith.constant 0 : i32
    %dma_start3A_769 = tpu.memref_slice %arg6[%dma_start3A_765, %dma_start3A_767, %dma_start3A_768] : memref<6x128x128xf32, #tpu.memory_space<vmem>> -> memref<1x128x128xf32, #tpu.memory_space<vmem>>
    %dma_start3A_770 = tpu.memref_squeeze %dma_start3A_769 : memref<1x128x128xf32, #tpu.memory_space<vmem>> -> memref<128x128xf32, #tpu.memory_space<vmem>>
    %dma_start3A_771 = arith.constant 0 : i32
    %dma_start3A_772 = arith.constant 0 : i32
    %dma_start3A_773 = tpu.memref_slice %arg4[%dma_start3A_766, %dma_start3A_771, %dma_start3A_772] : memref<26x4096x128xf32, #tpu.memory_space<hbm>> -> memref<1x4096x128xf32, #tpu.memory_space<hbm>>
    %dma_start3A_774 = tpu.memref_squeeze %dma_start3A_773 : memref<1x4096x128xf32, #tpu.memory_space<hbm>> -> memref<4096x128xf32, #tpu.memory_space<hbm>>
    %dma_start3A_775 = arith.constant 0 : i32
    %dma_start3A_776 = tpu.memref_slice %dma_start3A_774[%mul3A_2, %dma_start3A_775] : memref<4096x128xf32, #tpu.memory_space<hbm>> -> memref<128x128xf32, #tpu.memory_space<hbm>>
    %dma_start3A_777 = arith.constant 0 : i32
    %dma_start3A_778 = arith.constant 0 : i32
    %dma_start3A_779 = tpu.memref_slice %arg4[%dma_start3A_766, %dma_start3A_777, %dma_start3A_778] : memref<26x4096x128xf32, #tpu.memory_space<hbm>> -> memref<1x4096x128xf32, #tpu.memory_space<hbm>>
    %dma_start3A_780 = tpu.memref_squeeze %dma_start3A_779 : memref<1x4096x128xf32, #tpu.memory_space<hbm>> -> memref<4096x128xf32, #tpu.memory_space<hbm>>
    %dma_start3A_781 = arith.constant 0 : i32
    %dma_start3A_782 = tpu.memref_slice %dma_start3A_780[%mul3A_2, %dma_start3A_781] : memref<4096x128xf32, #tpu.memory_space<hbm>> -> memref<128x128xf32, #tpu.memory_space<hbm>>
    %dma_start3A_783 = arith.constant 0 : i32
    %dma_start3A_784 = arith.constant 0 : i32
    %dma_start3A_785 = tpu.memref_slice %arg6[%dma_start3A_765, %dma_start3A_783, %dma_start3A_784] : memref<6x128x128xf32, #tpu.memory_space<vmem>> -> memref<1x128x128xf32, #tpu.memory_space<vmem>>
    %dma_start3A_786 = tpu.memref_squeeze %dma_start3A_785 : memref<1x128x128xf32, #tpu.memory_space<vmem>> -> memref<128x128xf32, #tpu.memory_space<vmem>>
    tpu.enqueue_dma source(%dma_start3A_786 : memref<128x128xf32, #tpu.memory_space<vmem>>) target(%dma_start3A_782 : memref<128x128xf32, #tpu.memory_space<hbm>>) target_semaphore(%arg8 : memref<!tpu.dma_semaphore, #tpu.memory_space<semaphore_mem>>)
    %dma_wait3A_787 = arith.constant 4 : i32
    %dma_wait3A_788 = arith.constant 10 : i32
    %dma_wait3A_789 = arith.constant 0 : i32
    %dma_wait3A_790 = arith.constant 0 : i32
    %dma_wait3A_791 = tpu.memref_slice %arg6[%dma_wait3A_787, %dma_wait3A_789, %dma_wait3A_790] : memref<6x128x128xf32, #tpu.memory_space<vmem>> -> memref<1x128x128xf32, #tpu.memory_space<vmem>>
    %dma_wait3A_792 = tpu.memref_squeeze %dma_wait3A_791 : memref<1x128x128xf32, #tpu.memory_space<vmem>> -> memref<128x128xf32, #tpu.memory_space<vmem>>
    %dma_wait3A_793 = arith.constant 0 : i32
    %dma_wait3A_794 = arith.constant 0 : i32
    %dma_wait3A_795 = tpu.memref_slice %arg4[%dma_wait3A_788, %dma_wait3A_793, %dma_wait3A_794] : memref<26x4096x128xf32, #tpu.memory_space<hbm>> -> memref<1x4096x128xf32, #tpu.memory_space<hbm>>
    %dma_wait3A_796 = tpu.memref_squeeze %dma_wait3A_795 : memref<1x4096x128xf32, #tpu.memory_space<hbm>> -> memref<4096x128xf32, #tpu.memory_space<hbm>>
    %dma_wait3A_797 = arith.constant 0 : i32
    %dma_wait3A_798 = tpu.memref_slice %dma_wait3A_796[%mul3A_2, %dma_wait3A_797] : memref<4096x128xf32, #tpu.memory_space<hbm>> -> memref<128x128xf32, #tpu.memory_space<hbm>>
    %dma_wait3A_799 = arith.constant 0 : i32
    %dma_wait3A_800 = arith.constant 0 : i32
    %dma_wait3A_801 = tpu.memref_slice %arg4[%dma_wait3A_788, %dma_wait3A_799, %dma_wait3A_800] : memref<26x4096x128xf32, #tpu.memory_space<hbm>> -> memref<1x4096x128xf32, #tpu.memory_space<hbm>>
    %dma_wait3A_802 = tpu.memref_squeeze %dma_wait3A_801 : memref<1x4096x128xf32, #tpu.memory_space<hbm>> -> memref<4096x128xf32, #tpu.memory_space<hbm>>
    %dma_wait3A_803 = arith.constant 0 : i32
    %dma_wait3A_804 = tpu.memref_slice %dma_wait3A_802[%mul3A_2, %dma_wait3A_803] : memref<4096x128xf32, #tpu.memory_space<hbm>> -> memref<128x128xf32, #tpu.memory_space<hbm>>
    %dma_wait3A_805 = arith.constant 0 : i32
    %dma_wait3A_806 = arith.constant 0 : i32
    %dma_wait3A_807 = tpu.memref_slice %arg6[%dma_wait3A_787, %dma_wait3A_805, %dma_wait3A_806] : memref<6x128x128xf32, #tpu.memory_space<vmem>> -> memref<1x128x128xf32, #tpu.memory_space<vmem>>
    %dma_wait3A_808 = tpu.memref_squeeze %dma_wait3A_807 : memref<1x128x128xf32, #tpu.memory_space<vmem>> -> memref<128x128xf32, #tpu.memory_space<vmem>>
    tpu.wait_dma2 semaphore(%arg8 : memref<!tpu.dma_semaphore, #tpu.memory_space<semaphore_mem>>) src(%dma_wait3A_808 : memref<128x128xf32, #tpu.memory_space<vmem>>) dst(%dma_wait3A_804 : memref<128x128xf32, #tpu.memory_space<hbm>>)
    %dma_start3A_809 = arith.constant 16 : i32
    %dma_start3A_810 = arith.constant 4 : i32
    %dma_start3A_811 = arith.constant 0 : i32
    %dma_start3A_812 = arith.constant 0 : i32
    %dma_start3A_813 = tpu.memref_slice %arg6[%dma_start3A_810, %dma_start3A_811, %dma_start3A_812] : memref<6x128x128xf32, #tpu.memory_space<vmem>> -> memref<1x128x128xf32, #tpu.memory_space<vmem>>
    %dma_start3A_814 = tpu.memref_squeeze %dma_start3A_813 : memref<1x128x128xf32, #tpu.memory_space<vmem>> -> memref<128x128xf32, #tpu.memory_space<vmem>>
    %dma_start3A_815 = arith.constant 0 : i32
    %dma_start3A_816 = tpu.memref_slice %arg5[%dma_start3A_809, %dma_start3A_815] : memref<26x128xi32, #tpu.memory_space<vmem>> -> memref<1x128xi32, #tpu.memory_space<vmem>>
    %dma_start3A_817 = tpu.memref_squeeze %dma_start3A_816 : memref<1x128xi32, #tpu.memory_space<vmem>> -> memref<128xi32, #tpu.memory_space<vmem>>
    %dma_start3A_818 = arith.constant 0 : i32
    %dma_start3A_819 = arith.constant 0 : i32
    %dma_start3A_820 = tpu.memref_slice %arg2[%dma_start3A_818, %dma_start3A_819] : memref<2600000x128xf32, #tpu.memory_space<hbm>> -> memref<2600000x128xf32, #tpu.memory_space<hbm>>
    tpu.enqueue_indirect_dma source(%dma_start3A_820 : memref<2600000x128xf32, #tpu.memory_space<hbm>>) target(%dma_start3A_814 : memref<128x128xf32, #tpu.memory_space<vmem>>) offsets(%dma_start3A_817 : memref<128xi32, #tpu.memory_space<vmem>>) semaphore(%arg7 : memref<!tpu.dma_semaphore, #tpu.memory_space<semaphore_mem>>)
    %dma_wait3A_821 = arith.constant 11 : i32
    %dma_wait3A_822 = arith.constant 5 : i32
    %dma_wait3A_823 = arith.constant 0 : i32
    %dma_wait3A_824 = arith.constant 0 : i32
    %dma_wait3A_825 = tpu.memref_slice %arg6[%dma_wait3A_822, %dma_wait3A_823, %dma_wait3A_824] : memref<6x128x128xf32, #tpu.memory_space<vmem>> -> memref<1x128x128xf32, #tpu.memory_space<vmem>>
    %dma_wait3A_826 = tpu.memref_squeeze %dma_wait3A_825 : memref<1x128x128xf32, #tpu.memory_space<vmem>> -> memref<128x128xf32, #tpu.memory_space<vmem>>
    %dma_wait3A_827 = arith.constant 0 : i32
    %dma_wait3A_828 = tpu.memref_slice %arg5[%dma_wait3A_821, %dma_wait3A_827] : memref<26x128xi32, #tpu.memory_space<vmem>> -> memref<1x128xi32, #tpu.memory_space<vmem>>
    %dma_wait3A_829 = tpu.memref_squeeze %dma_wait3A_828 : memref<1x128xi32, #tpu.memory_space<vmem>> -> memref<128xi32, #tpu.memory_space<vmem>>
    %dma_wait3A_830 = arith.constant 0 : i32
    %dma_wait3A_831 = arith.constant 0 : i32
    %dma_wait3A_832 = tpu.memref_slice %arg2[%dma_wait3A_830, %dma_wait3A_831] : memref<2600000x128xf32, #tpu.memory_space<hbm>> -> memref<2600000x128xf32, #tpu.memory_space<hbm>>
    tpu.wait_indirect_dma semaphore(%arg7 : memref<!tpu.dma_semaphore, #tpu.memory_space<semaphore_mem>>) src(%dma_wait3A_832 : memref<2600000x128xf32, #tpu.memory_space<hbm>>) dst(%dma_wait3A_826 : memref<128x128xf32, #tpu.memory_space<vmem>>)
    %dma_start3A_833 = arith.constant 5 : i32
    %dma_start3A_834 = arith.constant 11 : i32
    %dma_start3A_835 = arith.constant 0 : i32
    %dma_start3A_836 = arith.constant 0 : i32
    %dma_start3A_837 = tpu.memref_slice %arg6[%dma_start3A_833, %dma_start3A_835, %dma_start3A_836] : memref<6x128x128xf32, #tpu.memory_space<vmem>> -> memref<1x128x128xf32, #tpu.memory_space<vmem>>
    %dma_start3A_838 = tpu.memref_squeeze %dma_start3A_837 : memref<1x128x128xf32, #tpu.memory_space<vmem>> -> memref<128x128xf32, #tpu.memory_space<vmem>>
    %dma_start3A_839 = arith.constant 0 : i32
    %dma_start3A_840 = arith.constant 0 : i32
    %dma_start3A_841 = tpu.memref_slice %arg4[%dma_start3A_834, %dma_start3A_839, %dma_start3A_840] : memref<26x4096x128xf32, #tpu.memory_space<hbm>> -> memref<1x4096x128xf32, #tpu.memory_space<hbm>>
    %dma_start3A_842 = tpu.memref_squeeze %dma_start3A_841 : memref<1x4096x128xf32, #tpu.memory_space<hbm>> -> memref<4096x128xf32, #tpu.memory_space<hbm>>
    %dma_start3A_843 = arith.constant 0 : i32
    %dma_start3A_844 = tpu.memref_slice %dma_start3A_842[%mul3A_2, %dma_start3A_843] : memref<4096x128xf32, #tpu.memory_space<hbm>> -> memref<128x128xf32, #tpu.memory_space<hbm>>
    %dma_start3A_845 = arith.constant 0 : i32
    %dma_start3A_846 = arith.constant 0 : i32
    %dma_start3A_847 = tpu.memref_slice %arg4[%dma_start3A_834, %dma_start3A_845, %dma_start3A_846] : memref<26x4096x128xf32, #tpu.memory_space<hbm>> -> memref<1x4096x128xf32, #tpu.memory_space<hbm>>
    %dma_start3A_848 = tpu.memref_squeeze %dma_start3A_847 : memref<1x4096x128xf32, #tpu.memory_space<hbm>> -> memref<4096x128xf32, #tpu.memory_space<hbm>>
    %dma_start3A_849 = arith.constant 0 : i32
    %dma_start3A_850 = tpu.memref_slice %dma_start3A_848[%mul3A_2, %dma_start3A_849] : memref<4096x128xf32, #tpu.memory_space<hbm>> -> memref<128x128xf32, #tpu.memory_space<hbm>>
    %dma_start3A_851 = arith.constant 0 : i32
    %dma_start3A_852 = arith.constant 0 : i32
    %dma_start3A_853 = tpu.memref_slice %arg6[%dma_start3A_833, %dma_start3A_851, %dma_start3A_852] : memref<6x128x128xf32, #tpu.memory_space<vmem>> -> memref<1x128x128xf32, #tpu.memory_space<vmem>>
    %dma_start3A_854 = tpu.memref_squeeze %dma_start3A_853 : memref<1x128x128xf32, #tpu.memory_space<vmem>> -> memref<128x128xf32, #tpu.memory_space<vmem>>
    tpu.enqueue_dma source(%dma_start3A_854 : memref<128x128xf32, #tpu.memory_space<vmem>>) target(%dma_start3A_850 : memref<128x128xf32, #tpu.memory_space<hbm>>) target_semaphore(%arg8 : memref<!tpu.dma_semaphore, #tpu.memory_space<semaphore_mem>>)
    %dma_wait3A_855 = arith.constant 5 : i32
    %dma_wait3A_856 = arith.constant 11 : i32
    %dma_wait3A_857 = arith.constant 0 : i32
    %dma_wait3A_858 = arith.constant 0 : i32
    %dma_wait3A_859 = tpu.memref_slice %arg6[%dma_wait3A_855, %dma_wait3A_857, %dma_wait3A_858] : memref<6x128x128xf32, #tpu.memory_space<vmem>> -> memref<1x128x128xf32, #tpu.memory_space<vmem>>
    %dma_wait3A_860 = tpu.memref_squeeze %dma_wait3A_859 : memref<1x128x128xf32, #tpu.memory_space<vmem>> -> memref<128x128xf32, #tpu.memory_space<vmem>>
    %dma_wait3A_861 = arith.constant 0 : i32
    %dma_wait3A_862 = arith.constant 0 : i32
    %dma_wait3A_863 = tpu.memref_slice %arg4[%dma_wait3A_856, %dma_wait3A_861, %dma_wait3A_862] : memref<26x4096x128xf32, #tpu.memory_space<hbm>> -> memref<1x4096x128xf32, #tpu.memory_space<hbm>>
    %dma_wait3A_864 = tpu.memref_squeeze %dma_wait3A_863 : memref<1x4096x128xf32, #tpu.memory_space<hbm>> -> memref<4096x128xf32, #tpu.memory_space<hbm>>
    %dma_wait3A_865 = arith.constant 0 : i32
    %dma_wait3A_866 = tpu.memref_slice %dma_wait3A_864[%mul3A_2, %dma_wait3A_865] : memref<4096x128xf32, #tpu.memory_space<hbm>> -> memref<128x128xf32, #tpu.memory_space<hbm>>
    %dma_wait3A_867 = arith.constant 0 : i32
    %dma_wait3A_868 = arith.constant 0 : i32
    %dma_wait3A_869 = tpu.memref_slice %arg4[%dma_wait3A_856, %dma_wait3A_867, %dma_wait3A_868] : memref<26x4096x128xf32, #tpu.memory_space<hbm>> -> memref<1x4096x128xf32, #tpu.memory_space<hbm>>
    %dma_wait3A_870 = tpu.memref_squeeze %dma_wait3A_869 : memref<1x4096x128xf32, #tpu.memory_space<hbm>> -> memref<4096x128xf32, #tpu.memory_space<hbm>>
    %dma_wait3A_871 = arith.constant 0 : i32
    %dma_wait3A_872 = tpu.memref_slice %dma_wait3A_870[%mul3A_2, %dma_wait3A_871] : memref<4096x128xf32, #tpu.memory_space<hbm>> -> memref<128x128xf32, #tpu.memory_space<hbm>>
    %dma_wait3A_873 = arith.constant 0 : i32
    %dma_wait3A_874 = arith.constant 0 : i32
    %dma_wait3A_875 = tpu.memref_slice %arg6[%dma_wait3A_855, %dma_wait3A_873, %dma_wait3A_874] : memref<6x128x128xf32, #tpu.memory_space<vmem>> -> memref<1x128x128xf32, #tpu.memory_space<vmem>>
    %dma_wait3A_876 = tpu.memref_squeeze %dma_wait3A_875 : memref<1x128x128xf32, #tpu.memory_space<vmem>> -> memref<128x128xf32, #tpu.memory_space<vmem>>
    tpu.wait_dma2 semaphore(%arg8 : memref<!tpu.dma_semaphore, #tpu.memory_space<semaphore_mem>>) src(%dma_wait3A_876 : memref<128x128xf32, #tpu.memory_space<vmem>>) dst(%dma_wait3A_872 : memref<128x128xf32, #tpu.memory_space<hbm>>)
    %dma_start3A_877 = arith.constant 17 : i32
    %dma_start3A_878 = arith.constant 5 : i32
    %dma_start3A_879 = arith.constant 0 : i32
    %dma_start3A_880 = arith.constant 0 : i32
    %dma_start3A_881 = tpu.memref_slice %arg6[%dma_start3A_878, %dma_start3A_879, %dma_start3A_880] : memref<6x128x128xf32, #tpu.memory_space<vmem>> -> memref<1x128x128xf32, #tpu.memory_space<vmem>>
    %dma_start3A_882 = tpu.memref_squeeze %dma_start3A_881 : memref<1x128x128xf32, #tpu.memory_space<vmem>> -> memref<128x128xf32, #tpu.memory_space<vmem>>
    %dma_start3A_883 = arith.constant 0 : i32
    %dma_start3A_884 = tpu.memref_slice %arg5[%dma_start3A_877, %dma_start3A_883] : memref<26x128xi32, #tpu.memory_space<vmem>> -> memref<1x128xi32, #tpu.memory_space<vmem>>
    %dma_start3A_885 = tpu.memref_squeeze %dma_start3A_884 : memref<1x128xi32, #tpu.memory_space<vmem>> -> memref<128xi32, #tpu.memory_space<vmem>>
    %dma_start3A_886 = arith.constant 0 : i32
    %dma_start3A_887 = arith.constant 0 : i32
    %dma_start3A_888 = tpu.memref_slice %arg2[%dma_start3A_886, %dma_start3A_887] : memref<2600000x128xf32, #tpu.memory_space<hbm>> -> memref<2600000x128xf32, #tpu.memory_space<hbm>>
    tpu.enqueue_indirect_dma source(%dma_start3A_888 : memref<2600000x128xf32, #tpu.memory_space<hbm>>) target(%dma_start3A_882 : memref<128x128xf32, #tpu.memory_space<vmem>>) offsets(%dma_start3A_885 : memref<128xi32, #tpu.memory_space<vmem>>) semaphore(%arg7 : memref<!tpu.dma_semaphore, #tpu.memory_space<semaphore_mem>>)
    %dma_wait3A_889 = arith.constant 12 : i32
    %dma_wait3A_890 = arith.constant 0 : i32
    %dma_wait3A_891 = arith.constant 0 : i32
    %dma_wait3A_892 = arith.constant 0 : i32
    %dma_wait3A_893 = tpu.memref_slice %arg6[%dma_wait3A_890, %dma_wait3A_891, %dma_wait3A_892] : memref<6x128x128xf32, #tpu.memory_space<vmem>> -> memref<1x128x128xf32, #tpu.memory_space<vmem>>
    %dma_wait3A_894 = tpu.memref_squeeze %dma_wait3A_893 : memref<1x128x128xf32, #tpu.memory_space<vmem>> -> memref<128x128xf32, #tpu.memory_space<vmem>>
    %dma_wait3A_895 = arith.constant 0 : i32
    %dma_wait3A_896 = tpu.memref_slice %arg5[%dma_wait3A_889, %dma_wait3A_895] : memref<26x128xi32, #tpu.memory_space<vmem>> -> memref<1x128xi32, #tpu.memory_space<vmem>>
    %dma_wait3A_897 = tpu.memref_squeeze %dma_wait3A_896 : memref<1x128xi32, #tpu.memory_space<vmem>> -> memref<128xi32, #tpu.memory_space<vmem>>
    %dma_wait3A_898 = arith.constant 0 : i32
    %dma_wait3A_899 = arith.constant 0 : i32
    %dma_wait3A_900 = tpu.memref_slice %arg2[%dma_wait3A_898, %dma_wait3A_899] : memref<2600000x128xf32, #tpu.memory_space<hbm>> -> memref<2600000x128xf32, #tpu.memory_space<hbm>>
    tpu.wait_indirect_dma semaphore(%arg7 : memref<!tpu.dma_semaphore, #tpu.memory_space<semaphore_mem>>) src(%dma_wait3A_900 : memref<2600000x128xf32, #tpu.memory_space<hbm>>) dst(%dma_wait3A_894 : memref<128x128xf32, #tpu.memory_space<vmem>>)
    %dma_start3A_901 = arith.constant 0 : i32
    %dma_start3A_902 = arith.constant 12 : i32
    %dma_start3A_903 = arith.constant 0 : i32
    %dma_start3A_904 = arith.constant 0 : i32
    %dma_start3A_905 = tpu.memref_slice %arg6[%dma_start3A_901, %dma_start3A_903, %dma_start3A_904] : memref<6x128x128xf32, #tpu.memory_space<vmem>> -> memref<1x128x128xf32, #tpu.memory_space<vmem>>
    %dma_start3A_906 = tpu.memref_squeeze %dma_start3A_905 : memref<1x128x128xf32, #tpu.memory_space<vmem>> -> memref<128x128xf32, #tpu.memory_space<vmem>>
    %dma_start3A_907 = arith.constant 0 : i32
    %dma_start3A_908 = arith.constant 0 : i32
    %dma_start3A_909 = tpu.memref_slice %arg4[%dma_start3A_902, %dma_start3A_907, %dma_start3A_908] : memref<26x4096x128xf32, #tpu.memory_space<hbm>> -> memref<1x4096x128xf32, #tpu.memory_space<hbm>>
    %dma_start3A_910 = tpu.memref_squeeze %dma_start3A_909 : memref<1x4096x128xf32, #tpu.memory_space<hbm>> -> memref<4096x128xf32, #tpu.memory_space<hbm>>
    %dma_start3A_911 = arith.constant 0 : i32
    %dma_start3A_912 = tpu.memref_slice %dma_start3A_910[%mul3A_2, %dma_start3A_911] : memref<4096x128xf32, #tpu.memory_space<hbm>> -> memref<128x128xf32, #tpu.memory_space<hbm>>
    %dma_start3A_913 = arith.constant 0 : i32
    %dma_start3A_914 = arith.constant 0 : i32
    %dma_start3A_915 = tpu.memref_slice %arg4[%dma_start3A_902, %dma_start3A_913, %dma_start3A_914] : memref<26x4096x128xf32, #tpu.memory_space<hbm>> -> memref<1x4096x128xf32, #tpu.memory_space<hbm>>
    %dma_start3A_916 = tpu.memref_squeeze %dma_start3A_915 : memref<1x4096x128xf32, #tpu.memory_space<hbm>> -> memref<4096x128xf32, #tpu.memory_space<hbm>>
    %dma_start3A_917 = arith.constant 0 : i32
    %dma_start3A_918 = tpu.memref_slice %dma_start3A_916[%mul3A_2, %dma_start3A_917] : memref<4096x128xf32, #tpu.memory_space<hbm>> -> memref<128x128xf32, #tpu.memory_space<hbm>>
    %dma_start3A_919 = arith.constant 0 : i32
    %dma_start3A_920 = arith.constant 0 : i32
    %dma_start3A_921 = tpu.memref_slice %arg6[%dma_start3A_901, %dma_start3A_919, %dma_start3A_920] : memref<6x128x128xf32, #tpu.memory_space<vmem>> -> memref<1x128x128xf32, #tpu.memory_space<vmem>>
    %dma_start3A_922 = tpu.memref_squeeze %dma_start3A_921 : memref<1x128x128xf32, #tpu.memory_space<vmem>> -> memref<128x128xf32, #tpu.memory_space<vmem>>
    tpu.enqueue_dma source(%dma_start3A_922 : memref<128x128xf32, #tpu.memory_space<vmem>>) target(%dma_start3A_918 : memref<128x128xf32, #tpu.memory_space<hbm>>) target_semaphore(%arg8 : memref<!tpu.dma_semaphore, #tpu.memory_space<semaphore_mem>>)
    %dma_wait3A_923 = arith.constant 0 : i32
    %dma_wait3A_924 = arith.constant 12 : i32
    %dma_wait3A_925 = arith.constant 0 : i32
    %dma_wait3A_926 = arith.constant 0 : i32
    %dma_wait3A_927 = tpu.memref_slice %arg6[%dma_wait3A_923, %dma_wait3A_925, %dma_wait3A_926] : memref<6x128x128xf32, #tpu.memory_space<vmem>> -> memref<1x128x128xf32, #tpu.memory_space<vmem>>
    %dma_wait3A_928 = tpu.memref_squeeze %dma_wait3A_927 : memref<1x128x128xf32, #tpu.memory_space<vmem>> -> memref<128x128xf32, #tpu.memory_space<vmem>>
    %dma_wait3A_929 = arith.constant 0 : i32
    %dma_wait3A_930 = arith.constant 0 : i32
    %dma_wait3A_931 = tpu.memref_slice %arg4[%dma_wait3A_924, %dma_wait3A_929, %dma_wait3A_930] : memref<26x4096x128xf32, #tpu.memory_space<hbm>> -> memref<1x4096x128xf32, #tpu.memory_space<hbm>>
    %dma_wait3A_932 = tpu.memref_squeeze %dma_wait3A_931 : memref<1x4096x128xf32, #tpu.memory_space<hbm>> -> memref<4096x128xf32, #tpu.memory_space<hbm>>
    %dma_wait3A_933 = arith.constant 0 : i32
    %dma_wait3A_934 = tpu.memref_slice %dma_wait3A_932[%mul3A_2, %dma_wait3A_933] : memref<4096x128xf32, #tpu.memory_space<hbm>> -> memref<128x128xf32, #tpu.memory_space<hbm>>
    %dma_wait3A_935 = arith.constant 0 : i32
    %dma_wait3A_936 = arith.constant 0 : i32
    %dma_wait3A_937 = tpu.memref_slice %arg4[%dma_wait3A_924, %dma_wait3A_935, %dma_wait3A_936] : memref<26x4096x128xf32, #tpu.memory_space<hbm>> -> memref<1x4096x128xf32, #tpu.memory_space<hbm>>
    %dma_wait3A_938 = tpu.memref_squeeze %dma_wait3A_937 : memref<1x4096x128xf32, #tpu.memory_space<hbm>> -> memref<4096x128xf32, #tpu.memory_space<hbm>>
    %dma_wait3A_939 = arith.constant 0 : i32
    %dma_wait3A_940 = tpu.memref_slice %dma_wait3A_938[%mul3A_2, %dma_wait3A_939] : memref<4096x128xf32, #tpu.memory_space<hbm>> -> memref<128x128xf32, #tpu.memory_space<hbm>>
    %dma_wait3A_941 = arith.constant 0 : i32
    %dma_wait3A_942 = arith.constant 0 : i32
    %dma_wait3A_943 = tpu.memref_slice %arg6[%dma_wait3A_923, %dma_wait3A_941, %dma_wait3A_942] : memref<6x128x128xf32, #tpu.memory_space<vmem>> -> memref<1x128x128xf32, #tpu.memory_space<vmem>>
    %dma_wait3A_944 = tpu.memref_squeeze %dma_wait3A_943 : memref<1x128x128xf32, #tpu.memory_space<vmem>> -> memref<128x128xf32, #tpu.memory_space<vmem>>
    tpu.wait_dma2 semaphore(%arg8 : memref<!tpu.dma_semaphore, #tpu.memory_space<semaphore_mem>>) src(%dma_wait3A_944 : memref<128x128xf32, #tpu.memory_space<vmem>>) dst(%dma_wait3A_940 : memref<128x128xf32, #tpu.memory_space<hbm>>)
    %dma_start3A_945 = arith.constant 18 : i32
    %dma_start3A_946 = arith.constant 0 : i32
    %dma_start3A_947 = arith.constant 0 : i32
    %dma_start3A_948 = arith.constant 0 : i32
    %dma_start3A_949 = tpu.memref_slice %arg6[%dma_start3A_946, %dma_start3A_947, %dma_start3A_948] : memref<6x128x128xf32, #tpu.memory_space<vmem>> -> memref<1x128x128xf32, #tpu.memory_space<vmem>>
    %dma_start3A_950 = tpu.memref_squeeze %dma_start3A_949 : memref<1x128x128xf32, #tpu.memory_space<vmem>> -> memref<128x128xf32, #tpu.memory_space<vmem>>
    %dma_start3A_951 = arith.constant 0 : i32
    %dma_start3A_952 = tpu.memref_slice %arg5[%dma_start3A_945, %dma_start3A_951] : memref<26x128xi32, #tpu.memory_space<vmem>> -> memref<1x128xi32, #tpu.memory_space<vmem>>
    %dma_start3A_953 = tpu.memref_squeeze %dma_start3A_952 : memref<1x128xi32, #tpu.memory_space<vmem>> -> memref<128xi32, #tpu.memory_space<vmem>>
    %dma_start3A_954 = arith.constant 0 : i32
    %dma_start3A_955 = arith.constant 0 : i32
    %dma_start3A_956 = tpu.memref_slice %arg2[%dma_start3A_954, %dma_start3A_955] : memref<2600000x128xf32, #tpu.memory_space<hbm>> -> memref<2600000x128xf32, #tpu.memory_space<hbm>>
    tpu.enqueue_indirect_dma source(%dma_start3A_956 : memref<2600000x128xf32, #tpu.memory_space<hbm>>) target(%dma_start3A_950 : memref<128x128xf32, #tpu.memory_space<vmem>>) offsets(%dma_start3A_953 : memref<128xi32, #tpu.memory_space<vmem>>) semaphore(%arg7 : memref<!tpu.dma_semaphore, #tpu.memory_space<semaphore_mem>>)
    %dma_wait3A_957 = arith.constant 13 : i32
    %dma_wait3A_958 = arith.constant 1 : i32
    %dma_wait3A_959 = arith.constant 0 : i32
    %dma_wait3A_960 = arith.constant 0 : i32
    %dma_wait3A_961 = tpu.memref_slice %arg6[%dma_wait3A_958, %dma_wait3A_959, %dma_wait3A_960] : memref<6x128x128xf32, #tpu.memory_space<vmem>> -> memref<1x128x128xf32, #tpu.memory_space<vmem>>
    %dma_wait3A_962 = tpu.memref_squeeze %dma_wait3A_961 : memref<1x128x128xf32, #tpu.memory_space<vmem>> -> memref<128x128xf32, #tpu.memory_space<vmem>>
    %dma_wait3A_963 = arith.constant 0 : i32
    %dma_wait3A_964 = tpu.memref_slice %arg5[%dma_wait3A_957, %dma_wait3A_963] : memref<26x128xi32, #tpu.memory_space<vmem>> -> memref<1x128xi32, #tpu.memory_space<vmem>>
    %dma_wait3A_965 = tpu.memref_squeeze %dma_wait3A_964 : memref<1x128xi32, #tpu.memory_space<vmem>> -> memref<128xi32, #tpu.memory_space<vmem>>
    %dma_wait3A_966 = arith.constant 0 : i32
    %dma_wait3A_967 = arith.constant 0 : i32
    %dma_wait3A_968 = tpu.memref_slice %arg2[%dma_wait3A_966, %dma_wait3A_967] : memref<2600000x128xf32, #tpu.memory_space<hbm>> -> memref<2600000x128xf32, #tpu.memory_space<hbm>>
    tpu.wait_indirect_dma semaphore(%arg7 : memref<!tpu.dma_semaphore, #tpu.memory_space<semaphore_mem>>) src(%dma_wait3A_968 : memref<2600000x128xf32, #tpu.memory_space<hbm>>) dst(%dma_wait3A_962 : memref<128x128xf32, #tpu.memory_space<vmem>>)
    %dma_start3A_969 = arith.constant 1 : i32
    %dma_start3A_970 = arith.constant 13 : i32
    %dma_start3A_971 = arith.constant 0 : i32
    %dma_start3A_972 = arith.constant 0 : i32
    %dma_start3A_973 = tpu.memref_slice %arg6[%dma_start3A_969, %dma_start3A_971, %dma_start3A_972] : memref<6x128x128xf32, #tpu.memory_space<vmem>> -> memref<1x128x128xf32, #tpu.memory_space<vmem>>
    %dma_start3A_974 = tpu.memref_squeeze %dma_start3A_973 : memref<1x128x128xf32, #tpu.memory_space<vmem>> -> memref<128x128xf32, #tpu.memory_space<vmem>>
    %dma_start3A_975 = arith.constant 0 : i32
    %dma_start3A_976 = arith.constant 0 : i32
    %dma_start3A_977 = tpu.memref_slice %arg4[%dma_start3A_970, %dma_start3A_975, %dma_start3A_976] : memref<26x4096x128xf32, #tpu.memory_space<hbm>> -> memref<1x4096x128xf32, #tpu.memory_space<hbm>>
    %dma_start3A_978 = tpu.memref_squeeze %dma_start3A_977 : memref<1x4096x128xf32, #tpu.memory_space<hbm>> -> memref<4096x128xf32, #tpu.memory_space<hbm>>
    %dma_start3A_979 = arith.constant 0 : i32
    %dma_start3A_980 = tpu.memref_slice %dma_start3A_978[%mul3A_2, %dma_start3A_979] : memref<4096x128xf32, #tpu.memory_space<hbm>> -> memref<128x128xf32, #tpu.memory_space<hbm>>
    %dma_start3A_981 = arith.constant 0 : i32
    %dma_start3A_982 = arith.constant 0 : i32
    %dma_start3A_983 = tpu.memref_slice %arg4[%dma_start3A_970, %dma_start3A_981, %dma_start3A_982] : memref<26x4096x128xf32, #tpu.memory_space<hbm>> -> memref<1x4096x128xf32, #tpu.memory_space<hbm>>
    %dma_start3A_984 = tpu.memref_squeeze %dma_start3A_983 : memref<1x4096x128xf32, #tpu.memory_space<hbm>> -> memref<4096x128xf32, #tpu.memory_space<hbm>>
    %dma_start3A_985 = arith.constant 0 : i32
    %dma_start3A_986 = tpu.memref_slice %dma_start3A_984[%mul3A_2, %dma_start3A_985] : memref<4096x128xf32, #tpu.memory_space<hbm>> -> memref<128x128xf32, #tpu.memory_space<hbm>>
    %dma_start3A_987 = arith.constant 0 : i32
    %dma_start3A_988 = arith.constant 0 : i32
    %dma_start3A_989 = tpu.memref_slice %arg6[%dma_start3A_969, %dma_start3A_987, %dma_start3A_988] : memref<6x128x128xf32, #tpu.memory_space<vmem>> -> memref<1x128x128xf32, #tpu.memory_space<vmem>>
    %dma_start3A_990 = tpu.memref_squeeze %dma_start3A_989 : memref<1x128x128xf32, #tpu.memory_space<vmem>> -> memref<128x128xf32, #tpu.memory_space<vmem>>
    tpu.enqueue_dma source(%dma_start3A_990 : memref<128x128xf32, #tpu.memory_space<vmem>>) target(%dma_start3A_986 : memref<128x128xf32, #tpu.memory_space<hbm>>) target_semaphore(%arg8 : memref<!tpu.dma_semaphore, #tpu.memory_space<semaphore_mem>>)
    %dma_wait3A_991 = arith.constant 1 : i32
    %dma_wait3A_992 = arith.constant 13 : i32
    %dma_wait3A_993 = arith.constant 0 : i32
    %dma_wait3A_994 = arith.constant 0 : i32
    %dma_wait3A_995 = tpu.memref_slice %arg6[%dma_wait3A_991, %dma_wait3A_993, %dma_wait3A_994] : memref<6x128x128xf32, #tpu.memory_space<vmem>> -> memref<1x128x128xf32, #tpu.memory_space<vmem>>
    %dma_wait3A_996 = tpu.memref_squeeze %dma_wait3A_995 : memref<1x128x128xf32, #tpu.memory_space<vmem>> -> memref<128x128xf32, #tpu.memory_space<vmem>>
    %dma_wait3A_997 = arith.constant 0 : i32
    %dma_wait3A_998 = arith.constant 0 : i32
    %dma_wait3A_999 = tpu.memref_slice %arg4[%dma_wait3A_992, %dma_wait3A_997, %dma_wait3A_998] : memref<26x4096x128xf32, #tpu.memory_space<hbm>> -> memref<1x4096x128xf32, #tpu.memory_space<hbm>>
    %dma_wait3A_1000 = tpu.memref_squeeze %dma_wait3A_999 : memref<1x4096x128xf32, #tpu.memory_space<hbm>> -> memref<4096x128xf32, #tpu.memory_space<hbm>>
    %dma_wait3A_1001 = arith.constant 0 : i32
    %dma_wait3A_1002 = tpu.memref_slice %dma_wait3A_1000[%mul3A_2, %dma_wait3A_1001] : memref<4096x128xf32, #tpu.memory_space<hbm>> -> memref<128x128xf32, #tpu.memory_space<hbm>>
    %dma_wait3A_1003 = arith.constant 0 : i32
    %dma_wait3A_1004 = arith.constant 0 : i32
    %dma_wait3A_1005 = tpu.memref_slice %arg4[%dma_wait3A_992, %dma_wait3A_1003, %dma_wait3A_1004] : memref<26x4096x128xf32, #tpu.memory_space<hbm>> -> memref<1x4096x128xf32, #tpu.memory_space<hbm>>
    %dma_wait3A_1006 = tpu.memref_squeeze %dma_wait3A_1005 : memref<1x4096x128xf32, #tpu.memory_space<hbm>> -> memref<4096x128xf32, #tpu.memory_space<hbm>>
    %dma_wait3A_1007 = arith.constant 0 : i32
    %dma_wait3A_1008 = tpu.memref_slice %dma_wait3A_1006[%mul3A_2, %dma_wait3A_1007] : memref<4096x128xf32, #tpu.memory_space<hbm>> -> memref<128x128xf32, #tpu.memory_space<hbm>>
    %dma_wait3A_1009 = arith.constant 0 : i32
    %dma_wait3A_1010 = arith.constant 0 : i32
    %dma_wait3A_1011 = tpu.memref_slice %arg6[%dma_wait3A_991, %dma_wait3A_1009, %dma_wait3A_1010] : memref<6x128x128xf32, #tpu.memory_space<vmem>> -> memref<1x128x128xf32, #tpu.memory_space<vmem>>
    %dma_wait3A_1012 = tpu.memref_squeeze %dma_wait3A_1011 : memref<1x128x128xf32, #tpu.memory_space<vmem>> -> memref<128x128xf32, #tpu.memory_space<vmem>>
    tpu.wait_dma2 semaphore(%arg8 : memref<!tpu.dma_semaphore, #tpu.memory_space<semaphore_mem>>) src(%dma_wait3A_1012 : memref<128x128xf32, #tpu.memory_space<vmem>>) dst(%dma_wait3A_1008 : memref<128x128xf32, #tpu.memory_space<hbm>>)
    %dma_start3A_1013 = arith.constant 19 : i32
    %dma_start3A_1014 = arith.constant 1 : i32
    %dma_start3A_1015 = arith.constant 0 : i32
    %dma_start3A_1016 = arith.constant 0 : i32
    %dma_start3A_1017 = tpu.memref_slice %arg6[%dma_start3A_1014, %dma_start3A_1015, %dma_start3A_1016] : memref<6x128x128xf32, #tpu.memory_space<vmem>> -> memref<1x128x128xf32, #tpu.memory_space<vmem>>
    %dma_start3A_1018 = tpu.memref_squeeze %dma_start3A_1017 : memref<1x128x128xf32, #tpu.memory_space<vmem>> -> memref<128x128xf32, #tpu.memory_space<vmem>>
    %dma_start3A_1019 = arith.constant 0 : i32
    %dma_start3A_1020 = tpu.memref_slice %arg5[%dma_start3A_1013, %dma_start3A_1019] : memref<26x128xi32, #tpu.memory_space<vmem>> -> memref<1x128xi32, #tpu.memory_space<vmem>>
    %dma_start3A_1021 = tpu.memref_squeeze %dma_start3A_1020 : memref<1x128xi32, #tpu.memory_space<vmem>> -> memref<128xi32, #tpu.memory_space<vmem>>
    %dma_start3A_1022 = arith.constant 0 : i32
    %dma_start3A_1023 = arith.constant 0 : i32
    %dma_start3A_1024 = tpu.memref_slice %arg2[%dma_start3A_1022, %dma_start3A_1023] : memref<2600000x128xf32, #tpu.memory_space<hbm>> -> memref<2600000x128xf32, #tpu.memory_space<hbm>>
    tpu.enqueue_indirect_dma source(%dma_start3A_1024 : memref<2600000x128xf32, #tpu.memory_space<hbm>>) target(%dma_start3A_1018 : memref<128x128xf32, #tpu.memory_space<vmem>>) offsets(%dma_start3A_1021 : memref<128xi32, #tpu.memory_space<vmem>>) semaphore(%arg7 : memref<!tpu.dma_semaphore, #tpu.memory_space<semaphore_mem>>)
    %dma_wait3A_1025 = arith.constant 14 : i32
    %dma_wait3A_1026 = arith.constant 2 : i32
    %dma_wait3A_1027 = arith.constant 0 : i32
    %dma_wait3A_1028 = arith.constant 0 : i32
    %dma_wait3A_1029 = tpu.memref_slice %arg6[%dma_wait3A_1026, %dma_wait3A_1027, %dma_wait3A_1028] : memref<6x128x128xf32, #tpu.memory_space<vmem>> -> memref<1x128x128xf32, #tpu.memory_space<vmem>>
    %dma_wait3A_1030 = tpu.memref_squeeze %dma_wait3A_1029 : memref<1x128x128xf32, #tpu.memory_space<vmem>> -> memref<128x128xf32, #tpu.memory_space<vmem>>
    %dma_wait3A_1031 = arith.constant 0 : i32
    %dma_wait3A_1032 = tpu.memref_slice %arg5[%dma_wait3A_1025, %dma_wait3A_1031] : memref<26x128xi32, #tpu.memory_space<vmem>> -> memref<1x128xi32, #tpu.memory_space<vmem>>
    %dma_wait3A_1033 = tpu.memref_squeeze %dma_wait3A_1032 : memref<1x128xi32, #tpu.memory_space<vmem>> -> memref<128xi32, #tpu.memory_space<vmem>>
    %dma_wait3A_1034 = arith.constant 0 : i32
    %dma_wait3A_1035 = arith.constant 0 : i32
    %dma_wait3A_1036 = tpu.memref_slice %arg2[%dma_wait3A_1034, %dma_wait3A_1035] : memref<2600000x128xf32, #tpu.memory_space<hbm>> -> memref<2600000x128xf32, #tpu.memory_space<hbm>>
    tpu.wait_indirect_dma semaphore(%arg7 : memref<!tpu.dma_semaphore, #tpu.memory_space<semaphore_mem>>) src(%dma_wait3A_1036 : memref<2600000x128xf32, #tpu.memory_space<hbm>>) dst(%dma_wait3A_1030 : memref<128x128xf32, #tpu.memory_space<vmem>>)
    %dma_start3A_1037 = arith.constant 2 : i32
    %dma_start3A_1038 = arith.constant 14 : i32
    %dma_start3A_1039 = arith.constant 0 : i32
    %dma_start3A_1040 = arith.constant 0 : i32
    %dma_start3A_1041 = tpu.memref_slice %arg6[%dma_start3A_1037, %dma_start3A_1039, %dma_start3A_1040] : memref<6x128x128xf32, #tpu.memory_space<vmem>> -> memref<1x128x128xf32, #tpu.memory_space<vmem>>
    %dma_start3A_1042 = tpu.memref_squeeze %dma_start3A_1041 : memref<1x128x128xf32, #tpu.memory_space<vmem>> -> memref<128x128xf32, #tpu.memory_space<vmem>>
    %dma_start3A_1043 = arith.constant 0 : i32
    %dma_start3A_1044 = arith.constant 0 : i32
    %dma_start3A_1045 = tpu.memref_slice %arg4[%dma_start3A_1038, %dma_start3A_1043, %dma_start3A_1044] : memref<26x4096x128xf32, #tpu.memory_space<hbm>> -> memref<1x4096x128xf32, #tpu.memory_space<hbm>>
    %dma_start3A_1046 = tpu.memref_squeeze %dma_start3A_1045 : memref<1x4096x128xf32, #tpu.memory_space<hbm>> -> memref<4096x128xf32, #tpu.memory_space<hbm>>
    %dma_start3A_1047 = arith.constant 0 : i32
    %dma_start3A_1048 = tpu.memref_slice %dma_start3A_1046[%mul3A_2, %dma_start3A_1047] : memref<4096x128xf32, #tpu.memory_space<hbm>> -> memref<128x128xf32, #tpu.memory_space<hbm>>
    %dma_start3A_1049 = arith.constant 0 : i32
    %dma_start3A_1050 = arith.constant 0 : i32
    %dma_start3A_1051 = tpu.memref_slice %arg4[%dma_start3A_1038, %dma_start3A_1049, %dma_start3A_1050] : memref<26x4096x128xf32, #tpu.memory_space<hbm>> -> memref<1x4096x128xf32, #tpu.memory_space<hbm>>
    %dma_start3A_1052 = tpu.memref_squeeze %dma_start3A_1051 : memref<1x4096x128xf32, #tpu.memory_space<hbm>> -> memref<4096x128xf32, #tpu.memory_space<hbm>>
    %dma_start3A_1053 = arith.constant 0 : i32
    %dma_start3A_1054 = tpu.memref_slice %dma_start3A_1052[%mul3A_2, %dma_start3A_1053] : memref<4096x128xf32, #tpu.memory_space<hbm>> -> memref<128x128xf32, #tpu.memory_space<hbm>>
    %dma_start3A_1055 = arith.constant 0 : i32
    %dma_start3A_1056 = arith.constant 0 : i32
    %dma_start3A_1057 = tpu.memref_slice %arg6[%dma_start3A_1037, %dma_start3A_1055, %dma_start3A_1056] : memref<6x128x128xf32, #tpu.memory_space<vmem>> -> memref<1x128x128xf32, #tpu.memory_space<vmem>>
    %dma_start3A_1058 = tpu.memref_squeeze %dma_start3A_1057 : memref<1x128x128xf32, #tpu.memory_space<vmem>> -> memref<128x128xf32, #tpu.memory_space<vmem>>
    tpu.enqueue_dma source(%dma_start3A_1058 : memref<128x128xf32, #tpu.memory_space<vmem>>) target(%dma_start3A_1054 : memref<128x128xf32, #tpu.memory_space<hbm>>) target_semaphore(%arg8 : memref<!tpu.dma_semaphore, #tpu.memory_space<semaphore_mem>>)
    %dma_wait3A_1059 = arith.constant 2 : i32
    %dma_wait3A_1060 = arith.constant 14 : i32
    %dma_wait3A_1061 = arith.constant 0 : i32
    %dma_wait3A_1062 = arith.constant 0 : i32
    %dma_wait3A_1063 = tpu.memref_slice %arg6[%dma_wait3A_1059, %dma_wait3A_1061, %dma_wait3A_1062] : memref<6x128x128xf32, #tpu.memory_space<vmem>> -> memref<1x128x128xf32, #tpu.memory_space<vmem>>
    %dma_wait3A_1064 = tpu.memref_squeeze %dma_wait3A_1063 : memref<1x128x128xf32, #tpu.memory_space<vmem>> -> memref<128x128xf32, #tpu.memory_space<vmem>>
    %dma_wait3A_1065 = arith.constant 0 : i32
    %dma_wait3A_1066 = arith.constant 0 : i32
    %dma_wait3A_1067 = tpu.memref_slice %arg4[%dma_wait3A_1060, %dma_wait3A_1065, %dma_wait3A_1066] : memref<26x4096x128xf32, #tpu.memory_space<hbm>> -> memref<1x4096x128xf32, #tpu.memory_space<hbm>>
    %dma_wait3A_1068 = tpu.memref_squeeze %dma_wait3A_1067 : memref<1x4096x128xf32, #tpu.memory_space<hbm>> -> memref<4096x128xf32, #tpu.memory_space<hbm>>
    %dma_wait3A_1069 = arith.constant 0 : i32
    %dma_wait3A_1070 = tpu.memref_slice %dma_wait3A_1068[%mul3A_2, %dma_wait3A_1069] : memref<4096x128xf32, #tpu.memory_space<hbm>> -> memref<128x128xf32, #tpu.memory_space<hbm>>
    %dma_wait3A_1071 = arith.constant 0 : i32
    %dma_wait3A_1072 = arith.constant 0 : i32
    %dma_wait3A_1073 = tpu.memref_slice %arg4[%dma_wait3A_1060, %dma_wait3A_1071, %dma_wait3A_1072] : memref<26x4096x128xf32, #tpu.memory_space<hbm>> -> memref<1x4096x128xf32, #tpu.memory_space<hbm>>
    %dma_wait3A_1074 = tpu.memref_squeeze %dma_wait3A_1073 : memref<1x4096x128xf32, #tpu.memory_space<hbm>> -> memref<4096x128xf32, #tpu.memory_space<hbm>>
    %dma_wait3A_1075 = arith.constant 0 : i32
    %dma_wait3A_1076 = tpu.memref_slice %dma_wait3A_1074[%mul3A_2, %dma_wait3A_1075] : memref<4096x128xf32, #tpu.memory_space<hbm>> -> memref<128x128xf32, #tpu.memory_space<hbm>>
    %dma_wait3A_1077 = arith.constant 0 : i32
    %dma_wait3A_1078 = arith.constant 0 : i32
    %dma_wait3A_1079 = tpu.memref_slice %arg6[%dma_wait3A_1059, %dma_wait3A_1077, %dma_wait3A_1078] : memref<6x128x128xf32, #tpu.memory_space<vmem>> -> memref<1x128x128xf32, #tpu.memory_space<vmem>>
    %dma_wait3A_1080 = tpu.memref_squeeze %dma_wait3A_1079 : memref<1x128x128xf32, #tpu.memory_space<vmem>> -> memref<128x128xf32, #tpu.memory_space<vmem>>
    tpu.wait_dma2 semaphore(%arg8 : memref<!tpu.dma_semaphore, #tpu.memory_space<semaphore_mem>>) src(%dma_wait3A_1080 : memref<128x128xf32, #tpu.memory_space<vmem>>) dst(%dma_wait3A_1076 : memref<128x128xf32, #tpu.memory_space<hbm>>)
    %dma_start3A_1081 = arith.constant 20 : i32
    %dma_start3A_1082 = arith.constant 2 : i32
    %dma_start3A_1083 = arith.constant 0 : i32
    %dma_start3A_1084 = arith.constant 0 : i32
    %dma_start3A_1085 = tpu.memref_slice %arg6[%dma_start3A_1082, %dma_start3A_1083, %dma_start3A_1084] : memref<6x128x128xf32, #tpu.memory_space<vmem>> -> memref<1x128x128xf32, #tpu.memory_space<vmem>>
    %dma_start3A_1086 = tpu.memref_squeeze %dma_start3A_1085 : memref<1x128x128xf32, #tpu.memory_space<vmem>> -> memref<128x128xf32, #tpu.memory_space<vmem>>
    %dma_start3A_1087 = arith.constant 0 : i32
    %dma_start3A_1088 = tpu.memref_slice %arg5[%dma_start3A_1081, %dma_start3A_1087] : memref<26x128xi32, #tpu.memory_space<vmem>> -> memref<1x128xi32, #tpu.memory_space<vmem>>
    %dma_start3A_1089 = tpu.memref_squeeze %dma_start3A_1088 : memref<1x128xi32, #tpu.memory_space<vmem>> -> memref<128xi32, #tpu.memory_space<vmem>>
    %dma_start3A_1090 = arith.constant 0 : i32
    %dma_start3A_1091 = arith.constant 0 : i32
    %dma_start3A_1092 = tpu.memref_slice %arg2[%dma_start3A_1090, %dma_start3A_1091] : memref<2600000x128xf32, #tpu.memory_space<hbm>> -> memref<2600000x128xf32, #tpu.memory_space<hbm>>
    tpu.enqueue_indirect_dma source(%dma_start3A_1092 : memref<2600000x128xf32, #tpu.memory_space<hbm>>) target(%dma_start3A_1086 : memref<128x128xf32, #tpu.memory_space<vmem>>) offsets(%dma_start3A_1089 : memref<128xi32, #tpu.memory_space<vmem>>) semaphore(%arg7 : memref<!tpu.dma_semaphore, #tpu.memory_space<semaphore_mem>>)
    %dma_wait3A_1093 = arith.constant 15 : i32
    %dma_wait3A_1094 = arith.constant 3 : i32
    %dma_wait3A_1095 = arith.constant 0 : i32
    %dma_wait3A_1096 = arith.constant 0 : i32
    %dma_wait3A_1097 = tpu.memref_slice %arg6[%dma_wait3A_1094, %dma_wait3A_1095, %dma_wait3A_1096] : memref<6x128x128xf32, #tpu.memory_space<vmem>> -> memref<1x128x128xf32, #tpu.memory_space<vmem>>
    %dma_wait3A_1098 = tpu.memref_squeeze %dma_wait3A_1097 : memref<1x128x128xf32, #tpu.memory_space<vmem>> -> memref<128x128xf32, #tpu.memory_space<vmem>>
    %dma_wait3A_1099 = arith.constant 0 : i32
    %dma_wait3A_1100 = tpu.memref_slice %arg5[%dma_wait3A_1093, %dma_wait3A_1099] : memref<26x128xi32, #tpu.memory_space<vmem>> -> memref<1x128xi32, #tpu.memory_space<vmem>>
    %dma_wait3A_1101 = tpu.memref_squeeze %dma_wait3A_1100 : memref<1x128xi32, #tpu.memory_space<vmem>> -> memref<128xi32, #tpu.memory_space<vmem>>
    %dma_wait3A_1102 = arith.constant 0 : i32
    %dma_wait3A_1103 = arith.constant 0 : i32
    %dma_wait3A_1104 = tpu.memref_slice %arg2[%dma_wait3A_1102, %dma_wait3A_1103] : memref<2600000x128xf32, #tpu.memory_space<hbm>> -> memref<2600000x128xf32, #tpu.memory_space<hbm>>
    tpu.wait_indirect_dma semaphore(%arg7 : memref<!tpu.dma_semaphore, #tpu.memory_space<semaphore_mem>>) src(%dma_wait3A_1104 : memref<2600000x128xf32, #tpu.memory_space<hbm>>) dst(%dma_wait3A_1098 : memref<128x128xf32, #tpu.memory_space<vmem>>)
    %dma_start3A_1105 = arith.constant 3 : i32
    %dma_start3A_1106 = arith.constant 15 : i32
    %dma_start3A_1107 = arith.constant 0 : i32
    %dma_start3A_1108 = arith.constant 0 : i32
    %dma_start3A_1109 = tpu.memref_slice %arg6[%dma_start3A_1105, %dma_start3A_1107, %dma_start3A_1108] : memref<6x128x128xf32, #tpu.memory_space<vmem>> -> memref<1x128x128xf32, #tpu.memory_space<vmem>>
    %dma_start3A_1110 = tpu.memref_squeeze %dma_start3A_1109 : memref<1x128x128xf32, #tpu.memory_space<vmem>> -> memref<128x128xf32, #tpu.memory_space<vmem>>
    %dma_start3A_1111 = arith.constant 0 : i32
    %dma_start3A_1112 = arith.constant 0 : i32
    %dma_start3A_1113 = tpu.memref_slice %arg4[%dma_start3A_1106, %dma_start3A_1111, %dma_start3A_1112] : memref<26x4096x128xf32, #tpu.memory_space<hbm>> -> memref<1x4096x128xf32, #tpu.memory_space<hbm>>
    %dma_start3A_1114 = tpu.memref_squeeze %dma_start3A_1113 : memref<1x4096x128xf32, #tpu.memory_space<hbm>> -> memref<4096x128xf32, #tpu.memory_space<hbm>>
    %dma_start3A_1115 = arith.constant 0 : i32
    %dma_start3A_1116 = tpu.memref_slice %dma_start3A_1114[%mul3A_2, %dma_start3A_1115] : memref<4096x128xf32, #tpu.memory_space<hbm>> -> memref<128x128xf32, #tpu.memory_space<hbm>>
    %dma_start3A_1117 = arith.constant 0 : i32
    %dma_start3A_1118 = arith.constant 0 : i32
    %dma_start3A_1119 = tpu.memref_slice %arg4[%dma_start3A_1106, %dma_start3A_1117, %dma_start3A_1118] : memref<26x4096x128xf32, #tpu.memory_space<hbm>> -> memref<1x4096x128xf32, #tpu.memory_space<hbm>>
    %dma_start3A_1120 = tpu.memref_squeeze %dma_start3A_1119 : memref<1x4096x128xf32, #tpu.memory_space<hbm>> -> memref<4096x128xf32, #tpu.memory_space<hbm>>
    %dma_start3A_1121 = arith.constant 0 : i32
    %dma_start3A_1122 = tpu.memref_slice %dma_start3A_1120[%mul3A_2, %dma_start3A_1121] : memref<4096x128xf32, #tpu.memory_space<hbm>> -> memref<128x128xf32, #tpu.memory_space<hbm>>
    %dma_start3A_1123 = arith.constant 0 : i32
    %dma_start3A_1124 = arith.constant 0 : i32
    %dma_start3A_1125 = tpu.memref_slice %arg6[%dma_start3A_1105, %dma_start3A_1123, %dma_start3A_1124] : memref<6x128x128xf32, #tpu.memory_space<vmem>> -> memref<1x128x128xf32, #tpu.memory_space<vmem>>
    %dma_start3A_1126 = tpu.memref_squeeze %dma_start3A_1125 : memref<1x128x128xf32, #tpu.memory_space<vmem>> -> memref<128x128xf32, #tpu.memory_space<vmem>>
    tpu.enqueue_dma source(%dma_start3A_1126 : memref<128x128xf32, #tpu.memory_space<vmem>>) target(%dma_start3A_1122 : memref<128x128xf32, #tpu.memory_space<hbm>>) target_semaphore(%arg8 : memref<!tpu.dma_semaphore, #tpu.memory_space<semaphore_mem>>)
    %dma_wait3A_1127 = arith.constant 3 : i32
    %dma_wait3A_1128 = arith.constant 15 : i32
    %dma_wait3A_1129 = arith.constant 0 : i32
    %dma_wait3A_1130 = arith.constant 0 : i32
    %dma_wait3A_1131 = tpu.memref_slice %arg6[%dma_wait3A_1127, %dma_wait3A_1129, %dma_wait3A_1130] : memref<6x128x128xf32, #tpu.memory_space<vmem>> -> memref<1x128x128xf32, #tpu.memory_space<vmem>>
    %dma_wait3A_1132 = tpu.memref_squeeze %dma_wait3A_1131 : memref<1x128x128xf32, #tpu.memory_space<vmem>> -> memref<128x128xf32, #tpu.memory_space<vmem>>
    %dma_wait3A_1133 = arith.constant 0 : i32
    %dma_wait3A_1134 = arith.constant 0 : i32
    %dma_wait3A_1135 = tpu.memref_slice %arg4[%dma_wait3A_1128, %dma_wait3A_1133, %dma_wait3A_1134] : memref<26x4096x128xf32, #tpu.memory_space<hbm>> -> memref<1x4096x128xf32, #tpu.memory_space<hbm>>
    %dma_wait3A_1136 = tpu.memref_squeeze %dma_wait3A_1135 : memref<1x4096x128xf32, #tpu.memory_space<hbm>> -> memref<4096x128xf32, #tpu.memory_space<hbm>>
    %dma_wait3A_1137 = arith.constant 0 : i32
    %dma_wait3A_1138 = tpu.memref_slice %dma_wait3A_1136[%mul3A_2, %dma_wait3A_1137] : memref<4096x128xf32, #tpu.memory_space<hbm>> -> memref<128x128xf32, #tpu.memory_space<hbm>>
    %dma_wait3A_1139 = arith.constant 0 : i32
    %dma_wait3A_1140 = arith.constant 0 : i32
    %dma_wait3A_1141 = tpu.memref_slice %arg4[%dma_wait3A_1128, %dma_wait3A_1139, %dma_wait3A_1140] : memref<26x4096x128xf32, #tpu.memory_space<hbm>> -> memref<1x4096x128xf32, #tpu.memory_space<hbm>>
    %dma_wait3A_1142 = tpu.memref_squeeze %dma_wait3A_1141 : memref<1x4096x128xf32, #tpu.memory_space<hbm>> -> memref<4096x128xf32, #tpu.memory_space<hbm>>
    %dma_wait3A_1143 = arith.constant 0 : i32
    %dma_wait3A_1144 = tpu.memref_slice %dma_wait3A_1142[%mul3A_2, %dma_wait3A_1143] : memref<4096x128xf32, #tpu.memory_space<hbm>> -> memref<128x128xf32, #tpu.memory_space<hbm>>
    %dma_wait3A_1145 = arith.constant 0 : i32
    %dma_wait3A_1146 = arith.constant 0 : i32
    %dma_wait3A_1147 = tpu.memref_slice %arg6[%dma_wait3A_1127, %dma_wait3A_1145, %dma_wait3A_1146] : memref<6x128x128xf32, #tpu.memory_space<vmem>> -> memref<1x128x128xf32, #tpu.memory_space<vmem>>
    %dma_wait3A_1148 = tpu.memref_squeeze %dma_wait3A_1147 : memref<1x128x128xf32, #tpu.memory_space<vmem>> -> memref<128x128xf32, #tpu.memory_space<vmem>>
    tpu.wait_dma2 semaphore(%arg8 : memref<!tpu.dma_semaphore, #tpu.memory_space<semaphore_mem>>) src(%dma_wait3A_1148 : memref<128x128xf32, #tpu.memory_space<vmem>>) dst(%dma_wait3A_1144 : memref<128x128xf32, #tpu.memory_space<hbm>>)
    %dma_start3A_1149 = arith.constant 21 : i32
    %dma_start3A_1150 = arith.constant 3 : i32
    %dma_start3A_1151 = arith.constant 0 : i32
    %dma_start3A_1152 = arith.constant 0 : i32
    %dma_start3A_1153 = tpu.memref_slice %arg6[%dma_start3A_1150, %dma_start3A_1151, %dma_start3A_1152] : memref<6x128x128xf32, #tpu.memory_space<vmem>> -> memref<1x128x128xf32, #tpu.memory_space<vmem>>
    %dma_start3A_1154 = tpu.memref_squeeze %dma_start3A_1153 : memref<1x128x128xf32, #tpu.memory_space<vmem>> -> memref<128x128xf32, #tpu.memory_space<vmem>>
    %dma_start3A_1155 = arith.constant 0 : i32
    %dma_start3A_1156 = tpu.memref_slice %arg5[%dma_start3A_1149, %dma_start3A_1155] : memref<26x128xi32, #tpu.memory_space<vmem>> -> memref<1x128xi32, #tpu.memory_space<vmem>>
    %dma_start3A_1157 = tpu.memref_squeeze %dma_start3A_1156 : memref<1x128xi32, #tpu.memory_space<vmem>> -> memref<128xi32, #tpu.memory_space<vmem>>
    %dma_start3A_1158 = arith.constant 0 : i32
    %dma_start3A_1159 = arith.constant 0 : i32
    %dma_start3A_1160 = tpu.memref_slice %arg2[%dma_start3A_1158, %dma_start3A_1159] : memref<2600000x128xf32, #tpu.memory_space<hbm>> -> memref<2600000x128xf32, #tpu.memory_space<hbm>>
    tpu.enqueue_indirect_dma source(%dma_start3A_1160 : memref<2600000x128xf32, #tpu.memory_space<hbm>>) target(%dma_start3A_1154 : memref<128x128xf32, #tpu.memory_space<vmem>>) offsets(%dma_start3A_1157 : memref<128xi32, #tpu.memory_space<vmem>>) semaphore(%arg7 : memref<!tpu.dma_semaphore, #tpu.memory_space<semaphore_mem>>)
    %dma_wait3A_1161 = arith.constant 16 : i32
    %dma_wait3A_1162 = arith.constant 4 : i32
    %dma_wait3A_1163 = arith.constant 0 : i32
    %dma_wait3A_1164 = arith.constant 0 : i32
    %dma_wait3A_1165 = tpu.memref_slice %arg6[%dma_wait3A_1162, %dma_wait3A_1163, %dma_wait3A_1164] : memref<6x128x128xf32, #tpu.memory_space<vmem>> -> memref<1x128x128xf32, #tpu.memory_space<vmem>>
    %dma_wait3A_1166 = tpu.memref_squeeze %dma_wait3A_1165 : memref<1x128x128xf32, #tpu.memory_space<vmem>> -> memref<128x128xf32, #tpu.memory_space<vmem>>
    %dma_wait3A_1167 = arith.constant 0 : i32
    %dma_wait3A_1168 = tpu.memref_slice %arg5[%dma_wait3A_1161, %dma_wait3A_1167] : memref<26x128xi32, #tpu.memory_space<vmem>> -> memref<1x128xi32, #tpu.memory_space<vmem>>
    %dma_wait3A_1169 = tpu.memref_squeeze %dma_wait3A_1168 : memref<1x128xi32, #tpu.memory_space<vmem>> -> memref<128xi32, #tpu.memory_space<vmem>>
    %dma_wait3A_1170 = arith.constant 0 : i32
    %dma_wait3A_1171 = arith.constant 0 : i32
    %dma_wait3A_1172 = tpu.memref_slice %arg2[%dma_wait3A_1170, %dma_wait3A_1171] : memref<2600000x128xf32, #tpu.memory_space<hbm>> -> memref<2600000x128xf32, #tpu.memory_space<hbm>>
    tpu.wait_indirect_dma semaphore(%arg7 : memref<!tpu.dma_semaphore, #tpu.memory_space<semaphore_mem>>) src(%dma_wait3A_1172 : memref<2600000x128xf32, #tpu.memory_space<hbm>>) dst(%dma_wait3A_1166 : memref<128x128xf32, #tpu.memory_space<vmem>>)
    %dma_start3A_1173 = arith.constant 4 : i32
    %dma_start3A_1174 = arith.constant 16 : i32
    %dma_start3A_1175 = arith.constant 0 : i32
    %dma_start3A_1176 = arith.constant 0 : i32
    %dma_start3A_1177 = tpu.memref_slice %arg6[%dma_start3A_1173, %dma_start3A_1175, %dma_start3A_1176] : memref<6x128x128xf32, #tpu.memory_space<vmem>> -> memref<1x128x128xf32, #tpu.memory_space<vmem>>
    %dma_start3A_1178 = tpu.memref_squeeze %dma_start3A_1177 : memref<1x128x128xf32, #tpu.memory_space<vmem>> -> memref<128x128xf32, #tpu.memory_space<vmem>>
    %dma_start3A_1179 = arith.constant 0 : i32
    %dma_start3A_1180 = arith.constant 0 : i32
    %dma_start3A_1181 = tpu.memref_slice %arg4[%dma_start3A_1174, %dma_start3A_1179, %dma_start3A_1180] : memref<26x4096x128xf32, #tpu.memory_space<hbm>> -> memref<1x4096x128xf32, #tpu.memory_space<hbm>>
    %dma_start3A_1182 = tpu.memref_squeeze %dma_start3A_1181 : memref<1x4096x128xf32, #tpu.memory_space<hbm>> -> memref<4096x128xf32, #tpu.memory_space<hbm>>
    %dma_start3A_1183 = arith.constant 0 : i32
    %dma_start3A_1184 = tpu.memref_slice %dma_start3A_1182[%mul3A_2, %dma_start3A_1183] : memref<4096x128xf32, #tpu.memory_space<hbm>> -> memref<128x128xf32, #tpu.memory_space<hbm>>
    %dma_start3A_1185 = arith.constant 0 : i32
    %dma_start3A_1186 = arith.constant 0 : i32
    %dma_start3A_1187 = tpu.memref_slice %arg4[%dma_start3A_1174, %dma_start3A_1185, %dma_start3A_1186] : memref<26x4096x128xf32, #tpu.memory_space<hbm>> -> memref<1x4096x128xf32, #tpu.memory_space<hbm>>
    %dma_start3A_1188 = tpu.memref_squeeze %dma_start3A_1187 : memref<1x4096x128xf32, #tpu.memory_space<hbm>> -> memref<4096x128xf32, #tpu.memory_space<hbm>>
    %dma_start3A_1189 = arith.constant 0 : i32
    %dma_start3A_1190 = tpu.memref_slice %dma_start3A_1188[%mul3A_2, %dma_start3A_1189] : memref<4096x128xf32, #tpu.memory_space<hbm>> -> memref<128x128xf32, #tpu.memory_space<hbm>>
    %dma_start3A_1191 = arith.constant 0 : i32
    %dma_start3A_1192 = arith.constant 0 : i32
    %dma_start3A_1193 = tpu.memref_slice %arg6[%dma_start3A_1173, %dma_start3A_1191, %dma_start3A_1192] : memref<6x128x128xf32, #tpu.memory_space<vmem>> -> memref<1x128x128xf32, #tpu.memory_space<vmem>>
    %dma_start3A_1194 = tpu.memref_squeeze %dma_start3A_1193 : memref<1x128x128xf32, #tpu.memory_space<vmem>> -> memref<128x128xf32, #tpu.memory_space<vmem>>
    tpu.enqueue_dma source(%dma_start3A_1194 : memref<128x128xf32, #tpu.memory_space<vmem>>) target(%dma_start3A_1190 : memref<128x128xf32, #tpu.memory_space<hbm>>) target_semaphore(%arg8 : memref<!tpu.dma_semaphore, #tpu.memory_space<semaphore_mem>>)
    %dma_wait3A_1195 = arith.constant 4 : i32
    %dma_wait3A_1196 = arith.constant 16 : i32
    %dma_wait3A_1197 = arith.constant 0 : i32
    %dma_wait3A_1198 = arith.constant 0 : i32
    %dma_wait3A_1199 = tpu.memref_slice %arg6[%dma_wait3A_1195, %dma_wait3A_1197, %dma_wait3A_1198] : memref<6x128x128xf32, #tpu.memory_space<vmem>> -> memref<1x128x128xf32, #tpu.memory_space<vmem>>
    %dma_wait3A_1200 = tpu.memref_squeeze %dma_wait3A_1199 : memref<1x128x128xf32, #tpu.memory_space<vmem>> -> memref<128x128xf32, #tpu.memory_space<vmem>>
    %dma_wait3A_1201 = arith.constant 0 : i32
    %dma_wait3A_1202 = arith.constant 0 : i32
    %dma_wait3A_1203 = tpu.memref_slice %arg4[%dma_wait3A_1196, %dma_wait3A_1201, %dma_wait3A_1202] : memref<26x4096x128xf32, #tpu.memory_space<hbm>> -> memref<1x4096x128xf32, #tpu.memory_space<hbm>>
    %dma_wait3A_1204 = tpu.memref_squeeze %dma_wait3A_1203 : memref<1x4096x128xf32, #tpu.memory_space<hbm>> -> memref<4096x128xf32, #tpu.memory_space<hbm>>
    %dma_wait3A_1205 = arith.constant 0 : i32
    %dma_wait3A_1206 = tpu.memref_slice %dma_wait3A_1204[%mul3A_2, %dma_wait3A_1205] : memref<4096x128xf32, #tpu.memory_space<hbm>> -> memref<128x128xf32, #tpu.memory_space<hbm>>
    %dma_wait3A_1207 = arith.constant 0 : i32
    %dma_wait3A_1208 = arith.constant 0 : i32
    %dma_wait3A_1209 = tpu.memref_slice %arg4[%dma_wait3A_1196, %dma_wait3A_1207, %dma_wait3A_1208] : memref<26x4096x128xf32, #tpu.memory_space<hbm>> -> memref<1x4096x128xf32, #tpu.memory_space<hbm>>
    %dma_wait3A_1210 = tpu.memref_squeeze %dma_wait3A_1209 : memref<1x4096x128xf32, #tpu.memory_space<hbm>> -> memref<4096x128xf32, #tpu.memory_space<hbm>>
    %dma_wait3A_1211 = arith.constant 0 : i32
    %dma_wait3A_1212 = tpu.memref_slice %dma_wait3A_1210[%mul3A_2, %dma_wait3A_1211] : memref<4096x128xf32, #tpu.memory_space<hbm>> -> memref<128x128xf32, #tpu.memory_space<hbm>>
    %dma_wait3A_1213 = arith.constant 0 : i32
    %dma_wait3A_1214 = arith.constant 0 : i32
    %dma_wait3A_1215 = tpu.memref_slice %arg6[%dma_wait3A_1195, %dma_wait3A_1213, %dma_wait3A_1214] : memref<6x128x128xf32, #tpu.memory_space<vmem>> -> memref<1x128x128xf32, #tpu.memory_space<vmem>>
    %dma_wait3A_1216 = tpu.memref_squeeze %dma_wait3A_1215 : memref<1x128x128xf32, #tpu.memory_space<vmem>> -> memref<128x128xf32, #tpu.memory_space<vmem>>
    tpu.wait_dma2 semaphore(%arg8 : memref<!tpu.dma_semaphore, #tpu.memory_space<semaphore_mem>>) src(%dma_wait3A_1216 : memref<128x128xf32, #tpu.memory_space<vmem>>) dst(%dma_wait3A_1212 : memref<128x128xf32, #tpu.memory_space<hbm>>)
    %dma_start3A_1217 = arith.constant 22 : i32
    %dma_start3A_1218 = arith.constant 4 : i32
    %dma_start3A_1219 = arith.constant 0 : i32
    %dma_start3A_1220 = arith.constant 0 : i32
    %dma_start3A_1221 = tpu.memref_slice %arg6[%dma_start3A_1218, %dma_start3A_1219, %dma_start3A_1220] : memref<6x128x128xf32, #tpu.memory_space<vmem>> -> memref<1x128x128xf32, #tpu.memory_space<vmem>>
    %dma_start3A_1222 = tpu.memref_squeeze %dma_start3A_1221 : memref<1x128x128xf32, #tpu.memory_space<vmem>> -> memref<128x128xf32, #tpu.memory_space<vmem>>
    %dma_start3A_1223 = arith.constant 0 : i32
    %dma_start3A_1224 = tpu.memref_slice %arg5[%dma_start3A_1217, %dma_start3A_1223] : memref<26x128xi32, #tpu.memory_space<vmem>> -> memref<1x128xi32, #tpu.memory_space<vmem>>
    %dma_start3A_1225 = tpu.memref_squeeze %dma_start3A_1224 : memref<1x128xi32, #tpu.memory_space<vmem>> -> memref<128xi32, #tpu.memory_space<vmem>>
    %dma_start3A_1226 = arith.constant 0 : i32
    %dma_start3A_1227 = arith.constant 0 : i32
    %dma_start3A_1228 = tpu.memref_slice %arg2[%dma_start3A_1226, %dma_start3A_1227] : memref<2600000x128xf32, #tpu.memory_space<hbm>> -> memref<2600000x128xf32, #tpu.memory_space<hbm>>
    tpu.enqueue_indirect_dma source(%dma_start3A_1228 : memref<2600000x128xf32, #tpu.memory_space<hbm>>) target(%dma_start3A_1222 : memref<128x128xf32, #tpu.memory_space<vmem>>) offsets(%dma_start3A_1225 : memref<128xi32, #tpu.memory_space<vmem>>) semaphore(%arg7 : memref<!tpu.dma_semaphore, #tpu.memory_space<semaphore_mem>>)
    %dma_wait3A_1229 = arith.constant 17 : i32
    %dma_wait3A_1230 = arith.constant 5 : i32
    %dma_wait3A_1231 = arith.constant 0 : i32
    %dma_wait3A_1232 = arith.constant 0 : i32
    %dma_wait3A_1233 = tpu.memref_slice %arg6[%dma_wait3A_1230, %dma_wait3A_1231, %dma_wait3A_1232] : memref<6x128x128xf32, #tpu.memory_space<vmem>> -> memref<1x128x128xf32, #tpu.memory_space<vmem>>
    %dma_wait3A_1234 = tpu.memref_squeeze %dma_wait3A_1233 : memref<1x128x128xf32, #tpu.memory_space<vmem>> -> memref<128x128xf32, #tpu.memory_space<vmem>>
    %dma_wait3A_1235 = arith.constant 0 : i32
    %dma_wait3A_1236 = tpu.memref_slice %arg5[%dma_wait3A_1229, %dma_wait3A_1235] : memref<26x128xi32, #tpu.memory_space<vmem>> -> memref<1x128xi32, #tpu.memory_space<vmem>>
    %dma_wait3A_1237 = tpu.memref_squeeze %dma_wait3A_1236 : memref<1x128xi32, #tpu.memory_space<vmem>> -> memref<128xi32, #tpu.memory_space<vmem>>
    %dma_wait3A_1238 = arith.constant 0 : i32
    %dma_wait3A_1239 = arith.constant 0 : i32
    %dma_wait3A_1240 = tpu.memref_slice %arg2[%dma_wait3A_1238, %dma_wait3A_1239] : memref<2600000x128xf32, #tpu.memory_space<hbm>> -> memref<2600000x128xf32, #tpu.memory_space<hbm>>
    tpu.wait_indirect_dma semaphore(%arg7 : memref<!tpu.dma_semaphore, #tpu.memory_space<semaphore_mem>>) src(%dma_wait3A_1240 : memref<2600000x128xf32, #tpu.memory_space<hbm>>) dst(%dma_wait3A_1234 : memref<128x128xf32, #tpu.memory_space<vmem>>)
    %dma_start3A_1241 = arith.constant 5 : i32
    %dma_start3A_1242 = arith.constant 17 : i32
    %dma_start3A_1243 = arith.constant 0 : i32
    %dma_start3A_1244 = arith.constant 0 : i32
    %dma_start3A_1245 = tpu.memref_slice %arg6[%dma_start3A_1241, %dma_start3A_1243, %dma_start3A_1244] : memref<6x128x128xf32, #tpu.memory_space<vmem>> -> memref<1x128x128xf32, #tpu.memory_space<vmem>>
    %dma_start3A_1246 = tpu.memref_squeeze %dma_start3A_1245 : memref<1x128x128xf32, #tpu.memory_space<vmem>> -> memref<128x128xf32, #tpu.memory_space<vmem>>
    %dma_start3A_1247 = arith.constant 0 : i32
    %dma_start3A_1248 = arith.constant 0 : i32
    %dma_start3A_1249 = tpu.memref_slice %arg4[%dma_start3A_1242, %dma_start3A_1247, %dma_start3A_1248] : memref<26x4096x128xf32, #tpu.memory_space<hbm>> -> memref<1x4096x128xf32, #tpu.memory_space<hbm>>
    %dma_start3A_1250 = tpu.memref_squeeze %dma_start3A_1249 : memref<1x4096x128xf32, #tpu.memory_space<hbm>> -> memref<4096x128xf32, #tpu.memory_space<hbm>>
    %dma_start3A_1251 = arith.constant 0 : i32
    %dma_start3A_1252 = tpu.memref_slice %dma_start3A_1250[%mul3A_2, %dma_start3A_1251] : memref<4096x128xf32, #tpu.memory_space<hbm>> -> memref<128x128xf32, #tpu.memory_space<hbm>>
    %dma_start3A_1253 = arith.constant 0 : i32
    %dma_start3A_1254 = arith.constant 0 : i32
    %dma_start3A_1255 = tpu.memref_slice %arg4[%dma_start3A_1242, %dma_start3A_1253, %dma_start3A_1254] : memref<26x4096x128xf32, #tpu.memory_space<hbm>> -> memref<1x4096x128xf32, #tpu.memory_space<hbm>>
    %dma_start3A_1256 = tpu.memref_squeeze %dma_start3A_1255 : memref<1x4096x128xf32, #tpu.memory_space<hbm>> -> memref<4096x128xf32, #tpu.memory_space<hbm>>
    %dma_start3A_1257 = arith.constant 0 : i32
    %dma_start3A_1258 = tpu.memref_slice %dma_start3A_1256[%mul3A_2, %dma_start3A_1257] : memref<4096x128xf32, #tpu.memory_space<hbm>> -> memref<128x128xf32, #tpu.memory_space<hbm>>
    %dma_start3A_1259 = arith.constant 0 : i32
    %dma_start3A_1260 = arith.constant 0 : i32
    %dma_start3A_1261 = tpu.memref_slice %arg6[%dma_start3A_1241, %dma_start3A_1259, %dma_start3A_1260] : memref<6x128x128xf32, #tpu.memory_space<vmem>> -> memref<1x128x128xf32, #tpu.memory_space<vmem>>
    %dma_start3A_1262 = tpu.memref_squeeze %dma_start3A_1261 : memref<1x128x128xf32, #tpu.memory_space<vmem>> -> memref<128x128xf32, #tpu.memory_space<vmem>>
    tpu.enqueue_dma source(%dma_start3A_1262 : memref<128x128xf32, #tpu.memory_space<vmem>>) target(%dma_start3A_1258 : memref<128x128xf32, #tpu.memory_space<hbm>>) target_semaphore(%arg8 : memref<!tpu.dma_semaphore, #tpu.memory_space<semaphore_mem>>)
    %dma_wait3A_1263 = arith.constant 5 : i32
    %dma_wait3A_1264 = arith.constant 17 : i32
    %dma_wait3A_1265 = arith.constant 0 : i32
    %dma_wait3A_1266 = arith.constant 0 : i32
    %dma_wait3A_1267 = tpu.memref_slice %arg6[%dma_wait3A_1263, %dma_wait3A_1265, %dma_wait3A_1266] : memref<6x128x128xf32, #tpu.memory_space<vmem>> -> memref<1x128x128xf32, #tpu.memory_space<vmem>>
    %dma_wait3A_1268 = tpu.memref_squeeze %dma_wait3A_1267 : memref<1x128x128xf32, #tpu.memory_space<vmem>> -> memref<128x128xf32, #tpu.memory_space<vmem>>
    %dma_wait3A_1269 = arith.constant 0 : i32
    %dma_wait3A_1270 = arith.constant 0 : i32
    %dma_wait3A_1271 = tpu.memref_slice %arg4[%dma_wait3A_1264, %dma_wait3A_1269, %dma_wait3A_1270] : memref<26x4096x128xf32, #tpu.memory_space<hbm>> -> memref<1x4096x128xf32, #tpu.memory_space<hbm>>
    %dma_wait3A_1272 = tpu.memref_squeeze %dma_wait3A_1271 : memref<1x4096x128xf32, #tpu.memory_space<hbm>> -> memref<4096x128xf32, #tpu.memory_space<hbm>>
    %dma_wait3A_1273 = arith.constant 0 : i32
    %dma_wait3A_1274 = tpu.memref_slice %dma_wait3A_1272[%mul3A_2, %dma_wait3A_1273] : memref<4096x128xf32, #tpu.memory_space<hbm>> -> memref<128x128xf32, #tpu.memory_space<hbm>>
    %dma_wait3A_1275 = arith.constant 0 : i32
    %dma_wait3A_1276 = arith.constant 0 : i32
    %dma_wait3A_1277 = tpu.memref_slice %arg4[%dma_wait3A_1264, %dma_wait3A_1275, %dma_wait3A_1276] : memref<26x4096x128xf32, #tpu.memory_space<hbm>> -> memref<1x4096x128xf32, #tpu.memory_space<hbm>>
    %dma_wait3A_1278 = tpu.memref_squeeze %dma_wait3A_1277 : memref<1x4096x128xf32, #tpu.memory_space<hbm>> -> memref<4096x128xf32, #tpu.memory_space<hbm>>
    %dma_wait3A_1279 = arith.constant 0 : i32
    %dma_wait3A_1280 = tpu.memref_slice %dma_wait3A_1278[%mul3A_2, %dma_wait3A_1279] : memref<4096x128xf32, #tpu.memory_space<hbm>> -> memref<128x128xf32, #tpu.memory_space<hbm>>
    %dma_wait3A_1281 = arith.constant 0 : i32
    %dma_wait3A_1282 = arith.constant 0 : i32
    %dma_wait3A_1283 = tpu.memref_slice %arg6[%dma_wait3A_1263, %dma_wait3A_1281, %dma_wait3A_1282] : memref<6x128x128xf32, #tpu.memory_space<vmem>> -> memref<1x128x128xf32, #tpu.memory_space<vmem>>
    %dma_wait3A_1284 = tpu.memref_squeeze %dma_wait3A_1283 : memref<1x128x128xf32, #tpu.memory_space<vmem>> -> memref<128x128xf32, #tpu.memory_space<vmem>>
    tpu.wait_dma2 semaphore(%arg8 : memref<!tpu.dma_semaphore, #tpu.memory_space<semaphore_mem>>) src(%dma_wait3A_1284 : memref<128x128xf32, #tpu.memory_space<vmem>>) dst(%dma_wait3A_1280 : memref<128x128xf32, #tpu.memory_space<hbm>>)
    %dma_start3A_1285 = arith.constant 23 : i32
    %dma_start3A_1286 = arith.constant 5 : i32
    %dma_start3A_1287 = arith.constant 0 : i32
    %dma_start3A_1288 = arith.constant 0 : i32
    %dma_start3A_1289 = tpu.memref_slice %arg6[%dma_start3A_1286, %dma_start3A_1287, %dma_start3A_1288] : memref<6x128x128xf32, #tpu.memory_space<vmem>> -> memref<1x128x128xf32, #tpu.memory_space<vmem>>
    %dma_start3A_1290 = tpu.memref_squeeze %dma_start3A_1289 : memref<1x128x128xf32, #tpu.memory_space<vmem>> -> memref<128x128xf32, #tpu.memory_space<vmem>>
    %dma_start3A_1291 = arith.constant 0 : i32
    %dma_start3A_1292 = tpu.memref_slice %arg5[%dma_start3A_1285, %dma_start3A_1291] : memref<26x128xi32, #tpu.memory_space<vmem>> -> memref<1x128xi32, #tpu.memory_space<vmem>>
    %dma_start3A_1293 = tpu.memref_squeeze %dma_start3A_1292 : memref<1x128xi32, #tpu.memory_space<vmem>> -> memref<128xi32, #tpu.memory_space<vmem>>
    %dma_start3A_1294 = arith.constant 0 : i32
    %dma_start3A_1295 = arith.constant 0 : i32
    %dma_start3A_1296 = tpu.memref_slice %arg2[%dma_start3A_1294, %dma_start3A_1295] : memref<2600000x128xf32, #tpu.memory_space<hbm>> -> memref<2600000x128xf32, #tpu.memory_space<hbm>>
    tpu.enqueue_indirect_dma source(%dma_start3A_1296 : memref<2600000x128xf32, #tpu.memory_space<hbm>>) target(%dma_start3A_1290 : memref<128x128xf32, #tpu.memory_space<vmem>>) offsets(%dma_start3A_1293 : memref<128xi32, #tpu.memory_space<vmem>>) semaphore(%arg7 : memref<!tpu.dma_semaphore, #tpu.memory_space<semaphore_mem>>)
    %dma_wait3A_1297 = arith.constant 18 : i32
    %dma_wait3A_1298 = arith.constant 0 : i32
    %dma_wait3A_1299 = arith.constant 0 : i32
    %dma_wait3A_1300 = arith.constant 0 : i32
    %dma_wait3A_1301 = tpu.memref_slice %arg6[%dma_wait3A_1298, %dma_wait3A_1299, %dma_wait3A_1300] : memref<6x128x128xf32, #tpu.memory_space<vmem>> -> memref<1x128x128xf32, #tpu.memory_space<vmem>>
    %dma_wait3A_1302 = tpu.memref_squeeze %dma_wait3A_1301 : memref<1x128x128xf32, #tpu.memory_space<vmem>> -> memref<128x128xf32, #tpu.memory_space<vmem>>
    %dma_wait3A_1303 = arith.constant 0 : i32
    %dma_wait3A_1304 = tpu.memref_slice %arg5[%dma_wait3A_1297, %dma_wait3A_1303] : memref<26x128xi32, #tpu.memory_space<vmem>> -> memref<1x128xi32, #tpu.memory_space<vmem>>
    %dma_wait3A_1305 = tpu.memref_squeeze %dma_wait3A_1304 : memref<1x128xi32, #tpu.memory_space<vmem>> -> memref<128xi32, #tpu.memory_space<vmem>>
    %dma_wait3A_1306 = arith.constant 0 : i32
    %dma_wait3A_1307 = arith.constant 0 : i32
    %dma_wait3A_1308 = tpu.memref_slice %arg2[%dma_wait3A_1306, %dma_wait3A_1307] : memref<2600000x128xf32, #tpu.memory_space<hbm>> -> memref<2600000x128xf32, #tpu.memory_space<hbm>>
    tpu.wait_indirect_dma semaphore(%arg7 : memref<!tpu.dma_semaphore, #tpu.memory_space<semaphore_mem>>) src(%dma_wait3A_1308 : memref<2600000x128xf32, #tpu.memory_space<hbm>>) dst(%dma_wait3A_1302 : memref<128x128xf32, #tpu.memory_space<vmem>>)
    %dma_start3A_1309 = arith.constant 0 : i32
    %dma_start3A_1310 = arith.constant 18 : i32
    %dma_start3A_1311 = arith.constant 0 : i32
    %dma_start3A_1312 = arith.constant 0 : i32
    %dma_start3A_1313 = tpu.memref_slice %arg6[%dma_start3A_1309, %dma_start3A_1311, %dma_start3A_1312] : memref<6x128x128xf32, #tpu.memory_space<vmem>> -> memref<1x128x128xf32, #tpu.memory_space<vmem>>
    %dma_start3A_1314 = tpu.memref_squeeze %dma_start3A_1313 : memref<1x128x128xf32, #tpu.memory_space<vmem>> -> memref<128x128xf32, #tpu.memory_space<vmem>>
    %dma_start3A_1315 = arith.constant 0 : i32
    %dma_start3A_1316 = arith.constant 0 : i32
    %dma_start3A_1317 = tpu.memref_slice %arg4[%dma_start3A_1310, %dma_start3A_1315, %dma_start3A_1316] : memref<26x4096x128xf32, #tpu.memory_space<hbm>> -> memref<1x4096x128xf32, #tpu.memory_space<hbm>>
    %dma_start3A_1318 = tpu.memref_squeeze %dma_start3A_1317 : memref<1x4096x128xf32, #tpu.memory_space<hbm>> -> memref<4096x128xf32, #tpu.memory_space<hbm>>
    %dma_start3A_1319 = arith.constant 0 : i32
    %dma_start3A_1320 = tpu.memref_slice %dma_start3A_1318[%mul3A_2, %dma_start3A_1319] : memref<4096x128xf32, #tpu.memory_space<hbm>> -> memref<128x128xf32, #tpu.memory_space<hbm>>
    %dma_start3A_1321 = arith.constant 0 : i32
    %dma_start3A_1322 = arith.constant 0 : i32
    %dma_start3A_1323 = tpu.memref_slice %arg4[%dma_start3A_1310, %dma_start3A_1321, %dma_start3A_1322] : memref<26x4096x128xf32, #tpu.memory_space<hbm>> -> memref<1x4096x128xf32, #tpu.memory_space<hbm>>
    %dma_start3A_1324 = tpu.memref_squeeze %dma_start3A_1323 : memref<1x4096x128xf32, #tpu.memory_space<hbm>> -> memref<4096x128xf32, #tpu.memory_space<hbm>>
    %dma_start3A_1325 = arith.constant 0 : i32
    %dma_start3A_1326 = tpu.memref_slice %dma_start3A_1324[%mul3A_2, %dma_start3A_1325] : memref<4096x128xf32, #tpu.memory_space<hbm>> -> memref<128x128xf32, #tpu.memory_space<hbm>>
    %dma_start3A_1327 = arith.constant 0 : i32
    %dma_start3A_1328 = arith.constant 0 : i32
    %dma_start3A_1329 = tpu.memref_slice %arg6[%dma_start3A_1309, %dma_start3A_1327, %dma_start3A_1328] : memref<6x128x128xf32, #tpu.memory_space<vmem>> -> memref<1x128x128xf32, #tpu.memory_space<vmem>>
    %dma_start3A_1330 = tpu.memref_squeeze %dma_start3A_1329 : memref<1x128x128xf32, #tpu.memory_space<vmem>> -> memref<128x128xf32, #tpu.memory_space<vmem>>
    tpu.enqueue_dma source(%dma_start3A_1330 : memref<128x128xf32, #tpu.memory_space<vmem>>) target(%dma_start3A_1326 : memref<128x128xf32, #tpu.memory_space<hbm>>) target_semaphore(%arg8 : memref<!tpu.dma_semaphore, #tpu.memory_space<semaphore_mem>>)
    %dma_wait3A_1331 = arith.constant 0 : i32
    %dma_wait3A_1332 = arith.constant 18 : i32
    %dma_wait3A_1333 = arith.constant 0 : i32
    %dma_wait3A_1334 = arith.constant 0 : i32
    %dma_wait3A_1335 = tpu.memref_slice %arg6[%dma_wait3A_1331, %dma_wait3A_1333, %dma_wait3A_1334] : memref<6x128x128xf32, #tpu.memory_space<vmem>> -> memref<1x128x128xf32, #tpu.memory_space<vmem>>
    %dma_wait3A_1336 = tpu.memref_squeeze %dma_wait3A_1335 : memref<1x128x128xf32, #tpu.memory_space<vmem>> -> memref<128x128xf32, #tpu.memory_space<vmem>>
    %dma_wait3A_1337 = arith.constant 0 : i32
    %dma_wait3A_1338 = arith.constant 0 : i32
    %dma_wait3A_1339 = tpu.memref_slice %arg4[%dma_wait3A_1332, %dma_wait3A_1337, %dma_wait3A_1338] : memref<26x4096x128xf32, #tpu.memory_space<hbm>> -> memref<1x4096x128xf32, #tpu.memory_space<hbm>>
    %dma_wait3A_1340 = tpu.memref_squeeze %dma_wait3A_1339 : memref<1x4096x128xf32, #tpu.memory_space<hbm>> -> memref<4096x128xf32, #tpu.memory_space<hbm>>
    %dma_wait3A_1341 = arith.constant 0 : i32
    %dma_wait3A_1342 = tpu.memref_slice %dma_wait3A_1340[%mul3A_2, %dma_wait3A_1341] : memref<4096x128xf32, #tpu.memory_space<hbm>> -> memref<128x128xf32, #tpu.memory_space<hbm>>
    %dma_wait3A_1343 = arith.constant 0 : i32
    %dma_wait3A_1344 = arith.constant 0 : i32
    %dma_wait3A_1345 = tpu.memref_slice %arg4[%dma_wait3A_1332, %dma_wait3A_1343, %dma_wait3A_1344] : memref<26x4096x128xf32, #tpu.memory_space<hbm>> -> memref<1x4096x128xf32, #tpu.memory_space<hbm>>
    %dma_wait3A_1346 = tpu.memref_squeeze %dma_wait3A_1345 : memref<1x4096x128xf32, #tpu.memory_space<hbm>> -> memref<4096x128xf32, #tpu.memory_space<hbm>>
    %dma_wait3A_1347 = arith.constant 0 : i32
    %dma_wait3A_1348 = tpu.memref_slice %dma_wait3A_1346[%mul3A_2, %dma_wait3A_1347] : memref<4096x128xf32, #tpu.memory_space<hbm>> -> memref<128x128xf32, #tpu.memory_space<hbm>>
    %dma_wait3A_1349 = arith.constant 0 : i32
    %dma_wait3A_1350 = arith.constant 0 : i32
    %dma_wait3A_1351 = tpu.memref_slice %arg6[%dma_wait3A_1331, %dma_wait3A_1349, %dma_wait3A_1350] : memref<6x128x128xf32, #tpu.memory_space<vmem>> -> memref<1x128x128xf32, #tpu.memory_space<vmem>>
    %dma_wait3A_1352 = tpu.memref_squeeze %dma_wait3A_1351 : memref<1x128x128xf32, #tpu.memory_space<vmem>> -> memref<128x128xf32, #tpu.memory_space<vmem>>
    tpu.wait_dma2 semaphore(%arg8 : memref<!tpu.dma_semaphore, #tpu.memory_space<semaphore_mem>>) src(%dma_wait3A_1352 : memref<128x128xf32, #tpu.memory_space<vmem>>) dst(%dma_wait3A_1348 : memref<128x128xf32, #tpu.memory_space<hbm>>)
    %dma_start3A_1353 = arith.constant 24 : i32
    %dma_start3A_1354 = arith.constant 0 : i32
    %dma_start3A_1355 = arith.constant 0 : i32
    %dma_start3A_1356 = arith.constant 0 : i32
    %dma_start3A_1357 = tpu.memref_slice %arg6[%dma_start3A_1354, %dma_start3A_1355, %dma_start3A_1356] : memref<6x128x128xf32, #tpu.memory_space<vmem>> -> memref<1x128x128xf32, #tpu.memory_space<vmem>>
    %dma_start3A_1358 = tpu.memref_squeeze %dma_start3A_1357 : memref<1x128x128xf32, #tpu.memory_space<vmem>> -> memref<128x128xf32, #tpu.memory_space<vmem>>
    %dma_start3A_1359 = arith.constant 0 : i32
    %dma_start3A_1360 = tpu.memref_slice %arg5[%dma_start3A_1353, %dma_start3A_1359] : memref<26x128xi32, #tpu.memory_space<vmem>> -> memref<1x128xi32, #tpu.memory_space<vmem>>
    %dma_start3A_1361 = tpu.memref_squeeze %dma_start3A_1360 : memref<1x128xi32, #tpu.memory_space<vmem>> -> memref<128xi32, #tpu.memory_space<vmem>>
    %dma_start3A_1362 = arith.constant 0 : i32
    %dma_start3A_1363 = arith.constant 0 : i32
    %dma_start3A_1364 = tpu.memref_slice %arg2[%dma_start3A_1362, %dma_start3A_1363] : memref<2600000x128xf32, #tpu.memory_space<hbm>> -> memref<2600000x128xf32, #tpu.memory_space<hbm>>
    tpu.enqueue_indirect_dma source(%dma_start3A_1364 : memref<2600000x128xf32, #tpu.memory_space<hbm>>) target(%dma_start3A_1358 : memref<128x128xf32, #tpu.memory_space<vmem>>) offsets(%dma_start3A_1361 : memref<128xi32, #tpu.memory_space<vmem>>) semaphore(%arg7 : memref<!tpu.dma_semaphore, #tpu.memory_space<semaphore_mem>>)
    %dma_wait3A_1365 = arith.constant 19 : i32
    %dma_wait3A_1366 = arith.constant 1 : i32
    %dma_wait3A_1367 = arith.constant 0 : i32
    %dma_wait3A_1368 = arith.constant 0 : i32
    %dma_wait3A_1369 = tpu.memref_slice %arg6[%dma_wait3A_1366, %dma_wait3A_1367, %dma_wait3A_1368] : memref<6x128x128xf32, #tpu.memory_space<vmem>> -> memref<1x128x128xf32, #tpu.memory_space<vmem>>
    %dma_wait3A_1370 = tpu.memref_squeeze %dma_wait3A_1369 : memref<1x128x128xf32, #tpu.memory_space<vmem>> -> memref<128x128xf32, #tpu.memory_space<vmem>>
    %dma_wait3A_1371 = arith.constant 0 : i32
    %dma_wait3A_1372 = tpu.memref_slice %arg5[%dma_wait3A_1365, %dma_wait3A_1371] : memref<26x128xi32, #tpu.memory_space<vmem>> -> memref<1x128xi32, #tpu.memory_space<vmem>>
    %dma_wait3A_1373 = tpu.memref_squeeze %dma_wait3A_1372 : memref<1x128xi32, #tpu.memory_space<vmem>> -> memref<128xi32, #tpu.memory_space<vmem>>
    %dma_wait3A_1374 = arith.constant 0 : i32
    %dma_wait3A_1375 = arith.constant 0 : i32
    %dma_wait3A_1376 = tpu.memref_slice %arg2[%dma_wait3A_1374, %dma_wait3A_1375] : memref<2600000x128xf32, #tpu.memory_space<hbm>> -> memref<2600000x128xf32, #tpu.memory_space<hbm>>
    tpu.wait_indirect_dma semaphore(%arg7 : memref<!tpu.dma_semaphore, #tpu.memory_space<semaphore_mem>>) src(%dma_wait3A_1376 : memref<2600000x128xf32, #tpu.memory_space<hbm>>) dst(%dma_wait3A_1370 : memref<128x128xf32, #tpu.memory_space<vmem>>)
    %dma_start3A_1377 = arith.constant 1 : i32
    %dma_start3A_1378 = arith.constant 19 : i32
    %dma_start3A_1379 = arith.constant 0 : i32
    %dma_start3A_1380 = arith.constant 0 : i32
    %dma_start3A_1381 = tpu.memref_slice %arg6[%dma_start3A_1377, %dma_start3A_1379, %dma_start3A_1380] : memref<6x128x128xf32, #tpu.memory_space<vmem>> -> memref<1x128x128xf32, #tpu.memory_space<vmem>>
    %dma_start3A_1382 = tpu.memref_squeeze %dma_start3A_1381 : memref<1x128x128xf32, #tpu.memory_space<vmem>> -> memref<128x128xf32, #tpu.memory_space<vmem>>
    %dma_start3A_1383 = arith.constant 0 : i32
    %dma_start3A_1384 = arith.constant 0 : i32
    %dma_start3A_1385 = tpu.memref_slice %arg4[%dma_start3A_1378, %dma_start3A_1383, %dma_start3A_1384] : memref<26x4096x128xf32, #tpu.memory_space<hbm>> -> memref<1x4096x128xf32, #tpu.memory_space<hbm>>
    %dma_start3A_1386 = tpu.memref_squeeze %dma_start3A_1385 : memref<1x4096x128xf32, #tpu.memory_space<hbm>> -> memref<4096x128xf32, #tpu.memory_space<hbm>>
    %dma_start3A_1387 = arith.constant 0 : i32
    %dma_start3A_1388 = tpu.memref_slice %dma_start3A_1386[%mul3A_2, %dma_start3A_1387] : memref<4096x128xf32, #tpu.memory_space<hbm>> -> memref<128x128xf32, #tpu.memory_space<hbm>>
    %dma_start3A_1389 = arith.constant 0 : i32
    %dma_start3A_1390 = arith.constant 0 : i32
    %dma_start3A_1391 = tpu.memref_slice %arg4[%dma_start3A_1378, %dma_start3A_1389, %dma_start3A_1390] : memref<26x4096x128xf32, #tpu.memory_space<hbm>> -> memref<1x4096x128xf32, #tpu.memory_space<hbm>>
    %dma_start3A_1392 = tpu.memref_squeeze %dma_start3A_1391 : memref<1x4096x128xf32, #tpu.memory_space<hbm>> -> memref<4096x128xf32, #tpu.memory_space<hbm>>
    %dma_start3A_1393 = arith.constant 0 : i32
    %dma_start3A_1394 = tpu.memref_slice %dma_start3A_1392[%mul3A_2, %dma_start3A_1393] : memref<4096x128xf32, #tpu.memory_space<hbm>> -> memref<128x128xf32, #tpu.memory_space<hbm>>
    %dma_start3A_1395 = arith.constant 0 : i32
    %dma_start3A_1396 = arith.constant 0 : i32
    %dma_start3A_1397 = tpu.memref_slice %arg6[%dma_start3A_1377, %dma_start3A_1395, %dma_start3A_1396] : memref<6x128x128xf32, #tpu.memory_space<vmem>> -> memref<1x128x128xf32, #tpu.memory_space<vmem>>
    %dma_start3A_1398 = tpu.memref_squeeze %dma_start3A_1397 : memref<1x128x128xf32, #tpu.memory_space<vmem>> -> memref<128x128xf32, #tpu.memory_space<vmem>>
    tpu.enqueue_dma source(%dma_start3A_1398 : memref<128x128xf32, #tpu.memory_space<vmem>>) target(%dma_start3A_1394 : memref<128x128xf32, #tpu.memory_space<hbm>>) target_semaphore(%arg8 : memref<!tpu.dma_semaphore, #tpu.memory_space<semaphore_mem>>)
    %dma_wait3A_1399 = arith.constant 1 : i32
    %dma_wait3A_1400 = arith.constant 19 : i32
    %dma_wait3A_1401 = arith.constant 0 : i32
    %dma_wait3A_1402 = arith.constant 0 : i32
    %dma_wait3A_1403 = tpu.memref_slice %arg6[%dma_wait3A_1399, %dma_wait3A_1401, %dma_wait3A_1402] : memref<6x128x128xf32, #tpu.memory_space<vmem>> -> memref<1x128x128xf32, #tpu.memory_space<vmem>>
    %dma_wait3A_1404 = tpu.memref_squeeze %dma_wait3A_1403 : memref<1x128x128xf32, #tpu.memory_space<vmem>> -> memref<128x128xf32, #tpu.memory_space<vmem>>
    %dma_wait3A_1405 = arith.constant 0 : i32
    %dma_wait3A_1406 = arith.constant 0 : i32
    %dma_wait3A_1407 = tpu.memref_slice %arg4[%dma_wait3A_1400, %dma_wait3A_1405, %dma_wait3A_1406] : memref<26x4096x128xf32, #tpu.memory_space<hbm>> -> memref<1x4096x128xf32, #tpu.memory_space<hbm>>
    %dma_wait3A_1408 = tpu.memref_squeeze %dma_wait3A_1407 : memref<1x4096x128xf32, #tpu.memory_space<hbm>> -> memref<4096x128xf32, #tpu.memory_space<hbm>>
    %dma_wait3A_1409 = arith.constant 0 : i32
    %dma_wait3A_1410 = tpu.memref_slice %dma_wait3A_1408[%mul3A_2, %dma_wait3A_1409] : memref<4096x128xf32, #tpu.memory_space<hbm>> -> memref<128x128xf32, #tpu.memory_space<hbm>>
    %dma_wait3A_1411 = arith.constant 0 : i32
    %dma_wait3A_1412 = arith.constant 0 : i32
    %dma_wait3A_1413 = tpu.memref_slice %arg4[%dma_wait3A_1400, %dma_wait3A_1411, %dma_wait3A_1412] : memref<26x4096x128xf32, #tpu.memory_space<hbm>> -> memref<1x4096x128xf32, #tpu.memory_space<hbm>>
    %dma_wait3A_1414 = tpu.memref_squeeze %dma_wait3A_1413 : memref<1x4096x128xf32, #tpu.memory_space<hbm>> -> memref<4096x128xf32, #tpu.memory_space<hbm>>
    %dma_wait3A_1415 = arith.constant 0 : i32
    %dma_wait3A_1416 = tpu.memref_slice %dma_wait3A_1414[%mul3A_2, %dma_wait3A_1415] : memref<4096x128xf32, #tpu.memory_space<hbm>> -> memref<128x128xf32, #tpu.memory_space<hbm>>
    %dma_wait3A_1417 = arith.constant 0 : i32
    %dma_wait3A_1418 = arith.constant 0 : i32
    %dma_wait3A_1419 = tpu.memref_slice %arg6[%dma_wait3A_1399, %dma_wait3A_1417, %dma_wait3A_1418] : memref<6x128x128xf32, #tpu.memory_space<vmem>> -> memref<1x128x128xf32, #tpu.memory_space<vmem>>
    %dma_wait3A_1420 = tpu.memref_squeeze %dma_wait3A_1419 : memref<1x128x128xf32, #tpu.memory_space<vmem>> -> memref<128x128xf32, #tpu.memory_space<vmem>>
    tpu.wait_dma2 semaphore(%arg8 : memref<!tpu.dma_semaphore, #tpu.memory_space<semaphore_mem>>) src(%dma_wait3A_1420 : memref<128x128xf32, #tpu.memory_space<vmem>>) dst(%dma_wait3A_1416 : memref<128x128xf32, #tpu.memory_space<hbm>>)
    %dma_start3A_1421 = arith.constant 25 : i32
    %dma_start3A_1422 = arith.constant 1 : i32
    %dma_start3A_1423 = arith.constant 0 : i32
    %dma_start3A_1424 = arith.constant 0 : i32
    %dma_start3A_1425 = tpu.memref_slice %arg6[%dma_start3A_1422, %dma_start3A_1423, %dma_start3A_1424] : memref<6x128x128xf32, #tpu.memory_space<vmem>> -> memref<1x128x128xf32, #tpu.memory_space<vmem>>
    %dma_start3A_1426 = tpu.memref_squeeze %dma_start3A_1425 : memref<1x128x128xf32, #tpu.memory_space<vmem>> -> memref<128x128xf32, #tpu.memory_space<vmem>>
    %dma_start3A_1427 = arith.constant 0 : i32
    %dma_start3A_1428 = tpu.memref_slice %arg5[%dma_start3A_1421, %dma_start3A_1427] : memref<26x128xi32, #tpu.memory_space<vmem>> -> memref<1x128xi32, #tpu.memory_space<vmem>>
    %dma_start3A_1429 = tpu.memref_squeeze %dma_start3A_1428 : memref<1x128xi32, #tpu.memory_space<vmem>> -> memref<128xi32, #tpu.memory_space<vmem>>
    %dma_start3A_1430 = arith.constant 0 : i32
    %dma_start3A_1431 = arith.constant 0 : i32
    %dma_start3A_1432 = tpu.memref_slice %arg2[%dma_start3A_1430, %dma_start3A_1431] : memref<2600000x128xf32, #tpu.memory_space<hbm>> -> memref<2600000x128xf32, #tpu.memory_space<hbm>>
    tpu.enqueue_indirect_dma source(%dma_start3A_1432 : memref<2600000x128xf32, #tpu.memory_space<hbm>>) target(%dma_start3A_1426 : memref<128x128xf32, #tpu.memory_space<vmem>>) offsets(%dma_start3A_1429 : memref<128xi32, #tpu.memory_space<vmem>>) semaphore(%arg7 : memref<!tpu.dma_semaphore, #tpu.memory_space<semaphore_mem>>)
    %dma_wait3A_1433 = arith.constant 20 : i32
    %dma_wait3A_1434 = arith.constant 2 : i32
    %dma_wait3A_1435 = arith.constant 0 : i32
    %dma_wait3A_1436 = arith.constant 0 : i32
    %dma_wait3A_1437 = tpu.memref_slice %arg6[%dma_wait3A_1434, %dma_wait3A_1435, %dma_wait3A_1436] : memref<6x128x128xf32, #tpu.memory_space<vmem>> -> memref<1x128x128xf32, #tpu.memory_space<vmem>>
    %dma_wait3A_1438 = tpu.memref_squeeze %dma_wait3A_1437 : memref<1x128x128xf32, #tpu.memory_space<vmem>> -> memref<128x128xf32, #tpu.memory_space<vmem>>
    %dma_wait3A_1439 = arith.constant 0 : i32
    %dma_wait3A_1440 = tpu.memref_slice %arg5[%dma_wait3A_1433, %dma_wait3A_1439] : memref<26x128xi32, #tpu.memory_space<vmem>> -> memref<1x128xi32, #tpu.memory_space<vmem>>
    %dma_wait3A_1441 = tpu.memref_squeeze %dma_wait3A_1440 : memref<1x128xi32, #tpu.memory_space<vmem>> -> memref<128xi32, #tpu.memory_space<vmem>>
    %dma_wait3A_1442 = arith.constant 0 : i32
    %dma_wait3A_1443 = arith.constant 0 : i32
    %dma_wait3A_1444 = tpu.memref_slice %arg2[%dma_wait3A_1442, %dma_wait3A_1443] : memref<2600000x128xf32, #tpu.memory_space<hbm>> -> memref<2600000x128xf32, #tpu.memory_space<hbm>>
    tpu.wait_indirect_dma semaphore(%arg7 : memref<!tpu.dma_semaphore, #tpu.memory_space<semaphore_mem>>) src(%dma_wait3A_1444 : memref<2600000x128xf32, #tpu.memory_space<hbm>>) dst(%dma_wait3A_1438 : memref<128x128xf32, #tpu.memory_space<vmem>>)
    %dma_start3A_1445 = arith.constant 2 : i32
    %dma_start3A_1446 = arith.constant 20 : i32
    %dma_start3A_1447 = arith.constant 0 : i32
    %dma_start3A_1448 = arith.constant 0 : i32
    %dma_start3A_1449 = tpu.memref_slice %arg6[%dma_start3A_1445, %dma_start3A_1447, %dma_start3A_1448] : memref<6x128x128xf32, #tpu.memory_space<vmem>> -> memref<1x128x128xf32, #tpu.memory_space<vmem>>
    %dma_start3A_1450 = tpu.memref_squeeze %dma_start3A_1449 : memref<1x128x128xf32, #tpu.memory_space<vmem>> -> memref<128x128xf32, #tpu.memory_space<vmem>>
    %dma_start3A_1451 = arith.constant 0 : i32
    %dma_start3A_1452 = arith.constant 0 : i32
    %dma_start3A_1453 = tpu.memref_slice %arg4[%dma_start3A_1446, %dma_start3A_1451, %dma_start3A_1452] : memref<26x4096x128xf32, #tpu.memory_space<hbm>> -> memref<1x4096x128xf32, #tpu.memory_space<hbm>>
    %dma_start3A_1454 = tpu.memref_squeeze %dma_start3A_1453 : memref<1x4096x128xf32, #tpu.memory_space<hbm>> -> memref<4096x128xf32, #tpu.memory_space<hbm>>
    %dma_start3A_1455 = arith.constant 0 : i32
    %dma_start3A_1456 = tpu.memref_slice %dma_start3A_1454[%mul3A_2, %dma_start3A_1455] : memref<4096x128xf32, #tpu.memory_space<hbm>> -> memref<128x128xf32, #tpu.memory_space<hbm>>
    %dma_start3A_1457 = arith.constant 0 : i32
    %dma_start3A_1458 = arith.constant 0 : i32
    %dma_start3A_1459 = tpu.memref_slice %arg4[%dma_start3A_1446, %dma_start3A_1457, %dma_start3A_1458] : memref<26x4096x128xf32, #tpu.memory_space<hbm>> -> memref<1x4096x128xf32, #tpu.memory_space<hbm>>
    %dma_start3A_1460 = tpu.memref_squeeze %dma_start3A_1459 : memref<1x4096x128xf32, #tpu.memory_space<hbm>> -> memref<4096x128xf32, #tpu.memory_space<hbm>>
    %dma_start3A_1461 = arith.constant 0 : i32
    %dma_start3A_1462 = tpu.memref_slice %dma_start3A_1460[%mul3A_2, %dma_start3A_1461] : memref<4096x128xf32, #tpu.memory_space<hbm>> -> memref<128x128xf32, #tpu.memory_space<hbm>>
    %dma_start3A_1463 = arith.constant 0 : i32
    %dma_start3A_1464 = arith.constant 0 : i32
    %dma_start3A_1465 = tpu.memref_slice %arg6[%dma_start3A_1445, %dma_start3A_1463, %dma_start3A_1464] : memref<6x128x128xf32, #tpu.memory_space<vmem>> -> memref<1x128x128xf32, #tpu.memory_space<vmem>>
    %dma_start3A_1466 = tpu.memref_squeeze %dma_start3A_1465 : memref<1x128x128xf32, #tpu.memory_space<vmem>> -> memref<128x128xf32, #tpu.memory_space<vmem>>
    tpu.enqueue_dma source(%dma_start3A_1466 : memref<128x128xf32, #tpu.memory_space<vmem>>) target(%dma_start3A_1462 : memref<128x128xf32, #tpu.memory_space<hbm>>) target_semaphore(%arg8 : memref<!tpu.dma_semaphore, #tpu.memory_space<semaphore_mem>>)
    %dma_wait3A_1467 = arith.constant 21 : i32
    %dma_wait3A_1468 = arith.constant 3 : i32
    %dma_wait3A_1469 = arith.constant 0 : i32
    %dma_wait3A_1470 = arith.constant 0 : i32
    %dma_wait3A_1471 = tpu.memref_slice %arg6[%dma_wait3A_1468, %dma_wait3A_1469, %dma_wait3A_1470] : memref<6x128x128xf32, #tpu.memory_space<vmem>> -> memref<1x128x128xf32, #tpu.memory_space<vmem>>
    %dma_wait3A_1472 = tpu.memref_squeeze %dma_wait3A_1471 : memref<1x128x128xf32, #tpu.memory_space<vmem>> -> memref<128x128xf32, #tpu.memory_space<vmem>>
    %dma_wait3A_1473 = arith.constant 0 : i32
    %dma_wait3A_1474 = tpu.memref_slice %arg5[%dma_wait3A_1467, %dma_wait3A_1473] : memref<26x128xi32, #tpu.memory_space<vmem>> -> memref<1x128xi32, #tpu.memory_space<vmem>>
    %dma_wait3A_1475 = tpu.memref_squeeze %dma_wait3A_1474 : memref<1x128xi32, #tpu.memory_space<vmem>> -> memref<128xi32, #tpu.memory_space<vmem>>
    %dma_wait3A_1476 = arith.constant 0 : i32
    %dma_wait3A_1477 = arith.constant 0 : i32
    %dma_wait3A_1478 = tpu.memref_slice %arg2[%dma_wait3A_1476, %dma_wait3A_1477] : memref<2600000x128xf32, #tpu.memory_space<hbm>> -> memref<2600000x128xf32, #tpu.memory_space<hbm>>
    tpu.wait_indirect_dma semaphore(%arg7 : memref<!tpu.dma_semaphore, #tpu.memory_space<semaphore_mem>>) src(%dma_wait3A_1478 : memref<2600000x128xf32, #tpu.memory_space<hbm>>) dst(%dma_wait3A_1472 : memref<128x128xf32, #tpu.memory_space<vmem>>)
    %dma_start3A_1479 = arith.constant 3 : i32
    %dma_start3A_1480 = arith.constant 21 : i32
    %dma_start3A_1481 = arith.constant 0 : i32
    %dma_start3A_1482 = arith.constant 0 : i32
    %dma_start3A_1483 = tpu.memref_slice %arg6[%dma_start3A_1479, %dma_start3A_1481, %dma_start3A_1482] : memref<6x128x128xf32, #tpu.memory_space<vmem>> -> memref<1x128x128xf32, #tpu.memory_space<vmem>>
    %dma_start3A_1484 = tpu.memref_squeeze %dma_start3A_1483 : memref<1x128x128xf32, #tpu.memory_space<vmem>> -> memref<128x128xf32, #tpu.memory_space<vmem>>
    %dma_start3A_1485 = arith.constant 0 : i32
    %dma_start3A_1486 = arith.constant 0 : i32
    %dma_start3A_1487 = tpu.memref_slice %arg4[%dma_start3A_1480, %dma_start3A_1485, %dma_start3A_1486] : memref<26x4096x128xf32, #tpu.memory_space<hbm>> -> memref<1x4096x128xf32, #tpu.memory_space<hbm>>
    %dma_start3A_1488 = tpu.memref_squeeze %dma_start3A_1487 : memref<1x4096x128xf32, #tpu.memory_space<hbm>> -> memref<4096x128xf32, #tpu.memory_space<hbm>>
    %dma_start3A_1489 = arith.constant 0 : i32
    %dma_start3A_1490 = tpu.memref_slice %dma_start3A_1488[%mul3A_2, %dma_start3A_1489] : memref<4096x128xf32, #tpu.memory_space<hbm>> -> memref<128x128xf32, #tpu.memory_space<hbm>>
    %dma_start3A_1491 = arith.constant 0 : i32
    %dma_start3A_1492 = arith.constant 0 : i32
    %dma_start3A_1493 = tpu.memref_slice %arg4[%dma_start3A_1480, %dma_start3A_1491, %dma_start3A_1492] : memref<26x4096x128xf32, #tpu.memory_space<hbm>> -> memref<1x4096x128xf32, #tpu.memory_space<hbm>>
    %dma_start3A_1494 = tpu.memref_squeeze %dma_start3A_1493 : memref<1x4096x128xf32, #tpu.memory_space<hbm>> -> memref<4096x128xf32, #tpu.memory_space<hbm>>
    %dma_start3A_1495 = arith.constant 0 : i32
    %dma_start3A_1496 = tpu.memref_slice %dma_start3A_1494[%mul3A_2, %dma_start3A_1495] : memref<4096x128xf32, #tpu.memory_space<hbm>> -> memref<128x128xf32, #tpu.memory_space<hbm>>
    %dma_start3A_1497 = arith.constant 0 : i32
    %dma_start3A_1498 = arith.constant 0 : i32
    %dma_start3A_1499 = tpu.memref_slice %arg6[%dma_start3A_1479, %dma_start3A_1497, %dma_start3A_1498] : memref<6x128x128xf32, #tpu.memory_space<vmem>> -> memref<1x128x128xf32, #tpu.memory_space<vmem>>
    %dma_start3A_1500 = tpu.memref_squeeze %dma_start3A_1499 : memref<1x128x128xf32, #tpu.memory_space<vmem>> -> memref<128x128xf32, #tpu.memory_space<vmem>>
    tpu.enqueue_dma source(%dma_start3A_1500 : memref<128x128xf32, #tpu.memory_space<vmem>>) target(%dma_start3A_1496 : memref<128x128xf32, #tpu.memory_space<hbm>>) target_semaphore(%arg8 : memref<!tpu.dma_semaphore, #tpu.memory_space<semaphore_mem>>)
    %dma_wait3A_1501 = arith.constant 22 : i32
    %dma_wait3A_1502 = arith.constant 4 : i32
    %dma_wait3A_1503 = arith.constant 0 : i32
    %dma_wait3A_1504 = arith.constant 0 : i32
    %dma_wait3A_1505 = tpu.memref_slice %arg6[%dma_wait3A_1502, %dma_wait3A_1503, %dma_wait3A_1504] : memref<6x128x128xf32, #tpu.memory_space<vmem>> -> memref<1x128x128xf32, #tpu.memory_space<vmem>>
    %dma_wait3A_1506 = tpu.memref_squeeze %dma_wait3A_1505 : memref<1x128x128xf32, #tpu.memory_space<vmem>> -> memref<128x128xf32, #tpu.memory_space<vmem>>
    %dma_wait3A_1507 = arith.constant 0 : i32
    %dma_wait3A_1508 = tpu.memref_slice %arg5[%dma_wait3A_1501, %dma_wait3A_1507] : memref<26x128xi32, #tpu.memory_space<vmem>> -> memref<1x128xi32, #tpu.memory_space<vmem>>
    %dma_wait3A_1509 = tpu.memref_squeeze %dma_wait3A_1508 : memref<1x128xi32, #tpu.memory_space<vmem>> -> memref<128xi32, #tpu.memory_space<vmem>>
    %dma_wait3A_1510 = arith.constant 0 : i32
    %dma_wait3A_1511 = arith.constant 0 : i32
    %dma_wait3A_1512 = tpu.memref_slice %arg2[%dma_wait3A_1510, %dma_wait3A_1511] : memref<2600000x128xf32, #tpu.memory_space<hbm>> -> memref<2600000x128xf32, #tpu.memory_space<hbm>>
    tpu.wait_indirect_dma semaphore(%arg7 : memref<!tpu.dma_semaphore, #tpu.memory_space<semaphore_mem>>) src(%dma_wait3A_1512 : memref<2600000x128xf32, #tpu.memory_space<hbm>>) dst(%dma_wait3A_1506 : memref<128x128xf32, #tpu.memory_space<vmem>>)
    %dma_start3A_1513 = arith.constant 4 : i32
    %dma_start3A_1514 = arith.constant 22 : i32
    %dma_start3A_1515 = arith.constant 0 : i32
    %dma_start3A_1516 = arith.constant 0 : i32
    %dma_start3A_1517 = tpu.memref_slice %arg6[%dma_start3A_1513, %dma_start3A_1515, %dma_start3A_1516] : memref<6x128x128xf32, #tpu.memory_space<vmem>> -> memref<1x128x128xf32, #tpu.memory_space<vmem>>
    %dma_start3A_1518 = tpu.memref_squeeze %dma_start3A_1517 : memref<1x128x128xf32, #tpu.memory_space<vmem>> -> memref<128x128xf32, #tpu.memory_space<vmem>>
    %dma_start3A_1519 = arith.constant 0 : i32
    %dma_start3A_1520 = arith.constant 0 : i32
    %dma_start3A_1521 = tpu.memref_slice %arg4[%dma_start3A_1514, %dma_start3A_1519, %dma_start3A_1520] : memref<26x4096x128xf32, #tpu.memory_space<hbm>> -> memref<1x4096x128xf32, #tpu.memory_space<hbm>>
    %dma_start3A_1522 = tpu.memref_squeeze %dma_start3A_1521 : memref<1x4096x128xf32, #tpu.memory_space<hbm>> -> memref<4096x128xf32, #tpu.memory_space<hbm>>
    %dma_start3A_1523 = arith.constant 0 : i32
    %dma_start3A_1524 = tpu.memref_slice %dma_start3A_1522[%mul3A_2, %dma_start3A_1523] : memref<4096x128xf32, #tpu.memory_space<hbm>> -> memref<128x128xf32, #tpu.memory_space<hbm>>
    %dma_start3A_1525 = arith.constant 0 : i32
    %dma_start3A_1526 = arith.constant 0 : i32
    %dma_start3A_1527 = tpu.memref_slice %arg4[%dma_start3A_1514, %dma_start3A_1525, %dma_start3A_1526] : memref<26x4096x128xf32, #tpu.memory_space<hbm>> -> memref<1x4096x128xf32, #tpu.memory_space<hbm>>
    %dma_start3A_1528 = tpu.memref_squeeze %dma_start3A_1527 : memref<1x4096x128xf32, #tpu.memory_space<hbm>> -> memref<4096x128xf32, #tpu.memory_space<hbm>>
    %dma_start3A_1529 = arith.constant 0 : i32
    %dma_start3A_1530 = tpu.memref_slice %dma_start3A_1528[%mul3A_2, %dma_start3A_1529] : memref<4096x128xf32, #tpu.memory_space<hbm>> -> memref<128x128xf32, #tpu.memory_space<hbm>>
    %dma_start3A_1531 = arith.constant 0 : i32
    %dma_start3A_1532 = arith.constant 0 : i32
    %dma_start3A_1533 = tpu.memref_slice %arg6[%dma_start3A_1513, %dma_start3A_1531, %dma_start3A_1532] : memref<6x128x128xf32, #tpu.memory_space<vmem>> -> memref<1x128x128xf32, #tpu.memory_space<vmem>>
    %dma_start3A_1534 = tpu.memref_squeeze %dma_start3A_1533 : memref<1x128x128xf32, #tpu.memory_space<vmem>> -> memref<128x128xf32, #tpu.memory_space<vmem>>
    tpu.enqueue_dma source(%dma_start3A_1534 : memref<128x128xf32, #tpu.memory_space<vmem>>) target(%dma_start3A_1530 : memref<128x128xf32, #tpu.memory_space<hbm>>) target_semaphore(%arg8 : memref<!tpu.dma_semaphore, #tpu.memory_space<semaphore_mem>>)
    %dma_wait3A_1535 = arith.constant 23 : i32
    %dma_wait3A_1536 = arith.constant 5 : i32
    %dma_wait3A_1537 = arith.constant 0 : i32
    %dma_wait3A_1538 = arith.constant 0 : i32
    %dma_wait3A_1539 = tpu.memref_slice %arg6[%dma_wait3A_1536, %dma_wait3A_1537, %dma_wait3A_1538] : memref<6x128x128xf32, #tpu.memory_space<vmem>> -> memref<1x128x128xf32, #tpu.memory_space<vmem>>
    %dma_wait3A_1540 = tpu.memref_squeeze %dma_wait3A_1539 : memref<1x128x128xf32, #tpu.memory_space<vmem>> -> memref<128x128xf32, #tpu.memory_space<vmem>>
    %dma_wait3A_1541 = arith.constant 0 : i32
    %dma_wait3A_1542 = tpu.memref_slice %arg5[%dma_wait3A_1535, %dma_wait3A_1541] : memref<26x128xi32, #tpu.memory_space<vmem>> -> memref<1x128xi32, #tpu.memory_space<vmem>>
    %dma_wait3A_1543 = tpu.memref_squeeze %dma_wait3A_1542 : memref<1x128xi32, #tpu.memory_space<vmem>> -> memref<128xi32, #tpu.memory_space<vmem>>
    %dma_wait3A_1544 = arith.constant 0 : i32
    %dma_wait3A_1545 = arith.constant 0 : i32
    %dma_wait3A_1546 = tpu.memref_slice %arg2[%dma_wait3A_1544, %dma_wait3A_1545] : memref<2600000x128xf32, #tpu.memory_space<hbm>> -> memref<2600000x128xf32, #tpu.memory_space<hbm>>
    tpu.wait_indirect_dma semaphore(%arg7 : memref<!tpu.dma_semaphore, #tpu.memory_space<semaphore_mem>>) src(%dma_wait3A_1546 : memref<2600000x128xf32, #tpu.memory_space<hbm>>) dst(%dma_wait3A_1540 : memref<128x128xf32, #tpu.memory_space<vmem>>)
    %dma_start3A_1547 = arith.constant 5 : i32
    %dma_start3A_1548 = arith.constant 23 : i32
    %dma_start3A_1549 = arith.constant 0 : i32
    %dma_start3A_1550 = arith.constant 0 : i32
    %dma_start3A_1551 = tpu.memref_slice %arg6[%dma_start3A_1547, %dma_start3A_1549, %dma_start3A_1550] : memref<6x128x128xf32, #tpu.memory_space<vmem>> -> memref<1x128x128xf32, #tpu.memory_space<vmem>>
    %dma_start3A_1552 = tpu.memref_squeeze %dma_start3A_1551 : memref<1x128x128xf32, #tpu.memory_space<vmem>> -> memref<128x128xf32, #tpu.memory_space<vmem>>
    %dma_start3A_1553 = arith.constant 0 : i32
    %dma_start3A_1554 = arith.constant 0 : i32
    %dma_start3A_1555 = tpu.memref_slice %arg4[%dma_start3A_1548, %dma_start3A_1553, %dma_start3A_1554] : memref<26x4096x128xf32, #tpu.memory_space<hbm>> -> memref<1x4096x128xf32, #tpu.memory_space<hbm>>
    %dma_start3A_1556 = tpu.memref_squeeze %dma_start3A_1555 : memref<1x4096x128xf32, #tpu.memory_space<hbm>> -> memref<4096x128xf32, #tpu.memory_space<hbm>>
    %dma_start3A_1557 = arith.constant 0 : i32
    %dma_start3A_1558 = tpu.memref_slice %dma_start3A_1556[%mul3A_2, %dma_start3A_1557] : memref<4096x128xf32, #tpu.memory_space<hbm>> -> memref<128x128xf32, #tpu.memory_space<hbm>>
    %dma_start3A_1559 = arith.constant 0 : i32
    %dma_start3A_1560 = arith.constant 0 : i32
    %dma_start3A_1561 = tpu.memref_slice %arg4[%dma_start3A_1548, %dma_start3A_1559, %dma_start3A_1560] : memref<26x4096x128xf32, #tpu.memory_space<hbm>> -> memref<1x4096x128xf32, #tpu.memory_space<hbm>>
    %dma_start3A_1562 = tpu.memref_squeeze %dma_start3A_1561 : memref<1x4096x128xf32, #tpu.memory_space<hbm>> -> memref<4096x128xf32, #tpu.memory_space<hbm>>
    %dma_start3A_1563 = arith.constant 0 : i32
    %dma_start3A_1564 = tpu.memref_slice %dma_start3A_1562[%mul3A_2, %dma_start3A_1563] : memref<4096x128xf32, #tpu.memory_space<hbm>> -> memref<128x128xf32, #tpu.memory_space<hbm>>
    %dma_start3A_1565 = arith.constant 0 : i32
    %dma_start3A_1566 = arith.constant 0 : i32
    %dma_start3A_1567 = tpu.memref_slice %arg6[%dma_start3A_1547, %dma_start3A_1565, %dma_start3A_1566] : memref<6x128x128xf32, #tpu.memory_space<vmem>> -> memref<1x128x128xf32, #tpu.memory_space<vmem>>
    %dma_start3A_1568 = tpu.memref_squeeze %dma_start3A_1567 : memref<1x128x128xf32, #tpu.memory_space<vmem>> -> memref<128x128xf32, #tpu.memory_space<vmem>>
    tpu.enqueue_dma source(%dma_start3A_1568 : memref<128x128xf32, #tpu.memory_space<vmem>>) target(%dma_start3A_1564 : memref<128x128xf32, #tpu.memory_space<hbm>>) target_semaphore(%arg8 : memref<!tpu.dma_semaphore, #tpu.memory_space<semaphore_mem>>)
    %dma_wait3A_1569 = arith.constant 24 : i32
    %dma_wait3A_1570 = arith.constant 0 : i32
    %dma_wait3A_1571 = arith.constant 0 : i32
    %dma_wait3A_1572 = arith.constant 0 : i32
    %dma_wait3A_1573 = tpu.memref_slice %arg6[%dma_wait3A_1570, %dma_wait3A_1571, %dma_wait3A_1572] : memref<6x128x128xf32, #tpu.memory_space<vmem>> -> memref<1x128x128xf32, #tpu.memory_space<vmem>>
    %dma_wait3A_1574 = tpu.memref_squeeze %dma_wait3A_1573 : memref<1x128x128xf32, #tpu.memory_space<vmem>> -> memref<128x128xf32, #tpu.memory_space<vmem>>
    %dma_wait3A_1575 = arith.constant 0 : i32
    %dma_wait3A_1576 = tpu.memref_slice %arg5[%dma_wait3A_1569, %dma_wait3A_1575] : memref<26x128xi32, #tpu.memory_space<vmem>> -> memref<1x128xi32, #tpu.memory_space<vmem>>
    %dma_wait3A_1577 = tpu.memref_squeeze %dma_wait3A_1576 : memref<1x128xi32, #tpu.memory_space<vmem>> -> memref<128xi32, #tpu.memory_space<vmem>>
    %dma_wait3A_1578 = arith.constant 0 : i32
    %dma_wait3A_1579 = arith.constant 0 : i32
    %dma_wait3A_1580 = tpu.memref_slice %arg2[%dma_wait3A_1578, %dma_wait3A_1579] : memref<2600000x128xf32, #tpu.memory_space<hbm>> -> memref<2600000x128xf32, #tpu.memory_space<hbm>>
    tpu.wait_indirect_dma semaphore(%arg7 : memref<!tpu.dma_semaphore, #tpu.memory_space<semaphore_mem>>) src(%dma_wait3A_1580 : memref<2600000x128xf32, #tpu.memory_space<hbm>>) dst(%dma_wait3A_1574 : memref<128x128xf32, #tpu.memory_space<vmem>>)
    %dma_start3A_1581 = arith.constant 0 : i32
    %dma_start3A_1582 = arith.constant 24 : i32
    %dma_start3A_1583 = arith.constant 0 : i32
    %dma_start3A_1584 = arith.constant 0 : i32
    %dma_start3A_1585 = tpu.memref_slice %arg6[%dma_start3A_1581, %dma_start3A_1583, %dma_start3A_1584] : memref<6x128x128xf32, #tpu.memory_space<vmem>> -> memref<1x128x128xf32, #tpu.memory_space<vmem>>
    %dma_start3A_1586 = tpu.memref_squeeze %dma_start3A_1585 : memref<1x128x128xf32, #tpu.memory_space<vmem>> -> memref<128x128xf32, #tpu.memory_space<vmem>>
    %dma_start3A_1587 = arith.constant 0 : i32
    %dma_start3A_1588 = arith.constant 0 : i32
    %dma_start3A_1589 = tpu.memref_slice %arg4[%dma_start3A_1582, %dma_start3A_1587, %dma_start3A_1588] : memref<26x4096x128xf32, #tpu.memory_space<hbm>> -> memref<1x4096x128xf32, #tpu.memory_space<hbm>>
    %dma_start3A_1590 = tpu.memref_squeeze %dma_start3A_1589 : memref<1x4096x128xf32, #tpu.memory_space<hbm>> -> memref<4096x128xf32, #tpu.memory_space<hbm>>
    %dma_start3A_1591 = arith.constant 0 : i32
    %dma_start3A_1592 = tpu.memref_slice %dma_start3A_1590[%mul3A_2, %dma_start3A_1591] : memref<4096x128xf32, #tpu.memory_space<hbm>> -> memref<128x128xf32, #tpu.memory_space<hbm>>
    %dma_start3A_1593 = arith.constant 0 : i32
    %dma_start3A_1594 = arith.constant 0 : i32
    %dma_start3A_1595 = tpu.memref_slice %arg4[%dma_start3A_1582, %dma_start3A_1593, %dma_start3A_1594] : memref<26x4096x128xf32, #tpu.memory_space<hbm>> -> memref<1x4096x128xf32, #tpu.memory_space<hbm>>
    %dma_start3A_1596 = tpu.memref_squeeze %dma_start3A_1595 : memref<1x4096x128xf32, #tpu.memory_space<hbm>> -> memref<4096x128xf32, #tpu.memory_space<hbm>>
    %dma_start3A_1597 = arith.constant 0 : i32
    %dma_start3A_1598 = tpu.memref_slice %dma_start3A_1596[%mul3A_2, %dma_start3A_1597] : memref<4096x128xf32, #tpu.memory_space<hbm>> -> memref<128x128xf32, #tpu.memory_space<hbm>>
    %dma_start3A_1599 = arith.constant 0 : i32
    %dma_start3A_1600 = arith.constant 0 : i32
    %dma_start3A_1601 = tpu.memref_slice %arg6[%dma_start3A_1581, %dma_start3A_1599, %dma_start3A_1600] : memref<6x128x128xf32, #tpu.memory_space<vmem>> -> memref<1x128x128xf32, #tpu.memory_space<vmem>>
    %dma_start3A_1602 = tpu.memref_squeeze %dma_start3A_1601 : memref<1x128x128xf32, #tpu.memory_space<vmem>> -> memref<128x128xf32, #tpu.memory_space<vmem>>
    tpu.enqueue_dma source(%dma_start3A_1602 : memref<128x128xf32, #tpu.memory_space<vmem>>) target(%dma_start3A_1598 : memref<128x128xf32, #tpu.memory_space<hbm>>) target_semaphore(%arg8 : memref<!tpu.dma_semaphore, #tpu.memory_space<semaphore_mem>>)
    %dma_wait3A_1603 = arith.constant 25 : i32
    %dma_wait3A_1604 = arith.constant 1 : i32
    %dma_wait3A_1605 = arith.constant 0 : i32
    %dma_wait3A_1606 = arith.constant 0 : i32
    %dma_wait3A_1607 = tpu.memref_slice %arg6[%dma_wait3A_1604, %dma_wait3A_1605, %dma_wait3A_1606] : memref<6x128x128xf32, #tpu.memory_space<vmem>> -> memref<1x128x128xf32, #tpu.memory_space<vmem>>
    %dma_wait3A_1608 = tpu.memref_squeeze %dma_wait3A_1607 : memref<1x128x128xf32, #tpu.memory_space<vmem>> -> memref<128x128xf32, #tpu.memory_space<vmem>>
    %dma_wait3A_1609 = arith.constant 0 : i32
    %dma_wait3A_1610 = tpu.memref_slice %arg5[%dma_wait3A_1603, %dma_wait3A_1609] : memref<26x128xi32, #tpu.memory_space<vmem>> -> memref<1x128xi32, #tpu.memory_space<vmem>>
    %dma_wait3A_1611 = tpu.memref_squeeze %dma_wait3A_1610 : memref<1x128xi32, #tpu.memory_space<vmem>> -> memref<128xi32, #tpu.memory_space<vmem>>
    %dma_wait3A_1612 = arith.constant 0 : i32
    %dma_wait3A_1613 = arith.constant 0 : i32
    %dma_wait3A_1614 = tpu.memref_slice %arg2[%dma_wait3A_1612, %dma_wait3A_1613] : memref<2600000x128xf32, #tpu.memory_space<hbm>> -> memref<2600000x128xf32, #tpu.memory_space<hbm>>
    tpu.wait_indirect_dma semaphore(%arg7 : memref<!tpu.dma_semaphore, #tpu.memory_space<semaphore_mem>>) src(%dma_wait3A_1614 : memref<2600000x128xf32, #tpu.memory_space<hbm>>) dst(%dma_wait3A_1608 : memref<128x128xf32, #tpu.memory_space<vmem>>)
    %dma_start3A_1615 = arith.constant 1 : i32
    %dma_start3A_1616 = arith.constant 25 : i32
    %dma_start3A_1617 = arith.constant 0 : i32
    %dma_start3A_1618 = arith.constant 0 : i32
    %dma_start3A_1619 = tpu.memref_slice %arg6[%dma_start3A_1615, %dma_start3A_1617, %dma_start3A_1618] : memref<6x128x128xf32, #tpu.memory_space<vmem>> -> memref<1x128x128xf32, #tpu.memory_space<vmem>>
    %dma_start3A_1620 = tpu.memref_squeeze %dma_start3A_1619 : memref<1x128x128xf32, #tpu.memory_space<vmem>> -> memref<128x128xf32, #tpu.memory_space<vmem>>
    %dma_start3A_1621 = arith.constant 0 : i32
    %dma_start3A_1622 = arith.constant 0 : i32
    %dma_start3A_1623 = tpu.memref_slice %arg4[%dma_start3A_1616, %dma_start3A_1621, %dma_start3A_1622] : memref<26x4096x128xf32, #tpu.memory_space<hbm>> -> memref<1x4096x128xf32, #tpu.memory_space<hbm>>
    %dma_start3A_1624 = tpu.memref_squeeze %dma_start3A_1623 : memref<1x4096x128xf32, #tpu.memory_space<hbm>> -> memref<4096x128xf32, #tpu.memory_space<hbm>>
    %dma_start3A_1625 = arith.constant 0 : i32
    %dma_start3A_1626 = tpu.memref_slice %dma_start3A_1624[%mul3A_2, %dma_start3A_1625] : memref<4096x128xf32, #tpu.memory_space<hbm>> -> memref<128x128xf32, #tpu.memory_space<hbm>>
    %dma_start3A_1627 = arith.constant 0 : i32
    %dma_start3A_1628 = arith.constant 0 : i32
    %dma_start3A_1629 = tpu.memref_slice %arg4[%dma_start3A_1616, %dma_start3A_1627, %dma_start3A_1628] : memref<26x4096x128xf32, #tpu.memory_space<hbm>> -> memref<1x4096x128xf32, #tpu.memory_space<hbm>>
    %dma_start3A_1630 = tpu.memref_squeeze %dma_start3A_1629 : memref<1x4096x128xf32, #tpu.memory_space<hbm>> -> memref<4096x128xf32, #tpu.memory_space<hbm>>
    %dma_start3A_1631 = arith.constant 0 : i32
    %dma_start3A_1632 = tpu.memref_slice %dma_start3A_1630[%mul3A_2, %dma_start3A_1631] : memref<4096x128xf32, #tpu.memory_space<hbm>> -> memref<128x128xf32, #tpu.memory_space<hbm>>
    %dma_start3A_1633 = arith.constant 0 : i32
    %dma_start3A_1634 = arith.constant 0 : i32
    %dma_start3A_1635 = tpu.memref_slice %arg6[%dma_start3A_1615, %dma_start3A_1633, %dma_start3A_1634] : memref<6x128x128xf32, #tpu.memory_space<vmem>> -> memref<1x128x128xf32, #tpu.memory_space<vmem>>
    %dma_start3A_1636 = tpu.memref_squeeze %dma_start3A_1635 : memref<1x128x128xf32, #tpu.memory_space<vmem>> -> memref<128x128xf32, #tpu.memory_space<vmem>>
    tpu.enqueue_dma source(%dma_start3A_1636 : memref<128x128xf32, #tpu.memory_space<vmem>>) target(%dma_start3A_1632 : memref<128x128xf32, #tpu.memory_space<hbm>>) target_semaphore(%arg8 : memref<!tpu.dma_semaphore, #tpu.memory_space<semaphore_mem>>)
    %dma_wait3A_1637 = arith.constant 2 : i32
    %dma_wait3A_1638 = arith.constant 20 : i32
    %dma_wait3A_1639 = arith.constant 0 : i32
    %dma_wait3A_1640 = arith.constant 0 : i32
    %dma_wait3A_1641 = tpu.memref_slice %arg6[%dma_wait3A_1637, %dma_wait3A_1639, %dma_wait3A_1640] : memref<6x128x128xf32, #tpu.memory_space<vmem>> -> memref<1x128x128xf32, #tpu.memory_space<vmem>>
    %dma_wait3A_1642 = tpu.memref_squeeze %dma_wait3A_1641 : memref<1x128x128xf32, #tpu.memory_space<vmem>> -> memref<128x128xf32, #tpu.memory_space<vmem>>
    %dma_wait3A_1643 = arith.constant 0 : i32
    %dma_wait3A_1644 = arith.constant 0 : i32
    %dma_wait3A_1645 = tpu.memref_slice %arg4[%dma_wait3A_1638, %dma_wait3A_1643, %dma_wait3A_1644] : memref<26x4096x128xf32, #tpu.memory_space<hbm>> -> memref<1x4096x128xf32, #tpu.memory_space<hbm>>
    %dma_wait3A_1646 = tpu.memref_squeeze %dma_wait3A_1645 : memref<1x4096x128xf32, #tpu.memory_space<hbm>> -> memref<4096x128xf32, #tpu.memory_space<hbm>>
    %dma_wait3A_1647 = arith.constant 0 : i32
    %dma_wait3A_1648 = tpu.memref_slice %dma_wait3A_1646[%mul3A_2, %dma_wait3A_1647] : memref<4096x128xf32, #tpu.memory_space<hbm>> -> memref<128x128xf32, #tpu.memory_space<hbm>>
    %dma_wait3A_1649 = arith.constant 0 : i32
    %dma_wait3A_1650 = arith.constant 0 : i32
    %dma_wait3A_1651 = tpu.memref_slice %arg4[%dma_wait3A_1638, %dma_wait3A_1649, %dma_wait3A_1650] : memref<26x4096x128xf32, #tpu.memory_space<hbm>> -> memref<1x4096x128xf32, #tpu.memory_space<hbm>>
    %dma_wait3A_1652 = tpu.memref_squeeze %dma_wait3A_1651 : memref<1x4096x128xf32, #tpu.memory_space<hbm>> -> memref<4096x128xf32, #tpu.memory_space<hbm>>
    %dma_wait3A_1653 = arith.constant 0 : i32
    %dma_wait3A_1654 = tpu.memref_slice %dma_wait3A_1652[%mul3A_2, %dma_wait3A_1653] : memref<4096x128xf32, #tpu.memory_space<hbm>> -> memref<128x128xf32, #tpu.memory_space<hbm>>
    %dma_wait3A_1655 = arith.constant 0 : i32
    %dma_wait3A_1656 = arith.constant 0 : i32
    %dma_wait3A_1657 = tpu.memref_slice %arg6[%dma_wait3A_1637, %dma_wait3A_1655, %dma_wait3A_1656] : memref<6x128x128xf32, #tpu.memory_space<vmem>> -> memref<1x128x128xf32, #tpu.memory_space<vmem>>
    %dma_wait3A_1658 = tpu.memref_squeeze %dma_wait3A_1657 : memref<1x128x128xf32, #tpu.memory_space<vmem>> -> memref<128x128xf32, #tpu.memory_space<vmem>>
    tpu.wait_dma2 semaphore(%arg8 : memref<!tpu.dma_semaphore, #tpu.memory_space<semaphore_mem>>) src(%dma_wait3A_1658 : memref<128x128xf32, #tpu.memory_space<vmem>>) dst(%dma_wait3A_1654 : memref<128x128xf32, #tpu.memory_space<hbm>>)
    %dma_wait3A_1659 = arith.constant 3 : i32
    %dma_wait3A_1660 = arith.constant 21 : i32
    %dma_wait3A_1661 = arith.constant 0 : i32
    %dma_wait3A_1662 = arith.constant 0 : i32
    %dma_wait3A_1663 = tpu.memref_slice %arg6[%dma_wait3A_1659, %dma_wait3A_1661, %dma_wait3A_1662] : memref<6x128x128xf32, #tpu.memory_space<vmem>> -> memref<1x128x128xf32, #tpu.memory_space<vmem>>
    %dma_wait3A_1664 = tpu.memref_squeeze %dma_wait3A_1663 : memref<1x128x128xf32, #tpu.memory_space<vmem>> -> memref<128x128xf32, #tpu.memory_space<vmem>>
    %dma_wait3A_1665 = arith.constant 0 : i32
    %dma_wait3A_1666 = arith.constant 0 : i32
    %dma_wait3A_1667 = tpu.memref_slice %arg4[%dma_wait3A_1660, %dma_wait3A_1665, %dma_wait3A_1666] : memref<26x4096x128xf32, #tpu.memory_space<hbm>> -> memref<1x4096x128xf32, #tpu.memory_space<hbm>>
    %dma_wait3A_1668 = tpu.memref_squeeze %dma_wait3A_1667 : memref<1x4096x128xf32, #tpu.memory_space<hbm>> -> memref<4096x128xf32, #tpu.memory_space<hbm>>
    %dma_wait3A_1669 = arith.constant 0 : i32
    %dma_wait3A_1670 = tpu.memref_slice %dma_wait3A_1668[%mul3A_2, %dma_wait3A_1669] : memref<4096x128xf32, #tpu.memory_space<hbm>> -> memref<128x128xf32, #tpu.memory_space<hbm>>
    %dma_wait3A_1671 = arith.constant 0 : i32
    %dma_wait3A_1672 = arith.constant 0 : i32
    %dma_wait3A_1673 = tpu.memref_slice %arg4[%dma_wait3A_1660, %dma_wait3A_1671, %dma_wait3A_1672] : memref<26x4096x128xf32, #tpu.memory_space<hbm>> -> memref<1x4096x128xf32, #tpu.memory_space<hbm>>
    %dma_wait3A_1674 = tpu.memref_squeeze %dma_wait3A_1673 : memref<1x4096x128xf32, #tpu.memory_space<hbm>> -> memref<4096x128xf32, #tpu.memory_space<hbm>>
    %dma_wait3A_1675 = arith.constant 0 : i32
    %dma_wait3A_1676 = tpu.memref_slice %dma_wait3A_1674[%mul3A_2, %dma_wait3A_1675] : memref<4096x128xf32, #tpu.memory_space<hbm>> -> memref<128x128xf32, #tpu.memory_space<hbm>>
    %dma_wait3A_1677 = arith.constant 0 : i32
    %dma_wait3A_1678 = arith.constant 0 : i32
    %dma_wait3A_1679 = tpu.memref_slice %arg6[%dma_wait3A_1659, %dma_wait3A_1677, %dma_wait3A_1678] : memref<6x128x128xf32, #tpu.memory_space<vmem>> -> memref<1x128x128xf32, #tpu.memory_space<vmem>>
    %dma_wait3A_1680 = tpu.memref_squeeze %dma_wait3A_1679 : memref<1x128x128xf32, #tpu.memory_space<vmem>> -> memref<128x128xf32, #tpu.memory_space<vmem>>
    tpu.wait_dma2 semaphore(%arg8 : memref<!tpu.dma_semaphore, #tpu.memory_space<semaphore_mem>>) src(%dma_wait3A_1680 : memref<128x128xf32, #tpu.memory_space<vmem>>) dst(%dma_wait3A_1676 : memref<128x128xf32, #tpu.memory_space<hbm>>)
    %dma_wait3A_1681 = arith.constant 4 : i32
    %dma_wait3A_1682 = arith.constant 22 : i32
    %dma_wait3A_1683 = arith.constant 0 : i32
    %dma_wait3A_1684 = arith.constant 0 : i32
    %dma_wait3A_1685 = tpu.memref_slice %arg6[%dma_wait3A_1681, %dma_wait3A_1683, %dma_wait3A_1684] : memref<6x128x128xf32, #tpu.memory_space<vmem>> -> memref<1x128x128xf32, #tpu.memory_space<vmem>>
    %dma_wait3A_1686 = tpu.memref_squeeze %dma_wait3A_1685 : memref<1x128x128xf32, #tpu.memory_space<vmem>> -> memref<128x128xf32, #tpu.memory_space<vmem>>
    %dma_wait3A_1687 = arith.constant 0 : i32
    %dma_wait3A_1688 = arith.constant 0 : i32
    %dma_wait3A_1689 = tpu.memref_slice %arg4[%dma_wait3A_1682, %dma_wait3A_1687, %dma_wait3A_1688] : memref<26x4096x128xf32, #tpu.memory_space<hbm>> -> memref<1x4096x128xf32, #tpu.memory_space<hbm>>
    %dma_wait3A_1690 = tpu.memref_squeeze %dma_wait3A_1689 : memref<1x4096x128xf32, #tpu.memory_space<hbm>> -> memref<4096x128xf32, #tpu.memory_space<hbm>>
    %dma_wait3A_1691 = arith.constant 0 : i32
    %dma_wait3A_1692 = tpu.memref_slice %dma_wait3A_1690[%mul3A_2, %dma_wait3A_1691] : memref<4096x128xf32, #tpu.memory_space<hbm>> -> memref<128x128xf32, #tpu.memory_space<hbm>>
    %dma_wait3A_1693 = arith.constant 0 : i32
    %dma_wait3A_1694 = arith.constant 0 : i32
    %dma_wait3A_1695 = tpu.memref_slice %arg4[%dma_wait3A_1682, %dma_wait3A_1693, %dma_wait3A_1694] : memref<26x4096x128xf32, #tpu.memory_space<hbm>> -> memref<1x4096x128xf32, #tpu.memory_space<hbm>>
    %dma_wait3A_1696 = tpu.memref_squeeze %dma_wait3A_1695 : memref<1x4096x128xf32, #tpu.memory_space<hbm>> -> memref<4096x128xf32, #tpu.memory_space<hbm>>
    %dma_wait3A_1697 = arith.constant 0 : i32
    %dma_wait3A_1698 = tpu.memref_slice %dma_wait3A_1696[%mul3A_2, %dma_wait3A_1697] : memref<4096x128xf32, #tpu.memory_space<hbm>> -> memref<128x128xf32, #tpu.memory_space<hbm>>
    %dma_wait3A_1699 = arith.constant 0 : i32
    %dma_wait3A_1700 = arith.constant 0 : i32
    %dma_wait3A_1701 = tpu.memref_slice %arg6[%dma_wait3A_1681, %dma_wait3A_1699, %dma_wait3A_1700] : memref<6x128x128xf32, #tpu.memory_space<vmem>> -> memref<1x128x128xf32, #tpu.memory_space<vmem>>
    %dma_wait3A_1702 = tpu.memref_squeeze %dma_wait3A_1701 : memref<1x128x128xf32, #tpu.memory_space<vmem>> -> memref<128x128xf32, #tpu.memory_space<vmem>>
    tpu.wait_dma2 semaphore(%arg8 : memref<!tpu.dma_semaphore, #tpu.memory_space<semaphore_mem>>) src(%dma_wait3A_1702 : memref<128x128xf32, #tpu.memory_space<vmem>>) dst(%dma_wait3A_1698 : memref<128x128xf32, #tpu.memory_space<hbm>>)
    %dma_wait3A_1703 = arith.constant 5 : i32
    %dma_wait3A_1704 = arith.constant 23 : i32
    %dma_wait3A_1705 = arith.constant 0 : i32
    %dma_wait3A_1706 = arith.constant 0 : i32
    %dma_wait3A_1707 = tpu.memref_slice %arg6[%dma_wait3A_1703, %dma_wait3A_1705, %dma_wait3A_1706] : memref<6x128x128xf32, #tpu.memory_space<vmem>> -> memref<1x128x128xf32, #tpu.memory_space<vmem>>
    %dma_wait3A_1708 = tpu.memref_squeeze %dma_wait3A_1707 : memref<1x128x128xf32, #tpu.memory_space<vmem>> -> memref<128x128xf32, #tpu.memory_space<vmem>>
    %dma_wait3A_1709 = arith.constant 0 : i32
    %dma_wait3A_1710 = arith.constant 0 : i32
    %dma_wait3A_1711 = tpu.memref_slice %arg4[%dma_wait3A_1704, %dma_wait3A_1709, %dma_wait3A_1710] : memref<26x4096x128xf32, #tpu.memory_space<hbm>> -> memref<1x4096x128xf32, #tpu.memory_space<hbm>>
    %dma_wait3A_1712 = tpu.memref_squeeze %dma_wait3A_1711 : memref<1x4096x128xf32, #tpu.memory_space<hbm>> -> memref<4096x128xf32, #tpu.memory_space<hbm>>
    %dma_wait3A_1713 = arith.constant 0 : i32
    %dma_wait3A_1714 = tpu.memref_slice %dma_wait3A_1712[%mul3A_2, %dma_wait3A_1713] : memref<4096x128xf32, #tpu.memory_space<hbm>> -> memref<128x128xf32, #tpu.memory_space<hbm>>
    %dma_wait3A_1715 = arith.constant 0 : i32
    %dma_wait3A_1716 = arith.constant 0 : i32
    %dma_wait3A_1717 = tpu.memref_slice %arg4[%dma_wait3A_1704, %dma_wait3A_1715, %dma_wait3A_1716] : memref<26x4096x128xf32, #tpu.memory_space<hbm>> -> memref<1x4096x128xf32, #tpu.memory_space<hbm>>
    %dma_wait3A_1718 = tpu.memref_squeeze %dma_wait3A_1717 : memref<1x4096x128xf32, #tpu.memory_space<hbm>> -> memref<4096x128xf32, #tpu.memory_space<hbm>>
    %dma_wait3A_1719 = arith.constant 0 : i32
    %dma_wait3A_1720 = tpu.memref_slice %dma_wait3A_1718[%mul3A_2, %dma_wait3A_1719] : memref<4096x128xf32, #tpu.memory_space<hbm>> -> memref<128x128xf32, #tpu.memory_space<hbm>>
    %dma_wait3A_1721 = arith.constant 0 : i32
    %dma_wait3A_1722 = arith.constant 0 : i32
    %dma_wait3A_1723 = tpu.memref_slice %arg6[%dma_wait3A_1703, %dma_wait3A_1721, %dma_wait3A_1722] : memref<6x128x128xf32, #tpu.memory_space<vmem>> -> memref<1x128x128xf32, #tpu.memory_space<vmem>>
    %dma_wait3A_1724 = tpu.memref_squeeze %dma_wait3A_1723 : memref<1x128x128xf32, #tpu.memory_space<vmem>> -> memref<128x128xf32, #tpu.memory_space<vmem>>
    tpu.wait_dma2 semaphore(%arg8 : memref<!tpu.dma_semaphore, #tpu.memory_space<semaphore_mem>>) src(%dma_wait3A_1724 : memref<128x128xf32, #tpu.memory_space<vmem>>) dst(%dma_wait3A_1720 : memref<128x128xf32, #tpu.memory_space<hbm>>)
    %dma_wait3A_1725 = arith.constant 0 : i32
    %dma_wait3A_1726 = arith.constant 24 : i32
    %dma_wait3A_1727 = arith.constant 0 : i32
    %dma_wait3A_1728 = arith.constant 0 : i32
    %dma_wait3A_1729 = tpu.memref_slice %arg6[%dma_wait3A_1725, %dma_wait3A_1727, %dma_wait3A_1728] : memref<6x128x128xf32, #tpu.memory_space<vmem>> -> memref<1x128x128xf32, #tpu.memory_space<vmem>>
    %dma_wait3A_1730 = tpu.memref_squeeze %dma_wait3A_1729 : memref<1x128x128xf32, #tpu.memory_space<vmem>> -> memref<128x128xf32, #tpu.memory_space<vmem>>
    %dma_wait3A_1731 = arith.constant 0 : i32
    %dma_wait3A_1732 = arith.constant 0 : i32
    %dma_wait3A_1733 = tpu.memref_slice %arg4[%dma_wait3A_1726, %dma_wait3A_1731, %dma_wait3A_1732] : memref<26x4096x128xf32, #tpu.memory_space<hbm>> -> memref<1x4096x128xf32, #tpu.memory_space<hbm>>
    %dma_wait3A_1734 = tpu.memref_squeeze %dma_wait3A_1733 : memref<1x4096x128xf32, #tpu.memory_space<hbm>> -> memref<4096x128xf32, #tpu.memory_space<hbm>>
    %dma_wait3A_1735 = arith.constant 0 : i32
    %dma_wait3A_1736 = tpu.memref_slice %dma_wait3A_1734[%mul3A_2, %dma_wait3A_1735] : memref<4096x128xf32, #tpu.memory_space<hbm>> -> memref<128x128xf32, #tpu.memory_space<hbm>>
    %dma_wait3A_1737 = arith.constant 0 : i32
    %dma_wait3A_1738 = arith.constant 0 : i32
    %dma_wait3A_1739 = tpu.memref_slice %arg4[%dma_wait3A_1726, %dma_wait3A_1737, %dma_wait3A_1738] : memref<26x4096x128xf32, #tpu.memory_space<hbm>> -> memref<1x4096x128xf32, #tpu.memory_space<hbm>>
    %dma_wait3A_1740 = tpu.memref_squeeze %dma_wait3A_1739 : memref<1x4096x128xf32, #tpu.memory_space<hbm>> -> memref<4096x128xf32, #tpu.memory_space<hbm>>
    %dma_wait3A_1741 = arith.constant 0 : i32
    %dma_wait3A_1742 = tpu.memref_slice %dma_wait3A_1740[%mul3A_2, %dma_wait3A_1741] : memref<4096x128xf32, #tpu.memory_space<hbm>> -> memref<128x128xf32, #tpu.memory_space<hbm>>
    %dma_wait3A_1743 = arith.constant 0 : i32
    %dma_wait3A_1744 = arith.constant 0 : i32
    %dma_wait3A_1745 = tpu.memref_slice %arg6[%dma_wait3A_1725, %dma_wait3A_1743, %dma_wait3A_1744] : memref<6x128x128xf32, #tpu.memory_space<vmem>> -> memref<1x128x128xf32, #tpu.memory_space<vmem>>
    %dma_wait3A_1746 = tpu.memref_squeeze %dma_wait3A_1745 : memref<1x128x128xf32, #tpu.memory_space<vmem>> -> memref<128x128xf32, #tpu.memory_space<vmem>>
    tpu.wait_dma2 semaphore(%arg8 : memref<!tpu.dma_semaphore, #tpu.memory_space<semaphore_mem>>) src(%dma_wait3A_1746 : memref<128x128xf32, #tpu.memory_space<vmem>>) dst(%dma_wait3A_1742 : memref<128x128xf32, #tpu.memory_space<hbm>>)
    %dma_wait3A_1747 = arith.constant 1 : i32
    %dma_wait3A_1748 = arith.constant 25 : i32
    %dma_wait3A_1749 = arith.constant 0 : i32
    %dma_wait3A_1750 = arith.constant 0 : i32
    %dma_wait3A_1751 = tpu.memref_slice %arg6[%dma_wait3A_1747, %dma_wait3A_1749, %dma_wait3A_1750] : memref<6x128x128xf32, #tpu.memory_space<vmem>> -> memref<1x128x128xf32, #tpu.memory_space<vmem>>
    %dma_wait3A_1752 = tpu.memref_squeeze %dma_wait3A_1751 : memref<1x128x128xf32, #tpu.memory_space<vmem>> -> memref<128x128xf32, #tpu.memory_space<vmem>>
    %dma_wait3A_1753 = arith.constant 0 : i32
    %dma_wait3A_1754 = arith.constant 0 : i32
    %dma_wait3A_1755 = tpu.memref_slice %arg4[%dma_wait3A_1748, %dma_wait3A_1753, %dma_wait3A_1754] : memref<26x4096x128xf32, #tpu.memory_space<hbm>> -> memref<1x4096x128xf32, #tpu.memory_space<hbm>>
    %dma_wait3A_1756 = tpu.memref_squeeze %dma_wait3A_1755 : memref<1x4096x128xf32, #tpu.memory_space<hbm>> -> memref<4096x128xf32, #tpu.memory_space<hbm>>
    %dma_wait3A_1757 = arith.constant 0 : i32
    %dma_wait3A_1758 = tpu.memref_slice %dma_wait3A_1756[%mul3A_2, %dma_wait3A_1757] : memref<4096x128xf32, #tpu.memory_space<hbm>> -> memref<128x128xf32, #tpu.memory_space<hbm>>
    %dma_wait3A_1759 = arith.constant 0 : i32
    %dma_wait3A_1760 = arith.constant 0 : i32
    %dma_wait3A_1761 = tpu.memref_slice %arg4[%dma_wait3A_1748, %dma_wait3A_1759, %dma_wait3A_1760] : memref<26x4096x128xf32, #tpu.memory_space<hbm>> -> memref<1x4096x128xf32, #tpu.memory_space<hbm>>
    %dma_wait3A_1762 = tpu.memref_squeeze %dma_wait3A_1761 : memref<1x4096x128xf32, #tpu.memory_space<hbm>> -> memref<4096x128xf32, #tpu.memory_space<hbm>>
    %dma_wait3A_1763 = arith.constant 0 : i32
    %dma_wait3A_1764 = tpu.memref_slice %dma_wait3A_1762[%mul3A_2, %dma_wait3A_1763] : memref<4096x128xf32, #tpu.memory_space<hbm>> -> memref<128x128xf32, #tpu.memory_space<hbm>>
    %dma_wait3A_1765 = arith.constant 0 : i32
    %dma_wait3A_1766 = arith.constant 0 : i32
    %dma_wait3A_1767 = tpu.memref_slice %arg6[%dma_wait3A_1747, %dma_wait3A_1765, %dma_wait3A_1766] : memref<6x128x128xf32, #tpu.memory_space<vmem>> -> memref<1x128x128xf32, #tpu.memory_space<vmem>>
    %dma_wait3A_1768 = tpu.memref_squeeze %dma_wait3A_1767 : memref<1x128x128xf32, #tpu.memory_space<vmem>> -> memref<128x128xf32, #tpu.memory_space<vmem>>
    tpu.wait_dma2 semaphore(%arg8 : memref<!tpu.dma_semaphore, #tpu.memory_space<semaphore_mem>>) src(%dma_wait3A_1768 : memref<128x128xf32, #tpu.memory_space<vmem>>) dst(%dma_wait3A_1764 : memref<128x128xf32, #tpu.memory_space<hbm>>)
    return
  }
}

module attributes {stable_mosaic.version = 14 : i64} {
  func.func @_mlp_body(%arg0: i32, %arg1: memref<26x512x128xf32, #tpu.memory_space<vmem>>, %arg2: memref<512x139xf32, #tpu.memory_space<vmem>>, %arg3: memref<26x128x256xf32, #tpu.memory_space<vmem>>, %arg4: memref<1x256xf32, #tpu.memory_space<vmem>>, %arg5: memref<256x128xf32, #tpu.memory_space<vmem>>, %arg6: memref<1x128xf32, #tpu.memory_space<vmem>>, %arg7: memref<128x64xf32, #tpu.memory_space<vmem>>, %arg8: memref<1x64xf32, #tpu.memory_space<vmem>>, %arg9: memref<64x1xf32, #tpu.memory_space<vmem>>, %arg10: memref<139x1xf32, #tpu.memory_space<vmem>>, %arg11: memref<1x1xf32, #tpu.memory_space<vmem>>, %arg12: memref<512x1xf32, #tpu.memory_space<vmem>>) attributes {dimension_semantics = [#tpu.dimension_semantics<arbitrary>], iteration_bounds = array<i64: 8>, scalar_prefetch = 0 : i64, scratch_operands = 0 : i64, tpu.core_type = #tpu.core_type<tc>, window_params = [{transform_indices = @transform_0, window_bounds = array<i64: 26, 512, 128>}, {transform_indices = @transform_1, window_bounds = array<i64: 512, 139>}, {pipeline_mode = #tpu.pipeline_mode<synchronous>, transform_indices = @transform_2, window_bounds = array<i64: 26, 128, 256>}, {pipeline_mode = #tpu.pipeline_mode<synchronous>, transform_indices = @transform_3, window_bounds = array<i64: 1, 256>}, {pipeline_mode = #tpu.pipeline_mode<synchronous>, transform_indices = @transform_4, window_bounds = array<i64: 256, 128>}, {pipeline_mode = #tpu.pipeline_mode<synchronous>, transform_indices = @transform_5, window_bounds = array<i64: 1, 128>}, {pipeline_mode = #tpu.pipeline_mode<synchronous>, transform_indices = @transform_6, window_bounds = array<i64: 128, 64>}, {pipeline_mode = #tpu.pipeline_mode<synchronous>, transform_indices = @transform_7, window_bounds = array<i64: 1, 64>}, {pipeline_mode = #tpu.pipeline_mode<synchronous>, transform_indices = @transform_8, window_bounds = array<i64: 64, 1>}, {pipeline_mode = #tpu.pipeline_mode<synchronous>, transform_indices = @transform_9, window_bounds = array<i64: 139, 1>}, {pipeline_mode = #tpu.pipeline_mode<synchronous>, transform_indices = @transform_10, window_bounds = array<i64: 1, 1>}, {transform_indices = @transform_11, window_bounds = array<i64: 512, 1>}]} {
    %broadcast_in_dim3A = arith.constant 0.000000e+00 : f32
    %broadcast_in_dim3A_0 = vector.broadcast %broadcast_in_dim3A : f32 to vector<512x256xf32>
    %get3A = arith.constant 0 : index
    %get3A_1 = arith.constant 0 : index
    %get3A_2 = arith.constant 0 : index
    %get3A_3 = vector.load %arg1[%get3A, %get3A_1, %get3A_2] : memref<26x512x128xf32, #tpu.memory_space<vmem>>, vector<1x512x128xf32>
    %get3A_4 = vector.shape_cast %get3A_3 : vector<1x512x128xf32> to vector<512x128xf32>
    %get3A_5 = arith.constant 0 : index
    %get3A_6 = arith.constant 0 : index
    %get3A_7 = arith.constant 0 : index
    %get3A_8 = vector.load %arg3[%get3A_5, %get3A_6, %get3A_7] : memref<26x128x256xf32, #tpu.memory_space<vmem>>, vector<1x128x256xf32>
    %get3A_9 = vector.shape_cast %get3A_8 : vector<1x128x256xf32> to vector<128x256xf32>
    %dot_general3A = arith.constant dense<0.000000e+00> : vector<512x256xf32>
    %dot_general3A_10 = tpu.matmul %get3A_4, %get3A_9, %dot_general3A {dimension_numbers = #tpu.dot_dimension_numbers<[1], [0], [0], [1], [0, 0, 1, 1], [], []>, transpose_lhs_hint = false} : vector<512x128xf32>, vector<128x256xf32>, vector<512x256xf32> -> vector<512x256xf32>
    %add3A = arith.addf %broadcast_in_dim3A_0, %dot_general3A_10 : vector<512x256xf32>
    %get3A_11 = arith.constant 1 : index
    %get3A_12 = arith.constant 0 : index
    %get3A_13 = arith.constant 0 : index
    %get3A_14 = vector.load %arg1[%get3A_11, %get3A_12, %get3A_13] : memref<26x512x128xf32, #tpu.memory_space<vmem>>, vector<1x512x128xf32>
    %get3A_15 = vector.shape_cast %get3A_14 : vector<1x512x128xf32> to vector<512x128xf32>
    %get3A_16 = arith.constant 1 : index
    %get3A_17 = arith.constant 0 : index
    %get3A_18 = arith.constant 0 : index
    %get3A_19 = vector.load %arg3[%get3A_16, %get3A_17, %get3A_18] : memref<26x128x256xf32, #tpu.memory_space<vmem>>, vector<1x128x256xf32>
    %get3A_20 = vector.shape_cast %get3A_19 : vector<1x128x256xf32> to vector<128x256xf32>
    %dot_general3A_21 = arith.constant dense<0.000000e+00> : vector<512x256xf32>
    %dot_general3A_22 = tpu.matmul %get3A_15, %get3A_20, %dot_general3A_21 {dimension_numbers = #tpu.dot_dimension_numbers<[1], [0], [0], [1], [0, 0, 1, 1], [], []>, transpose_lhs_hint = false} : vector<512x128xf32>, vector<128x256xf32>, vector<512x256xf32> -> vector<512x256xf32>
    %add3A_23 = arith.addf %add3A, %dot_general3A_22 : vector<512x256xf32>
    %get3A_24 = arith.constant 2 : index
    %get3A_25 = arith.constant 0 : index
    %get3A_26 = arith.constant 0 : index
    %get3A_27 = vector.load %arg1[%get3A_24, %get3A_25, %get3A_26] : memref<26x512x128xf32, #tpu.memory_space<vmem>>, vector<1x512x128xf32>
    %get3A_28 = vector.shape_cast %get3A_27 : vector<1x512x128xf32> to vector<512x128xf32>
    %get3A_29 = arith.constant 2 : index
    %get3A_30 = arith.constant 0 : index
    %get3A_31 = arith.constant 0 : index
    %get3A_32 = vector.load %arg3[%get3A_29, %get3A_30, %get3A_31] : memref<26x128x256xf32, #tpu.memory_space<vmem>>, vector<1x128x256xf32>
    %get3A_33 = vector.shape_cast %get3A_32 : vector<1x128x256xf32> to vector<128x256xf32>
    %dot_general3A_34 = arith.constant dense<0.000000e+00> : vector<512x256xf32>
    %dot_general3A_35 = tpu.matmul %get3A_28, %get3A_33, %dot_general3A_34 {dimension_numbers = #tpu.dot_dimension_numbers<[1], [0], [0], [1], [0, 0, 1, 1], [], []>, transpose_lhs_hint = false} : vector<512x128xf32>, vector<128x256xf32>, vector<512x256xf32> -> vector<512x256xf32>
    %add3A_36 = arith.addf %add3A_23, %dot_general3A_35 : vector<512x256xf32>
    %get3A_37 = arith.constant 3 : index
    %get3A_38 = arith.constant 0 : index
    %get3A_39 = arith.constant 0 : index
    %get3A_40 = vector.load %arg1[%get3A_37, %get3A_38, %get3A_39] : memref<26x512x128xf32, #tpu.memory_space<vmem>>, vector<1x512x128xf32>
    %get3A_41 = vector.shape_cast %get3A_40 : vector<1x512x128xf32> to vector<512x128xf32>
    %get3A_42 = arith.constant 3 : index
    %get3A_43 = arith.constant 0 : index
    %get3A_44 = arith.constant 0 : index
    %get3A_45 = vector.load %arg3[%get3A_42, %get3A_43, %get3A_44] : memref<26x128x256xf32, #tpu.memory_space<vmem>>, vector<1x128x256xf32>
    %get3A_46 = vector.shape_cast %get3A_45 : vector<1x128x256xf32> to vector<128x256xf32>
    %dot_general3A_47 = arith.constant dense<0.000000e+00> : vector<512x256xf32>
    %dot_general3A_48 = tpu.matmul %get3A_41, %get3A_46, %dot_general3A_47 {dimension_numbers = #tpu.dot_dimension_numbers<[1], [0], [0], [1], [0, 0, 1, 1], [], []>, transpose_lhs_hint = false} : vector<512x128xf32>, vector<128x256xf32>, vector<512x256xf32> -> vector<512x256xf32>
    %add3A_49 = arith.addf %add3A_36, %dot_general3A_48 : vector<512x256xf32>
    %get3A_50 = arith.constant 4 : index
    %get3A_51 = arith.constant 0 : index
    %get3A_52 = arith.constant 0 : index
    %get3A_53 = vector.load %arg1[%get3A_50, %get3A_51, %get3A_52] : memref<26x512x128xf32, #tpu.memory_space<vmem>>, vector<1x512x128xf32>
    %get3A_54 = vector.shape_cast %get3A_53 : vector<1x512x128xf32> to vector<512x128xf32>
    %get3A_55 = arith.constant 4 : index
    %get3A_56 = arith.constant 0 : index
    %get3A_57 = arith.constant 0 : index
    %get3A_58 = vector.load %arg3[%get3A_55, %get3A_56, %get3A_57] : memref<26x128x256xf32, #tpu.memory_space<vmem>>, vector<1x128x256xf32>
    %get3A_59 = vector.shape_cast %get3A_58 : vector<1x128x256xf32> to vector<128x256xf32>
    %dot_general3A_60 = arith.constant dense<0.000000e+00> : vector<512x256xf32>
    %dot_general3A_61 = tpu.matmul %get3A_54, %get3A_59, %dot_general3A_60 {dimension_numbers = #tpu.dot_dimension_numbers<[1], [0], [0], [1], [0, 0, 1, 1], [], []>, transpose_lhs_hint = false} : vector<512x128xf32>, vector<128x256xf32>, vector<512x256xf32> -> vector<512x256xf32>
    %add3A_62 = arith.addf %add3A_49, %dot_general3A_61 : vector<512x256xf32>
    %get3A_63 = arith.constant 5 : index
    %get3A_64 = arith.constant 0 : index
    %get3A_65 = arith.constant 0 : index
    %get3A_66 = vector.load %arg1[%get3A_63, %get3A_64, %get3A_65] : memref<26x512x128xf32, #tpu.memory_space<vmem>>, vector<1x512x128xf32>
    %get3A_67 = vector.shape_cast %get3A_66 : vector<1x512x128xf32> to vector<512x128xf32>
    %get3A_68 = arith.constant 5 : index
    %get3A_69 = arith.constant 0 : index
    %get3A_70 = arith.constant 0 : index
    %get3A_71 = vector.load %arg3[%get3A_68, %get3A_69, %get3A_70] : memref<26x128x256xf32, #tpu.memory_space<vmem>>, vector<1x128x256xf32>
    %get3A_72 = vector.shape_cast %get3A_71 : vector<1x128x256xf32> to vector<128x256xf32>
    %dot_general3A_73 = arith.constant dense<0.000000e+00> : vector<512x256xf32>
    %dot_general3A_74 = tpu.matmul %get3A_67, %get3A_72, %dot_general3A_73 {dimension_numbers = #tpu.dot_dimension_numbers<[1], [0], [0], [1], [0, 0, 1, 1], [], []>, transpose_lhs_hint = false} : vector<512x128xf32>, vector<128x256xf32>, vector<512x256xf32> -> vector<512x256xf32>
    %add3A_75 = arith.addf %add3A_62, %dot_general3A_74 : vector<512x256xf32>
    %get3A_76 = arith.constant 6 : index
    %get3A_77 = arith.constant 0 : index
    %get3A_78 = arith.constant 0 : index
    %get3A_79 = vector.load %arg1[%get3A_76, %get3A_77, %get3A_78] : memref<26x512x128xf32, #tpu.memory_space<vmem>>, vector<1x512x128xf32>
    %get3A_80 = vector.shape_cast %get3A_79 : vector<1x512x128xf32> to vector<512x128xf32>
    %get3A_81 = arith.constant 6 : index
    %get3A_82 = arith.constant 0 : index
    %get3A_83 = arith.constant 0 : index
    %get3A_84 = vector.load %arg3[%get3A_81, %get3A_82, %get3A_83] : memref<26x128x256xf32, #tpu.memory_space<vmem>>, vector<1x128x256xf32>
    %get3A_85 = vector.shape_cast %get3A_84 : vector<1x128x256xf32> to vector<128x256xf32>
    %dot_general3A_86 = arith.constant dense<0.000000e+00> : vector<512x256xf32>
    %dot_general3A_87 = tpu.matmul %get3A_80, %get3A_85, %dot_general3A_86 {dimension_numbers = #tpu.dot_dimension_numbers<[1], [0], [0], [1], [0, 0, 1, 1], [], []>, transpose_lhs_hint = false} : vector<512x128xf32>, vector<128x256xf32>, vector<512x256xf32> -> vector<512x256xf32>
    %add3A_88 = arith.addf %add3A_75, %dot_general3A_87 : vector<512x256xf32>
    %get3A_89 = arith.constant 7 : index
    %get3A_90 = arith.constant 0 : index
    %get3A_91 = arith.constant 0 : index
    %get3A_92 = vector.load %arg1[%get3A_89, %get3A_90, %get3A_91] : memref<26x512x128xf32, #tpu.memory_space<vmem>>, vector<1x512x128xf32>
    %get3A_93 = vector.shape_cast %get3A_92 : vector<1x512x128xf32> to vector<512x128xf32>
    %get3A_94 = arith.constant 7 : index
    %get3A_95 = arith.constant 0 : index
    %get3A_96 = arith.constant 0 : index
    %get3A_97 = vector.load %arg3[%get3A_94, %get3A_95, %get3A_96] : memref<26x128x256xf32, #tpu.memory_space<vmem>>, vector<1x128x256xf32>
    %get3A_98 = vector.shape_cast %get3A_97 : vector<1x128x256xf32> to vector<128x256xf32>
    %dot_general3A_99 = arith.constant dense<0.000000e+00> : vector<512x256xf32>
    %dot_general3A_100 = tpu.matmul %get3A_93, %get3A_98, %dot_general3A_99 {dimension_numbers = #tpu.dot_dimension_numbers<[1], [0], [0], [1], [0, 0, 1, 1], [], []>, transpose_lhs_hint = false} : vector<512x128xf32>, vector<128x256xf32>, vector<512x256xf32> -> vector<512x256xf32>
    %add3A_101 = arith.addf %add3A_88, %dot_general3A_100 : vector<512x256xf32>
    %get3A_102 = arith.constant 8 : index
    %get3A_103 = arith.constant 0 : index
    %get3A_104 = arith.constant 0 : index
    %get3A_105 = vector.load %arg1[%get3A_102, %get3A_103, %get3A_104] : memref<26x512x128xf32, #tpu.memory_space<vmem>>, vector<1x512x128xf32>
    %get3A_106 = vector.shape_cast %get3A_105 : vector<1x512x128xf32> to vector<512x128xf32>
    %get3A_107 = arith.constant 8 : index
    %get3A_108 = arith.constant 0 : index
    %get3A_109 = arith.constant 0 : index
    %get3A_110 = vector.load %arg3[%get3A_107, %get3A_108, %get3A_109] : memref<26x128x256xf32, #tpu.memory_space<vmem>>, vector<1x128x256xf32>
    %get3A_111 = vector.shape_cast %get3A_110 : vector<1x128x256xf32> to vector<128x256xf32>
    %dot_general3A_112 = arith.constant dense<0.000000e+00> : vector<512x256xf32>
    %dot_general3A_113 = tpu.matmul %get3A_106, %get3A_111, %dot_general3A_112 {dimension_numbers = #tpu.dot_dimension_numbers<[1], [0], [0], [1], [0, 0, 1, 1], [], []>, transpose_lhs_hint = false} : vector<512x128xf32>, vector<128x256xf32>, vector<512x256xf32> -> vector<512x256xf32>
    %add3A_114 = arith.addf %add3A_101, %dot_general3A_113 : vector<512x256xf32>
    %get3A_115 = arith.constant 9 : index
    %get3A_116 = arith.constant 0 : index
    %get3A_117 = arith.constant 0 : index
    %get3A_118 = vector.load %arg1[%get3A_115, %get3A_116, %get3A_117] : memref<26x512x128xf32, #tpu.memory_space<vmem>>, vector<1x512x128xf32>
    %get3A_119 = vector.shape_cast %get3A_118 : vector<1x512x128xf32> to vector<512x128xf32>
    %get3A_120 = arith.constant 9 : index
    %get3A_121 = arith.constant 0 : index
    %get3A_122 = arith.constant 0 : index
    %get3A_123 = vector.load %arg3[%get3A_120, %get3A_121, %get3A_122] : memref<26x128x256xf32, #tpu.memory_space<vmem>>, vector<1x128x256xf32>
    %get3A_124 = vector.shape_cast %get3A_123 : vector<1x128x256xf32> to vector<128x256xf32>
    %dot_general3A_125 = arith.constant dense<0.000000e+00> : vector<512x256xf32>
    %dot_general3A_126 = tpu.matmul %get3A_119, %get3A_124, %dot_general3A_125 {dimension_numbers = #tpu.dot_dimension_numbers<[1], [0], [0], [1], [0, 0, 1, 1], [], []>, transpose_lhs_hint = false} : vector<512x128xf32>, vector<128x256xf32>, vector<512x256xf32> -> vector<512x256xf32>
    %add3A_127 = arith.addf %add3A_114, %dot_general3A_126 : vector<512x256xf32>
    %get3A_128 = arith.constant 10 : index
    %get3A_129 = arith.constant 0 : index
    %get3A_130 = arith.constant 0 : index
    %get3A_131 = vector.load %arg1[%get3A_128, %get3A_129, %get3A_130] : memref<26x512x128xf32, #tpu.memory_space<vmem>>, vector<1x512x128xf32>
    %get3A_132 = vector.shape_cast %get3A_131 : vector<1x512x128xf32> to vector<512x128xf32>
    %get3A_133 = arith.constant 10 : index
    %get3A_134 = arith.constant 0 : index
    %get3A_135 = arith.constant 0 : index
    %get3A_136 = vector.load %arg3[%get3A_133, %get3A_134, %get3A_135] : memref<26x128x256xf32, #tpu.memory_space<vmem>>, vector<1x128x256xf32>
    %get3A_137 = vector.shape_cast %get3A_136 : vector<1x128x256xf32> to vector<128x256xf32>
    %dot_general3A_138 = arith.constant dense<0.000000e+00> : vector<512x256xf32>
    %dot_general3A_139 = tpu.matmul %get3A_132, %get3A_137, %dot_general3A_138 {dimension_numbers = #tpu.dot_dimension_numbers<[1], [0], [0], [1], [0, 0, 1, 1], [], []>, transpose_lhs_hint = false} : vector<512x128xf32>, vector<128x256xf32>, vector<512x256xf32> -> vector<512x256xf32>
    %add3A_140 = arith.addf %add3A_127, %dot_general3A_139 : vector<512x256xf32>
    %get3A_141 = arith.constant 11 : index
    %get3A_142 = arith.constant 0 : index
    %get3A_143 = arith.constant 0 : index
    %get3A_144 = vector.load %arg1[%get3A_141, %get3A_142, %get3A_143] : memref<26x512x128xf32, #tpu.memory_space<vmem>>, vector<1x512x128xf32>
    %get3A_145 = vector.shape_cast %get3A_144 : vector<1x512x128xf32> to vector<512x128xf32>
    %get3A_146 = arith.constant 11 : index
    %get3A_147 = arith.constant 0 : index
    %get3A_148 = arith.constant 0 : index
    %get3A_149 = vector.load %arg3[%get3A_146, %get3A_147, %get3A_148] : memref<26x128x256xf32, #tpu.memory_space<vmem>>, vector<1x128x256xf32>
    %get3A_150 = vector.shape_cast %get3A_149 : vector<1x128x256xf32> to vector<128x256xf32>
    %dot_general3A_151 = arith.constant dense<0.000000e+00> : vector<512x256xf32>
    %dot_general3A_152 = tpu.matmul %get3A_145, %get3A_150, %dot_general3A_151 {dimension_numbers = #tpu.dot_dimension_numbers<[1], [0], [0], [1], [0, 0, 1, 1], [], []>, transpose_lhs_hint = false} : vector<512x128xf32>, vector<128x256xf32>, vector<512x256xf32> -> vector<512x256xf32>
    %add3A_153 = arith.addf %add3A_140, %dot_general3A_152 : vector<512x256xf32>
    %get3A_154 = arith.constant 12 : index
    %get3A_155 = arith.constant 0 : index
    %get3A_156 = arith.constant 0 : index
    %get3A_157 = vector.load %arg1[%get3A_154, %get3A_155, %get3A_156] : memref<26x512x128xf32, #tpu.memory_space<vmem>>, vector<1x512x128xf32>
    %get3A_158 = vector.shape_cast %get3A_157 : vector<1x512x128xf32> to vector<512x128xf32>
    %get3A_159 = arith.constant 12 : index
    %get3A_160 = arith.constant 0 : index
    %get3A_161 = arith.constant 0 : index
    %get3A_162 = vector.load %arg3[%get3A_159, %get3A_160, %get3A_161] : memref<26x128x256xf32, #tpu.memory_space<vmem>>, vector<1x128x256xf32>
    %get3A_163 = vector.shape_cast %get3A_162 : vector<1x128x256xf32> to vector<128x256xf32>
    %dot_general3A_164 = arith.constant dense<0.000000e+00> : vector<512x256xf32>
    %dot_general3A_165 = tpu.matmul %get3A_158, %get3A_163, %dot_general3A_164 {dimension_numbers = #tpu.dot_dimension_numbers<[1], [0], [0], [1], [0, 0, 1, 1], [], []>, transpose_lhs_hint = false} : vector<512x128xf32>, vector<128x256xf32>, vector<512x256xf32> -> vector<512x256xf32>
    %add3A_166 = arith.addf %add3A_153, %dot_general3A_165 : vector<512x256xf32>
    %get3A_167 = arith.constant 13 : index
    %get3A_168 = arith.constant 0 : index
    %get3A_169 = arith.constant 0 : index
    %get3A_170 = vector.load %arg1[%get3A_167, %get3A_168, %get3A_169] : memref<26x512x128xf32, #tpu.memory_space<vmem>>, vector<1x512x128xf32>
    %get3A_171 = vector.shape_cast %get3A_170 : vector<1x512x128xf32> to vector<512x128xf32>
    %get3A_172 = arith.constant 13 : index
    %get3A_173 = arith.constant 0 : index
    %get3A_174 = arith.constant 0 : index
    %get3A_175 = vector.load %arg3[%get3A_172, %get3A_173, %get3A_174] : memref<26x128x256xf32, #tpu.memory_space<vmem>>, vector<1x128x256xf32>
    %get3A_176 = vector.shape_cast %get3A_175 : vector<1x128x256xf32> to vector<128x256xf32>
    %dot_general3A_177 = arith.constant dense<0.000000e+00> : vector<512x256xf32>
    %dot_general3A_178 = tpu.matmul %get3A_171, %get3A_176, %dot_general3A_177 {dimension_numbers = #tpu.dot_dimension_numbers<[1], [0], [0], [1], [0, 0, 1, 1], [], []>, transpose_lhs_hint = false} : vector<512x128xf32>, vector<128x256xf32>, vector<512x256xf32> -> vector<512x256xf32>
    %add3A_179 = arith.addf %add3A_166, %dot_general3A_178 : vector<512x256xf32>
    %get3A_180 = arith.constant 14 : index
    %get3A_181 = arith.constant 0 : index
    %get3A_182 = arith.constant 0 : index
    %get3A_183 = vector.load %arg1[%get3A_180, %get3A_181, %get3A_182] : memref<26x512x128xf32, #tpu.memory_space<vmem>>, vector<1x512x128xf32>
    %get3A_184 = vector.shape_cast %get3A_183 : vector<1x512x128xf32> to vector<512x128xf32>
    %get3A_185 = arith.constant 14 : index
    %get3A_186 = arith.constant 0 : index
    %get3A_187 = arith.constant 0 : index
    %get3A_188 = vector.load %arg3[%get3A_185, %get3A_186, %get3A_187] : memref<26x128x256xf32, #tpu.memory_space<vmem>>, vector<1x128x256xf32>
    %get3A_189 = vector.shape_cast %get3A_188 : vector<1x128x256xf32> to vector<128x256xf32>
    %dot_general3A_190 = arith.constant dense<0.000000e+00> : vector<512x256xf32>
    %dot_general3A_191 = tpu.matmul %get3A_184, %get3A_189, %dot_general3A_190 {dimension_numbers = #tpu.dot_dimension_numbers<[1], [0], [0], [1], [0, 0, 1, 1], [], []>, transpose_lhs_hint = false} : vector<512x128xf32>, vector<128x256xf32>, vector<512x256xf32> -> vector<512x256xf32>
    %add3A_192 = arith.addf %add3A_179, %dot_general3A_191 : vector<512x256xf32>
    %get3A_193 = arith.constant 15 : index
    %get3A_194 = arith.constant 0 : index
    %get3A_195 = arith.constant 0 : index
    %get3A_196 = vector.load %arg1[%get3A_193, %get3A_194, %get3A_195] : memref<26x512x128xf32, #tpu.memory_space<vmem>>, vector<1x512x128xf32>
    %get3A_197 = vector.shape_cast %get3A_196 : vector<1x512x128xf32> to vector<512x128xf32>
    %get3A_198 = arith.constant 15 : index
    %get3A_199 = arith.constant 0 : index
    %get3A_200 = arith.constant 0 : index
    %get3A_201 = vector.load %arg3[%get3A_198, %get3A_199, %get3A_200] : memref<26x128x256xf32, #tpu.memory_space<vmem>>, vector<1x128x256xf32>
    %get3A_202 = vector.shape_cast %get3A_201 : vector<1x128x256xf32> to vector<128x256xf32>
    %dot_general3A_203 = arith.constant dense<0.000000e+00> : vector<512x256xf32>
    %dot_general3A_204 = tpu.matmul %get3A_197, %get3A_202, %dot_general3A_203 {dimension_numbers = #tpu.dot_dimension_numbers<[1], [0], [0], [1], [0, 0, 1, 1], [], []>, transpose_lhs_hint = false} : vector<512x128xf32>, vector<128x256xf32>, vector<512x256xf32> -> vector<512x256xf32>
    %add3A_205 = arith.addf %add3A_192, %dot_general3A_204 : vector<512x256xf32>
    %get3A_206 = arith.constant 16 : index
    %get3A_207 = arith.constant 0 : index
    %get3A_208 = arith.constant 0 : index
    %get3A_209 = vector.load %arg1[%get3A_206, %get3A_207, %get3A_208] : memref<26x512x128xf32, #tpu.memory_space<vmem>>, vector<1x512x128xf32>
    %get3A_210 = vector.shape_cast %get3A_209 : vector<1x512x128xf32> to vector<512x128xf32>
    %get3A_211 = arith.constant 16 : index
    %get3A_212 = arith.constant 0 : index
    %get3A_213 = arith.constant 0 : index
    %get3A_214 = vector.load %arg3[%get3A_211, %get3A_212, %get3A_213] : memref<26x128x256xf32, #tpu.memory_space<vmem>>, vector<1x128x256xf32>
    %get3A_215 = vector.shape_cast %get3A_214 : vector<1x128x256xf32> to vector<128x256xf32>
    %dot_general3A_216 = arith.constant dense<0.000000e+00> : vector<512x256xf32>
    %dot_general3A_217 = tpu.matmul %get3A_210, %get3A_215, %dot_general3A_216 {dimension_numbers = #tpu.dot_dimension_numbers<[1], [0], [0], [1], [0, 0, 1, 1], [], []>, transpose_lhs_hint = false} : vector<512x128xf32>, vector<128x256xf32>, vector<512x256xf32> -> vector<512x256xf32>
    %add3A_218 = arith.addf %add3A_205, %dot_general3A_217 : vector<512x256xf32>
    %get3A_219 = arith.constant 17 : index
    %get3A_220 = arith.constant 0 : index
    %get3A_221 = arith.constant 0 : index
    %get3A_222 = vector.load %arg1[%get3A_219, %get3A_220, %get3A_221] : memref<26x512x128xf32, #tpu.memory_space<vmem>>, vector<1x512x128xf32>
    %get3A_223 = vector.shape_cast %get3A_222 : vector<1x512x128xf32> to vector<512x128xf32>
    %get3A_224 = arith.constant 17 : index
    %get3A_225 = arith.constant 0 : index
    %get3A_226 = arith.constant 0 : index
    %get3A_227 = vector.load %arg3[%get3A_224, %get3A_225, %get3A_226] : memref<26x128x256xf32, #tpu.memory_space<vmem>>, vector<1x128x256xf32>
    %get3A_228 = vector.shape_cast %get3A_227 : vector<1x128x256xf32> to vector<128x256xf32>
    %dot_general3A_229 = arith.constant dense<0.000000e+00> : vector<512x256xf32>
    %dot_general3A_230 = tpu.matmul %get3A_223, %get3A_228, %dot_general3A_229 {dimension_numbers = #tpu.dot_dimension_numbers<[1], [0], [0], [1], [0, 0, 1, 1], [], []>, transpose_lhs_hint = false} : vector<512x128xf32>, vector<128x256xf32>, vector<512x256xf32> -> vector<512x256xf32>
    %add3A_231 = arith.addf %add3A_218, %dot_general3A_230 : vector<512x256xf32>
    %get3A_232 = arith.constant 18 : index
    %get3A_233 = arith.constant 0 : index
    %get3A_234 = arith.constant 0 : index
    %get3A_235 = vector.load %arg1[%get3A_232, %get3A_233, %get3A_234] : memref<26x512x128xf32, #tpu.memory_space<vmem>>, vector<1x512x128xf32>
    %get3A_236 = vector.shape_cast %get3A_235 : vector<1x512x128xf32> to vector<512x128xf32>
    %get3A_237 = arith.constant 18 : index
    %get3A_238 = arith.constant 0 : index
    %get3A_239 = arith.constant 0 : index
    %get3A_240 = vector.load %arg3[%get3A_237, %get3A_238, %get3A_239] : memref<26x128x256xf32, #tpu.memory_space<vmem>>, vector<1x128x256xf32>
    %get3A_241 = vector.shape_cast %get3A_240 : vector<1x128x256xf32> to vector<128x256xf32>
    %dot_general3A_242 = arith.constant dense<0.000000e+00> : vector<512x256xf32>
    %dot_general3A_243 = tpu.matmul %get3A_236, %get3A_241, %dot_general3A_242 {dimension_numbers = #tpu.dot_dimension_numbers<[1], [0], [0], [1], [0, 0, 1, 1], [], []>, transpose_lhs_hint = false} : vector<512x128xf32>, vector<128x256xf32>, vector<512x256xf32> -> vector<512x256xf32>
    %add3A_244 = arith.addf %add3A_231, %dot_general3A_243 : vector<512x256xf32>
    %get3A_245 = arith.constant 19 : index
    %get3A_246 = arith.constant 0 : index
    %get3A_247 = arith.constant 0 : index
    %get3A_248 = vector.load %arg1[%get3A_245, %get3A_246, %get3A_247] : memref<26x512x128xf32, #tpu.memory_space<vmem>>, vector<1x512x128xf32>
    %get3A_249 = vector.shape_cast %get3A_248 : vector<1x512x128xf32> to vector<512x128xf32>
    %get3A_250 = arith.constant 19 : index
    %get3A_251 = arith.constant 0 : index
    %get3A_252 = arith.constant 0 : index
    %get3A_253 = vector.load %arg3[%get3A_250, %get3A_251, %get3A_252] : memref<26x128x256xf32, #tpu.memory_space<vmem>>, vector<1x128x256xf32>
    %get3A_254 = vector.shape_cast %get3A_253 : vector<1x128x256xf32> to vector<128x256xf32>
    %dot_general3A_255 = arith.constant dense<0.000000e+00> : vector<512x256xf32>
    %dot_general3A_256 = tpu.matmul %get3A_249, %get3A_254, %dot_general3A_255 {dimension_numbers = #tpu.dot_dimension_numbers<[1], [0], [0], [1], [0, 0, 1, 1], [], []>, transpose_lhs_hint = false} : vector<512x128xf32>, vector<128x256xf32>, vector<512x256xf32> -> vector<512x256xf32>
    %add3A_257 = arith.addf %add3A_244, %dot_general3A_256 : vector<512x256xf32>
    %get3A_258 = arith.constant 20 : index
    %get3A_259 = arith.constant 0 : index
    %get3A_260 = arith.constant 0 : index
    %get3A_261 = vector.load %arg1[%get3A_258, %get3A_259, %get3A_260] : memref<26x512x128xf32, #tpu.memory_space<vmem>>, vector<1x512x128xf32>
    %get3A_262 = vector.shape_cast %get3A_261 : vector<1x512x128xf32> to vector<512x128xf32>
    %get3A_263 = arith.constant 20 : index
    %get3A_264 = arith.constant 0 : index
    %get3A_265 = arith.constant 0 : index
    %get3A_266 = vector.load %arg3[%get3A_263, %get3A_264, %get3A_265] : memref<26x128x256xf32, #tpu.memory_space<vmem>>, vector<1x128x256xf32>
    %get3A_267 = vector.shape_cast %get3A_266 : vector<1x128x256xf32> to vector<128x256xf32>
    %dot_general3A_268 = arith.constant dense<0.000000e+00> : vector<512x256xf32>
    %dot_general3A_269 = tpu.matmul %get3A_262, %get3A_267, %dot_general3A_268 {dimension_numbers = #tpu.dot_dimension_numbers<[1], [0], [0], [1], [0, 0, 1, 1], [], []>, transpose_lhs_hint = false} : vector<512x128xf32>, vector<128x256xf32>, vector<512x256xf32> -> vector<512x256xf32>
    %add3A_270 = arith.addf %add3A_257, %dot_general3A_269 : vector<512x256xf32>
    %get3A_271 = arith.constant 21 : index
    %get3A_272 = arith.constant 0 : index
    %get3A_273 = arith.constant 0 : index
    %get3A_274 = vector.load %arg1[%get3A_271, %get3A_272, %get3A_273] : memref<26x512x128xf32, #tpu.memory_space<vmem>>, vector<1x512x128xf32>
    %get3A_275 = vector.shape_cast %get3A_274 : vector<1x512x128xf32> to vector<512x128xf32>
    %get3A_276 = arith.constant 21 : index
    %get3A_277 = arith.constant 0 : index
    %get3A_278 = arith.constant 0 : index
    %get3A_279 = vector.load %arg3[%get3A_276, %get3A_277, %get3A_278] : memref<26x128x256xf32, #tpu.memory_space<vmem>>, vector<1x128x256xf32>
    %get3A_280 = vector.shape_cast %get3A_279 : vector<1x128x256xf32> to vector<128x256xf32>
    %dot_general3A_281 = arith.constant dense<0.000000e+00> : vector<512x256xf32>
    %dot_general3A_282 = tpu.matmul %get3A_275, %get3A_280, %dot_general3A_281 {dimension_numbers = #tpu.dot_dimension_numbers<[1], [0], [0], [1], [0, 0, 1, 1], [], []>, transpose_lhs_hint = false} : vector<512x128xf32>, vector<128x256xf32>, vector<512x256xf32> -> vector<512x256xf32>
    %add3A_283 = arith.addf %add3A_270, %dot_general3A_282 : vector<512x256xf32>
    %get3A_284 = arith.constant 22 : index
    %get3A_285 = arith.constant 0 : index
    %get3A_286 = arith.constant 0 : index
    %get3A_287 = vector.load %arg1[%get3A_284, %get3A_285, %get3A_286] : memref<26x512x128xf32, #tpu.memory_space<vmem>>, vector<1x512x128xf32>
    %get3A_288 = vector.shape_cast %get3A_287 : vector<1x512x128xf32> to vector<512x128xf32>
    %get3A_289 = arith.constant 22 : index
    %get3A_290 = arith.constant 0 : index
    %get3A_291 = arith.constant 0 : index
    %get3A_292 = vector.load %arg3[%get3A_289, %get3A_290, %get3A_291] : memref<26x128x256xf32, #tpu.memory_space<vmem>>, vector<1x128x256xf32>
    %get3A_293 = vector.shape_cast %get3A_292 : vector<1x128x256xf32> to vector<128x256xf32>
    %dot_general3A_294 = arith.constant dense<0.000000e+00> : vector<512x256xf32>
    %dot_general3A_295 = tpu.matmul %get3A_288, %get3A_293, %dot_general3A_294 {dimension_numbers = #tpu.dot_dimension_numbers<[1], [0], [0], [1], [0, 0, 1, 1], [], []>, transpose_lhs_hint = false} : vector<512x128xf32>, vector<128x256xf32>, vector<512x256xf32> -> vector<512x256xf32>
    %add3A_296 = arith.addf %add3A_283, %dot_general3A_295 : vector<512x256xf32>
    %get3A_297 = arith.constant 23 : index
    %get3A_298 = arith.constant 0 : index
    %get3A_299 = arith.constant 0 : index
    %get3A_300 = vector.load %arg1[%get3A_297, %get3A_298, %get3A_299] : memref<26x512x128xf32, #tpu.memory_space<vmem>>, vector<1x512x128xf32>
    %get3A_301 = vector.shape_cast %get3A_300 : vector<1x512x128xf32> to vector<512x128xf32>
    %get3A_302 = arith.constant 23 : index
    %get3A_303 = arith.constant 0 : index
    %get3A_304 = arith.constant 0 : index
    %get3A_305 = vector.load %arg3[%get3A_302, %get3A_303, %get3A_304] : memref<26x128x256xf32, #tpu.memory_space<vmem>>, vector<1x128x256xf32>
    %get3A_306 = vector.shape_cast %get3A_305 : vector<1x128x256xf32> to vector<128x256xf32>
    %dot_general3A_307 = arith.constant dense<0.000000e+00> : vector<512x256xf32>
    %dot_general3A_308 = tpu.matmul %get3A_301, %get3A_306, %dot_general3A_307 {dimension_numbers = #tpu.dot_dimension_numbers<[1], [0], [0], [1], [0, 0, 1, 1], [], []>, transpose_lhs_hint = false} : vector<512x128xf32>, vector<128x256xf32>, vector<512x256xf32> -> vector<512x256xf32>
    %add3A_309 = arith.addf %add3A_296, %dot_general3A_308 : vector<512x256xf32>
    %get3A_310 = arith.constant 24 : index
    %get3A_311 = arith.constant 0 : index
    %get3A_312 = arith.constant 0 : index
    %get3A_313 = vector.load %arg1[%get3A_310, %get3A_311, %get3A_312] : memref<26x512x128xf32, #tpu.memory_space<vmem>>, vector<1x512x128xf32>
    %get3A_314 = vector.shape_cast %get3A_313 : vector<1x512x128xf32> to vector<512x128xf32>
    %get3A_315 = arith.constant 24 : index
    %get3A_316 = arith.constant 0 : index
    %get3A_317 = arith.constant 0 : index
    %get3A_318 = vector.load %arg3[%get3A_315, %get3A_316, %get3A_317] : memref<26x128x256xf32, #tpu.memory_space<vmem>>, vector<1x128x256xf32>
    %get3A_319 = vector.shape_cast %get3A_318 : vector<1x128x256xf32> to vector<128x256xf32>
    %dot_general3A_320 = arith.constant dense<0.000000e+00> : vector<512x256xf32>
    %dot_general3A_321 = tpu.matmul %get3A_314, %get3A_319, %dot_general3A_320 {dimension_numbers = #tpu.dot_dimension_numbers<[1], [0], [0], [1], [0, 0, 1, 1], [], []>, transpose_lhs_hint = false} : vector<512x128xf32>, vector<128x256xf32>, vector<512x256xf32> -> vector<512x256xf32>
    %add3A_322 = arith.addf %add3A_309, %dot_general3A_321 : vector<512x256xf32>
    %get3A_323 = arith.constant 25 : index
    %get3A_324 = arith.constant 0 : index
    %get3A_325 = arith.constant 0 : index
    %get3A_326 = vector.load %arg1[%get3A_323, %get3A_324, %get3A_325] : memref<26x512x128xf32, #tpu.memory_space<vmem>>, vector<1x512x128xf32>
    %get3A_327 = vector.shape_cast %get3A_326 : vector<1x512x128xf32> to vector<512x128xf32>
    %get3A_328 = arith.constant 25 : index
    %get3A_329 = arith.constant 0 : index
    %get3A_330 = arith.constant 0 : index
    %get3A_331 = vector.load %arg3[%get3A_328, %get3A_329, %get3A_330] : memref<26x128x256xf32, #tpu.memory_space<vmem>>, vector<1x128x256xf32>
    %get3A_332 = vector.shape_cast %get3A_331 : vector<1x128x256xf32> to vector<128x256xf32>
    %dot_general3A_333 = arith.constant dense<0.000000e+00> : vector<512x256xf32>
    %dot_general3A_334 = tpu.matmul %get3A_327, %get3A_332, %dot_general3A_333 {dimension_numbers = #tpu.dot_dimension_numbers<[1], [0], [0], [1], [0, 0, 1, 1], [], []>, transpose_lhs_hint = false} : vector<512x128xf32>, vector<128x256xf32>, vector<512x256xf32> -> vector<512x256xf32>
    %add3A_335 = arith.addf %add3A_322, %dot_general3A_334 : vector<512x256xf32>
    %get3A_336 = arith.constant 0 : index
    %get3A_337 = arith.constant 0 : index
    %get3A_338 = vector.load %arg4[%get3A_336, %get3A_337] : memref<1x256xf32, #tpu.memory_space<vmem>>, vector<1x256xf32>
    %add3A_339 = vector.broadcast %get3A_338 : vector<1x256xf32> to vector<512x256xf32>
    %add3A_340 = arith.addf %add3A_335, %add3A_339 : vector<512x256xf32>
    %max3A = arith.constant 0.000000e+00 : f32
    %max3A_341 = vector.broadcast %max3A : f32 to vector<512x256xf32>
    %max3A_342 = arith.maximumf %add3A_340, %max3A_341 : vector<512x256xf32>
    %get3A_343 = arith.constant 0 : index
    %get3A_344 = arith.constant 0 : index
    %get3A_345 = vector.load %arg5[%get3A_343, %get3A_344] : memref<256x128xf32, #tpu.memory_space<vmem>>, vector<256x128xf32>
    %dot_general3A_346 = arith.constant dense<0.000000e+00> : vector<512x128xf32>
    %dot_general3A_347 = tpu.matmul %max3A_342, %get3A_345, %dot_general3A_346 {dimension_numbers = #tpu.dot_dimension_numbers<[1], [0], [0], [1], [0, 0, 1, 1], [], []>, transpose_lhs_hint = false} : vector<512x256xf32>, vector<256x128xf32>, vector<512x128xf32> -> vector<512x128xf32>
    %get3A_348 = arith.constant 0 : index
    %get3A_349 = arith.constant 0 : index
    %get3A_350 = vector.load %arg6[%get3A_348, %get3A_349] : memref<1x128xf32, #tpu.memory_space<vmem>>, vector<1x128xf32>
    %add3A_351 = vector.broadcast %get3A_350 : vector<1x128xf32> to vector<512x128xf32>
    %add3A_352 = arith.addf %dot_general3A_347, %add3A_351 : vector<512x128xf32>
    %max3A_353 = arith.constant 0.000000e+00 : f32
    %max3A_354 = vector.broadcast %max3A_353 : f32 to vector<512x128xf32>
    %max3A_355 = arith.maximumf %add3A_352, %max3A_354 : vector<512x128xf32>
    %get3A_356 = arith.constant 0 : index
    %get3A_357 = arith.constant 0 : index
    %get3A_358 = vector.load %arg7[%get3A_356, %get3A_357] : memref<128x64xf32, #tpu.memory_space<vmem>>, vector<128x64xf32>
    %dot_general3A_359 = arith.constant dense<0.000000e+00> : vector<512x64xf32>
    %dot_general3A_360 = tpu.matmul %max3A_355, %get3A_358, %dot_general3A_359 {dimension_numbers = #tpu.dot_dimension_numbers<[1], [0], [0], [1], [0, 0, 1, 1], [], []>, transpose_lhs_hint = false} : vector<512x128xf32>, vector<128x64xf32>, vector<512x64xf32> -> vector<512x64xf32>
    %get3A_361 = arith.constant 0 : index
    %get3A_362 = arith.constant 0 : index
    %get3A_363 = vector.load %arg8[%get3A_361, %get3A_362] : memref<1x64xf32, #tpu.memory_space<vmem>>, vector<1x64xf32>
    %add3A_364 = vector.broadcast %get3A_363 : vector<1x64xf32> to vector<512x64xf32>
    %add3A_365 = arith.addf %dot_general3A_360, %add3A_364 : vector<512x64xf32>
    %max3A_366 = arith.constant 0.000000e+00 : f32
    %max3A_367 = vector.broadcast %max3A_366 : f32 to vector<512x64xf32>
    %max3A_368 = arith.maximumf %add3A_365, %max3A_367 : vector<512x64xf32>
    %get3A_369 = arith.constant 0 : index
    %get3A_370 = arith.constant 0 : index
    %get3A_371 = vector.load %arg9[%get3A_369, %get3A_370] : memref<64x1xf32, #tpu.memory_space<vmem>>, vector<64x1xf32>
    %dot_general3A_372 = arith.constant dense<0.000000e+00> : vector<512x1xf32>
    %dot_general3A_373 = tpu.matmul %max3A_368, %get3A_371, %dot_general3A_372 {dimension_numbers = #tpu.dot_dimension_numbers<[1], [0], [0], [1], [0, 0, 1, 1], [], []>, transpose_lhs_hint = false} : vector<512x64xf32>, vector<64x1xf32>, vector<512x1xf32> -> vector<512x1xf32>
    %get3A_374 = arith.constant 0 : index
    %get3A_375 = arith.constant 0 : index
    %get3A_376 = vector.load %arg2[%get3A_374, %get3A_375] : memref<512x139xf32, #tpu.memory_space<vmem>>, vector<512x139xf32>
    %get3A_377 = arith.constant 0 : index
    %get3A_378 = arith.constant 0 : index
    %get3A_379 = vector.load %arg10[%get3A_377, %get3A_378] : memref<139x1xf32, #tpu.memory_space<vmem>>, vector<139x1xf32>
    %dot_general3A_380 = arith.constant dense<0.000000e+00> : vector<512x1xf32>
    %dot_general3A_381 = tpu.matmul %get3A_376, %get3A_379, %dot_general3A_380 {dimension_numbers = #tpu.dot_dimension_numbers<[1], [0], [0], [1], [0, 0, 1, 1], [], []>, transpose_lhs_hint = false} : vector<512x139xf32>, vector<139x1xf32>, vector<512x1xf32> -> vector<512x1xf32>
    %add3A_382 = arith.addf %dot_general3A_373, %dot_general3A_381 : vector<512x1xf32>
    %get3A_383 = arith.constant 0 : index
    %get3A_384 = arith.constant 0 : index
    %get3A_385 = vector.load %arg11[%get3A_383, %get3A_384] : memref<1x1xf32, #tpu.memory_space<vmem>>, vector<1x1xf32>
    %get3A_386 = vector.extract %get3A_385[0, 0] : f32 from vector<1x1xf32>
    %add3A_387 = vector.broadcast %get3A_386 : f32 to vector<512x1xf32>
    %add3A_388 = arith.addf %add3A_382, %add3A_387 : vector<512x1xf32>
    %mul3A = arith.constant 5.000000e-01 : f32
    %mul3A_389 = vector.broadcast %mul3A : f32 to vector<512x1xf32>
    %mul3A_390 = arith.mulf %mul3A_389, %add3A_388 : vector<512x1xf32>
    %neg3A = arith.constant 0.000000e+00 : f32
    %neg3A_391 = vector.broadcast %neg3A : f32 to vector<512x1xf32>
    %neg3A_392 = arith.subf %neg3A_391, %mul3A_390 : vector<512x1xf32>
    %exp3A = math.exp %neg3A_392 : vector<512x1xf32>
    %add3A_393 = arith.constant 1.000000e+00 : f32
    %add3A_394 = vector.broadcast %add3A_393 : f32 to vector<512x1xf32>
    %add3A_395 = arith.addf %add3A_394, %exp3A : vector<512x1xf32>
    %div3A = arith.constant 1.000000e+00 : f32
    %div3A_396 = vector.broadcast %div3A : f32 to vector<512x1xf32>
    %div3A_397 = arith.divf %div3A_396, %add3A_395 : vector<512x1xf32>
    %swap3A = arith.constant 0 : index
    %swap3A_398 = arith.constant 0 : index
    %swap3A_399 = vector.load %arg12[%swap3A, %swap3A_398] : memref<512x1xf32, #tpu.memory_space<vmem>>, vector<512x1xf32>
    tpu.vector_store %arg12[%swap3A, %swap3A_398], %div3A_397 {strides = array<i32>} : memref<512x1xf32, #tpu.memory_space<vmem>>, vector<512x1xf32>,
    return
  }
  func.func @transform_0(%arg0: i32) -> (i32, i32, i32) {
    %c0_i32 = arith.constant 0 : i32
    %c0_i32_0 = arith.constant 0 : i32
    %c0_i32_1 = arith.constant 0 : i32
    return %c0_i32, %arg0, %c0_i32_0 : i32, i32, i32
  }
  func.func @transform_1(%arg0: i32) -> (i32, i32) {
    %c0_i32 = arith.constant 0 : i32
    %c0_i32_0 = arith.constant 0 : i32
    return %arg0, %c0_i32 : i32, i32
  }
  func.func @transform_2(%arg0: i32) -> (i32, i32, i32) {
    %c0_i32 = arith.constant 0 : i32
    %c0_i32_0 = arith.constant 0 : i32
    %c0_i32_1 = arith.constant 0 : i32
    %c0_i32_2 = arith.constant 0 : i32
    return %c0_i32, %c0_i32_0, %c0_i32_1 : i32, i32, i32
  }
  func.func @transform_3(%arg0: i32) -> (i32, i32) {
    %c0_i32 = arith.constant 0 : i32
    %c0_i32_0 = arith.constant 0 : i32
    %c0_i32_1 = arith.constant 0 : i32
    return %c0_i32, %c0_i32_0 : i32, i32
  }
  func.func @transform_4(%arg0: i32) -> (i32, i32) {
    %c0_i32 = arith.constant 0 : i32
    %c0_i32_0 = arith.constant 0 : i32
    %c0_i32_1 = arith.constant 0 : i32
    return %c0_i32, %c0_i32_0 : i32, i32
  }
  func.func @transform_5(%arg0: i32) -> (i32, i32) {
    %c0_i32 = arith.constant 0 : i32
    %c0_i32_0 = arith.constant 0 : i32
    %c0_i32_1 = arith.constant 0 : i32
    return %c0_i32, %c0_i32_0 : i32, i32
  }
  func.func @transform_6(%arg0: i32) -> (i32, i32) {
    %c0_i32 = arith.constant 0 : i32
    %c0_i32_0 = arith.constant 0 : i32
    %c0_i32_1 = arith.constant 0 : i32
    return %c0_i32, %c0_i32_0 : i32, i32
  }
  func.func @transform_7(%arg0: i32) -> (i32, i32) {
    %c0_i32 = arith.constant 0 : i32
    %c0_i32_0 = arith.constant 0 : i32
    %c0_i32_1 = arith.constant 0 : i32
    return %c0_i32, %c0_i32_0 : i32, i32
  }
  func.func @transform_8(%arg0: i32) -> (i32, i32) {
    %c0_i32 = arith.constant 0 : i32
    %c0_i32_0 = arith.constant 0 : i32
    %c0_i32_1 = arith.constant 0 : i32
    return %c0_i32, %c0_i32_0 : i32, i32
  }
  func.func @transform_9(%arg0: i32) -> (i32, i32) {
    %c0_i32 = arith.constant 0 : i32
    %c0_i32_0 = arith.constant 0 : i32
    %c0_i32_1 = arith.constant 0 : i32
    return %c0_i32, %c0_i32_0 : i32, i32
  }
  func.func @transform_10(%arg0: i32) -> (i32, i32) {
    %c0_i32 = arith.constant 0 : i32
    %c0_i32_0 = arith.constant 0 : i32
    %c0_i32_1 = arith.constant 0 : i32
    return %c0_i32, %c0_i32_0 : i32, i32
  }
  func.func @transform_11(%arg0: i32) -> (i32, i32) {
    %c0_i32 = arith.constant 0 : i32
    %c0_i32_0 = arith.constant 0 : i32
    return %arg0, %c0_i32 : i32, i32
  }
}

</mosaic_0001>

<sc_bundles>
// kernel: kernel.4.cloned.1.call-start
scs
__scs_entry_jumppad:
0x0: {  	(pc) =	sbr.rel $0x88, $3  }
0x1: {  	(tag) =	ssettag $0x0;
	lr =	simm.s32 $0x1  }
0x2: {  	[smem:$0x3F95] =	sst lr;
	_ =	strace $0xD0000000  }
0x3: {  	_ = 	snop  }
0x4: {  	_ = 	snop  }
0x5: {  	_ = 	snop  }
0x6: {  	_ = 	snop  }
0x7: {  	_ = 	snop  }
__scs_overlays_trampoline_lowered:
0x8: {  	[smem:$0x3FA4] =	sst s0  }
0x9: {  	[smem:$0x3FA5] =	sst s1  }
0xa: {  	[smem:$0x3FA6] =	sst s2  }
0xb: {  	[smem:$0x3FA7] =	sst s3  }
0xc: {  	[smem:$0x3FA8] =	sst s4  }
0xd: {  	[smem:$0x3FA9] =	sst s5  }
0xe: {  	[smem:$0x3FAA] =	sst s6  }
0xf: {  	[smem:$0x3FAB] =	sst s7  }
0x10: {  	[smem:$0x3FAC] =	sst s8  }
0x11: {  	[smem:$0x3FAD] =	sst s9;
	s0 =	simm.s32 @!p0 $0x0  }
0x12: {  	s1 =	sld [smem:$0x3F93];
	s0 =	simm.s32 @p0 $0x1  }
0x13: {  	[smem:$0x3FAE] =	sst s0;
	s0 =	simm.s32 @!p1 $0x0  }
0x14: {  	s2 =	sld [smem:$0x3F92];
	s0 =	simm.s32 @p1 $0x1  }
0x15: {  	[smem:$0x3FAF] =	sst s0;
	s0 =	simm.s32 @!p2 $0x0  }
0x16: {  	s3 =	sld [smem:$0x3FDB];
	s0 =	simm.s32 @p2 $0x1  }
0x17: {  	s4 =	simm.s32 $0x1BF5;
	[smem:$0x3FB1] =	sst s0  }
0x18: {  	s0 =	sld [smem:$0x3F94];
	_ =	swait.ge [sflag:s4], $0x0  }
0x19: {  	s7 =	sld [smem:$0x3F95]  }
0x1a: {  	s8 =	sadd.s32 $0xFFFFE003, lr  }
0x1b: {  	s9 =	sadd.s32 $0xFFFFFEF7, lr;
	s5 =	simm.s32 $0xFFFFFFFF;
	p2 =	slt.u32 s8, $0xFFFFF086  }
0x1c: {  	p1 =	slt.u32 s9, $0xF7A;
	s5 =	simm.s32 @!p2 $0x0  }
0x1d: {  	s5 =	simm.s32 @p1 $0x1;
	p0 =	seq.s32 s7, s2  }
0x1e: {  	s7 =	smul.u32 @!p0 $0xF7A, s2;
	p2 =	seq.s32 @!p0 s5, $0x0  }
0x1f: {  	s9 =	smul.u32 $0xF7A, s1;
	s8 =	simm.s32 @!p0 $0x1BF5;
	p2 =	por !p2, p0  }
0x20: {  	[sflag:s8] =	ssyncset.s32 @!p0 $0xFFFFF086;
	s6 =	sadd.s32 @!p0 s3, s7;
	s7 =	simm.s32 @!p0 $0x108  }
0x21: {  	s3 =	sadd.s32 s3, s9;
	s6 =	sadd.s32 @!p0 $0x88, s6;
	s7 =	simm.s32 @p2 $0x1082  }
0x22: {  	[simem:s7], [sflag:s8] =	dma.local @!p0 [hbm:s6], $0xF7A  }
0x23: {  	s9 =	sor.u32 $0xD0000000, s2;
	s6 =	simm.s32 $0x108;
	_ =	swait.ge @!p0 [sflag:s8], $0x0  }
0x24: {  	s3 =	sadd.s32 $0x88, s3;
	s6 =	simm.s32 @!p1 $0x1082;
	[sflag:s4] =	ssyncset.s32 $0xFFFFF086  }
0x25: {  	[simem:s6], [sflag:s4] =	dma.local [hbm:s3], $0xF7A  }
0x26: {  	[smem:$0x3F95] =	sst s1;
	(tag) =	ssettag s2;
	_ =	strace s9  }
0x27: {  	s1 =	sld [smem:$0x3FA5]  }
0x28: {  	s2 =	sld [smem:$0x3FA6]  }
0x29: {  	s4 =	sld [smem:$0x3FA8]  }
0x2a: {  	p0 =	seq.s32 s5, $0x0;
	s5 =	sld [smem:$0x3FA9]  }
0x2b: {  	s6 =	sld [smem:$0x3FAA]  }
0x2c: {  	s7 =	sld [smem:$0x3FAB]  }
0x2d: {  	s3 =	simm.s32 $0x108;
	s8 =	sld [smem:$0x3FAC]  }
0x2e: {  	s3 =	simm.s32 @!p0 $0x1082;
	s9 =	sld [smem:$0x3FAD]  }
0x2f: {  	lr =	sadd.s32 s0, s3;
	s0 =	sld [smem:$0x3FA4]  }
0x30: {  	s3 =	sld [smem:$0x3FA7]  }
0x31: {  	[smem:$0x3FB0] =	sst s10  }
0x32: {  	s10 =	sld [smem:$0x3FAE];
	_ =	sdelay $0x3  }
0x33: {  	p0 =	seq.s32 s10, $0x1;
	s10 =	sld [smem:$0x3FB0];
	_ =	sdelay $0x3  }
0x34: {  	[smem:$0x3FB0] =	sst s10  }
0x35: {  	s10 =	sld [smem:$0x3FAF];
	_ =	sdelay $0x3  }
0x36: {  	p1 =	seq.s32 s10, $0x1;
	s10 =	sld [smem:$0x3FB0];
	_ =	sdelay $0x3  }
0x37: {  	[smem:$0x3FB0] =	sst s10  }
0x38: {  	s10 =	sld [smem:$0x3FB1]  }
0x39: {  	_ = 	snop;
	(pc) =	sbr.ind lr, $3  }
0x3a: {  	_ = 	snop  }
0x3b: {  	_ = 	snop  }
0x3c: {  	p2 =	seq.s32 s10, $0x1;
	s10 =	sld [smem:$0x3FB0]  }
0x3d: {  	_ =	shalt  }
0x3e: {  	_ =	shalt  }
0x3f: {  	_ =	shalt  }
0x40: {  	_ =	shalt  }
0x41: {  	_ =	shalt  }
0x42: {  	_ =	shalt  }
0x43: {  	_ =	shalt  }
0x44: {  	_ =	shalt  }
0x45: {  	_ =	shalt  }
0x46: {  	_ =	shalt  }
0x47: {  	_ =	shalt  }
0x48: {  	_ =	shalt  }
0x49: {  	_ =	shalt  }
0x4a: {  	_ =	shalt  }
0x4b: {  	_ =	shalt  }
0x4c: {  	_ =	shalt  }
0x4d: {  	_ =	shalt  }
0x4e: {  	_ =	shalt  }
0x4f: {  	_ =	shalt  }
0x50: {  	_ =	shalt  }
0x51: {  	_ =	shalt  }
0x52: {  	_ =	shalt  }
0x53: {  	_ =	shalt  }
0x54: {  	_ =	shalt  }
0x55: {  	_ =	shalt  }
0x56: {  	_ =	shalt  }
0x57: {  	_ =	shalt  }
0x58: {  	_ =	shalt  }
0x59: {  	_ =	shalt  }
0x5a: {  	_ =	shalt  }
0x5b: {  	_ =	shalt  }
0x5c: {  	_ =	shalt  }
0x5d: {  	_ =	shalt  }
0x5e: {  	_ =	shalt  }
0x5f: {  	_ =	shalt  }
0x60: {  	_ =	shalt  }
0x61: {  	_ =	shalt  }
0x62: {  	_ =	shalt  }
0x63: {  	_ =	shalt  }
0x64: {  	_ =	shalt  }
0x65: {  	_ =	shalt  }
0x66: {  	_ =	shalt  }
0x67: {  	_ =	shalt  }
0x68: {  	_ =	shalt  }
0x69: {  	_ =	shalt  }
0x6a: {  	_ =	shalt  }
0x6b: {  	_ =	shalt  }
0x6c: {  	_ =	shalt  }
0x6d: {  	_ =	shalt  }
0x6e: {  	_ =	shalt  }
0x6f: {  	_ =	shalt  }
0x70: {  	_ =	shalt  }
0x71: {  	_ =	shalt  }
0x72: {  	_ =	shalt  }
0x73: {  	_ =	shalt  }
0x74: {  	_ =	shalt  }
0x75: {  	_ =	shalt  }
0x76: {  	_ =	shalt  }
0x77: {  	_ =	shalt  }
0x78: {  	_ =	shalt  }
0x79: {  	_ =	shalt  }
0x7a: {  	_ =	shalt  }
0x7b: {  	_ =	shalt  }
0x7c: {  	_ =	shalt  }
0x7d: {  	_ =	shalt  }
0x7e: {  	_ =	shalt  }
0x7f: {  	_ =	shalt  }
0x80: {  	_ =	shalt  }
0x81: {  	_ =	shalt  }
0x82: {  	_ =	shalt  }
0x83: {  	_ =	shalt  }
0x84: {  	_ =	shalt  }
0x85: {  	_ =	shalt  }
0x86: {  	_ =	shalt  }
0x87: {  	_ =	shalt  }
.Lfunc_end0:
.L_simem_size_0:
called_computation_lowered:
.L_overlay_start_0:
0x88: {  	s2 =	sld [smem:$0x3FD9]  }
0x89: {  	s3 =	sld [smem:$0x3FFE];
	_ =	sdelay $0x1  }
0x8a: {  	s1 =	srdreg.scid  }
0x8b: {  	s0 =	sand.u32 $0x1, s1  }
0x8c: {  	s16 =	sshll.u32 s0, $0xA;
	s2 =	sadd.s32 s3, s2  }
0x8d: {  	s2 =	sadd.s32 s2, s16  }
0x8e: {  	[smem:$0x3FBC] =	sst s2  }
0x8f: {  	_ = 	snop  }
0x90: {  	(tm) =	ssettm $0x1  }
0x91: {  	s17 =	sld [smem:$0x3FFB];
	_ =	sdelay $0x3  }
0x92: {  	_ =	strace s17  }
0x93: {  	s2 =	sld [smem:$0x3FFC];
	_ =	sdelay $0x3  }
0x94: {  	_ =	strace s2  }
0x95: {  	s2 =	sld [smem:$0x3FFD];
	_ =	sdelay $0x3  }
0x96: {  	_ =	strace s2  }
0x97: {  	_ =	strace $0x8FFFFFFF  }
0x98: {  	s18 =	sld [smem:$0x3FDB];
	_ =	sdelay $0x1  }
0x99: {  	s19 =	simm.s32 $_scs_section_size  }
0x9a: {  	s4 =	simm.s32 $_size__tile_overlayer_lowered;
	s5 =	simm.s32 $_tile_overlayer_lowered  }
0x9b: {  	s22 =	simm.s32 $0x1BFF;
	s21 =	sshll.u32 s5, $0x1;
	s2 =	sadd.s32 s19, s18  }
0x9c: {  	s6 =	simm.s32 $0x0;
	s20 =	sshll.u32 s4, $0x1;
	s4 =	sadd.s32 s21, s2  }
0x9d: {  	[timem:s6], [sflag:s22] =	dma.local [hbm:s4], s20  }
0x9e: {  	_ =	swait.ge [sflag:s22], s20  }
0x9f: {  	s3 =	ssub.s32 $0x0, s20;
	[sflag:s22] =	ssyncset.done $0x0  }
0xa0: {  	[sflag:s22] =	ssyncadd.s32 s3;
	_ =	sdelay $0x1  }
0xa1: {  	s23 =	simm.s32 $0x1B8B  }
0xa2: {  	_ =	swait.ge [sflag:s23], $0x1  }
0xa3: {  	[sflag:s23] =	ssyncset.done $0x0  }
0xa4: {  	s25 =	simm.s32 $0x1B8E;
	s24 =	sld [smem:$0x3FFE];
	[sflag:s23] =	ssyncadd.s32 $0xFFFFFFFF  }
0xa5: {  	s26 =	simm.s32 $execute0_lowered;
	[smem:$0x3FD2] =	sst s25  }
0xa6: {  	s4 =	sshll.u32 s26, $0x1;
	_ =	strace $0x80000046;
	[dreg:$0x1] =	wrdreg $0xFFFFFFFF  }
0xa7: {  	s28 =	simm.s32 $_size_execute0_lowered;
	s2 =	sadd.s32 s2, s4;
	[dreg:$0x0] =	wrdreg $0x0  }
0xa8: {  	s4 =	sshll.u32 s28, $0x1;
	[dreg:$0x2] =	wrdreg s2  }
0xa9: {  	[dreg:$0x3] =	wrdreg s4  }
0xaa: {  	[dreg:$0x4] =	wrdreg $0xC0  }
0xab: {  	_ =	task [dreg:s6], $0x5FFFF  }
0xac: {  	[dreg:$0x1] =	wrdreg $0xFFFFFFFF  }
0xad: {  	[dreg:$0x0] =	wrdreg $0x60  }
0xae: {  	[dreg:$0x2] =	wrdreg s24  }
0xaf: {  	[dreg:$0x3] =	wrdreg $0x9  }
0xb0: {  	_ =	task.clear_ibuf [dreg:s6], $0x4FFFF;
	_ =	strace $0x90000046  }
0xb1: {  	s29 =	simm.s32 $0x9;
	_ =	strace $0x80000048  }
0xb2: {  	_ =	swait.ge [sflag:s29], $0x1  }
0xb3: {  	[sflag:s29] =	ssyncadd.s32 $0xFFFFFFFF  }
0xb4: {  	_ =	strace $0x90000048  }
0xb5: {  	_ =	sfence  }
0xb6: {  	s30 =	sld [smem:$0x0];
	_ =	sdelay $0x2  }
0xb7: {  	s31 =	sshll.u32 s1, $0xD;
	s1 =	sshrl.u32 s1, $0x2  }
0xb8: {  	s3 =	sand.u32 $0x4000, s31;
	s1 =	sadd.s32 s1, s30  }
0xb9: {  	s0 =	sor.u32 s3, s0;
	s1 =	sshll.u32 s1, $0x11  }
0xba: {  	s0 =	sor.u32 s1, s0  }
0xbb: {  	s0 =	sadd.s32 $0x8F2B, s0  }
0xbc: {  	[sflag:s0] =	ssyncadd.remote.s32 $0x1  }
0xbd: {  	_ =	sfence.sel $0xFFFF  }
0xbe: {  	[dreg:$0x0] =	wrdreg $0xFFFFFFFF;
	(pc) =	sbr.abs _section_cstart, $3  }
0xbf: {  	[dreg:$0x1] =	wrdreg $0xFFFFFFFF  }
0xc0: {  	_ =	task.clear_ibuf [dreg:s6], $0x2FFFF;
	_ =	strace $0x9FFFFFFF  }
0xc1: {  	(tm) =	ssettm $0x7FFFFFFF  }
tec
execute0_lowered:
.L_overlay_start_1:
0x0: {  	(tag) =	ssettag $0x1  }
0x1: {  	s4 =	rddreg [dreg:$0x0];
	s0 =	srdreg.scid  }
0x2: {  	s3 =	stileid.u32;
	s2 =	simm.s32 $0x0;
	s8 =	simm.s32 $0x100  }
0x3: {  	s14 =	simm.s32 $0x180;
	s15 =	simm.s32 $0x200;
	s16 =	simm.s32 $0x280  }
0x4: {  	s17 =	simm.s32 $0x300;
	s18 =	simm.s32 $0x380;
	s20 =	simm.s32 $0x400  }
0x5: {  	s22 =	simm.s32 $0x480;
	s31 =	simm.s32 $0x3;
	p0 =	por $0x0, $0x0  }
0x6: {  	s1 =	sand.u32 $0x1, s0;
	s23 =	sshll.u32 s3, $0x1;
	[smem:$0x7FF] =	sst s2  }
0x7: {  	s3 =	sadd.s32 $0x27B1C00, s4;
	s24 =	sadd.s32 $0x11800, s4;
	s25 =	sadd.s32 $0x21800, s4  }
0x8: {  	s26 =	sadd.s32 $0x31800, s4;
	s9 =	sadd.s32 $0x41800, s4;
	s10 =	sadd.s32 $0x51800, s4  }
0x9: {  	s11 =	sadd.s32 $0x61800, s4;
	_ =	strace $0x80000047;
	[dreg:$0x4] =	wrdreg s8  }
0xa: {  	s12 =	sadd.s32 $0x71800, s4;
	s13 =	sadd.s32 $0x81800, s4;
	[dreg:$0x5] =	wrdreg s14  }
0xb: {  	s28 =	sadd.s32 $0x161800, s4;
	s29 =	sadd.s32 $0x181800, s4;
	[dreg:$0x6] =	wrdreg s15  }
0xc: {  	s30 =	sadd.s32 $0x191800, s4;
	s0 =	sor.u32 s1, s23;
	[dreg:$0x7] =	wrdreg s16  }
0xd: {  	s1 =	ssub.s32 $0x2, s1;
	[dreg:$0x8] =	wrdreg s17;
	s8 =	sadd.s32 $0x91800, s4  }
0xe: {  	s14 =	sadd.s32 $0xA1800, s4;
	[dreg:$0xa] =	wrdreg s18;
	s15 =	sadd.s32 $0xC1800, s4  }
0xf: {  	[dreg:$0xc] =	wrdreg s20;
	s5 =	sshll.u32 s0, $0x9;
	s0 =	sshll.u32 s0, $0xB  }
0x10: {  	s16 =	sadd.s32 $0xE1800, s4;
	[dreg:$0xe] =	wrdreg s22;
	s19 =	sadd.s32 s0, s25  }
0x11: {  	s17 =	sadd.s32 $0xF1800, s4;
	s21 =	sadd.s32 s0, s26;
	[dreg:$0xb] =	wrdreg s19  }
0x12: {  	s18 =	sadd.s32 $0x101800, s4;
	s23 =	sadd.s32 s0, s9;
	[dreg:$0xd] =	wrdreg s21  }
0x13: {  	s20 =	sadd.s32 $0x121800, s4;
	s25 =	sadd.s32 s0, s10;
	[dreg:$0xf] =	wrdreg s23  }
0x14: {  	s7 =	sshrl.u32 s1, $0x1;
	s26 =	simm.s32 $0x580;
	[dreg:$0x11] =	wrdreg s25  }
0x15: {  	s5 =	sadd.s32 s5, s4;
	s9 =	sadd.s32 s0, s11;
	[dreg:$0x12] =	wrdreg s26  }
0x16: {  	s6 =	sadd.s32 s0, s4;
	s10 =	simm.s32 $0x600;
	[dreg:$0x13] =	wrdreg s9  }
0x17: {  	s11 =	sadd.s32 s0, s12;
	s12 =	simm.s32 $0x680;
	[dreg:$0x14] =	wrdreg s10  }
0x18: {  	s22 =	sadd.s32 s0, s13;
	s13 =	sadd.s32 $0x171800, s4;
	[dreg:$0x15] =	wrdreg s11  }
0x19: {  	s20 =	sadd.s32 s0, s20;
	s5 =	sadd.s32 $0x27ADC00, s5;
	[dreg:$0x16] =	wrdreg s12  }
0x1a: {  	s6 =	sadd.s32 $0x1800, s6;
	s19 =	sadd.s32 $0x111800, s4;
	[dreg:$0x17] =	wrdreg s22  }
0x1b: {  	s21 =	sadd.s32 $0x131800, s4;
	s23 =	sadd.s32 $0x141800, s4;
	[dreg:$0x2] =	wrdreg s5  }
0x1c: {  	s25 =	sadd.s32 $0x151800, s4;
	s26 =	sadd.s32 s0, s8;
	[dreg:$0x3] =	wrdreg s6  }
0x1d: {  	s8 =	simm.s32 $0x780;
	s9 =	sadd.s32 s0, s14;
	[dreg:$0x19] =	wrdreg s26  }
0x1e: {  	s10 =	simm.s32 $0x800;
	s12 =	simm.s32 $0x880;
	[dreg:$0x1a] =	wrdreg s8  }
0x1f: {  	s14 =	sadd.s32 s0, s15;
	s15 =	simm.s32 $0x900;
	[dreg:$0x1b] =	wrdreg s9  }
0x20: {  	s5 =	ssub.s32 s1, s7;
	s1 =	sadd.s32 s0, s24;
	[dreg:$0x1c] =	wrdreg s10  }
0x21: {  	s6 =	sadd.s32 $0xB1800, s4;
	s7 =	sadd.s32 $0xD1800, s4;
	[dreg:$0x1e] =	wrdreg s12  }
0x22: {  	s24 =	simm.s32 $0x500;
	s8 =	simm.s32 $0x80;
	[dreg:$0x1f] =	wrdreg s14  }
0x23: {  	s4 =	simm.s32 $0x5000;
	s12 =	simm.s32 $0x9000;
	[smem:$0x7FA] =	sst s15  }
0x24: {  	s9 =	simm.s32 $0x11000;
	s10 =	simm.s32 $0x15000;
	s26 =	sadd.s32 s0, s16  }
0x25: {  	s16 =	sadd.s32 s0, s28;
	s15 =	sadd.s32 s0, s13;
	s14 =	sadd.s32 s0, s29  }
0x26: {  	s13 =	sadd.s32 s0, s30;
	s30 =	simm.s32 $0xA00;
	[dreg:$0x9] =	wrdreg s1  }
0x27: {  	s29 =	simm.s32 $0xA80;
	s28 =	simm.s32 $0xB00;
	[dreg:$0x10] =	wrdreg s24  }
0x28: {  	s24 =	simm.s32 $0x700;
	s1 =	smax.u32 s5, $0x1;
	s11 =	sadd.s32 s0, s6  }
0x29: {  	s5 =	simm.s32 $0x1000;
	s22 =	sadd.s32 s0, s7;
	[smem:$0x7FD] =	sst s26  }
0x2a: {  	s7 =	simm.s32 $0x1;
	s26 =	sadd.s32 s0, s17;
	s17 =	sadd.s32 s0, s25  }
0x2b: {  	s6 =	simm.s32 $0x2;
	[dreg:$0x18] =	wrdreg s24;
	p1 =	sne.s32 s1, $0x1  }
.Ltmp0:
0x2c: {  	s25 =	simm.s32 $0xB80;
	[dreg:$0x1d] =	wrdreg s11;
	(pc) =	sbr.rel @!p1 .LBB2_3-.Ltmp0, $4  }
0x2d: {  	s11 =	simm.s32 $0xD000;
	[smem:$0x7FB] =	sst s22;
	s24 =	simm.s32 $0x980  }
0x2e: {  	s22 =	sadd.s32 s0, s19;
	s19 =	sadd.s32 s0, s21;
	s21 =	simm.s32 $0xC80  }
0x2f: {  	[smem:$0x7FC] =	sst s24;
	s24 =	sadd.s32 s0, s18;
	s18 =	sadd.s32 s0, s23  }
0x30: {  	s0 =	sadd.s32 $0xFFFFFFFF, s1;
	s23 =	simm.s32 $0xC00;
	s1 =	rddreg [dreg:$0x2]  }
0x31: {  	[tilespmem:s2], [sflag:$0x3] =	stream.linear.gather [hbm4b:s1+s2], $0xD00, $0x38;
	[tilespmem:$0x19000] =	vst v63  }
0x32: {  	_ =	swait.ge [sflag:s31], $0xD00  }
0x33: {  	[sflag:s31] =	ssyncset.done $0x0  }
0x34: {  	[sflag:s31] =	ssyncadd.s32 $0xFFFFF300  }
0x35: {  	[tilespmem:s5], [sflag:$0x1] =	stream.indirect.gather [hbm4b:s3+s8], $0x80, s2, s8, $0xb8;
	[tilespmem:$0x19000] =	vst v63  }
0x36: {  	s1 =	rddreg [dreg:$0x4]  }
0x37: {  	[tilespmem:s4], [sflag:$0x1] =	stream.indirect.gather [hbm4b:s3+s8], $0x80, s8, s8, $0xb8;
	[tilespmem:$0x19000] =	vst v63  }
0x38: {  	[smem:$0x7F9] =	sst s0  }
0x39: {  	[tilespmem:s12], [sflag:$0x1] =	stream.indirect.gather [hbm4b:s3+s8], $0x80, s1, s8, $0xb8;
	[tilespmem:$0x19000] =	vst v63  }
0x3a: {  	s0 =	rddreg [dreg:$0x5]  }
0x3b: {  	[tilespmem:s11], [sflag:$0x1] =	stream.indirect.gather [hbm4b:s3+s8], $0x80, s0, s8, $0xb8;
	[tilespmem:$0x19000] =	vst v63  }
0x3c: {  	s1 =	rddreg [dreg:$0x6]  }
0x3d: {  	[tilespmem:s9], [sflag:$0x1] =	stream.indirect.gather [hbm4b:s3+s8], $0x80, s1, s8, $0xb8;
	[tilespmem:$0x19000] =	vst v63  }
0x3e: {  	s0 =	rddreg [dreg:$0x7]  }
0x3f: {  	[tilespmem:s10], [sflag:$0x1] =	stream.indirect.gather [hbm4b:s3+s8], $0x80, s0, s8, $0xb8;
	[tilespmem:$0x19000] =	vst v63  }
0x40: {  	_ =	swait.ge [sflag:s7], $0x4000  }
0x41: {  	[sflag:s7] =	ssyncset.done $0x0  }
0x42: {  	s1 =	rddreg [dreg:$0x3];
	[sflag:s7] =	ssyncadd.s32 $0xFFFFC000  }
0x43: {  	[hbm4b:s1+s2] =	stream.linear.scatter [tilespmem:s5], [sflag:$0x2], $0x4000, $0x38;
	[tilespmem:$0x19000] =	vst v63  }
0x44: {  	_ =	swait.ge [sflag:s6], $0x4000  }
0x45: {  	[sflag:s6] =	ssyncset.done $0x0  }
0x46: {  	s1 =	rddreg [dreg:$0x8];
	[sflag:s6] =	ssyncadd.s32 $0xFFFFC000  }
0x47: {  	[tilespmem:s5], [sflag:$0x1] =	stream.indirect.gather [hbm4b:s3+s8], $0x80, s1, s8, $0xb8;
	[tilespmem:$0x19000] =	vst v63  }
0x48: {  	_ =	swait.ge [sflag:s7], $0x4000  }
0x49: {  	[sflag:s7] =	ssyncset.done $0x0  }
0x4a: {  	s1 =	rddreg [dreg:$0x9];
	[sflag:s7] =	ssyncadd.s32 $0xFFFFC000  }
0x4b: {  	[hbm4b:s1+s2] =	stream.linear.scatter [tilespmem:s4], [sflag:$0x2], $0x4000, $0x38;
	[tilespmem:$0x19000] =	vst v63  }
0x4c: {  	_ =	swait.ge [sflag:s6], $0x4000  }
0x4d: {  	[sflag:s6] =	ssyncset.done $0x0  }
0x4e: {  	s1 =	rddreg [dreg:$0xa];
	[sflag:s6] =	ssyncadd.s32 $0xFFFFC000  }
0x4f: {  	[tilespmem:s4], [sflag:$0x1] =	stream.indirect.gather [hbm4b:s3+s8], $0x80, s1, s8, $0xb8;
	[tilespmem:$0x19000] =	vst v63  }
0x50: {  	_ =	swait.ge [sflag:s7], $0x4000  }
0x51: {  	[sflag:s7] =	ssyncset.done $0x0  }
0x52: {  	s1 =	rddreg [dreg:$0xb];
	[sflag:s7] =	ssyncadd.s32 $0xFFFFC000  }
0x53: {  	[hbm4b:s1+s2] =	stream.linear.scatter [tilespmem:s12], [sflag:$0x2], $0x4000, $0x38;
	[tilespmem:$0x19000] =	vst v63  }
0x54: {  	_ =	swait.ge [sflag:s6], $0x4000  }
0x55: {  	[sflag:s6] =	ssyncset.done $0x0  }
0x56: {  	s1 =	rddreg [dreg:$0xc];
	[sflag:s6] =	ssyncadd.s32 $0xFFFFC000  }
0x57: {  	[tilespmem:s12], [sflag:$0x1] =	stream.indirect.gather [hbm4b:s3+s8], $0x80, s1, s8, $0xb8;
	[tilespmem:$0x19000] =	vst v63  }
0x58: {  	_ =	swait.ge [sflag:s7], $0x4000  }
0x59: {  	[sflag:s7] =	ssyncset.done $0x0  }
0x5a: {  	s1 =	rddreg [dreg:$0xd];
	[sflag:s7] =	ssyncadd.s32 $0xFFFFC000  }
0x5b: {  	[hbm4b:s1+s2] =	stream.linear.scatter [tilespmem:s11], [sflag:$0x2], $0x4000, $0x38;
	[tilespmem:$0x19000] =	vst v63  }
0x5c: {  	_ =	swait.ge [sflag:s6], $0x4000  }
0x5d: {  	[sflag:s6] =	ssyncset.done $0x0  }
0x5e: {  	s1 =	rddreg [dreg:$0xe];
	[sflag:s6] =	ssyncadd.s32 $0xFFFFC000  }
0x5f: {  	[tilespmem:s11], [sflag:$0x1] =	stream.indirect.gather [hbm4b:s3+s8], $0x80, s1, s8, $0xb8;
	[tilespmem:$0x19000] =	vst v63  }
0x60: {  	_ =	swait.ge [sflag:s7], $0x4000  }
0x61: {  	[sflag:s7] =	ssyncset.done $0x0  }
0x62: {  	s1 =	rddreg [dreg:$0xf];
	[sflag:s7] =	ssyncadd.s32 $0xFFFFC000  }
0x63: {  	[hbm4b:s1+s2] =	stream.linear.scatter [tilespmem:s9], [sflag:$0x2], $0x4000, $0x38;
	[tilespmem:$0x19000] =	vst v63  }
0x64: {  	_ =	swait.ge [sflag:s6], $0x4000  }
0x65: {  	[sflag:s6] =	ssyncset.done $0x0  }
0x66: {  	s1 =	rddreg [dreg:$0x10];
	[sflag:s6] =	ssyncadd.s32 $0xFFFFC000  }
0x67: {  	[tilespmem:s9], [sflag:$0x1] =	stream.indirect.gather [hbm4b:s3+s8], $0x80, s1, s8, $0xb8;
	[tilespmem:$0x19000] =	vst v63  }
0x68: {  	_ =	swait.ge [sflag:s7], $0x4000  }
0x69: {  	[sflag:s7] =	ssyncset.done $0x0  }
0x6a: {  	s1 =	rddreg [dreg:$0x11];
	[sflag:s7] =	ssyncadd.s32 $0xFFFFC000  }
0x6b: {  	[hbm4b:s1+s2] =	stream.linear.scatter [tilespmem:s10], [sflag:$0x2], $0x4000, $0x38;
	[tilespmem:$0x19000] =	vst v63  }
0x6c: {  	_ =	swait.ge [sflag:s6], $0x4000  }
0x6d: {  	[sflag:s6] =	ssyncset.done $0x0  }
0x6e: {  	s1 =	rddreg [dreg:$0x12];
	[sflag:s6] =	ssyncadd.s32 $0xFFFFC000  }
0x6f: {  	[tilespmem:s10], [sflag:$0x1] =	stream.indirect.gather [hbm4b:s3+s8], $0x80, s1, s8, $0xb8;
	[tilespmem:$0x19000] =	vst v63  }
0x70: {  	_ =	swait.ge [sflag:s7], $0x4000  }
0x71: {  	[sflag:s7] =	ssyncset.done $0x0  }
0x72: {  	s1 =	rddreg [dreg:$0x13];
	[sflag:s7] =	ssyncadd.s32 $0xFFFFC000  }
0x73: {  	[hbm4b:s1+s2] =	stream.linear.scatter [tilespmem:s5], [sflag:$0x2], $0x4000, $0x38;
	[tilespmem:$0x19000] =	vst v63  }
0x74: {  	_ =	swait.ge [sflag:s6], $0x4000  }
0x75: {  	[sflag:s6] =	ssyncset.done $0x0  }
0x76: {  	s1 =	rddreg [dreg:$0x14];
	[sflag:s6] =	ssyncadd.s32 $0xFFFFC000  }
0x77: {  	[tilespmem:s5], [sflag:$0x1] =	stream.indirect.gather [hbm4b:s3+s8], $0x80, s1, s8, $0xb8;
	[tilespmem:$0x19000] =	vst v63  }
0x78: {  	_ =	swait.ge [sflag:s7], $0x4000  }
0x79: {  	[sflag:s7] =	ssyncset.done $0x0  }
0x7a: {  	s1 =	rddreg [dreg:$0x15];
	[sflag:s7] =	ssyncadd.s32 $0xFFFFC000  }
0x7b: {  	[hbm4b:s1+s2] =	stream.linear.scatter [tilespmem:s4], [sflag:$0x2], $0x4000, $0x38;
	[tilespmem:$0x19000] =	vst v63  }
0x7c: {  	_ =	swait.ge [sflag:s6], $0x4000  }
0x7d: {  	[sflag:s6] =	ssyncset.done $0x0  }
0x7e: {  	s1 =	rddreg [dreg:$0x16];
	[sflag:s6] =	ssyncadd.s32 $0xFFFFC000  }
0x7f: {  	[tilespmem:s4], [sflag:$0x1] =	stream.indirect.gather [hbm4b:s3+s8], $0x80, s1, s8, $0xb8;
	[tilespmem:$0x19000] =	vst v63  }
0x80: {  	_ =	swait.ge [sflag:s7], $0x4000  }
0x81: {  	[sflag:s7] =	ssyncset.done $0x0  }
0x82: {  	s1 =	rddreg [dreg:$0x17];
	[sflag:s7] =	ssyncadd.s32 $0xFFFFC000  }
0x83: {  	[hbm4b:s1+s2] =	stream.linear.scatter [tilespmem:s12], [sflag:$0x2], $0x4000, $0x38;
	[tilespmem:$0x19000] =	vst v63  }
0x84: {  	_ =	swait.ge [sflag:s6], $0x4000  }
0x85: {  	[sflag:s6] =	ssyncset.done $0x0  }
0x86: {  	s1 =	rddreg [dreg:$0x18];
	[sflag:s6] =	ssyncadd.s32 $0xFFFFC000  }
0x87: {  	[tilespmem:s12], [sflag:$0x1] =	stream.indirect.gather [hbm4b:s3+s8], $0x80, s1, s8, $0xb8;
	[tilespmem:$0x19000] =	vst v63  }
0x88: {  	_ =	swait.ge [sflag:s7], $0x4000  }
0x89: {  	[sflag:s7] =	ssyncset.done $0x0  }
0x8a: {  	s1 =	rddreg [dreg:$0x19];
	[sflag:s7] =	ssyncadd.s32 $0xFFFFC000  }
0x8b: {  	[hbm4b:s1+s2] =	stream.linear.scatter [tilespmem:s11], [sflag:$0x2], $0x4000, $0x38;
	[tilespmem:$0x19000] =	vst v63  }
0x8c: {  	_ =	swait.ge [sflag:s6], $0x4000  }
0x8d: {  	[sflag:s6] =	ssyncset.done $0x0  }
0x8e: {  	s1 =	rddreg [dreg:$0x1a];
	[sflag:s6] =	ssyncadd.s32 $0xFFFFC000  }
0x8f: {  	[tilespmem:s11], [sflag:$0x1] =	stream.indirect.gather [hbm4b:s3+s8], $0x80, s1, s8, $0xb8;
	[tilespmem:$0x19000] =	vst v63  }
0x90: {  	_ =	swait.ge [sflag:s7], $0x4000  }
0x91: {  	[sflag:s7] =	ssyncset.done $0x0  }
0x92: {  	s1 =	rddreg [dreg:$0x1b];
	[sflag:s7] =	ssyncadd.s32 $0xFFFFC000  }
0x93: {  	[hbm4b:s1+s2] =	stream.linear.scatter [tilespmem:s9], [sflag:$0x2], $0x4000, $0x38;
	[tilespmem:$0x19000] =	vst v63  }
0x94: {  	_ =	swait.ge [sflag:s6], $0x4000  }
0x95: {  	[sflag:s6] =	ssyncset.done $0x0  }
0x96: {  	s1 =	rddreg [dreg:$0x1c];
	[sflag:s6] =	ssyncadd.s32 $0xFFFFC000  }
0x97: {  	[tilespmem:s9], [sflag:$0x1] =	stream.indirect.gather [hbm4b:s3+s8], $0x80, s1, s8, $0xb8;
	[tilespmem:$0x19000] =	vst v63  }
0x98: {  	_ =	swait.ge [sflag:s7], $0x4000  }
0x99: {  	[sflag:s7] =	ssyncset.done $0x0  }
0x9a: {  	s1 =	rddreg [dreg:$0x1d];
	[sflag:s7] =	ssyncadd.s32 $0xFFFFC000  }
0x9b: {  	[hbm4b:s1+s2] =	stream.linear.scatter [tilespmem:s10], [sflag:$0x2], $0x4000, $0x38;
	[tilespmem:$0x19000] =	vst v63  }
0x9c: {  	_ =	swait.ge [sflag:s6], $0x4000  }
0x9d: {  	[sflag:s6] =	ssyncset.done $0x0  }
0x9e: {  	s1 =	rddreg [dreg:$0x1e];
	[sflag:s6] =	ssyncadd.s32 $0xFFFFC000  }
0x9f: {  	[tilespmem:s10], [sflag:$0x1] =	stream.indirect.gather [hbm4b:s3+s8], $0x80, s1, s8, $0xb8;
	[tilespmem:$0x19000] =	vst v63  }
0xa0: {  	_ =	swait.ge [sflag:s7], $0x4000  }
0xa1: {  	[sflag:s7] =	ssyncset.done $0x0  }
0xa2: {  	s1 =	rddreg [dreg:$0x1f];
	[sflag:s7] =	ssyncadd.s32 $0xFFFFC000  }
0xa3: {  	[hbm4b:s1+s2] =	stream.linear.scatter [tilespmem:s5], [sflag:$0x2], $0x4000, $0x38;
	[tilespmem:$0x19000] =	vst v63  }
0xa4: {  	_ =	swait.ge [sflag:s6], $0x4000  }
0xa5: {  	s1 =	sld [smem:$0x7FA]  }
0xa6: {  	[sflag:s6] =	ssyncset.done $0x0  }
0xa7: {  	[sflag:s6] =	ssyncadd.s32 $0xFFFFC000  }
0xa8: {  	[tilespmem:s5], [sflag:$0x1] =	stream.indirect.gather [hbm4b:s3+s8], $0x80, s1, s8, $0xb8;
	[tilespmem:$0x19000] =	vst v63  }
0xa9: {  	_ =	swait.ge [sflag:s7], $0x4000  }
0xaa: {  	s1 =	sld [smem:$0x7FB]  }
0xab: {  	[sflag:s7] =	ssyncset.done $0x0  }
0xac: {  	[sflag:s7] =	ssyncadd.s32 $0xFFFFC000  }
0xad: {  	[hbm4b:s1+s2] =	stream.linear.scatter [tilespmem:s4], [sflag:$0x2], $0x4000, $0x38;
	[tilespmem:$0x19000] =	vst v63  }
0xae: {  	_ =	swait.ge [sflag:s6], $0x4000  }
0xaf: {  	s1 =	sld [smem:$0x7FC]  }
0xb0: {  	[sflag:s6] =	ssyncset.done $0x0  }
0xb1: {  	[sflag:s6] =	ssyncadd.s32 $0xFFFFC000  }
0xb2: {  	[tilespmem:s4], [sflag:$0x1] =	stream.indirect.gather [hbm4b:s3+s8], $0x80, s1, s8, $0xb8;
	[tilespmem:$0x19000] =	vst v63  }
0xb3: {  	_ =	swait.ge [sflag:s7], $0x4000  }
0xb4: {  	s1 =	sld [smem:$0x7FD]  }
0xb5: {  	[sflag:s7] =	ssyncset.done $0x0  }
0xb6: {  	[sflag:s7] =	ssyncadd.s32 $0xFFFFC000  }
0xb7: {  	[hbm4b:s1+s2] =	stream.linear.scatter [tilespmem:s12], [sflag:$0x2], $0x4000, $0x38;
	[tilespmem:$0x19000] =	vst v63  }
0xb8: {  	_ =	swait.ge [sflag:s6], $0x4000  }
0xb9: {  	[sflag:s6] =	ssyncset.done $0x0  }
0xba: {  	[sflag:s6] =	ssyncadd.s32 $0xFFFFC000  }
0xbb: {  	[tilespmem:s12], [sflag:$0x1] =	stream.indirect.gather [hbm4b:s3+s8], $0x80, s30, s8, $0xb8;
	[tilespmem:$0x19000] =	vst v63  }
0xbc: {  	_ =	swait.ge [sflag:s7], $0x4000  }
0xbd: {  	[sflag:s7] =	ssyncset.done $0x0  }
0xbe: {  	[sflag:s7] =	ssyncadd.s32 $0xFFFFC000  }
0xbf: {  	[hbm4b:s26+s2] =	stream.linear.scatter [tilespmem:s11], [sflag:$0x2], $0x4000, $0x38;
	[tilespmem:$0x19000] =	vst v63  }
0xc0: {  	_ =	swait.ge [sflag:s6], $0x4000  }
0xc1: {  	[sflag:s6] =	ssyncset.done $0x0  }
0xc2: {  	[sflag:s6] =	ssyncadd.s32 $0xFFFFC000  }
0xc3: {  	[tilespmem:s11], [sflag:$0x1] =	stream.indirect.gather [hbm4b:s3+s8], $0x80, s29, s8, $0xb8;
	[tilespmem:$0x19000] =	vst v63  }
0xc4: {  	_ =	swait.ge [sflag:s7], $0x4000  }
0xc5: {  	[sflag:s7] =	ssyncset.done $0x0  }
0xc6: {  	[sflag:s7] =	ssyncadd.s32 $0xFFFFC000  }
0xc7: {  	[hbm4b:s24+s2] =	stream.linear.scatter [tilespmem:s9], [sflag:$0x2], $0x4000, $0x38;
	[tilespmem:$0x19000] =	vst v63  }
0xc8: {  	_ =	swait.ge [sflag:s6], $0x4000  }
0xc9: {  	[sflag:s6] =	ssyncset.done $0x0  }
0xca: {  	[sflag:s6] =	ssyncadd.s32 $0xFFFFC000  }
0xcb: {  	[tilespmem:s9], [sflag:$0x1] =	stream.indirect.gather [hbm4b:s3+s8], $0x80, s28, s8, $0xb8;
	[tilespmem:$0x19000] =	vst v63  }
0xcc: {  	_ =	swait.ge [sflag:s7], $0x4000  }
0xcd: {  	[sflag:s7] =	ssyncset.done $0x0  }
0xce: {  	[sflag:s7] =	ssyncadd.s32 $0xFFFFC000  }
0xcf: {  	[hbm4b:s22+s2] =	stream.linear.scatter [tilespmem:s10], [sflag:$0x2], $0x4000, $0x38;
	[tilespmem:$0x19000] =	vst v63  }
0xd0: {  	_ =	swait.ge [sflag:s6], $0x4000  }
0xd1: {  	[sflag:s6] =	ssyncset.done $0x0  }
0xd2: {  	[sflag:s6] =	ssyncadd.s32 $0xFFFFC000  }
0xd3: {  	[tilespmem:s10], [sflag:$0x1] =	stream.indirect.gather [hbm4b:s3+s8], $0x80, s25, s8, $0xb8;
	[tilespmem:$0x19000] =	vst v63  }
0xd4: {  	_ =	swait.ge [sflag:s7], $0x4000  }
0xd5: {  	[sflag:s7] =	ssyncset.done $0x0  }
0xd6: {  	[sflag:s7] =	ssyncadd.s32 $0xFFFFC000  }
0xd7: {  	[hbm4b:s20+s2] =	stream.linear.scatter [tilespmem:s5], [sflag:$0x2], $0x4000, $0x38;
	[tilespmem:$0x19000] =	vst v63  }
0xd8: {  	_ =	swait.ge [sflag:s6], $0x4000  }
0xd9: {  	[sflag:s6] =	ssyncset.done $0x0  }
0xda: {  	[sflag:s6] =	ssyncadd.s32 $0xFFFFC000  }
0xdb: {  	[tilespmem:s5], [sflag:$0x1] =	stream.indirect.gather [hbm4b:s3+s8], $0x80, s23, s8, $0xb8;
	[tilespmem:$0x19000] =	vst v63  }
0xdc: {  	_ =	swait.ge [sflag:s7], $0x4000  }
0xdd: {  	[sflag:s7] =	ssyncset.done $0x0  }
0xde: {  	[sflag:s7] =	ssyncadd.s32 $0xFFFFC000  }
0xdf: {  	[hbm4b:s19+s2] =	stream.linear.scatter [tilespmem:s4], [sflag:$0x2], $0x4000, $0x38;
	[tilespmem:$0x19000] =	vst v63  }
0xe0: {  	_ =	swait.ge [sflag:s6], $0x4000  }
0xe1: {  	[sflag:s6] =	ssyncset.done $0x0  }
0xe2: {  	[sflag:s6] =	ssyncadd.s32 $0xFFFFC000  }
0xe3: {  	[tilespmem:s4], [sflag:$0x1] =	stream.indirect.gather [hbm4b:s3+s8], $0x80, s21, s8, $0xb8;
	[tilespmem:$0x19000] =	vst v63  }
0xe4: {  	_ =	swait.ge [sflag:s7], $0x4000  }
0xe5: {  	[sflag:s7] =	ssyncset.done $0x0  }
0xe6: {  	[sflag:s7] =	ssyncadd.s32 $0xFFFFC000  }
0xe7: {  	[hbm4b:s18+s2] =	stream.linear.scatter [tilespmem:s12], [sflag:$0x2], $0x4000, $0x38;
	[tilespmem:$0x19000] =	vst v63  }
0xe8: {  	_ =	swait.ge [sflag:s7], $0x4000  }
0xe9: {  	[sflag:s7] =	ssyncset.done $0x0  }
0xea: {  	[sflag:s7] =	ssyncadd.s32 $0xFFFFC000  }
0xeb: {  	[hbm4b:s17+s2] =	stream.linear.scatter [tilespmem:s11], [sflag:$0x2], $0x4000, $0x38;
	[tilespmem:$0x19000] =	vst v63  }
0xec: {  	_ =	swait.ge [sflag:s7], $0x4000  }
0xed: {  	[sflag:s7] =	ssyncset.done $0x0  }
0xee: {  	[sflag:s7] =	ssyncadd.s32 $0xFFFFC000  }
0xef: {  	[hbm4b:s16+s2] =	stream.linear.scatter [tilespmem:s9], [sflag:$0x2], $0x4000, $0x38;
	[tilespmem:$0x19000] =	vst v63  }
0xf0: {  	_ =	swait.ge [sflag:s7], $0x4000  }
0xf1: {  	[sflag:s7] =	ssyncset.done $0x0  }
0xf2: {  	[sflag:s7] =	ssyncadd.s32 $0xFFFFC000  }
0xf3: {  	[hbm4b:s15+s2] =	stream.linear.scatter [tilespmem:s10], [sflag:$0x2], $0x4000, $0x38;
	[tilespmem:$0x19000] =	vst v63  }
0xf4: {  	_ =	swait.ge [sflag:s7], $0x4000  }
0xf5: {  	[sflag:s7] =	ssyncset.done $0x0  }
0xf6: {  	[sflag:s7] =	ssyncadd.s32 $0xFFFFC000  }
0xf7: {  	[hbm4b:s14+s2] =	stream.linear.scatter [tilespmem:s5], [sflag:$0x2], $0x4000, $0x38;
	[tilespmem:$0x19000] =	vst v63  }
0xf8: {  	_ =	swait.ge [sflag:s7], $0x4000  }
0xf9: {  	[sflag:s7] =	ssyncset.done $0x0  }
0xfa: {  	[sflag:s7] =	ssyncadd.s32 $0xFFFFC000  }
0xfb: {  	[hbm4b:s13+s2] =	stream.linear.scatter [tilespmem:s4], [sflag:$0x2], $0x4000, $0x38;
	[tilespmem:$0x19000] =	vst v63  }
0xfc: {  	_ =	swait.ge [sflag:s6], $0x4000  }
0xfd: {  	[sflag:s6] =	ssyncset.done $0x0  }
0xfe: {  	[sflag:s6] =	ssyncadd.s32 $0xFFFFC000  }
0xff: {  	_ =	swait.ge [sflag:s6], $0x4000  }
0x100: {  	[sflag:s6] =	ssyncset.done $0x0  }
0x101: {  	[sflag:s6] =	ssyncadd.s32 $0xFFFFC000  }
0x102: {  	_ =	swait.ge [sflag:s6], $0x4000  }
0x103: {  	[sflag:s6] =	ssyncset.done $0x0  }
0x104: {  	[sflag:s6] =	ssyncadd.s32 $0xFFFFC000  }
0x105: {  	_ =	swait.ge [sflag:s6], $0x4000  }
0x106: {  	[sflag:s6] =	ssyncset.done $0x0  }
0x107: {  	[sflag:s6] =	ssyncadd.s32 $0xFFFFC000  }
0x108: {  	_ =	swait.ge [sflag:s6], $0x4000  }
0x109: {  	s1 =	sld [smem:$0x7F9];
	_ =	sdelay $0x2  }
0x10a: {  	p1 =	sne.s32 s1, $0x1  }
.Ltmp1:
0x10b: {  	_ = 	snop;
	(pc) =	sbr.rel @!p1 .LBB2_3-.Ltmp1, $4  }
0x10c: {  	[sflag:s6] =	ssyncset.done $0x0  }
0x10d: {  	[sflag:s6] =	ssyncadd.s32 $0xFFFFC000  }
0x10e: {  	p0 =	por $0x1, $0x1;
	_ =	swait.ge [sflag:s6], $0x4000  }
0x10f: {  	s0 =	sadd.s32 $0xFFFFFFFF, s1;
	s1 =	rddreg [dreg:$0x2];
	[sflag:s6] =	ssyncset.done $0x0  }
.LBB2_2:
0x110: {  	[sflag:s6] =	ssyncadd.s32 $0xFFFFC000  }
0x111: {  	[tilespmem:s2], [sflag:$0x3] =	stream.linear.gather [hbm4b:s1+s2], $0xD00, $0x38;
	[tilespmem:$0x19000] =	vst v63  }
0x112: {  	_ =	swait.ge [sflag:s31], $0xD00  }
0x113: {  	[sflag:s31] =	ssyncset.done $0x0  }
0x114: {  	[sflag:s31] =	ssyncadd.s32 $0xFFFFF300  }
0x115: {  	[tilespmem:s5], [sflag:$0x1] =	stream.indirect.gather [hbm4b:s3+s8], $0x80, s2, s8, $0xb8;
	[tilespmem:$0x19000] =	vst v63  }
0x116: {  	_ = 	snop  }
0x117: {  	[tilespmem:s4], [sflag:$0x1] =	stream.indirect.gather [hbm4b:s3+s8], $0x80, s8, s8, $0xb8;
	[tilespmem:$0x19000] =	vst v63  }
0x118: {  	s1 =	rddreg [dreg:$0x4]  }
0x119: {  	[tilespmem:s12], [sflag:$0x1] =	stream.indirect.gather [hbm4b:s3+s8], $0x80, s1, s8, $0xb8;
	[tilespmem:$0x19000] =	vst v63  }
0x11a: {  	s21 =	rddreg [dreg:$0x5]  }
0x11b: {  	[tilespmem:s11], [sflag:$0x1] =	stream.indirect.gather [hbm4b:s3+s8], $0x80, s21, s8, $0xb8;
	[tilespmem:$0x19000] =	vst v63  }
0x11c: {  	s1 =	rddreg [dreg:$0x6]  }
0x11d: {  	[tilespmem:s9], [sflag:$0x1] =	stream.indirect.gather [hbm4b:s3+s8], $0x80, s1, s8, $0xb8;
	[tilespmem:$0x19000] =	vst v63  }
0x11e: {  	s21 =	rddreg [dreg:$0x7]  }
0x11f: {  	[tilespmem:s10], [sflag:$0x1] =	stream.indirect.gather [hbm4b:s3+s8], $0x80, s21, s8, $0xb8;
	[tilespmem:$0x19000] =	vst v63  }
0x120: {  	_ =	swait.ge [sflag:s7], $0x4000  }
0x121: {  	[sflag:s7] =	ssyncset.done $0x0  }
0x122: {  	s1 =	rddreg [dreg:$0x3];
	[sflag:s7] =	ssyncadd.s32 $0xFFFFC000  }
0x123: {  	[hbm4b:s1+s2] =	stream.linear.scatter [tilespmem:s5], [sflag:$0x2], $0x4000, $0x38;
	[tilespmem:$0x19000] =	vst v63  }
0x124: {  	_ =	swait.ge [sflag:s6], $0x4000  }
0x125: {  	[sflag:s6] =	ssyncset.done $0x0  }
0x126: {  	s1 =	rddreg [dreg:$0x8];
	[sflag:s6] =	ssyncadd.s32 $0xFFFFC000  }
0x127: {  	[tilespmem:s5], [sflag:$0x1] =	stream.indirect.gather [hbm4b:s3+s8], $0x80, s1, s8, $0xb8;
	[tilespmem:$0x19000] =	vst v63  }
0x128: {  	_ =	swait.ge [sflag:s7], $0x4000  }
0x129: {  	[sflag:s7] =	ssyncset.done $0x0  }
0x12a: {  	s1 =	rddreg [dreg:$0x9];
	[sflag:s7] =	ssyncadd.s32 $0xFFFFC000  }
0x12b: {  	[hbm4b:s1+s2] =	stream.linear.scatter [tilespmem:s4], [sflag:$0x2], $0x4000, $0x38;
	[tilespmem:$0x19000] =	vst v63  }
0x12c: {  	_ =	swait.ge [sflag:s6], $0x4000  }
0x12d: {  	[sflag:s6] =	ssyncset.done $0x0  }
0x12e: {  	s1 =	rddreg [dreg:$0xa];
	[sflag:s6] =	ssyncadd.s32 $0xFFFFC000  }
0x12f: {  	[tilespmem:s4], [sflag:$0x1] =	stream.indirect.gather [hbm4b:s3+s8], $0x80, s1, s8, $0xb8;
	[tilespmem:$0x19000] =	vst v63  }
0x130: {  	_ =	swait.ge [sflag:s7], $0x4000  }
0x131: {  	[sflag:s7] =	ssyncset.done $0x0  }
0x132: {  	s1 =	rddreg [dreg:$0xb];
	[sflag:s7] =	ssyncadd.s32 $0xFFFFC000  }
0x133: {  	[hbm4b:s1+s2] =	stream.linear.scatter [tilespmem:s12], [sflag:$0x2], $0x4000, $0x38;
	[tilespmem:$0x19000] =	vst v63  }
0x134: {  	_ =	swait.ge [sflag:s6], $0x4000  }
0x135: {  	[sflag:s6] =	ssyncset.done $0x0  }
0x136: {  	s1 =	rddreg [dreg:$0xc];
	[sflag:s6] =	ssyncadd.s32 $0xFFFFC000  }
0x137: {  	[tilespmem:s12], [sflag:$0x1] =	stream.indirect.gather [hbm4b:s3+s8], $0x80, s1, s8, $0xb8;
	[tilespmem:$0x19000] =	vst v63  }
0x138: {  	_ =	swait.ge [sflag:s7], $0x4000  }
0x139: {  	[sflag:s7] =	ssyncset.done $0x0  }
0x13a: {  	s1 =	rddreg [dreg:$0xd];
	[sflag:s7] =	ssyncadd.s32 $0xFFFFC000  }
0x13b: {  	[hbm4b:s1+s2] =	stream.linear.scatter [tilespmem:s11], [sflag:$0x2], $0x4000, $0x38;
	[tilespmem:$0x19000] =	vst v63  }
0x13c: {  	_ =	swait.ge [sflag:s6], $0x4000  }
0x13d: {  	[sflag:s6] =	ssyncset.done $0x0  }
0x13e: {  	s1 =	rddreg [dreg:$0xe];
	[sflag:s6] =	ssyncadd.s32 $0xFFFFC000  }
0x13f: {  	[tilespmem:s11], [sflag:$0x1] =	stream.indirect.gather [hbm4b:s3+s8], $0x80, s1, s8, $0xb8;
	[tilespmem:$0x19000] =	vst v63  }
0x140: {  	_ =	swait.ge [sflag:s7], $0x4000  }
0x141: {  	[sflag:s7] =	ssyncset.done $0x0  }
0x142: {  	s1 =	rddreg [dreg:$0xf];
	[sflag:s7] =	ssyncadd.s32 $0xFFFFC000  }
0x143: {  	[hbm4b:s1+s2] =	stream.linear.scatter [tilespmem:s9], [sflag:$0x2], $0x4000, $0x38;
	[tilespmem:$0x19000] =	vst v63  }
0x144: {  	_ =	swait.ge [sflag:s6], $0x4000  }
0x145: {  	[sflag:s6] =	ssyncset.done $0x0  }
0x146: {  	s1 =	rddreg [dreg:$0x10];
	[sflag:s6] =	ssyncadd.s32 $0xFFFFC000  }
0x147: {  	[tilespmem:s9], [sflag:$0x1] =	stream.indirect.gather [hbm4b:s3+s8], $0x80, s1, s8, $0xb8;
	[tilespmem:$0x19000] =	vst v63  }
0x148: {  	_ =	swait.ge [sflag:s7], $0x4000  }
0x149: {  	[sflag:s7] =	ssyncset.done $0x0  }
0x14a: {  	s1 =	rddreg [dreg:$0x11];
	[sflag:s7] =	ssyncadd.s32 $0xFFFFC000  }
0x14b: {  	[hbm4b:s1+s2] =	stream.linear.scatter [tilespmem:s10], [sflag:$0x2], $0x4000, $0x38;
	[tilespmem:$0x19000] =	vst v63  }
0x14c: {  	_ =	swait.ge [sflag:s6], $0x4000  }
0x14d: {  	[sflag:s6] =	ssyncset.done $0x0  }
0x14e: {  	s1 =	rddreg [dreg:$0x12];
	[sflag:s6] =	ssyncadd.s32 $0xFFFFC000  }
0x14f: {  	[tilespmem:s10], [sflag:$0x1] =	stream.indirect.gather [hbm4b:s3+s8], $0x80, s1, s8, $0xb8;
	[tilespmem:$0x19000] =	vst v63  }
0x150: {  	_ =	swait.ge [sflag:s7], $0x4000  }
0x151: {  	[sflag:s7] =	ssyncset.done $0x0  }
0x152: {  	s1 =	rddreg [dreg:$0x13];
	[sflag:s7] =	ssyncadd.s32 $0xFFFFC000  }
0x153: {  	[hbm4b:s1+s2] =	stream.linear.scatter [tilespmem:s5], [sflag:$0x2], $0x4000, $0x38;
	[tilespmem:$0x19000] =	vst v63  }
0x154: {  	_ =	swait.ge [sflag:s6], $0x4000  }
0x155: {  	[sflag:s6] =	ssyncset.done $0x0  }
0x156: {  	s1 =	rddreg [dreg:$0x14];
	[sflag:s6] =	ssyncadd.s32 $0xFFFFC000  }
0x157: {  	[tilespmem:s5], [sflag:$0x1] =	stream.indirect.gather [hbm4b:s3+s8], $0x80, s1, s8, $0xb8;
	[tilespmem:$0x19000] =	vst v63  }
0x158: {  	_ =	swait.ge [sflag:s7], $0x4000  }
0x159: {  	[sflag:s7] =	ssyncset.done $0x0  }
0x15a: {  	s1 =	rddreg [dreg:$0x15];
	[sflag:s7] =	ssyncadd.s32 $0xFFFFC000  }
0x15b: {  	[hbm4b:s1+s2] =	stream.linear.scatter [tilespmem:s4], [sflag:$0x2], $0x4000, $0x38;
	[tilespmem:$0x19000] =	vst v63  }
0x15c: {  	_ =	swait.ge [sflag:s6], $0x4000  }
0x15d: {  	[sflag:s6] =	ssyncset.done $0x0  }
0x15e: {  	s1 =	rddreg [dreg:$0x16];
	[sflag:s6] =	ssyncadd.s32 $0xFFFFC000  }
0x15f: {  	[tilespmem:s4], [sflag:$0x1] =	stream.indirect.gather [hbm4b:s3+s8], $0x80, s1, s8, $0xb8;
	[tilespmem:$0x19000] =	vst v63  }
0x160: {  	_ =	swait.ge [sflag:s7], $0x4000  }
0x161: {  	[sflag:s7] =	ssyncset.done $0x0  }
0x162: {  	s1 =	rddreg [dreg:$0x17];
	[sflag:s7] =	ssyncadd.s32 $0xFFFFC000  }
0x163: {  	[hbm4b:s1+s2] =	stream.linear.scatter [tilespmem:s12], [sflag:$0x2], $0x4000, $0x38;
	[tilespmem:$0x19000] =	vst v63  }
0x164: {  	_ =	swait.ge [sflag:s6], $0x4000  }
0x165: {  	[sflag:s6] =	ssyncset.done $0x0  }
0x166: {  	s1 =	rddreg [dreg:$0x18];
	[sflag:s6] =	ssyncadd.s32 $0xFFFFC000  }
0x167: {  	[tilespmem:s12], [sflag:$0x1] =	stream.indirect.gather [hbm4b:s3+s8], $0x80, s1, s8, $0xb8;
	[tilespmem:$0x19000] =	vst v63  }
0x168: {  	_ =	swait.ge [sflag:s7], $0x4000  }
0x169: {  	[sflag:s7] =	ssyncset.done $0x0  }
0x16a: {  	s1 =	rddreg [dreg:$0x19];
	[sflag:s7] =	ssyncadd.s32 $0xFFFFC000  }
0x16b: {  	[hbm4b:s1+s2] =	stream.linear.scatter [tilespmem:s11], [sflag:$0x2], $0x4000, $0x38;
	[tilespmem:$0x19000] =	vst v63  }
0x16c: {  	_ =	swait.ge [sflag:s6], $0x4000  }
0x16d: {  	[sflag:s6] =	ssyncset.done $0x0  }
0x16e: {  	s1 =	rddreg [dreg:$0x1a];
	[sflag:s6] =	ssyncadd.s32 $0xFFFFC000  }
0x16f: {  	[tilespmem:s11], [sflag:$0x1] =	stream.indirect.gather [hbm4b:s3+s8], $0x80, s1, s8, $0xb8;
	[tilespmem:$0x19000] =	vst v63  }
0x170: {  	_ =	swait.ge [sflag:s7], $0x4000  }
0x171: {  	[sflag:s7] =	ssyncset.done $0x0  }
0x172: {  	s1 =	rddreg [dreg:$0x1b];
	[sflag:s7] =	ssyncadd.s32 $0xFFFFC000  }
0x173: {  	[hbm4b:s1+s2] =	stream.linear.scatter [tilespmem:s9], [sflag:$0x2], $0x4000, $0x38;
	[tilespmem:$0x19000] =	vst v63  }
0x174: {  	_ =	swait.ge [sflag:s6], $0x4000  }
0x175: {  	[sflag:s6] =	ssyncset.done $0x0  }
0x176: {  	s1 =	rddreg [dreg:$0x1c];
	[sflag:s6] =	ssyncadd.s32 $0xFFFFC000  }
0x177: {  	[tilespmem:s9], [sflag:$0x1] =	stream.indirect.gather [hbm4b:s3+s8], $0x80, s1, s8, $0xb8;
	[tilespmem:$0x19000] =	vst v63  }
0x178: {  	_ =	swait.ge [sflag:s7], $0x4000  }
0x179: {  	[sflag:s7] =	ssyncset.done $0x0  }
0x17a: {  	s1 =	rddreg [dreg:$0x1d];
	[sflag:s7] =	ssyncadd.s32 $0xFFFFC000  }
0x17b: {  	[hbm4b:s1+s2] =	stream.linear.scatter [tilespmem:s10], [sflag:$0x2], $0x4000, $0x38;
	[tilespmem:$0x19000] =	vst v63  }
0x17c: {  	_ =	swait.ge [sflag:s6], $0x4000  }
0x17d: {  	[sflag:s6] =	ssyncset.done $0x0  }
0x17e: {  	s1 =	rddreg [dreg:$0x1e];
	[sflag:s6] =	ssyncadd.s32 $0xFFFFC000  }
0x17f: {  	[tilespmem:s10], [sflag:$0x1] =	stream.indirect.gather [hbm4b:s3+s8], $0x80, s1, s8, $0xb8;
	[tilespmem:$0x19000] =	vst v63  }
0x180: {  	_ =	swait.ge [sflag:s7], $0x4000  }
0x181: {  	[sflag:s7] =	ssyncset.done $0x0  }
0x182: {  	s1 =	rddreg [dreg:$0x1f];
	[sflag:s7] =	ssyncadd.s32 $0xFFFFC000  }
0x183: {  	[hbm4b:s1+s2] =	stream.linear.scatter [tilespmem:s5], [sflag:$0x2], $0x4000, $0x38;
	[tilespmem:$0x19000] =	vst v63  }
0x184: {  	_ =	swait.ge [sflag:s6], $0x4000  }
0x185: {  	s1 =	sld [smem:$0x7FA]  }
0x186: {  	[sflag:s6] =	ssyncset.done $0x0  }
0x187: {  	[sflag:s6] =	ssyncadd.s32 $0xFFFFC000  }
0x188: {  	[tilespmem:s5], [sflag:$0x1] =	stream.indirect.gather [hbm4b:s3+s8], $0x80, s1, s8, $0xb8;
	[tilespmem:$0x19000] =	vst v63  }
0x189: {  	_ =	swait.ge [sflag:s7], $0x4000  }
0x18a: {  	s1 =	sld [smem:$0x7FB]  }
0x18b: {  	[sflag:s7] =	ssyncset.done $0x0  }
0x18c: {  	[sflag:s7] =	ssyncadd.s32 $0xFFFFC000  }
0x18d: {  	[hbm4b:s1+s2] =	stream.linear.scatter [tilespmem:s4], [sflag:$0x2], $0x4000, $0x38;
	[tilespmem:$0x19000] =	vst v63  }
0x18e: {  	_ =	swait.ge [sflag:s6], $0x4000  }
0x18f: {  	s1 =	sld [smem:$0x7FC]  }
0x190: {  	[sflag:s6] =	ssyncset.done $0x0  }
0x191: {  	[sflag:s6] =	ssyncadd.s32 $0xFFFFC000  }
0x192: {  	[tilespmem:s4], [sflag:$0x1] =	stream.indirect.gather [hbm4b:s3+s8], $0x80, s1, s8, $0xb8;
	[tilespmem:$0x19000] =	vst v63  }
0x193: {  	_ =	swait.ge [sflag:s7], $0x4000  }
0x194: {  	s1 =	sld [smem:$0x7FD]  }
0x195: {  	[sflag:s7] =	ssyncset.done $0x0  }
0x196: {  	[sflag:s7] =	ssyncadd.s32 $0xFFFFC000  }
0x197: {  	[hbm4b:s1+s2] =	stream.linear.scatter [tilespmem:s12], [sflag:$0x2], $0x4000, $0x38;
	[tilespmem:$0x19000] =	vst v63  }
0x198: {  	_ =	swait.ge [sflag:s6], $0x4000  }
0x199: {  	[sflag:s6] =	ssyncset.done $0x0  }
0x19a: {  	[sflag:s6] =	ssyncadd.s32 $0xFFFFC000  }
0x19b: {  	[tilespmem:s12], [sflag:$0x1] =	stream.indirect.gather [hbm4b:s3+s8], $0x80, s30, s8, $0xb8;
	[tilespmem:$0x19000] =	vst v63  }
0x19c: {  	_ =	swait.ge [sflag:s7], $0x4000  }
0x19d: {  	[sflag:s7] =	ssyncset.done $0x0  }
0x19e: {  	[sflag:s7] =	ssyncadd.s32 $0xFFFFC000  }
0x19f: {  	[hbm4b:s26+s2] =	stream.linear.scatter [tilespmem:s11], [sflag:$0x2], $0x4000, $0x38;
	[tilespmem:$0x19000] =	vst v63  }
0x1a0: {  	_ =	swait.ge [sflag:s6], $0x4000  }
0x1a1: {  	[sflag:s6] =	ssyncset.done $0x0  }
0x1a2: {  	[sflag:s6] =	ssyncadd.s32 $0xFFFFC000  }
0x1a3: {  	[tilespmem:s11], [sflag:$0x1] =	stream.indirect.gather [hbm4b:s3+s8], $0x80, s29, s8, $0xb8;
	[tilespmem:$0x19000] =	vst v63  }
0x1a4: {  	_ =	swait.ge [sflag:s7], $0x4000  }
0x1a5: {  	[sflag:s7] =	ssyncset.done $0x0  }
0x1a6: {  	[sflag:s7] =	ssyncadd.s32 $0xFFFFC000  }
0x1a7: {  	[hbm4b:s24+s2] =	stream.linear.scatter [tilespmem:s9], [sflag:$0x2], $0x4000, $0x38;
	[tilespmem:$0x19000] =	vst v63  }
0x1a8: {  	_ =	swait.ge [sflag:s6], $0x4000  }
0x1a9: {  	[sflag:s6] =	ssyncset.done $0x0  }
0x1aa: {  	[sflag:s6] =	ssyncadd.s32 $0xFFFFC000  }
0x1ab: {  	[tilespmem:s9], [sflag:$0x1] =	stream.indirect.gather [hbm4b:s3+s8], $0x80, s28, s8, $0xb8;
	[tilespmem:$0x19000] =	vst v63  }
0x1ac: {  	_ =	swait.ge [sflag:s7], $0x4000  }
0x1ad: {  	[sflag:s7] =	ssyncset.done $0x0  }
0x1ae: {  	[sflag:s7] =	ssyncadd.s32 $0xFFFFC000  }
0x1af: {  	[hbm4b:s22+s2] =	stream.linear.scatter [tilespmem:s10], [sflag:$0x2], $0x4000, $0x38;
	[tilespmem:$0x19000] =	vst v63  }
0x1b0: {  	_ =	swait.ge [sflag:s6], $0x4000  }
0x1b1: {  	[sflag:s6] =	ssyncset.done $0x0  }
0x1b2: {  	[sflag:s6] =	ssyncadd.s32 $0xFFFFC000  }
0x1b3: {  	[tilespmem:s10], [sflag:$0x1] =	stream.indirect.gather [hbm4b:s3+s8], $0x80, s25, s8, $0xb8;
	[tilespmem:$0x19000] =	vst v63  }
0x1b4: {  	_ =	swait.ge [sflag:s7], $0x4000  }
0x1b5: {  	[sflag:s7] =	ssyncset.done $0x0  }
0x1b6: {  	[sflag:s7] =	ssyncadd.s32 $0xFFFFC000  }
0x1b7: {  	[hbm4b:s20+s2] =	stream.linear.scatter [tilespmem:s5], [sflag:$0x2], $0x4000, $0x38;
	[tilespmem:$0x19000] =	vst v63  }
0x1b8: {  	_ =	swait.ge [sflag:s6], $0x4000  }
0x1b9: {  	[sflag:s6] =	ssyncset.done $0x0  }
0x1ba: {  	[sflag:s6] =	ssyncadd.s32 $0xFFFFC000  }
0x1bb: {  	[tilespmem:s5], [sflag:$0x1] =	stream.indirect.gather [hbm4b:s3+s8], $0x80, s23, s8, $0xb8;
	[tilespmem:$0x19000] =	vst v63  }
0x1bc: {  	_ =	swait.ge [sflag:s7], $0x4000  }
0x1bd: {  	[sflag:s7] =	ssyncset.done $0x0  }
0x1be: {  	[sflag:s7] =	ssyncadd.s32 $0xFFFFC000  }
0x1bf: {  	[hbm4b:s19+s2] =	stream.linear.scatter [tilespmem:s4], [sflag:$0x2], $0x4000, $0x38;
	[tilespmem:$0x19000] =	vst v63  }
0x1c0: {  	_ =	swait.ge [sflag:s6], $0x4000  }
0x1c1: {  	[sflag:s6] =	ssyncset.done $0x0  }
0x1c2: {  	s21 =	simm.s32 $0xC80;
	[sflag:s6] =	ssyncadd.s32 $0xFFFFC000  }
0x1c3: {  	[tilespmem:s4], [sflag:$0x1] =	stream.indirect.gather [hbm4b:s3+s8], $0x80, s21, s8, $0xb8;
	[tilespmem:$0x19000] =	vst v63  }
0x1c4: {  	_ =	swait.ge [sflag:s7], $0x4000  }
0x1c5: {  	[sflag:s7] =	ssyncset.done $0x0  }
0x1c6: {  	[sflag:s7] =	ssyncadd.s32 $0xFFFFC000  }
0x1c7: {  	[hbm4b:s18+s2] =	stream.linear.scatter [tilespmem:s12], [sflag:$0x2], $0x4000, $0x38;
	[tilespmem:$0x19000] =	vst v63  }
0x1c8: {  	_ =	swait.ge [sflag:s7], $0x4000  }
0x1c9: {  	[sflag:s7] =	ssyncset.done $0x0  }
0x1ca: {  	[sflag:s7] =	ssyncadd.s32 $0xFFFFC000  }
0x1cb: {  	[hbm4b:s17+s2] =	stream.linear.scatter [tilespmem:s11], [sflag:$0x2], $0x4000, $0x38;
	[tilespmem:$0x19000] =	vst v63  }
0x1cc: {  	_ =	swait.ge [sflag:s7], $0x4000  }
0x1cd: {  	[sflag:s7] =	ssyncset.done $0x0  }
0x1ce: {  	[sflag:s7] =	ssyncadd.s32 $0xFFFFC000  }
0x1cf: {  	[hbm4b:s16+s2] =	stream.linear.scatter [tilespmem:s9], [sflag:$0x2], $0x4000, $0x38;
	[tilespmem:$0x19000] =	vst v63  }
0x1d0: {  	_ =	swait.ge [sflag:s7], $0x4000  }
0x1d1: {  	[sflag:s7] =	ssyncset.done $0x0  }
0x1d2: {  	[sflag:s7] =	ssyncadd.s32 $0xFFFFC000  }
0x1d3: {  	[hbm4b:s15+s2] =	stream.linear.scatter [tilespmem:s10], [sflag:$0x2], $0x4000, $0x38;
	[tilespmem:$0x19000] =	vst v63  }
0x1d4: {  	_ =	swait.ge [sflag:s7], $0x4000  }
0x1d5: {  	[sflag:s7] =	ssyncset.done $0x0  }
0x1d6: {  	[sflag:s7] =	ssyncadd.s32 $0xFFFFC000  }
0x1d7: {  	[hbm4b:s14+s2] =	stream.linear.scatter [tilespmem:s5], [sflag:$0x2], $0x4000, $0x38;
	[tilespmem:$0x19000] =	vst v63  }
0x1d8: {  	_ =	swait.ge [sflag:s7], $0x4000  }
0x1d9: {  	[sflag:s7] =	ssyncset.done $0x0  }
0x1da: {  	[sflag:s7] =	ssyncadd.s32 $0xFFFFC000  }
0x1db: {  	[hbm4b:s13+s2] =	stream.linear.scatter [tilespmem:s4], [sflag:$0x2], $0x4000, $0x38;
	[tilespmem:$0x19000] =	vst v63  }
0x1dc: {  	_ =	swait.ge [sflag:s6], $0x4000  }
0x1dd: {  	[sflag:s6] =	ssyncset.done $0x0  }
0x1de: {  	[sflag:s6] =	ssyncadd.s32 $0xFFFFC000  }
0x1df: {  	_ =	swait.ge [sflag:s6], $0x4000  }
0x1e0: {  	[sflag:s6] =	ssyncset.done $0x0  }
0x1e1: {  	[sflag:s6] =	ssyncadd.s32 $0xFFFFC000  }
0x1e2: {  	_ =	swait.ge [sflag:s6], $0x4000  }
0x1e3: {  	[sflag:s6] =	ssyncset.done $0x0  }
0x1e4: {  	[sflag:s6] =	ssyncadd.s32 $0xFFFFC000  }
0x1e5: {  	_ =	swait.ge [sflag:s6], $0x4000  }
0x1e6: {  	[sflag:s6] =	ssyncset.done $0x0  }
0x1e7: {  	p1 =	sne.s32 s0, $0x1;
	[sflag:s6] =	ssyncadd.s32 $0xFFFFC000  }
.Ltmp2:
0x1e8: {  	_ =	swait.ge [sflag:s6], $0x4000;
	(pc) =	sbr.rel @p1 .LBB2_2-.Ltmp2, $4  }
0x1e9: {  	[sflag:s6] =	ssyncset.done $0x0  }
0x1ea: {  	[sflag:s6] =	ssyncadd.s32 $0xFFFFC000  }
0x1eb: {  	_ =	swait.ge [sflag:s6], $0x4000  }
0x1ec: {  	s0 =	sadd.s32 $0xFFFFFFFF, s0;
	s1 =	rddreg [dreg:$0x2];
	[sflag:s6] =	ssyncset.done $0x0  }
.LBB2_3:
0x1ed: {  	[sflag:s6] =	ssyncadd.s32 @p0 $0xFFFFC000  }
0x1ee: {  	[tilespmem:s2], [sflag:$0x3] =	stream.linear.gather [hbm4b:s1+s2], $0xD00, $0x38;
	[tilespmem:$0x19000] =	vst v63  }
0x1ef: {  	_ =	swait.ge [sflag:s31], $0xD00  }
0x1f0: {  	[sflag:s31] =	ssyncset.done $0x0  }
0x1f1: {  	[sflag:s31] =	ssyncadd.s32 $0xFFFFF300  }
0x1f2: {  	[tilespmem:s5], [sflag:$0x1] =	stream.indirect.gather [hbm4b:s3+s8], $0x80, s2, s8, $0xb8;
	[tilespmem:$0x19000] =	vst v63  }
0x1f3: {  	_ = 	snop  }
0x1f4: {  	[tilespmem:s4], [sflag:$0x1] =	stream.indirect.gather [hbm4b:s3+s8], $0x80, s8, s8, $0xb8;
	[tilespmem:$0x19000] =	vst v63  }
0x1f5: {  	s0 =	rddreg [dreg:$0x4]  }
0x1f6: {  	[tilespmem:s12], [sflag:$0x1] =	stream.indirect.gather [hbm4b:s3+s8], $0x80, s0, s8, $0xb8;
	[tilespmem:$0x19000] =	vst v63  }
0x1f7: {  	s31 =	rddreg [dreg:$0x5]  }
0x1f8: {  	[tilespmem:s11], [sflag:$0x1] =	stream.indirect.gather [hbm4b:s3+s8], $0x80, s31, s8, $0xb8;
	[tilespmem:$0x19000] =	vst v63  }
0x1f9: {  	s0 =	rddreg [dreg:$0x6]  }
0x1fa: {  	[tilespmem:s9], [sflag:$0x1] =	stream.indirect.gather [hbm4b:s3+s8], $0x80, s0, s8, $0xb8;
	[tilespmem:$0x19000] =	vst v63  }
0x1fb: {  	s31 =	rddreg [dreg:$0x7]  }
0x1fc: {  	[tilespmem:s10], [sflag:$0x1] =	stream.indirect.gather [hbm4b:s3+s8], $0x80, s31, s8, $0xb8;
	[tilespmem:$0x19000] =	vst v63  }
0x1fd: {  	_ =	swait.ge [sflag:s7], $0x4000  }
0x1fe: {  	[sflag:s7] =	ssyncset.done $0x0  }
0x1ff: {  	s1 =	rddreg [dreg:$0x3];
	[sflag:s7] =	ssyncadd.s32 $0xFFFFC000  }
0x200: {  	[hbm4b:s1+s2] =	stream.linear.scatter [tilespmem:s5], [sflag:$0x2], $0x4000, $0x38;
	[tilespmem:$0x19000] =	vst v63  }
0x201: {  	_ =	swait.ge [sflag:s6], $0x4000  }
0x202: {  	[sflag:s6] =	ssyncset.done $0x0  }
0x203: {  	s31 =	rddreg [dreg:$0x8];
	[sflag:s6] =	ssyncadd.s32 $0xFFFFC000  }
0x204: {  	[tilespmem:s5], [sflag:$0x1] =	stream.indirect.gather [hbm4b:s3+s8], $0x80, s31, s8, $0xb8;
	[tilespmem:$0x19000] =	vst v63  }
0x205: {  	_ =	swait.ge [sflag:s7], $0x4000  }
0x206: {  	[sflag:s7] =	ssyncset.done $0x0  }
0x207: {  	s1 =	rddreg [dreg:$0x9];
	[sflag:s7] =	ssyncadd.s32 $0xFFFFC000  }
0x208: {  	[hbm4b:s1+s2] =	stream.linear.scatter [tilespmem:s4], [sflag:$0x2], $0x4000, $0x38;
	[tilespmem:$0x19000] =	vst v63  }
0x209: {  	_ =	swait.ge [sflag:s6], $0x4000  }
0x20a: {  	[sflag:s6] =	ssyncset.done $0x0  }
0x20b: {  	s31 =	rddreg [dreg:$0xa];
	[sflag:s6] =	ssyncadd.s32 $0xFFFFC000  }
0x20c: {  	[tilespmem:s4], [sflag:$0x1] =	stream.indirect.gather [hbm4b:s3+s8], $0x80, s31, s8, $0xb8;
	[tilespmem:$0x19000] =	vst v63  }
0x20d: {  	_ =	swait.ge [sflag:s7], $0x4000  }
0x20e: {  	[sflag:s7] =	ssyncset.done $0x0  }
0x20f: {  	s1 =	rddreg [dreg:$0xb];
	[sflag:s7] =	ssyncadd.s32 $0xFFFFC000  }
0x210: {  	[hbm4b:s1+s2] =	stream.linear.scatter [tilespmem:s12], [sflag:$0x2], $0x4000, $0x38;
	[tilespmem:$0x19000] =	vst v63  }
0x211: {  	_ =	swait.ge [sflag:s6], $0x4000  }
0x212: {  	[sflag:s6] =	ssyncset.done $0x0  }
0x213: {  	s31 =	rddreg [dreg:$0xc];
	[sflag:s6] =	ssyncadd.s32 $0xFFFFC000  }
0x214: {  	[tilespmem:s12], [sflag:$0x1] =	stream.indirect.gather [hbm4b:s3+s8], $0x80, s31, s8, $0xb8;
	[tilespmem:$0x19000] =	vst v63  }
0x215: {  	_ =	swait.ge [sflag:s7], $0x4000  }
0x216: {  	[sflag:s7] =	ssyncset.done $0x0  }
0x217: {  	s1 =	rddreg [dreg:$0xd];
	[sflag:s7] =	ssyncadd.s32 $0xFFFFC000  }
0x218: {  	[hbm4b:s1+s2] =	stream.linear.scatter [tilespmem:s11], [sflag:$0x2], $0x4000, $0x38;
	[tilespmem:$0x19000] =	vst v63  }
0x219: {  	_ =	swait.ge [sflag:s6], $0x4000  }
0x21a: {  	[sflag:s6] =	ssyncset.done $0x0  }
0x21b: {  	s31 =	rddreg [dreg:$0xe];
	[sflag:s6] =	ssyncadd.s32 $0xFFFFC000  }
0x21c: {  	[tilespmem:s11], [sflag:$0x1] =	stream.indirect.gather [hbm4b:s3+s8], $0x80, s31, s8, $0xb8;
	[tilespmem:$0x19000] =	vst v63  }
0x21d: {  	_ =	swait.ge [sflag:s7], $0x4000  }
0x21e: {  	[sflag:s7] =	ssyncset.done $0x0  }
0x21f: {  	s1 =	rddreg [dreg:$0xf];
	[sflag:s7] =	ssyncadd.s32 $0xFFFFC000  }
0x220: {  	[hbm4b:s1+s2] =	stream.linear.scatter [tilespmem:s9], [sflag:$0x2], $0x4000, $0x38;
	[tilespmem:$0x19000] =	vst v63  }
0x221: {  	_ =	swait.ge [sflag:s6], $0x4000  }
0x222: {  	[sflag:s6] =	ssyncset.done $0x0  }
0x223: {  	s31 =	rddreg [dreg:$0x10];
	[sflag:s6] =	ssyncadd.s32 $0xFFFFC000  }
0x224: {  	[tilespmem:s9], [sflag:$0x1] =	stream.indirect.gather [hbm4b:s3+s8], $0x80, s31, s8, $0xb8;
	[tilespmem:$0x19000] =	vst v63  }
0x225: {  	_ =	swait.ge [sflag:s7], $0x4000  }
0x226: {  	[sflag:s7] =	ssyncset.done $0x0  }
0x227: {  	s1 =	rddreg [dreg:$0x11];
	[sflag:s7] =	ssyncadd.s32 $0xFFFFC000  }
0x228: {  	[hbm4b:s1+s2] =	stream.linear.scatter [tilespmem:s10], [sflag:$0x2], $0x4000, $0x38;
	[tilespmem:$0x19000] =	vst v63  }
0x229: {  	_ =	swait.ge [sflag:s6], $0x4000  }
0x22a: {  	[sflag:s6] =	ssyncset.done $0x0  }
0x22b: {  	s31 =	rddreg [dreg:$0x12];
	[sflag:s6] =	ssyncadd.s32 $0xFFFFC000  }
0x22c: {  	[tilespmem:s10], [sflag:$0x1] =	stream.indirect.gather [hbm4b:s3+s8], $0x80, s31, s8, $0xb8;
	[tilespmem:$0x19000] =	vst v63  }
0x22d: {  	_ =	swait.ge [sflag:s7], $0x4000  }
0x22e: {  	[sflag:s7] =	ssyncset.done $0x0  }
0x22f: {  	s1 =	rddreg [dreg:$0x13];
	[sflag:s7] =	ssyncadd.s32 $0xFFFFC000  }
0x230: {  	[hbm4b:s1+s2] =	stream.linear.scatter [tilespmem:s5], [sflag:$0x2], $0x4000, $0x38;
	[tilespmem:$0x19000] =	vst v63  }
0x231: {  	_ =	swait.ge [sflag:s6], $0x4000  }
0x232: {  	[sflag:s6] =	ssyncset.done $0x0  }
0x233: {  	s31 =	rddreg [dreg:$0x14];
	[sflag:s6] =	ssyncadd.s32 $0xFFFFC000  }
0x234: {  	[tilespmem:s5], [sflag:$0x1] =	stream.indirect.gather [hbm4b:s3+s8], $0x80, s31, s8, $0xb8;
	[tilespmem:$0x19000] =	vst v63  }
0x235: {  	_ =	swait.ge [sflag:s7], $0x4000  }
0x236: {  	[sflag:s7] =	ssyncset.done $0x0  }
0x237: {  	s1 =	rddreg [dreg:$0x15];
	[sflag:s7] =	ssyncadd.s32 $0xFFFFC000  }
0x238: {  	[hbm4b:s1+s2] =	stream.linear.scatter [tilespmem:s4], [sflag:$0x2], $0x4000, $0x38;
	[tilespmem:$0x19000] =	vst v63  }
0x239: {  	_ =	swait.ge [sflag:s6], $0x4000  }
0x23a: {  	[sflag:s6] =	ssyncset.done $0x0  }
0x23b: {  	s31 =	rddreg [dreg:$0x16];
	[sflag:s6] =	ssyncadd.s32 $0xFFFFC000  }
0x23c: {  	[tilespmem:s4], [sflag:$0x1] =	stream.indirect.gather [hbm4b:s3+s8], $0x80, s31, s8, $0xb8;
	[tilespmem:$0x19000] =	vst v63  }
0x23d: {  	_ =	swait.ge [sflag:s7], $0x4000  }
0x23e: {  	[sflag:s7] =	ssyncset.done $0x0  }
0x23f: {  	s1 =	rddreg [dreg:$0x17];
	[sflag:s7] =	ssyncadd.s32 $0xFFFFC000  }
0x240: {  	[hbm4b:s1+s2] =	stream.linear.scatter [tilespmem:s12], [sflag:$0x2], $0x4000, $0x38;
	[tilespmem:$0x19000] =	vst v63  }
0x241: {  	_ =	swait.ge [sflag:s6], $0x4000  }
0x242: {  	[sflag:s6] =	ssyncset.done $0x0  }
0x243: {  	s31 =	rddreg [dreg:$0x18];
	[sflag:s6] =	ssyncadd.s32 $0xFFFFC000  }
0x244: {  	[tilespmem:s12], [sflag:$0x1] =	stream.indirect.gather [hbm4b:s3+s8], $0x80, s31, s8, $0xb8;
	[tilespmem:$0x19000] =	vst v63  }
0x245: {  	_ =	swait.ge [sflag:s7], $0x4000  }
0x246: {  	[sflag:s7] =	ssyncset.done $0x0  }
0x247: {  	s1 =	rddreg [dreg:$0x19];
	[sflag:s7] =	ssyncadd.s32 $0xFFFFC000  }
0x248: {  	[hbm4b:s1+s2] =	stream.linear.scatter [tilespmem:s11], [sflag:$0x2], $0x4000, $0x38;
	[tilespmem:$0x19000] =	vst v63  }
0x249: {  	_ =	swait.ge [sflag:s6], $0x4000  }
0x24a: {  	[sflag:s6] =	ssyncset.done $0x0  }
0x24b: {  	s31 =	rddreg [dreg:$0x1a];
	[sflag:s6] =	ssyncadd.s32 $0xFFFFC000  }
0x24c: {  	[tilespmem:s11], [sflag:$0x1] =	stream.indirect.gather [hbm4b:s3+s8], $0x80, s31, s8, $0xb8;
	[tilespmem:$0x19000] =	vst v63  }
0x24d: {  	_ =	swait.ge [sflag:s7], $0x4000  }
0x24e: {  	[sflag:s7] =	ssyncset.done $0x0  }
0x24f: {  	s1 =	rddreg [dreg:$0x1b];
	[sflag:s7] =	ssyncadd.s32 $0xFFFFC000  }
0x250: {  	[hbm4b:s1+s2] =	stream.linear.scatter [tilespmem:s9], [sflag:$0x2], $0x4000, $0x38;
	[tilespmem:$0x19000] =	vst v63  }
0x251: {  	_ =	swait.ge [sflag:s6], $0x4000  }
0x252: {  	[sflag:s6] =	ssyncset.done $0x0  }
0x253: {  	s31 =	rddreg [dreg:$0x1c];
	[sflag:s6] =	ssyncadd.s32 $0xFFFFC000  }
0x254: {  	[tilespmem:s9], [sflag:$0x1] =	stream.indirect.gather [hbm4b:s3+s8], $0x80, s31, s8, $0xb8;
	[tilespmem:$0x19000] =	vst v63  }
0x255: {  	_ =	swait.ge [sflag:s7], $0x4000  }
0x256: {  	[sflag:s7] =	ssyncset.done $0x0  }
0x257: {  	s1 =	rddreg [dreg:$0x1d];
	[sflag:s7] =	ssyncadd.s32 $0xFFFFC000  }
0x258: {  	[hbm4b:s1+s2] =	stream.linear.scatter [tilespmem:s10], [sflag:$0x2], $0x4000, $0x38;
	[tilespmem:$0x19000] =	vst v63  }
0x259: {  	_ =	swait.ge [sflag:s6], $0x4000  }
0x25a: {  	[sflag:s6] =	ssyncset.done $0x0  }
0x25b: {  	s31 =	rddreg [dreg:$0x1e];
	[sflag:s6] =	ssyncadd.s32 $0xFFFFC000  }
0x25c: {  	[tilespmem:s10], [sflag:$0x1] =	stream.indirect.gather [hbm4b:s3+s8], $0x80, s31, s8, $0xb8;
	[tilespmem:$0x19000] =	vst v63  }
0x25d: {  	_ =	swait.ge [sflag:s7], $0x4000  }
0x25e: {  	[sflag:s7] =	ssyncset.done $0x0  }
0x25f: {  	s1 =	rddreg [dreg:$0x1f];
	[sflag:s7] =	ssyncadd.s32 $0xFFFFC000  }
0x260: {  	[hbm4b:s1+s2] =	stream.linear.scatter [tilespmem:s5], [sflag:$0x2], $0x4000, $0x38;
	[tilespmem:$0x19000] =	vst v63  }
0x261: {  	_ =	swait.ge [sflag:s6], $0x4000  }
0x262: {  	s31 =	sld [smem:$0x7FA]  }
0x263: {  	[sflag:s6] =	ssyncset.done $0x0  }
0x264: {  	[sflag:s6] =	ssyncadd.s32 $0xFFFFC000  }
0x265: {  	[tilespmem:s5], [sflag:$0x1] =	stream.indirect.gather [hbm4b:s3+s8], $0x80, s31, s8, $0xb8;
	[tilespmem:$0x19000] =	vst v63  }
0x266: {  	_ =	swait.ge [sflag:s7], $0x4000  }
0x267: {  	s1 =	sld [smem:$0x7FB]  }
0x268: {  	[sflag:s7] =	ssyncset.done $0x0  }
0x269: {  	[sflag:s7] =	ssyncadd.s32 $0xFFFFC000  }
0x26a: {  	[hbm4b:s1+s2] =	stream.linear.scatter [tilespmem:s4], [sflag:$0x2], $0x4000, $0x38;
	[tilespmem:$0x19000] =	vst v63  }
0x26b: {  	_ =	swait.ge [sflag:s6], $0x4000  }
0x26c: {  	s31 =	sld [smem:$0x7FC]  }
0x26d: {  	[sflag:s6] =	ssyncset.done $0x0  }
0x26e: {  	[sflag:s6] =	ssyncadd.s32 $0xFFFFC000  }
0x26f: {  	[tilespmem:s4], [sflag:$0x1] =	stream.indirect.gather [hbm4b:s3+s8], $0x80, s31, s8, $0xb8;
	[tilespmem:$0x19000] =	vst v63  }
0x270: {  	_ =	swait.ge [sflag:s7], $0x4000  }
0x271: {  	s1 =	sld [smem:$0x7FD]  }
0x272: {  	[sflag:s7] =	ssyncset.done $0x0  }
0x273: {  	[sflag:s7] =	ssyncadd.s32 $0xFFFFC000  }
0x274: {  	[hbm4b:s1+s2] =	stream.linear.scatter [tilespmem:s12], [sflag:$0x2], $0x4000, $0x38;
	[tilespmem:$0x19000] =	vst v63  }
0x275: {  	_ =	swait.ge [sflag:s6], $0x4000  }
0x276: {  	[sflag:s6] =	ssyncset.done $0x0  }
0x277: {  	[sflag:s6] =	ssyncadd.s32 $0xFFFFC000  }
0x278: {  	[tilespmem:s12], [sflag:$0x1] =	stream.indirect.gather [hbm4b:s3+s8], $0x80, s30, s8, $0xb8;
	[tilespmem:$0x19000] =	vst v63  }
0x279: {  	_ =	swait.ge [sflag:s7], $0x4000  }
0x27a: {  	[sflag:s7] =	ssyncset.done $0x0  }
0x27b: {  	[sflag:s7] =	ssyncadd.s32 $0xFFFFC000  }
0x27c: {  	[hbm4b:s26+s2] =	stream.linear.scatter [tilespmem:s11], [sflag:$0x2], $0x4000, $0x38;
	[tilespmem:$0x19000] =	vst v63  }
0x27d: {  	_ =	swait.ge [sflag:s6], $0x4000  }
0x27e: {  	[sflag:s6] =	ssyncset.done $0x0  }
0x27f: {  	[sflag:s6] =	ssyncadd.s32 $0xFFFFC000  }
0x280: {  	[tilespmem:s11], [sflag:$0x1] =	stream.indirect.gather [hbm4b:s3+s8], $0x80, s29, s8, $0xb8;
	[tilespmem:$0x19000] =	vst v63  }
0x281: {  	_ =	swait.ge [sflag:s7], $0x4000  }
0x282: {  	[sflag:s7] =	ssyncset.done $0x0  }
0x283: {  	[sflag:s7] =	ssyncadd.s32 $0xFFFFC000  }
0x284: {  	[hbm4b:s24+s2] =	stream.linear.scatter [tilespmem:s9], [sflag:$0x2], $0x4000, $0x38;
	[tilespmem:$0x19000] =	vst v63  }
0x285: {  	_ =	swait.ge [sflag:s6], $0x4000  }
0x286: {  	[sflag:s6] =	ssyncset.done $0x0  }
0x287: {  	[sflag:s6] =	ssyncadd.s32 $0xFFFFC000  }
0x288: {  	[tilespmem:s9], [sflag:$0x1] =	stream.indirect.gather [hbm4b:s3+s8], $0x80, s28, s8, $0xb8;
	[tilespmem:$0x19000] =	vst v63  }
0x289: {  	_ =	swait.ge [sflag:s7], $0x4000  }
0x28a: {  	[sflag:s7] =	ssyncset.done $0x0  }
0x28b: {  	[sflag:s7] =	ssyncadd.s32 $0xFFFFC000  }
0x28c: {  	[hbm4b:s22+s2] =	stream.linear.scatter [tilespmem:s10], [sflag:$0x2], $0x4000, $0x38;
	[tilespmem:$0x19000] =	vst v63  }
0x28d: {  	_ =	swait.ge [sflag:s6], $0x4000  }
0x28e: {  	[sflag:s6] =	ssyncset.done $0x0  }
0x28f: {  	[sflag:s6] =	ssyncadd.s32 $0xFFFFC000  }
0x290: {  	[tilespmem:s10], [sflag:$0x1] =	stream.indirect.gather [hbm4b:s3+s8], $0x80, s25, s8, $0xb8;
	[tilespmem:$0x19000] =	vst v63  }
0x291: {  	_ =	swait.ge [sflag:s7], $0x4000  }
0x292: {  	[sflag:s7] =	ssyncset.done $0x0  }
0x293: {  	[sflag:s7] =	ssyncadd.s32 $0xFFFFC000  }
0x294: {  	[hbm4b:s20+s2] =	stream.linear.scatter [tilespmem:s5], [sflag:$0x2], $0x4000, $0x38;
	[tilespmem:$0x19000] =	vst v63  }
0x295: {  	_ =	swait.ge [sflag:s6], $0x4000  }
0x296: {  	[sflag:s6] =	ssyncset.done $0x0  }
0x297: {  	[sflag:s6] =	ssyncadd.s32 $0xFFFFC000  }
0x298: {  	[tilespmem:s5], [sflag:$0x1] =	stream.indirect.gather [hbm4b:s3+s8], $0x80, s23, s8, $0xb8;
	[tilespmem:$0x19000] =	vst v63  }
0x299: {  	_ =	swait.ge [sflag:s7], $0x4000  }
0x29a: {  	[sflag:s7] =	ssyncset.done $0x0  }
0x29b: {  	[sflag:s7] =	ssyncadd.s32 $0xFFFFC000  }
0x29c: {  	[hbm4b:s19+s2] =	stream.linear.scatter [tilespmem:s4], [sflag:$0x2], $0x4000, $0x38;
	[tilespmem:$0x19000] =	vst v63  }
0x29d: {  	_ =	swait.ge [sflag:s6], $0x4000  }
0x29e: {  	[sflag:s6] =	ssyncset.done $0x0  }
0x29f: {  	[sflag:s6] =	ssyncadd.s32 $0xFFFFC000  }
0x2a0: {  	[tilespmem:s4], [sflag:$0x1] =	stream.indirect.gather [hbm4b:s3+s8], $0x80, s21, s8, $0xb8;
	[tilespmem:$0x19000] =	vst v63  }
0x2a1: {  	_ =	swait.ge [sflag:s7], $0x4000  }
0x2a2: {  	[sflag:s7] =	ssyncset.done $0x0  }
0x2a3: {  	[sflag:s7] =	ssyncadd.s32 $0xFFFFC000  }
0x2a4: {  	[hbm4b:s18+s2] =	stream.linear.scatter [tilespmem:s12], [sflag:$0x2], $0x4000, $0x38;
	[tilespmem:$0x19000] =	vst v63  }
0x2a5: {  	_ =	swait.ge [sflag:s7], $0x4000  }
0x2a6: {  	[sflag:s7] =	ssyncset.done $0x0  }
0x2a7: {  	[sflag:s7] =	ssyncadd.s32 $0xFFFFC000  }
0x2a8: {  	[hbm4b:s17+s2] =	stream.linear.scatter [tilespmem:s11], [sflag:$0x2], $0x4000, $0x38;
	[tilespmem:$0x19000] =	vst v63  }
0x2a9: {  	_ =	swait.ge [sflag:s7], $0x4000  }
0x2aa: {  	[sflag:s7] =	ssyncset.done $0x0  }
0x2ab: {  	[sflag:s7] =	ssyncadd.s32 $0xFFFFC000  }
0x2ac: {  	[hbm4b:s16+s2] =	stream.linear.scatter [tilespmem:s9], [sflag:$0x2], $0x4000, $0x38;
	[tilespmem:$0x19000] =	vst v63  }
0x2ad: {  	_ =	swait.ge [sflag:s7], $0x4000  }
0x2ae: {  	[sflag:s7] =	ssyncset.done $0x0  }
0x2af: {  	[sflag:s7] =	ssyncadd.s32 $0xFFFFC000  }
0x2b0: {  	[hbm4b:s15+s2] =	stream.linear.scatter [tilespmem:s10], [sflag:$0x2], $0x4000, $0x38;
	[tilespmem:$0x19000] =	vst v63  }
0x2b1: {  	_ =	swait.ge [sflag:s7], $0x4000  }
0x2b2: {  	[sflag:s7] =	ssyncset.done $0x0  }
0x2b3: {  	[sflag:s7] =	ssyncadd.s32 $0xFFFFC000  }
0x2b4: {  	[hbm4b:s14+s2] =	stream.linear.scatter [tilespmem:s5], [sflag:$0x2], $0x4000, $0x38;
	[tilespmem:$0x19000] =	vst v63  }
0x2b5: {  	_ =	swait.ge [sflag:s7], $0x4000  }
0x2b6: {  	[sflag:s7] =	ssyncset.done $0x0  }
0x2b7: {  	[sflag:s7] =	ssyncadd.s32 $0xFFFFC000  }
0x2b8: {  	[hbm4b:s13+s2] =	stream.linear.scatter [tilespmem:s4], [sflag:$0x2], $0x4000, $0x38;
	[tilespmem:$0x19000] =	vst v63  }
0x2b9: {  	_ =	swait.ge [sflag:s6], $0x4000  }
0x2ba: {  	[sflag:s6] =	ssyncset.done $0x0  }
0x2bb: {  	[sflag:s6] =	ssyncadd.s32 $0xFFFFC000  }
0x2bc: {  	_ =	swait.ge [sflag:s6], $0x4000  }
0x2bd: {  	[sflag:s6] =	ssyncset.done $0x0  }
0x2be: {  	[sflag:s6] =	ssyncadd.s32 $0xFFFFC000  }
0x2bf: {  	_ =	swait.ge [sflag:s6], $0x4000  }
0x2c0: {  	[sflag:s6] =	ssyncset.done $0x0  }
0x2c1: {  	[sflag:s6] =	ssyncadd.s32 $0xFFFFC000  }
0x2c2: {  	_ =	swait.ge [sflag:s6], $0x4000  }
0x2c3: {  	[sflag:s6] =	ssyncset.done $0x0  }
0x2c4: {  	[sflag:s6] =	ssyncadd.s32 $0xFFFFC000  }
0x2c5: {  	_ =	swait.ge [sflag:s6], $0x4000  }
0x2c6: {  	[sflag:s6] =	ssyncset.done $0x0  }
0x2c7: {  	[sflag:s6] =	ssyncadd.s32 $0xFFFFC000  }
0x2c8: {  	_ =	swait.ge [sflag:s6], $0x4000  }
0x2c9: {  	[sflag:s6] =	ssyncset.done $0x0  }
0x2ca: {  	[sflag:s6] =	ssyncadd.s32 $0xFFFFC000  }
0x2cb: {  	_ =	sfence.sel $0x180000  }
0x2cc: {  	[bflag:$0x0] =	sbarrier.arrive $0xFFFF  }
0x2cd: {  	_ =	strace $0x90000047  }
0x2ce: {  	s31 =	stileid.u32;
	[bflag:$0x2] =	sbarrier.arrive $0xFFFF  }
0x2cf: {  	p0 =	sne.s32 s31, $0x0;
	s0 =	rddreg [dreg:$0x1]  }
0x2d0: {  	s0 =	sadd.s32 @!p0 $0x100000, s0  }
0x2d1: {  	[sflag:s0] =	ssyncadd.tile.s32 @!p0 $0x1;
	_ =	shalt  }
.Lfunc_end2:
_tile_overlayer_lowered:
.L_overlay_start_2:
0x2d2: {  	(tag) =	ssettag $0x2  }
0x2d3: {  	s0 =	rddreg [dreg:$0x0];
	s2 =	stileid.u32  }
0x2d4: {  	s1 =	rddreg [dreg:$0x1];
	p0 =	sne.s32 s2, $0x0  }
0x2d5: {  	s3 =	rddreg [dreg:$0x2];
	[bflag:$0x3] =	sbarrier.arrive $0xFFFF;
	s2 =	simm.s32 @!p0 $0x1C03  }
0x2d6: {  	[timem:s3], [sflag:s2] =	dma.local @!p0 [hbm:s0], s1  }
0x2d7: {  	s0 =	simm.s32 @!p0 $0x3  }
0x2d8: {  	_ =	swait.ge @!p0 [sflag:s0], s1  }
0x2d9: {  	s1 =	ssub.s32 @!p0 $0x0, s1;
	[sflag:s0] =	ssyncset.done @!p0 $0x0  }
0x2da: {  	[sflag:s0] =	ssyncadd.s32 @!p0 s1  }
0x2db: {  	[bflag:$0x3] =	sbarrier.arrive $0xFFFF  }
0x2dc: {  	_ =	shalt  }

</sc_bundles>
